<compile_context>
chip_gen: v7x
topology: tpu7x:2x2x1
jax: 0.10.2.dev20260603
libtpu: 0.0.44.dev20260713+nightly
codegen_flags: <defaults>
</compile_context>

<pallas_src>
import math

import jax
import jax.numpy as jnp
import numpy as np
from jax.experimental import pallas as pl
from jax.experimental.pallas import tpu as pltpu

_B, _T, _H, _W, _C = 8, 16, 224, 224, 8
_F = _B * _T
_H1, _C1 = 56, 32
_H2, _C2 = 14, 128
_LIN_IN = _H2 * _H2 * _C2
_D = 512
_NF = _T // 2
_NSEG = 6
_EPS = 1e-5


def _gelu(v):
    return 0.5 * v * (1.0 + jax.lax.erf(v * (1.0 / math.sqrt(2.0))))


def _ln(v, g, b):
    mu = jnp.mean(v, axis=-1, keepdims=True)
    var = jnp.mean((v - mu) ** 2, axis=-1, keepdims=True)
    return (v - mu) * jax.lax.rsqrt(var + _EPS) * g + b


def _stage_a(x_ref, w1_ref, b1t_ref, g1t_ref, gb1t_ref, m32_ref, w2_ref,
             b2_ref, g2_ref, gb2_ref, m128_ref, out_ref):
    xq = x_ref[...]
    m32 = m32_ref[...]
    m128 = m128_ref[...]
    for j in range(_H2):
        ys = []
        for qh in range(4):
            base = qh * 7168 + j * 128
            xcat = jnp.concatenate(
                [xq[base + ph * 1792: base + ph * 1792 + 128, :]
                 for ph in range(4)], axis=0)
            c = jax.lax.dot_general(
                xcat, w1_ref[...],
                dimension_numbers=(((0,), (0,)), ((), ())),
                preferred_element_type=jnp.float32) + b1t_ref[...]
            mu = jnp.dot(c, m32, preferred_element_type=jnp.float32)
            ex2 = jnp.dot(c * c, m32, preferred_element_type=jnp.float32)
            var = ex2 - mu * mu
            y = ((c - mu) * jax.lax.rsqrt(var + _EPS) * g1t_ref[...]
                 + gb1t_ref[...])
            ys.append(_gelu(y))
        ycat = jnp.concatenate(ys, axis=1)
        o = jnp.dot(ycat, w2_ref[...],
                    preferred_element_type=jnp.float32) + b2_ref[...]
        mu2 = jnp.dot(o, m128, preferred_element_type=jnp.float32)
        ex22 = jnp.dot(o * o, m128, preferred_element_type=jnp.float32)
        y2 = ((o - mu2) * jax.lax.rsqrt(ex22 - mu2 * mu2 + _EPS)
              * g2_ref[...] + gb2_ref[...])
        out_ref[:, j * _C2:(j + 1) * _C2] = _gelu(y2)


def _stage_b(a_ref, w_ref, b_ref, out_ref):
    k = pl.program_id(0)

    @pl.when(k == 0)
    def _():
        out_ref[...] = jnp.broadcast_to(b_ref[...], out_ref.shape)

    out_ref[...] += jnp.dot(a_ref[...], w_ref[...],
                            preferred_element_type=jnp.float32)


def _stage_c(h_ref, cre_ref, cim_ref, wg_ref, out_ref):
    lane = jax.lax.broadcasted_iota(jnp.int32, (1, 8), 1)
    for b in range(_B):
        hb = h_ref[b * _T:(b + 1) * _T, :]
        re = jnp.dot(cre_ref[...], hb, preferred_element_type=jnp.float32)
        im = jnp.dot(cim_ref[...], hb, preferred_element_type=jnp.float32)
        amp = jnp.sqrt(re * re + im * im)
        ampmean = jnp.mean(amp, axis=1, keepdims=True)
        logits = jnp.sum(ampmean * wg_ref[...], axis=0, keepdims=True)
        logits = jnp.where(lane < _NSEG, logits, -1e30)
        m1 = jnp.max(logits)
        i1 = jnp.argmax(logits, axis=1)[0]
        masked = jnp.where(lane == i1, -1e30, logits)
        m2 = jnp.max(masked)
        i2 = jnp.argmax(masked, axis=1)[0]
        e = jnp.exp(m2 - m1)
        gtop = 1.0 / (1.0 + e)
        gsec = e / (1.0 + e)
        row = jnp.where(lane == i1, gtop,
                        jnp.where(lane == i2, gsec, 0.0))
        out_ref[pl.ds(b, 1), :] = row


@jax.jit
def kernel(x, conv1_w, conv1_b, ln1_g, ln1_b, conv2_w, conv2_b, ln2_g,
           ln2_b, lin_w, lin_b, w_gate):
    xv = jnp.transpose(x, (2, 3, 4, 0, 1)).reshape(_H2 * 16 * _W * _C, _F)
    eye4 = jnp.eye(4, dtype=jnp.float32)
    w1s = conv1_w.reshape(4, _C1, _C1)
    w1bd = (eye4[None, :, None, :, None] * w1s[:, None, :, None, :]
            ).reshape(4, 4 * _C1, 4 * _C1)
    w2 = conv2_w.reshape(4, 4 * _C1, _C2)
    w1cat = w1bd.reshape(4 * 4 * _C1, 4 * _C1)
    w2cat = w2.reshape(4 * 4 * _C1, _C2)
    tile4 = lambda v: jnp.tile(v, 4).reshape(1, 4 * _C1)
    m32 = jnp.asarray(np.kron(np.eye(4), np.ones((_C1, _C1)) / _C1),
                      jnp.float32)
    m128 = jnp.full((_C2, _C2), 1.0 / _C2, jnp.float32)

    feat = pl.pallas_call(
        _stage_a,
        grid=(_H2,),
        in_specs=[
            pl.BlockSpec((16 * _W * _C, _F), lambda i: (i, 0)),
            pl.BlockSpec(w1cat.shape, lambda i: (0, 0)),
            pl.BlockSpec((1, _C2), lambda i: (0, 0)),
            pl.BlockSpec((1, _C2), lambda i: (0, 0)),
            pl.BlockSpec((1, _C2), lambda i: (0, 0)),
            pl.BlockSpec(m32.shape, lambda i: (0, 0)),
            pl.BlockSpec(w2cat.shape, lambda i: (0, 0)),
            pl.BlockSpec((1, _C2), lambda i: (0, 0)),
            pl.BlockSpec((1, _C2), lambda i: (0, 0)),
            pl.BlockSpec((1, _C2), lambda i: (0, 0)),
            pl.BlockSpec(m128.shape, lambda i: (0, 0)),
        ],
        out_specs=pl.BlockSpec((_F, _H2 * _C2), lambda i: (0, i)),
        out_shape=jax.ShapeDtypeStruct((_F, _LIN_IN), jnp.float32),
    )(xv, w1cat, tile4(conv1_b), tile4(ln1_g), tile4(ln1_b), m32,
      w2cat, conv2_b.reshape(1, _C2), ln2_g.reshape(1, _C2),
      ln2_b.reshape(1, _C2), m128)

    featf = feat
    kb = 3584
    nk = _LIN_IN // kb
    h = pl.pallas_call(
        _stage_b,
        grid=(nk,),
        in_specs=[
            pl.BlockSpec((_F, kb), lambda k: (0, k)),
            pl.BlockSpec((kb, _D), lambda k: (k, 0)),
            pl.BlockSpec((1, _D), lambda k: (0, 0)),
        ],
        out_specs=pl.BlockSpec((_F, _D), lambda k: (0, 0)),
        out_shape=jax.ShapeDtypeStruct((_F, _D), jnp.float32),
    )(featf, lin_w, lin_b.reshape(1, _D))

    t = np.arange(_T)[:, None]
    f = np.arange(1, _NF + 1)[None, :]
    ang = 2.0 * np.pi * t * f / _T
    scale = 1.0 / np.sqrt(_T)
    cre = jnp.asarray((np.cos(ang) * scale).T, jnp.float32)
    cim = jnp.asarray((-np.sin(ang) * scale).T, jnp.float32)
    wg = jnp.pad(w_gate, ((0, 0), (0, 8 - _NSEG)))

    gates = pl.pallas_call(
        _stage_c,
        grid=(1,),
        in_specs=[
            pl.BlockSpec((_F, _D), lambda i: (0, 0)),
            pl.BlockSpec((_NF, _T), lambda i: (0, 0)),
            pl.BlockSpec((_NF, _T), lambda i: (0, 0)),
            pl.BlockSpec((_NF, 8), lambda i: (0, 0)),
        ],
        out_specs=pl.BlockSpec((_B, 8), lambda i: (0, 0)),
        out_shape=jax.ShapeDtypeStruct((_B, 8), jnp.float32),
    )(h, cre, cim, wg)

    return gates[:, :_NSEG]

# --- scband reference (transcript-rebuilt; emitter-appended) ---
"""Pipeline reference for scband-model-82360292868732 (READ-ONLY COPY).

The authoritative reference and input builder live on the scoring server;
editing this copy changes nothing except your own understanding.
"""

import jax, jax.numpy as jnp
import numpy as np

B, T, H, W, C = 8, 16, 224, 224, 8
TOP_K = 2
N_SEG = 6  # unique int periods of 1/rfftfreq(16)[1:] -> [16,8,5,4,3,2]
NUM_FREQS = T // 2

def layer_norm(x, g, b, eps=1e-5):
    mu = x.mean(-1, keepdims=True)
    var = ((x - mu) ** 2).mean(-1, keepdims=True)
    return (x - mu) / jnp.sqrt(var + eps) * g + b

def setup_inputs(seed: int = 0):
    key = jax.random.key(seed)
    ks = jax.random.split(key, 8)
    x = jax.random.normal(ks[0], (B, T, H, W, C), dtype=jnp.float32)
    conv1_w = jax.random.normal(ks[1], (4, 4, C, 4 * C), dtype=jnp.float32) * 0.05
    conv1_b = jnp.zeros((4 * C,), dtype=jnp.float32)
    ln1_g = jnp.ones((4 * C,), dtype=jnp.float32)
    ln1_b = jnp.zeros((4 * C,), dtype=jnp.float32)
    conv2_w = jax.random.normal(ks[2], (4, 4, 4 * C, 16 * C), dtype=jnp.float32) * 0.02
    conv2_b = jnp.zeros((16 * C,), dtype=jnp.float32)
    ln2_g = jnp.ones((16 * C,), dtype=jnp.float32)
    ln2_b = jnp.zeros((16 * C,), dtype=jnp.float32)
    lin_in = 16 * C * (H // 16) * (W // 16)
    lin_w = jax.random.normal(ks[3], (lin_in, 512), dtype=jnp.float32) * 0.01
    lin_b = jnp.zeros((512,), dtype=jnp.float32)
    w_gate = jax.random.normal(ks[4], (NUM_FREQS, N_SEG), dtype=jnp.float32) * 0.02
    return {"x": x, "conv1_w": conv1_w, "conv1_b": conv1_b, "ln1_g": ln1_g, "ln1_b": ln1_b,
            "conv2_w": conv2_w, "conv2_b": conv2_b, "ln2_g": ln2_g, "ln2_b": ln2_b,
            "lin_w": lin_w, "lin_b": lin_b, "w_gate": w_gate}

def reference(x, conv1_w, conv1_b, ln1_g, ln1_b, conv2_w, conv2_b, ln2_g, ln2_b, lin_w, lin_b, w_gate):
    Bb, Tt = x.shape[0], x.shape[1]
    h = x.reshape((Bb * Tt,) + x.shape[2:])  # (b t) h w c  (NHWC)
    dn = ('NHWC', 'HWIO', 'NHWC')
    h = jax.lax.conv_general_dilated(h, conv1_w, (4, 4), 'VALID', dimension_numbers=dn) + conv1_b
    h = layer_norm(h, ln1_g, ln1_b)
    h = jax.nn.gelu(h, approximate=False)
    h = jax.lax.conv_general_dilated(h, conv2_w, (4, 4), 'VALID', dimension_numbers=dn) + conv2_b
    h = layer_norm(h, ln2_g, ln2_b)
    h = jax.nn.gelu(h, approximate=False)
    h = h.reshape(h.shape[0], -1) @ lin_w + lin_b  # (b t) 512
    h = h.reshape(Bb, Tt, 512).transpose(0, 2, 1)  # b d t
    xf = jnp.fft.rfft(h, axis=-1, norm='ortho')[:, :, 1:]
    amp = jnp.abs(xf)  # b d num_freqs
    clean_logits = amp @ w_gate  # b d n_seg (training=False path)
    weights = clean_logits.mean(axis=1)  # b n_seg
    top_w, top_i = jax.lax.top_k(weights, TOP_K)
    top_w = jax.nn.softmax(top_w, axis=-1)
    gates = jnp.zeros_like(weights).at[jnp.arange(weights.shape[0])[:, None], top_i].set(top_w)
    return gates

if __name__ == "__main__":
    import jax
    _d = setup_inputs()
    print(jax.jit(kernel)(*tuple(_d.values())))

</pallas_src>

<mosaic_0001>
module attributes {stable_mosaic.version = 14 : i64} {
  func.func @_stage_b(%arg0: i32, %arg1: memref<128x3584xf32, #tpu.memory_space<vmem>>, %arg2: memref<3584x512xf32, #tpu.memory_space<vmem>>, %arg3: memref<1x512xf32, #tpu.memory_space<vmem>>, %arg4: memref<128x512xf32, #tpu.memory_space<vmem>>) attributes {dimension_semantics = [#tpu.dimension_semantics<arbitrary>], iteration_bounds = array<i64: 7>, scalar_prefetch = 0 : i64, scratch_operands = 0 : i64, tpu.core_type = #tpu.core_type<tc>, window_params = [{transform_indices = @transform_0, window_bounds = array<i64: 128, 3584>}, {transform_indices = @transform_1, window_bounds = array<i64: 3584, 512>}, {pipeline_mode = #tpu.pipeline_mode<synchronous>, transform_indices = @transform_2, window_bounds = array<i64: 1, 512>}, {pipeline_mode = #tpu.pipeline_mode<synchronous>, transform_indices = @transform_3, window_bounds = array<i64: 128, 512>}]} {
    %eq3A = arith.constant 0 : i32
    %eq3A_0 = arith.cmpi eq, %arg0, %eq3A : i32
    %convert_element_type3A = arith.extui %eq3A_0 : i1 to i32
    %cond3A = arith.constant 0 : i32
    %cond3A_1 = arith.cmpi ne, %convert_element_type3A, %cond3A : i32
    scf.if %cond3A_1 {
      %get3A_13 = arith.constant 0 : index
      %get3A_14 = arith.constant 0 : index
      %get3A_15 = vector.load %arg3[%get3A_13, %get3A_14] : memref<1x512xf32, #tpu.memory_space<vmem>>, vector<1x512xf32>
      %broadcast_in_dim3A = vector.shape_cast %get3A_15 : vector<1x512xf32> to vector<1x512xf32>
      %broadcast_in_dim3A_16 = vector.broadcast %broadcast_in_dim3A : vector<1x512xf32> to vector<128x512xf32>
      %swap3A_17 = arith.constant 0 : index
      %swap3A_18 = arith.constant 0 : index
      %swap3A_19 = vector.load %arg4[%swap3A_17, %swap3A_18] : memref<128x512xf32, #tpu.memory_space<vmem>>, vector<128x512xf32>
      tpu.vector_store %arg4[%swap3A_17, %swap3A_18], %broadcast_in_dim3A_16 {strides = array<i32>} : memref<128x512xf32, #tpu.memory_space<vmem>>, vector<128x512xf32>,
    } else {
    }
    %get3A = arith.constant 0 : index
    %get3A_2 = arith.constant 0 : index
    %get3A_3 = vector.load %arg4[%get3A, %get3A_2] : memref<128x512xf32, #tpu.memory_space<vmem>>, vector<128x512xf32>
    %get3A_4 = arith.constant 0 : index
    %get3A_5 = arith.constant 0 : index
    %get3A_6 = vector.load %arg1[%get3A_4, %get3A_5] : memref<128x3584xf32, #tpu.memory_space<vmem>>, vector<128x3584xf32>
    %get3A_7 = arith.constant 0 : index
    %get3A_8 = arith.constant 0 : index
    %get3A_9 = vector.load %arg2[%get3A_7, %get3A_8] : memref<3584x512xf32, #tpu.memory_space<vmem>>, vector<3584x512xf32>
    %dot_general3A = arith.constant dense<0.000000e+00> : vector<128x512xf32>
    %dot_general3A_10 = tpu.matmul %get3A_6, %get3A_9, %dot_general3A {dimension_numbers = #tpu.dot_dimension_numbers<[1], [0], [0], [1], [0, 0, 1, 1], [], []>, transpose_lhs_hint = false} : vector<128x3584xf32>, vector<3584x512xf32>, vector<128x512xf32> -> vector<128x512xf32>
    %add3A = arith.addf %get3A_3, %dot_general3A_10 : vector<128x512xf32>
    %swap3A = arith.constant 0 : index
    %swap3A_11 = arith.constant 0 : index
    %swap3A_12 = vector.load %arg4[%swap3A, %swap3A_11] : memref<128x512xf32, #tpu.memory_space<vmem>>, vector<128x512xf32>
    tpu.vector_store %arg4[%swap3A, %swap3A_11], %add3A {strides = array<i32>} : memref<128x512xf32, #tpu.memory_space<vmem>>, vector<128x512xf32>,
    return
  }
  func.func @transform_0(%arg0: i32) -> (i32, i32) {
    %c0_i32 = arith.constant 0 : i32
    %c0_i32_0 = arith.constant 0 : i32
    return %c0_i32, %arg0 : i32, i32
  }
  func.func @transform_1(%arg0: i32) -> (i32, i32) {
    %c0_i32 = arith.constant 0 : i32
    %c0_i32_0 = arith.constant 0 : i32
    return %arg0, %c0_i32 : i32, i32
  }
  func.func @transform_2(%arg0: i32) -> (i32, i32) {
    %c0_i32 = arith.constant 0 : i32
    %c0_i32_0 = arith.constant 0 : i32
    %c0_i32_1 = arith.constant 0 : i32
    return %c0_i32, %c0_i32_0 : i32, i32
  }
  func.func @transform_3(%arg0: i32) -> (i32, i32) {
    %c0_i32 = arith.constant 0 : i32
    %c0_i32_0 = arith.constant 0 : i32
    %c0_i32_1 = arith.constant 0 : i32
    return %c0_i32, %c0_i32_0 : i32, i32
  }
}

module attributes {stable_mosaic.version = 14 : i64} {
  func.func @_stage_a(%arg0: i32, %arg1: memref<28672x128xf32, #tpu.memory_space<vmem>>, %arg2: memref<512x128xf32, #tpu.memory_space<vmem>>, %arg3: memref<1x128xf32, #tpu.memory_space<vmem>>, %arg4: memref<1x128xf32, #tpu.memory_space<vmem>>, %arg5: memref<1x128xf32, #tpu.memory_space<vmem>>, %arg6: memref<128x128xf32, #tpu.memory_space<vmem>>, %arg7: memref<512x128xf32, #tpu.memory_space<vmem>>, %arg8: memref<1x128xf32, #tpu.memory_space<vmem>>, %arg9: memref<1x128xf32, #tpu.memory_space<vmem>>, %arg10: memref<1x128xf32, #tpu.memory_space<vmem>>, %arg11: memref<128x128xf32, #tpu.memory_space<vmem>>, %arg12: memref<128x1792xf32, #tpu.memory_space<vmem>>) attributes {dimension_semantics = [#tpu.dimension_semantics<arbitrary>], iteration_bounds = array<i64: 14>, scalar_prefetch = 0 : i64, scratch_operands = 0 : i64, tpu.core_type = #tpu.core_type<tc>, window_params = [{transform_indices = @transform_0, window_bounds = array<i64: 28672, 128>}, {pipeline_mode = #tpu.pipeline_mode<synchronous>, transform_indices = @transform_1, window_bounds = array<i64: 512, 128>}, {pipeline_mode = #tpu.pipeline_mode<synchronous>, transform_indices = @transform_2, window_bounds = array<i64: 1, 128>}, {pipeline_mode = #tpu.pipeline_mode<synchronous>, transform_indices = @transform_3, window_bounds = array<i64: 1, 128>}, {pipeline_mode = #tpu.pipeline_mode<synchronous>, transform_indices = @transform_4, window_bounds = array<i64: 1, 128>}, {pipeline_mode = #tpu.pipeline_mode<synchronous>, transform_indices = @transform_5, window_bounds = array<i64: 128, 128>}, {pipeline_mode = #tpu.pipeline_mode<synchronous>, transform_indices = @transform_6, window_bounds = array<i64: 512, 128>}, {pipeline_mode = #tpu.pipeline_mode<synchronous>, transform_indices = @transform_7, window_bounds = array<i64: 1, 128>}, {pipeline_mode = #tpu.pipeline_mode<synchronous>, transform_indices = @transform_8, window_bounds = array<i64: 1, 128>}, {pipeline_mode = #tpu.pipeline_mode<synchronous>, transform_indices = @transform_9, window_bounds = array<i64: 1, 128>}, {pipeline_mode = #tpu.pipeline_mode<synchronous>, transform_indices = @transform_10, window_bounds = array<i64: 128, 128>}, {transform_indices = @transform_11, window_bounds = array<i64: 128, 1792>}]} {
    %get3A = arith.constant 0 : index
    %get3A_0 = arith.constant 0 : index
    %get3A_1 = vector.load %arg1[%get3A, %get3A_0] : memref<28672x128xf32, #tpu.memory_space<vmem>>, vector<28672x128xf32>
    %get3A_2 = arith.constant 0 : index
    %get3A_3 = arith.constant 0 : index
    %get3A_4 = vector.load %arg6[%get3A_2, %get3A_3] : memref<128x128xf32, #tpu.memory_space<vmem>>, vector<128x128xf32>
    %get3A_5 = arith.constant 0 : index
    %get3A_6 = arith.constant 0 : index
    %get3A_7 = vector.load %arg11[%get3A_5, %get3A_6] : memref<128x128xf32, #tpu.memory_space<vmem>>, vector<128x128xf32>
    %slice3A = vector.extract_strided_slice %get3A_1 {offsets = [0, 0], sizes = [128, 128], strides = [1, 1]} : vector<28672x128xf32> to vector<128x128xf32>
    %slice3A_8 = vector.extract_strided_slice %get3A_1 {offsets = [1792, 0], sizes = [128, 128], strides = [1, 1]} : vector<28672x128xf32> to vector<128x128xf32>
    %slice3A_9 = vector.extract_strided_slice %get3A_1 {offsets = [3584, 0], sizes = [128, 128], strides = [1, 1]} : vector<28672x128xf32> to vector<128x128xf32>
    %slice3A_10 = vector.extract_strided_slice %get3A_1 {offsets = [5376, 0], sizes = [128, 128], strides = [1, 1]} : vector<28672x128xf32> to vector<128x128xf32>
    %concatenate3A = tpu.concatenate %slice3A, %slice3A_8, %slice3A_9, %slice3A_10 in 0 : vector<128x128xf32>, vector<128x128xf32>, vector<128x128xf32>, vector<128x128xf32> -> vector<512x128xf32>
    %get3A_11 = arith.constant 0 : index
    %get3A_12 = arith.constant 0 : index
    %get3A_13 = vector.load %arg2[%get3A_11, %get3A_12] : memref<512x128xf32, #tpu.memory_space<vmem>>, vector<512x128xf32>
    %dot_general3A = arith.constant dense<0.000000e+00> : vector<128x128xf32>
    %dot_general3A_14 = tpu.matmul %concatenate3A, %get3A_13, %dot_general3A {dimension_numbers = #tpu.dot_dimension_numbers<[0], [0], [1], [1], [0, 1, 1, 1], [], []>, transpose_lhs_hint = false} : vector<512x128xf32>, vector<512x128xf32>, vector<128x128xf32> -> vector<128x128xf32>
    %get3A_15 = arith.constant 0 : index
    %get3A_16 = arith.constant 0 : index
    %get3A_17 = vector.load %arg3[%get3A_15, %get3A_16] : memref<1x128xf32, #tpu.memory_space<vmem>>, vector<1x128xf32>
    %add3A = vector.broadcast %get3A_17 : vector<1x128xf32> to vector<128x128xf32>
    %add3A_18 = arith.addf %dot_general3A_14, %add3A : vector<128x128xf32>
    %dot_general3A_19 = arith.constant dense<0.000000e+00> : vector<128x128xf32>
    %dot_general3A_20 = tpu.matmul %add3A_18, %get3A_4, %dot_general3A_19 {dimension_numbers = #tpu.dot_dimension_numbers<[1], [0], [0], [1], [0, 0, 1, 1], [], []>, transpose_lhs_hint = false} : vector<128x128xf32>, vector<128x128xf32>, vector<128x128xf32> -> vector<128x128xf32>
    %mul3A = arith.mulf %add3A_18, %add3A_18 : vector<128x128xf32>
    %dot_general3A_21 = arith.constant dense<0.000000e+00> : vector<128x128xf32>
    %dot_general3A_22 = tpu.matmul %mul3A, %get3A_4, %dot_general3A_21 {dimension_numbers = #tpu.dot_dimension_numbers<[1], [0], [0], [1], [0, 0, 1, 1], [], []>, transpose_lhs_hint = false} : vector<128x128xf32>, vector<128x128xf32>, vector<128x128xf32> -> vector<128x128xf32>
    %mul3A_23 = arith.mulf %dot_general3A_20, %dot_general3A_20 : vector<128x128xf32>
    %sub3A = arith.subf %dot_general3A_22, %mul3A_23 : vector<128x128xf32>
    %sub3A_24 = arith.subf %add3A_18, %dot_general3A_20 : vector<128x128xf32>
    %add3A_25 = arith.constant 9.99999974E-6 : f32
    %add3A_26 = vector.broadcast %add3A_25 : f32 to vector<128x128xf32>
    %add3A_27 = arith.addf %sub3A, %add3A_26 : vector<128x128xf32>
    %rsqrt3A = math.rsqrt %add3A_27 : vector<128x128xf32>
    %mul3A_28 = arith.mulf %sub3A_24, %rsqrt3A : vector<128x128xf32>
    %get3A_29 = arith.constant 0 : index
    %get3A_30 = arith.constant 0 : index
    %get3A_31 = vector.load %arg4[%get3A_29, %get3A_30] : memref<1x128xf32, #tpu.memory_space<vmem>>, vector<1x128xf32>
    %mul3A_32 = vector.broadcast %get3A_31 : vector<1x128xf32> to vector<128x128xf32>
    %mul3A_33 = arith.mulf %mul3A_28, %mul3A_32 : vector<128x128xf32>
    %get3A_34 = arith.constant 0 : index
    %get3A_35 = arith.constant 0 : index
    %get3A_36 = vector.load %arg5[%get3A_34, %get3A_35] : memref<1x128xf32, #tpu.memory_space<vmem>>, vector<1x128xf32>
    %add3A_37 = vector.broadcast %get3A_36 : vector<1x128xf32> to vector<128x128xf32>
    %add3A_38 = arith.addf %mul3A_33, %add3A_37 : vector<128x128xf32>
    %mul3A_39 = arith.constant 5.000000e-01 : f32
    %mul3A_40 = vector.broadcast %mul3A_39 : f32 to vector<128x128xf32>
    %mul3A_41 = arith.mulf %mul3A_40, %add3A_38 : vector<128x128xf32>
    %mul3A_42 = arith.constant 0.707106769 : f32
    %mul3A_43 = vector.broadcast %mul3A_42 : f32 to vector<128x128xf32>
    %mul3A_44 = arith.mulf %add3A_38, %mul3A_43 : vector<128x128xf32>
    %erf3A = math.erf %mul3A_44 : vector<128x128xf32>
    %add3A_45 = arith.constant 1.000000e+00 : f32
    %add3A_46 = vector.broadcast %add3A_45 : f32 to vector<128x128xf32>
    %add3A_47 = arith.addf %add3A_46, %erf3A : vector<128x128xf32>
    %mul3A_48 = arith.mulf %mul3A_41, %add3A_47 : vector<128x128xf32>
    %slice3A_49 = vector.extract_strided_slice %get3A_1 {offsets = [7168, 0], sizes = [128, 128], strides = [1, 1]} : vector<28672x128xf32> to vector<128x128xf32>
    %slice3A_50 = vector.extract_strided_slice %get3A_1 {offsets = [8960, 0], sizes = [128, 128], strides = [1, 1]} : vector<28672x128xf32> to vector<128x128xf32>
    %slice3A_51 = vector.extract_strided_slice %get3A_1 {offsets = [10752, 0], sizes = [128, 128], strides = [1, 1]} : vector<28672x128xf32> to vector<128x128xf32>
    %slice3A_52 = vector.extract_strided_slice %get3A_1 {offsets = [12544, 0], sizes = [128, 128], strides = [1, 1]} : vector<28672x128xf32> to vector<128x128xf32>
    %concatenate3A_53 = tpu.concatenate %slice3A_49, %slice3A_50, %slice3A_51, %slice3A_52 in 0 : vector<128x128xf32>, vector<128x128xf32>, vector<128x128xf32>, vector<128x128xf32> -> vector<512x128xf32>
    %get3A_54 = arith.constant 0 : index
    %get3A_55 = arith.constant 0 : index
    %get3A_56 = vector.load %arg2[%get3A_54, %get3A_55] : memref<512x128xf32, #tpu.memory_space<vmem>>, vector<512x128xf32>
    %dot_general3A_57 = arith.constant dense<0.000000e+00> : vector<128x128xf32>
    %dot_general3A_58 = tpu.matmul %concatenate3A_53, %get3A_56, %dot_general3A_57 {dimension_numbers = #tpu.dot_dimension_numbers<[0], [0], [1], [1], [0, 1, 1, 1], [], []>, transpose_lhs_hint = false} : vector<512x128xf32>, vector<512x128xf32>, vector<128x128xf32> -> vector<128x128xf32>
    %get3A_59 = arith.constant 0 : index
    %get3A_60 = arith.constant 0 : index
    %get3A_61 = vector.load %arg3[%get3A_59, %get3A_60] : memref<1x128xf32, #tpu.memory_space<vmem>>, vector<1x128xf32>
    %add3A_62 = vector.broadcast %get3A_61 : vector<1x128xf32> to vector<128x128xf32>
    %add3A_63 = arith.addf %dot_general3A_58, %add3A_62 : vector<128x128xf32>
    %dot_general3A_64 = arith.constant dense<0.000000e+00> : vector<128x128xf32>
    %dot_general3A_65 = tpu.matmul %add3A_63, %get3A_4, %dot_general3A_64 {dimension_numbers = #tpu.dot_dimension_numbers<[1], [0], [0], [1], [0, 0, 1, 1], [], []>, transpose_lhs_hint = false} : vector<128x128xf32>, vector<128x128xf32>, vector<128x128xf32> -> vector<128x128xf32>
    %mul3A_66 = arith.mulf %add3A_63, %add3A_63 : vector<128x128xf32>
    %dot_general3A_67 = arith.constant dense<0.000000e+00> : vector<128x128xf32>
    %dot_general3A_68 = tpu.matmul %mul3A_66, %get3A_4, %dot_general3A_67 {dimension_numbers = #tpu.dot_dimension_numbers<[1], [0], [0], [1], [0, 0, 1, 1], [], []>, transpose_lhs_hint = false} : vector<128x128xf32>, vector<128x128xf32>, vector<128x128xf32> -> vector<128x128xf32>
    %mul3A_69 = arith.mulf %dot_general3A_65, %dot_general3A_65 : vector<128x128xf32>
    %sub3A_70 = arith.subf %dot_general3A_68, %mul3A_69 : vector<128x128xf32>
    %sub3A_71 = arith.subf %add3A_63, %dot_general3A_65 : vector<128x128xf32>
    %add3A_72 = arith.constant 9.99999974E-6 : f32
    %add3A_73 = vector.broadcast %add3A_72 : f32 to vector<128x128xf32>
    %add3A_74 = arith.addf %sub3A_70, %add3A_73 : vector<128x128xf32>
    %rsqrt3A_75 = math.rsqrt %add3A_74 : vector<128x128xf32>
    %mul3A_76 = arith.mulf %sub3A_71, %rsqrt3A_75 : vector<128x128xf32>
    %get3A_77 = arith.constant 0 : index
    %get3A_78 = arith.constant 0 : index
    %get3A_79 = vector.load %arg4[%get3A_77, %get3A_78] : memref<1x128xf32, #tpu.memory_space<vmem>>, vector<1x128xf32>
    %mul3A_80 = vector.broadcast %get3A_79 : vector<1x128xf32> to vector<128x128xf32>
    %mul3A_81 = arith.mulf %mul3A_76, %mul3A_80 : vector<128x128xf32>
    %get3A_82 = arith.constant 0 : index
    %get3A_83 = arith.constant 0 : index
    %get3A_84 = vector.load %arg5[%get3A_82, %get3A_83] : memref<1x128xf32, #tpu.memory_space<vmem>>, vector<1x128xf32>
    %add3A_85 = vector.broadcast %get3A_84 : vector<1x128xf32> to vector<128x128xf32>
    %add3A_86 = arith.addf %mul3A_81, %add3A_85 : vector<128x128xf32>
    %mul3A_87 = arith.constant 5.000000e-01 : f32
    %mul3A_88 = vector.broadcast %mul3A_87 : f32 to vector<128x128xf32>
    %mul3A_89 = arith.mulf %mul3A_88, %add3A_86 : vector<128x128xf32>
    %mul3A_90 = arith.constant 0.707106769 : f32
    %mul3A_91 = vector.broadcast %mul3A_90 : f32 to vector<128x128xf32>
    %mul3A_92 = arith.mulf %add3A_86, %mul3A_91 : vector<128x128xf32>
    %erf3A_93 = math.erf %mul3A_92 : vector<128x128xf32>
    %add3A_94 = arith.constant 1.000000e+00 : f32
    %add3A_95 = vector.broadcast %add3A_94 : f32 to vector<128x128xf32>
    %add3A_96 = arith.addf %add3A_95, %erf3A_93 : vector<128x128xf32>
    %mul3A_97 = arith.mulf %mul3A_89, %add3A_96 : vector<128x128xf32>
    %slice3A_98 = vector.extract_strided_slice %get3A_1 {offsets = [14336, 0], sizes = [128, 128], strides = [1, 1]} : vector<28672x128xf32> to vector<128x128xf32>
    %slice3A_99 = vector.extract_strided_slice %get3A_1 {offsets = [16128, 0], sizes = [128, 128], strides = [1, 1]} : vector<28672x128xf32> to vector<128x128xf32>
    %slice3A_100 = vector.extract_strided_slice %get3A_1 {offsets = [17920, 0], sizes = [128, 128], strides = [1, 1]} : vector<28672x128xf32> to vector<128x128xf32>
    %slice3A_101 = vector.extract_strided_slice %get3A_1 {offsets = [19712, 0], sizes = [128, 128], strides = [1, 1]} : vector<28672x128xf32> to vector<128x128xf32>
    %concatenate3A_102 = tpu.concatenate %slice3A_98, %slice3A_99, %slice3A_100, %slice3A_101 in 0 : vector<128x128xf32>, vector<128x128xf32>, vector<128x128xf32>, vector<128x128xf32> -> vector<512x128xf32>
    %get3A_103 = arith.constant 0 : index
    %get3A_104 = arith.constant 0 : index
    %get3A_105 = vector.load %arg2[%get3A_103, %get3A_104] : memref<512x128xf32, #tpu.memory_space<vmem>>, vector<512x128xf32>
    %dot_general3A_106 = arith.constant dense<0.000000e+00> : vector<128x128xf32>
    %dot_general3A_107 = tpu.matmul %concatenate3A_102, %get3A_105, %dot_general3A_106 {dimension_numbers = #tpu.dot_dimension_numbers<[0], [0], [1], [1], [0, 1, 1, 1], [], []>, transpose_lhs_hint = false} : vector<512x128xf32>, vector<512x128xf32>, vector<128x128xf32> -> vector<128x128xf32>
    %get3A_108 = arith.constant 0 : index
    %get3A_109 = arith.constant 0 : index
    %get3A_110 = vector.load %arg3[%get3A_108, %get3A_109] : memref<1x128xf32, #tpu.memory_space<vmem>>, vector<1x128xf32>
    %add3A_111 = vector.broadcast %get3A_110 : vector<1x128xf32> to vector<128x128xf32>
    %add3A_112 = arith.addf %dot_general3A_107, %add3A_111 : vector<128x128xf32>
    %dot_general3A_113 = arith.constant dense<0.000000e+00> : vector<128x128xf32>
    %dot_general3A_114 = tpu.matmul %add3A_112, %get3A_4, %dot_general3A_113 {dimension_numbers = #tpu.dot_dimension_numbers<[1], [0], [0], [1], [0, 0, 1, 1], [], []>, transpose_lhs_hint = false} : vector<128x128xf32>, vector<128x128xf32>, vector<128x128xf32> -> vector<128x128xf32>
    %mul3A_115 = arith.mulf %add3A_112, %add3A_112 : vector<128x128xf32>
    %dot_general3A_116 = arith.constant dense<0.000000e+00> : vector<128x128xf32>
    %dot_general3A_117 = tpu.matmul %mul3A_115, %get3A_4, %dot_general3A_116 {dimension_numbers = #tpu.dot_dimension_numbers<[1], [0], [0], [1], [0, 0, 1, 1], [], []>, transpose_lhs_hint = false} : vector<128x128xf32>, vector<128x128xf32>, vector<128x128xf32> -> vector<128x128xf32>
    %mul3A_118 = arith.mulf %dot_general3A_114, %dot_general3A_114 : vector<128x128xf32>
    %sub3A_119 = arith.subf %dot_general3A_117, %mul3A_118 : vector<128x128xf32>
    %sub3A_120 = arith.subf %add3A_112, %dot_general3A_114 : vector<128x128xf32>
    %add3A_121 = arith.constant 9.99999974E-6 : f32
    %add3A_122 = vector.broadcast %add3A_121 : f32 to vector<128x128xf32>
    %add3A_123 = arith.addf %sub3A_119, %add3A_122 : vector<128x128xf32>
    %rsqrt3A_124 = math.rsqrt %add3A_123 : vector<128x128xf32>
    %mul3A_125 = arith.mulf %sub3A_120, %rsqrt3A_124 : vector<128x128xf32>
    %get3A_126 = arith.constant 0 : index
    %get3A_127 = arith.constant 0 : index
    %get3A_128 = vector.load %arg4[%get3A_126, %get3A_127] : memref<1x128xf32, #tpu.memory_space<vmem>>, vector<1x128xf32>
    %mul3A_129 = vector.broadcast %get3A_128 : vector<1x128xf32> to vector<128x128xf32>
    %mul3A_130 = arith.mulf %mul3A_125, %mul3A_129 : vector<128x128xf32>
    %get3A_131 = arith.constant 0 : index
    %get3A_132 = arith.constant 0 : index
    %get3A_133 = vector.load %arg5[%get3A_131, %get3A_132] : memref<1x128xf32, #tpu.memory_space<vmem>>, vector<1x128xf32>
    %add3A_134 = vector.broadcast %get3A_133 : vector<1x128xf32> to vector<128x128xf32>
    %add3A_135 = arith.addf %mul3A_130, %add3A_134 : vector<128x128xf32>
    %mul3A_136 = arith.constant 5.000000e-01 : f32
    %mul3A_137 = vector.broadcast %mul3A_136 : f32 to vector<128x128xf32>
    %mul3A_138 = arith.mulf %mul3A_137, %add3A_135 : vector<128x128xf32>
    %mul3A_139 = arith.constant 0.707106769 : f32
    %mul3A_140 = vector.broadcast %mul3A_139 : f32 to vector<128x128xf32>
    %mul3A_141 = arith.mulf %add3A_135, %mul3A_140 : vector<128x128xf32>
    %erf3A_142 = math.erf %mul3A_141 : vector<128x128xf32>
    %add3A_143 = arith.constant 1.000000e+00 : f32
    %add3A_144 = vector.broadcast %add3A_143 : f32 to vector<128x128xf32>
    %add3A_145 = arith.addf %add3A_144, %erf3A_142 : vector<128x128xf32>
    %mul3A_146 = arith.mulf %mul3A_138, %add3A_145 : vector<128x128xf32>
    %slice3A_147 = vector.extract_strided_slice %get3A_1 {offsets = [21504, 0], sizes = [128, 128], strides = [1, 1]} : vector<28672x128xf32> to vector<128x128xf32>
    %slice3A_148 = vector.extract_strided_slice %get3A_1 {offsets = [23296, 0], sizes = [128, 128], strides = [1, 1]} : vector<28672x128xf32> to vector<128x128xf32>
    %slice3A_149 = vector.extract_strided_slice %get3A_1 {offsets = [25088, 0], sizes = [128, 128], strides = [1, 1]} : vector<28672x128xf32> to vector<128x128xf32>
    %slice3A_150 = vector.extract_strided_slice %get3A_1 {offsets = [26880, 0], sizes = [128, 128], strides = [1, 1]} : vector<28672x128xf32> to vector<128x128xf32>
    %concatenate3A_151 = tpu.concatenate %slice3A_147, %slice3A_148, %slice3A_149, %slice3A_150 in 0 : vector<128x128xf32>, vector<128x128xf32>, vector<128x128xf32>, vector<128x128xf32> -> vector<512x128xf32>
    %get3A_152 = arith.constant 0 : index
    %get3A_153 = arith.constant 0 : index
    %get3A_154 = vector.load %arg2[%get3A_152, %get3A_153] : memref<512x128xf32, #tpu.memory_space<vmem>>, vector<512x128xf32>
    %dot_general3A_155 = arith.constant dense<0.000000e+00> : vector<128x128xf32>
    %dot_general3A_156 = tpu.matmul %concatenate3A_151, %get3A_154, %dot_general3A_155 {dimension_numbers = #tpu.dot_dimension_numbers<[0], [0], [1], [1], [0, 1, 1, 1], [], []>, transpose_lhs_hint = false} : vector<512x128xf32>, vector<512x128xf32>, vector<128x128xf32> -> vector<128x128xf32>
    %get3A_157 = arith.constant 0 : index
    %get3A_158 = arith.constant 0 : index
    %get3A_159 = vector.load %arg3[%get3A_157, %get3A_158] : memref<1x128xf32, #tpu.memory_space<vmem>>, vector<1x128xf32>
    %add3A_160 = vector.broadcast %get3A_159 : vector<1x128xf32> to vector<128x128xf32>
    %add3A_161 = arith.addf %dot_general3A_156, %add3A_160 : vector<128x128xf32>
    %dot_general3A_162 = arith.constant dense<0.000000e+00> : vector<128x128xf32>
    %dot_general3A_163 = tpu.matmul %add3A_161, %get3A_4, %dot_general3A_162 {dimension_numbers = #tpu.dot_dimension_numbers<[1], [0], [0], [1], [0, 0, 1, 1], [], []>, transpose_lhs_hint = false} : vector<128x128xf32>, vector<128x128xf32>, vector<128x128xf32> -> vector<128x128xf32>
    %mul3A_164 = arith.mulf %add3A_161, %add3A_161 : vector<128x128xf32>
    %dot_general3A_165 = arith.constant dense<0.000000e+00> : vector<128x128xf32>
    %dot_general3A_166 = tpu.matmul %mul3A_164, %get3A_4, %dot_general3A_165 {dimension_numbers = #tpu.dot_dimension_numbers<[1], [0], [0], [1], [0, 0, 1, 1], [], []>, transpose_lhs_hint = false} : vector<128x128xf32>, vector<128x128xf32>, vector<128x128xf32> -> vector<128x128xf32>
    %mul3A_167 = arith.mulf %dot_general3A_163, %dot_general3A_163 : vector<128x128xf32>
    %sub3A_168 = arith.subf %dot_general3A_166, %mul3A_167 : vector<128x128xf32>
    %sub3A_169 = arith.subf %add3A_161, %dot_general3A_163 : vector<128x128xf32>
    %add3A_170 = arith.constant 9.99999974E-6 : f32
    %add3A_171 = vector.broadcast %add3A_170 : f32 to vector<128x128xf32>
    %add3A_172 = arith.addf %sub3A_168, %add3A_171 : vector<128x128xf32>
    %rsqrt3A_173 = math.rsqrt %add3A_172 : vector<128x128xf32>
    %mul3A_174 = arith.mulf %sub3A_169, %rsqrt3A_173 : vector<128x128xf32>
    %get3A_175 = arith.constant 0 : index
    %get3A_176 = arith.constant 0 : index
    %get3A_177 = vector.load %arg4[%get3A_175, %get3A_176] : memref<1x128xf32, #tpu.memory_space<vmem>>, vector<1x128xf32>
    %mul3A_178 = vector.broadcast %get3A_177 : vector<1x128xf32> to vector<128x128xf32>
    %mul3A_179 = arith.mulf %mul3A_174, %mul3A_178 : vector<128x128xf32>
    %get3A_180 = arith.constant 0 : index
    %get3A_181 = arith.constant 0 : index
    %get3A_182 = vector.load %arg5[%get3A_180, %get3A_181] : memref<1x128xf32, #tpu.memory_space<vmem>>, vector<1x128xf32>
    %add3A_183 = vector.broadcast %get3A_182 : vector<1x128xf32> to vector<128x128xf32>
    %add3A_184 = arith.addf %mul3A_179, %add3A_183 : vector<128x128xf32>
    %mul3A_185 = arith.constant 5.000000e-01 : f32
    %mul3A_186 = vector.broadcast %mul3A_185 : f32 to vector<128x128xf32>
    %mul3A_187 = arith.mulf %mul3A_186, %add3A_184 : vector<128x128xf32>
    %mul3A_188 = arith.constant 0.707106769 : f32
    %mul3A_189 = vector.broadcast %mul3A_188 : f32 to vector<128x128xf32>
    %mul3A_190 = arith.mulf %add3A_184, %mul3A_189 : vector<128x128xf32>
    %erf3A_191 = math.erf %mul3A_190 : vector<128x128xf32>
    %add3A_192 = arith.constant 1.000000e+00 : f32
    %add3A_193 = vector.broadcast %add3A_192 : f32 to vector<128x128xf32>
    %add3A_194 = arith.addf %add3A_193, %erf3A_191 : vector<128x128xf32>
    %mul3A_195 = arith.mulf %mul3A_187, %add3A_194 : vector<128x128xf32>
    %concatenate3A_196 = tpu.concatenate %mul3A_48, %mul3A_97, %mul3A_146, %mul3A_195 in 1 : vector<128x128xf32>, vector<128x128xf32>, vector<128x128xf32>, vector<128x128xf32> -> vector<128x512xf32>
    %get3A_197 = arith.constant 0 : index
    %get3A_198 = arith.constant 0 : index
    %get3A_199 = vector.load %arg7[%get3A_197, %get3A_198] : memref<512x128xf32, #tpu.memory_space<vmem>>, vector<512x128xf32>
    %dot_general3A_200 = arith.constant dense<0.000000e+00> : vector<128x128xf32>
    %dot_general3A_201 = tpu.matmul %concatenate3A_196, %get3A_199, %dot_general3A_200 {dimension_numbers = #tpu.dot_dimension_numbers<[1], [0], [0], [1], [0, 0, 1, 1], [], []>, transpose_lhs_hint = false} : vector<128x512xf32>, vector<512x128xf32>, vector<128x128xf32> -> vector<128x128xf32>
    %get3A_202 = arith.constant 0 : index
    %get3A_203 = arith.constant 0 : index
    %get3A_204 = vector.load %arg8[%get3A_202, %get3A_203] : memref<1x128xf32, #tpu.memory_space<vmem>>, vector<1x128xf32>
    %add3A_205 = vector.broadcast %get3A_204 : vector<1x128xf32> to vector<128x128xf32>
    %add3A_206 = arith.addf %dot_general3A_201, %add3A_205 : vector<128x128xf32>
    %dot_general3A_207 = arith.constant dense<0.000000e+00> : vector<128x128xf32>
    %dot_general3A_208 = tpu.matmul %add3A_206, %get3A_7, %dot_general3A_207 {dimension_numbers = #tpu.dot_dimension_numbers<[1], [0], [0], [1], [0, 0, 1, 1], [], []>, transpose_lhs_hint = false} : vector<128x128xf32>, vector<128x128xf32>, vector<128x128xf32> -> vector<128x128xf32>
    %mul3A_209 = arith.mulf %add3A_206, %add3A_206 : vector<128x128xf32>
    %dot_general3A_210 = arith.constant dense<0.000000e+00> : vector<128x128xf32>
    %dot_general3A_211 = tpu.matmul %mul3A_209, %get3A_7, %dot_general3A_210 {dimension_numbers = #tpu.dot_dimension_numbers<[1], [0], [0], [1], [0, 0, 1, 1], [], []>, transpose_lhs_hint = false} : vector<128x128xf32>, vector<128x128xf32>, vector<128x128xf32> -> vector<128x128xf32>
    %sub3A_212 = arith.subf %add3A_206, %dot_general3A_208 : vector<128x128xf32>
    %mul3A_213 = arith.mulf %dot_general3A_208, %dot_general3A_208 : vector<128x128xf32>
    %sub3A_214 = arith.subf %dot_general3A_211, %mul3A_213 : vector<128x128xf32>
    %add3A_215 = arith.constant 9.99999974E-6 : f32
    %add3A_216 = vector.broadcast %add3A_215 : f32 to vector<128x128xf32>
    %add3A_217 = arith.addf %sub3A_214, %add3A_216 : vector<128x128xf32>
    %rsqrt3A_218 = math.rsqrt %add3A_217 : vector<128x128xf32>
    %mul3A_219 = arith.mulf %sub3A_212, %rsqrt3A_218 : vector<128x128xf32>
    %get3A_220 = arith.constant 0 : index
    %get3A_221 = arith.constant 0 : index
    %get3A_222 = vector.load %arg9[%get3A_220, %get3A_221] : memref<1x128xf32, #tpu.memory_space<vmem>>, vector<1x128xf32>
    %mul3A_223 = vector.broadcast %get3A_222 : vector<1x128xf32> to vector<128x128xf32>
    %mul3A_224 = arith.mulf %mul3A_219, %mul3A_223 : vector<128x128xf32>
    %get3A_225 = arith.constant 0 : index
    %get3A_226 = arith.constant 0 : index
    %get3A_227 = vector.load %arg10[%get3A_225, %get3A_226] : memref<1x128xf32, #tpu.memory_space<vmem>>, vector<1x128xf32>
    %add3A_228 = vector.broadcast %get3A_227 : vector<1x128xf32> to vector<128x128xf32>
    %add3A_229 = arith.addf %mul3A_224, %add3A_228 : vector<128x128xf32>
    %mul3A_230 = arith.constant 5.000000e-01 : f32
    %mul3A_231 = vector.broadcast %mul3A_230 : f32 to vector<128x128xf32>
    %mul3A_232 = arith.mulf %mul3A_231, %add3A_229 : vector<128x128xf32>
    %mul3A_233 = arith.constant 0.707106769 : f32
    %mul3A_234 = vector.broadcast %mul3A_233 : f32 to vector<128x128xf32>
    %mul3A_235 = arith.mulf %add3A_229, %mul3A_234 : vector<128x128xf32>
    %erf3A_236 = math.erf %mul3A_235 : vector<128x128xf32>
    %add3A_237 = arith.constant 1.000000e+00 : f32
    %add3A_238 = vector.broadcast %add3A_237 : f32 to vector<128x128xf32>
    %add3A_239 = arith.addf %add3A_238, %erf3A_236 : vector<128x128xf32>
    %mul3A_240 = arith.mulf %mul3A_232, %add3A_239 : vector<128x128xf32>
    %swap3A = arith.constant 0 : index
    %swap3A_241 = arith.constant 0 : index
    %swap3A_242 = vector.load %arg12[%swap3A, %swap3A_241] : memref<128x1792xf32, #tpu.memory_space<vmem>>, vector<128x128xf32>
    tpu.vector_store %arg12[%swap3A, %swap3A_241], %mul3A_240 {strides = array<i32>} : memref<128x1792xf32, #tpu.memory_space<vmem>>, vector<128x128xf32>,
    %slice3A_243 = vector.extract_strided_slice %get3A_1 {offsets = [128, 0], sizes = [128, 128], strides = [1, 1]} : vector<28672x128xf32> to vector<128x128xf32>
    %slice3A_244 = vector.extract_strided_slice %get3A_1 {offsets = [1920, 0], sizes = [128, 128], strides = [1, 1]} : vector<28672x128xf32> to vector<128x128xf32>
    %slice3A_245 = vector.extract_strided_slice %get3A_1 {offsets = [3712, 0], sizes = [128, 128], strides = [1, 1]} : vector<28672x128xf32> to vector<128x128xf32>
    %slice3A_246 = vector.extract_strided_slice %get3A_1 {offsets = [5504, 0], sizes = [128, 128], strides = [1, 1]} : vector<28672x128xf32> to vector<128x128xf32>
    %concatenate3A_247 = tpu.concatenate %slice3A_243, %slice3A_244, %slice3A_245, %slice3A_246 in 0 : vector<128x128xf32>, vector<128x128xf32>, vector<128x128xf32>, vector<128x128xf32> -> vector<512x128xf32>
    %get3A_248 = arith.constant 0 : index
    %get3A_249 = arith.constant 0 : index
    %get3A_250 = vector.load %arg2[%get3A_248, %get3A_249] : memref<512x128xf32, #tpu.memory_space<vmem>>, vector<512x128xf32>
    %dot_general3A_251 = arith.constant dense<0.000000e+00> : vector<128x128xf32>
    %dot_general3A_252 = tpu.matmul %concatenate3A_247, %get3A_250, %dot_general3A_251 {dimension_numbers = #tpu.dot_dimension_numbers<[0], [0], [1], [1], [0, 1, 1, 1], [], []>, transpose_lhs_hint = false} : vector<512x128xf32>, vector<512x128xf32>, vector<128x128xf32> -> vector<128x128xf32>
    %get3A_253 = arith.constant 0 : index
    %get3A_254 = arith.constant 0 : index
    %get3A_255 = vector.load %arg3[%get3A_253, %get3A_254] : memref<1x128xf32, #tpu.memory_space<vmem>>, vector<1x128xf32>
    %add3A_256 = vector.broadcast %get3A_255 : vector<1x128xf32> to vector<128x128xf32>
    %add3A_257 = arith.addf %dot_general3A_252, %add3A_256 : vector<128x128xf32>
    %dot_general3A_258 = arith.constant dense<0.000000e+00> : vector<128x128xf32>
    %dot_general3A_259 = tpu.matmul %add3A_257, %get3A_4, %dot_general3A_258 {dimension_numbers = #tpu.dot_dimension_numbers<[1], [0], [0], [1], [0, 0, 1, 1], [], []>, transpose_lhs_hint = false} : vector<128x128xf32>, vector<128x128xf32>, vector<128x128xf32> -> vector<128x128xf32>
    %mul3A_260 = arith.mulf %add3A_257, %add3A_257 : vector<128x128xf32>
    %dot_general3A_261 = arith.constant dense<0.000000e+00> : vector<128x128xf32>
    %dot_general3A_262 = tpu.matmul %mul3A_260, %get3A_4, %dot_general3A_261 {dimension_numbers = #tpu.dot_dimension_numbers<[1], [0], [0], [1], [0, 0, 1, 1], [], []>, transpose_lhs_hint = false} : vector<128x128xf32>, vector<128x128xf32>, vector<128x128xf32> -> vector<128x128xf32>
    %mul3A_263 = arith.mulf %dot_general3A_259, %dot_general3A_259 : vector<128x128xf32>
    %sub3A_264 = arith.subf %dot_general3A_262, %mul3A_263 : vector<128x128xf32>
    %sub3A_265 = arith.subf %add3A_257, %dot_general3A_259 : vector<128x128xf32>
    %add3A_266 = arith.constant 9.99999974E-6 : f32
    %add3A_267 = vector.broadcast %add3A_266 : f32 to vector<128x128xf32>
    %add3A_268 = arith.addf %sub3A_264, %add3A_267 : vector<128x128xf32>
    %rsqrt3A_269 = math.rsqrt %add3A_268 : vector<128x128xf32>
    %mul3A_270 = arith.mulf %sub3A_265, %rsqrt3A_269 : vector<128x128xf32>
    %get3A_271 = arith.constant 0 : index
    %get3A_272 = arith.constant 0 : index
    %get3A_273 = vector.load %arg4[%get3A_271, %get3A_272] : memref<1x128xf32, #tpu.memory_space<vmem>>, vector<1x128xf32>
    %mul3A_274 = vector.broadcast %get3A_273 : vector<1x128xf32> to vector<128x128xf32>
    %mul3A_275 = arith.mulf %mul3A_270, %mul3A_274 : vector<128x128xf32>
    %get3A_276 = arith.constant 0 : index
    %get3A_277 = arith.constant 0 : index
    %get3A_278 = vector.load %arg5[%get3A_276, %get3A_277] : memref<1x128xf32, #tpu.memory_space<vmem>>, vector<1x128xf32>
    %add3A_279 = vector.broadcast %get3A_278 : vector<1x128xf32> to vector<128x128xf32>
    %add3A_280 = arith.addf %mul3A_275, %add3A_279 : vector<128x128xf32>
    %mul3A_281 = arith.constant 5.000000e-01 : f32
    %mul3A_282 = vector.broadcast %mul3A_281 : f32 to vector<128x128xf32>
    %mul3A_283 = arith.mulf %mul3A_282, %add3A_280 : vector<128x128xf32>
    %mul3A_284 = arith.constant 0.707106769 : f32
    %mul3A_285 = vector.broadcast %mul3A_284 : f32 to vector<128x128xf32>
    %mul3A_286 = arith.mulf %add3A_280, %mul3A_285 : vector<128x128xf32>
    %erf3A_287 = math.erf %mul3A_286 : vector<128x128xf32>
    %add3A_288 = arith.constant 1.000000e+00 : f32
    %add3A_289 = vector.broadcast %add3A_288 : f32 to vector<128x128xf32>
    %add3A_290 = arith.addf %add3A_289, %erf3A_287 : vector<128x128xf32>
    %mul3A_291 = arith.mulf %mul3A_283, %add3A_290 : vector<128x128xf32>
    %slice3A_292 = vector.extract_strided_slice %get3A_1 {offsets = [7296, 0], sizes = [128, 128], strides = [1, 1]} : vector<28672x128xf32> to vector<128x128xf32>
    %slice3A_293 = vector.extract_strided_slice %get3A_1 {offsets = [9088, 0], sizes = [128, 128], strides = [1, 1]} : vector<28672x128xf32> to vector<128x128xf32>
    %slice3A_294 = vector.extract_strided_slice %get3A_1 {offsets = [10880, 0], sizes = [128, 128], strides = [1, 1]} : vector<28672x128xf32> to vector<128x128xf32>
    %slice3A_295 = vector.extract_strided_slice %get3A_1 {offsets = [12672, 0], sizes = [128, 128], strides = [1, 1]} : vector<28672x128xf32> to vector<128x128xf32>
    %concatenate3A_296 = tpu.concatenate %slice3A_292, %slice3A_293, %slice3A_294, %slice3A_295 in 0 : vector<128x128xf32>, vector<128x128xf32>, vector<128x128xf32>, vector<128x128xf32> -> vector<512x128xf32>
    %get3A_297 = arith.constant 0 : index
    %get3A_298 = arith.constant 0 : index
    %get3A_299 = vector.load %arg2[%get3A_297, %get3A_298] : memref<512x128xf32, #tpu.memory_space<vmem>>, vector<512x128xf32>
    %dot_general3A_300 = arith.constant dense<0.000000e+00> : vector<128x128xf32>
    %dot_general3A_301 = tpu.matmul %concatenate3A_296, %get3A_299, %dot_general3A_300 {dimension_numbers = #tpu.dot_dimension_numbers<[0], [0], [1], [1], [0, 1, 1, 1], [], []>, transpose_lhs_hint = false} : vector<512x128xf32>, vector<512x128xf32>, vector<128x128xf32> -> vector<128x128xf32>
    %get3A_302 = arith.constant 0 : index
    %get3A_303 = arith.constant 0 : index
    %get3A_304 = vector.load %arg3[%get3A_302, %get3A_303] : memref<1x128xf32, #tpu.memory_space<vmem>>, vector<1x128xf32>
    %add3A_305 = vector.broadcast %get3A_304 : vector<1x128xf32> to vector<128x128xf32>
    %add3A_306 = arith.addf %dot_general3A_301, %add3A_305 : vector<128x128xf32>
    %dot_general3A_307 = arith.constant dense<0.000000e+00> : vector<128x128xf32>
    %dot_general3A_308 = tpu.matmul %add3A_306, %get3A_4, %dot_general3A_307 {dimension_numbers = #tpu.dot_dimension_numbers<[1], [0], [0], [1], [0, 0, 1, 1], [], []>, transpose_lhs_hint = false} : vector<128x128xf32>, vector<128x128xf32>, vector<128x128xf32> -> vector<128x128xf32>
    %mul3A_309 = arith.mulf %add3A_306, %add3A_306 : vector<128x128xf32>
    %dot_general3A_310 = arith.constant dense<0.000000e+00> : vector<128x128xf32>
    %dot_general3A_311 = tpu.matmul %mul3A_309, %get3A_4, %dot_general3A_310 {dimension_numbers = #tpu.dot_dimension_numbers<[1], [0], [0], [1], [0, 0, 1, 1], [], []>, transpose_lhs_hint = false} : vector<128x128xf32>, vector<128x128xf32>, vector<128x128xf32> -> vector<128x128xf32>
    %mul3A_312 = arith.mulf %dot_general3A_308, %dot_general3A_308 : vector<128x128xf32>
    %sub3A_313 = arith.subf %dot_general3A_311, %mul3A_312 : vector<128x128xf32>
    %sub3A_314 = arith.subf %add3A_306, %dot_general3A_308 : vector<128x128xf32>
    %add3A_315 = arith.constant 9.99999974E-6 : f32
    %add3A_316 = vector.broadcast %add3A_315 : f32 to vector<128x128xf32>
    %add3A_317 = arith.addf %sub3A_313, %add3A_316 : vector<128x128xf32>
    %rsqrt3A_318 = math.rsqrt %add3A_317 : vector<128x128xf32>
    %mul3A_319 = arith.mulf %sub3A_314, %rsqrt3A_318 : vector<128x128xf32>
    %get3A_320 = arith.constant 0 : index
    %get3A_321 = arith.constant 0 : index
    %get3A_322 = vector.load %arg4[%get3A_320, %get3A_321] : memref<1x128xf32, #tpu.memory_space<vmem>>, vector<1x128xf32>
    %mul3A_323 = vector.broadcast %get3A_322 : vector<1x128xf32> to vector<128x128xf32>
    %mul3A_324 = arith.mulf %mul3A_319, %mul3A_323 : vector<128x128xf32>
    %get3A_325 = arith.constant 0 : index
    %get3A_326 = arith.constant 0 : index
    %get3A_327 = vector.load %arg5[%get3A_325, %get3A_326] : memref<1x128xf32, #tpu.memory_space<vmem>>, vector<1x128xf32>
    %add3A_328 = vector.broadcast %get3A_327 : vector<1x128xf32> to vector<128x128xf32>
    %add3A_329 = arith.addf %mul3A_324, %add3A_328 : vector<128x128xf32>
    %mul3A_330 = arith.constant 5.000000e-01 : f32
    %mul3A_331 = vector.broadcast %mul3A_330 : f32 to vector<128x128xf32>
    %mul3A_332 = arith.mulf %mul3A_331, %add3A_329 : vector<128x128xf32>
    %mul3A_333 = arith.constant 0.707106769 : f32
    %mul3A_334 = vector.broadcast %mul3A_333 : f32 to vector<128x128xf32>
    %mul3A_335 = arith.mulf %add3A_329, %mul3A_334 : vector<128x128xf32>
    %erf3A_336 = math.erf %mul3A_335 : vector<128x128xf32>
    %add3A_337 = arith.constant 1.000000e+00 : f32
    %add3A_338 = vector.broadcast %add3A_337 : f32 to vector<128x128xf32>
    %add3A_339 = arith.addf %add3A_338, %erf3A_336 : vector<128x128xf32>
    %mul3A_340 = arith.mulf %mul3A_332, %add3A_339 : vector<128x128xf32>
    %slice3A_341 = vector.extract_strided_slice %get3A_1 {offsets = [14464, 0], sizes = [128, 128], strides = [1, 1]} : vector<28672x128xf32> to vector<128x128xf32>
    %slice3A_342 = vector.extract_strided_slice %get3A_1 {offsets = [16256, 0], sizes = [128, 128], strides = [1, 1]} : vector<28672x128xf32> to vector<128x128xf32>
    %slice3A_343 = vector.extract_strided_slice %get3A_1 {offsets = [18048, 0], sizes = [128, 128], strides = [1, 1]} : vector<28672x128xf32> to vector<128x128xf32>
    %slice3A_344 = vector.extract_strided_slice %get3A_1 {offsets = [19840, 0], sizes = [128, 128], strides = [1, 1]} : vector<28672x128xf32> to vector<128x128xf32>
    %concatenate3A_345 = tpu.concatenate %slice3A_341, %slice3A_342, %slice3A_343, %slice3A_344 in 0 : vector<128x128xf32>, vector<128x128xf32>, vector<128x128xf32>, vector<128x128xf32> -> vector<512x128xf32>
    %get3A_346 = arith.constant 0 : index
    %get3A_347 = arith.constant 0 : index
    %get3A_348 = vector.load %arg2[%get3A_346, %get3A_347] : memref<512x128xf32, #tpu.memory_space<vmem>>, vector<512x128xf32>
    %dot_general3A_349 = arith.constant dense<0.000000e+00> : vector<128x128xf32>
    %dot_general3A_350 = tpu.matmul %concatenate3A_345, %get3A_348, %dot_general3A_349 {dimension_numbers = #tpu.dot_dimension_numbers<[0], [0], [1], [1], [0, 1, 1, 1], [], []>, transpose_lhs_hint = false} : vector<512x128xf32>, vector<512x128xf32>, vector<128x128xf32> -> vector<128x128xf32>
    %get3A_351 = arith.constant 0 : index
    %get3A_352 = arith.constant 0 : index
    %get3A_353 = vector.load %arg3[%get3A_351, %get3A_352] : memref<1x128xf32, #tpu.memory_space<vmem>>, vector<1x128xf32>
    %add3A_354 = vector.broadcast %get3A_353 : vector<1x128xf32> to vector<128x128xf32>
    %add3A_355 = arith.addf %dot_general3A_350, %add3A_354 : vector<128x128xf32>
    %dot_general3A_356 = arith.constant dense<0.000000e+00> : vector<128x128xf32>
    %dot_general3A_357 = tpu.matmul %add3A_355, %get3A_4, %dot_general3A_356 {dimension_numbers = #tpu.dot_dimension_numbers<[1], [0], [0], [1], [0, 0, 1, 1], [], []>, transpose_lhs_hint = false} : vector<128x128xf32>, vector<128x128xf32>, vector<128x128xf32> -> vector<128x128xf32>
    %mul3A_358 = arith.mulf %add3A_355, %add3A_355 : vector<128x128xf32>
    %dot_general3A_359 = arith.constant dense<0.000000e+00> : vector<128x128xf32>
    %dot_general3A_360 = tpu.matmul %mul3A_358, %get3A_4, %dot_general3A_359 {dimension_numbers = #tpu.dot_dimension_numbers<[1], [0], [0], [1], [0, 0, 1, 1], [], []>, transpose_lhs_hint = false} : vector<128x128xf32>, vector<128x128xf32>, vector<128x128xf32> -> vector<128x128xf32>
    %mul3A_361 = arith.mulf %dot_general3A_357, %dot_general3A_357 : vector<128x128xf32>
    %sub3A_362 = arith.subf %dot_general3A_360, %mul3A_361 : vector<128x128xf32>
    %sub3A_363 = arith.subf %add3A_355, %dot_general3A_357 : vector<128x128xf32>
    %add3A_364 = arith.constant 9.99999974E-6 : f32
    %add3A_365 = vector.broadcast %add3A_364 : f32 to vector<128x128xf32>
    %add3A_366 = arith.addf %sub3A_362, %add3A_365 : vector<128x128xf32>
    %rsqrt3A_367 = math.rsqrt %add3A_366 : vector<128x128xf32>
    %mul3A_368 = arith.mulf %sub3A_363, %rsqrt3A_367 : vector<128x128xf32>
    %get3A_369 = arith.constant 0 : index
    %get3A_370 = arith.constant 0 : index
    %get3A_371 = vector.load %arg4[%get3A_369, %get3A_370] : memref<1x128xf32, #tpu.memory_space<vmem>>, vector<1x128xf32>
    %mul3A_372 = vector.broadcast %get3A_371 : vector<1x128xf32> to vector<128x128xf32>
    %mul3A_373 = arith.mulf %mul3A_368, %mul3A_372 : vector<128x128xf32>
    %get3A_374 = arith.constant 0 : index
    %get3A_375 = arith.constant 0 : index
    %get3A_376 = vector.load %arg5[%get3A_374, %get3A_375] : memref<1x128xf32, #tpu.memory_space<vmem>>, vector<1x128xf32>
    %add3A_377 = vector.broadcast %get3A_376 : vector<1x128xf32> to vector<128x128xf32>
    %add3A_378 = arith.addf %mul3A_373, %add3A_377 : vector<128x128xf32>
    %mul3A_379 = arith.constant 5.000000e-01 : f32
    %mul3A_380 = vector.broadcast %mul3A_379 : f32 to vector<128x128xf32>
    %mul3A_381 = arith.mulf %mul3A_380, %add3A_378 : vector<128x128xf32>
    %mul3A_382 = arith.constant 0.707106769 : f32
    %mul3A_383 = vector.broadcast %mul3A_382 : f32 to vector<128x128xf32>
    %mul3A_384 = arith.mulf %add3A_378, %mul3A_383 : vector<128x128xf32>
    %erf3A_385 = math.erf %mul3A_384 : vector<128x128xf32>
    %add3A_386 = arith.constant 1.000000e+00 : f32
    %add3A_387 = vector.broadcast %add3A_386 : f32 to vector<128x128xf32>
    %add3A_388 = arith.addf %add3A_387, %erf3A_385 : vector<128x128xf32>
    %mul3A_389 = arith.mulf %mul3A_381, %add3A_388 : vector<128x128xf32>
    %slice3A_390 = vector.extract_strided_slice %get3A_1 {offsets = [21632, 0], sizes = [128, 128], strides = [1, 1]} : vector<28672x128xf32> to vector<128x128xf32>
    %slice3A_391 = vector.extract_strided_slice %get3A_1 {offsets = [23424, 0], sizes = [128, 128], strides = [1, 1]} : vector<28672x128xf32> to vector<128x128xf32>
    %slice3A_392 = vector.extract_strided_slice %get3A_1 {offsets = [25216, 0], sizes = [128, 128], strides = [1, 1]} : vector<28672x128xf32> to vector<128x128xf32>
    %slice3A_393 = vector.extract_strided_slice %get3A_1 {offsets = [27008, 0], sizes = [128, 128], strides = [1, 1]} : vector<28672x128xf32> to vector<128x128xf32>
    %concatenate3A_394 = tpu.concatenate %slice3A_390, %slice3A_391, %slice3A_392, %slice3A_393 in 0 : vector<128x128xf32>, vector<128x128xf32>, vector<128x128xf32>, vector<128x128xf32> -> vector<512x128xf32>
    %get3A_395 = arith.constant 0 : index
    %get3A_396 = arith.constant 0 : index
    %get3A_397 = vector.load %arg2[%get3A_395, %get3A_396] : memref<512x128xf32, #tpu.memory_space<vmem>>, vector<512x128xf32>
    %dot_general3A_398 = arith.constant dense<0.000000e+00> : vector<128x128xf32>
    %dot_general3A_399 = tpu.matmul %concatenate3A_394, %get3A_397, %dot_general3A_398 {dimension_numbers = #tpu.dot_dimension_numbers<[0], [0], [1], [1], [0, 1, 1, 1], [], []>, transpose_lhs_hint = false} : vector<512x128xf32>, vector<512x128xf32>, vector<128x128xf32> -> vector<128x128xf32>
    %get3A_400 = arith.constant 0 : index
    %get3A_401 = arith.constant 0 : index
    %get3A_402 = vector.load %arg3[%get3A_400, %get3A_401] : memref<1x128xf32, #tpu.memory_space<vmem>>, vector<1x128xf32>
    %add3A_403 = vector.broadcast %get3A_402 : vector<1x128xf32> to vector<128x128xf32>
    %add3A_404 = arith.addf %dot_general3A_399, %add3A_403 : vector<128x128xf32>
    %dot_general3A_405 = arith.constant dense<0.000000e+00> : vector<128x128xf32>
    %dot_general3A_406 = tpu.matmul %add3A_404, %get3A_4, %dot_general3A_405 {dimension_numbers = #tpu.dot_dimension_numbers<[1], [0], [0], [1], [0, 0, 1, 1], [], []>, transpose_lhs_hint = false} : vector<128x128xf32>, vector<128x128xf32>, vector<128x128xf32> -> vector<128x128xf32>
    %mul3A_407 = arith.mulf %add3A_404, %add3A_404 : vector<128x128xf32>
    %dot_general3A_408 = arith.constant dense<0.000000e+00> : vector<128x128xf32>
    %dot_general3A_409 = tpu.matmul %mul3A_407, %get3A_4, %dot_general3A_408 {dimension_numbers = #tpu.dot_dimension_numbers<[1], [0], [0], [1], [0, 0, 1, 1], [], []>, transpose_lhs_hint = false} : vector<128x128xf32>, vector<128x128xf32>, vector<128x128xf32> -> vector<128x128xf32>
    %mul3A_410 = arith.mulf %dot_general3A_406, %dot_general3A_406 : vector<128x128xf32>
    %sub3A_411 = arith.subf %dot_general3A_409, %mul3A_410 : vector<128x128xf32>
    %sub3A_412 = arith.subf %add3A_404, %dot_general3A_406 : vector<128x128xf32>
    %add3A_413 = arith.constant 9.99999974E-6 : f32
    %add3A_414 = vector.broadcast %add3A_413 : f32 to vector<128x128xf32>
    %add3A_415 = arith.addf %sub3A_411, %add3A_414 : vector<128x128xf32>
    %rsqrt3A_416 = math.rsqrt %add3A_415 : vector<128x128xf32>
    %mul3A_417 = arith.mulf %sub3A_412, %rsqrt3A_416 : vector<128x128xf32>
    %get3A_418 = arith.constant 0 : index
    %get3A_419 = arith.constant 0 : index
    %get3A_420 = vector.load %arg4[%get3A_418, %get3A_419] : memref<1x128xf32, #tpu.memory_space<vmem>>, vector<1x128xf32>
    %mul3A_421 = vector.broadcast %get3A_420 : vector<1x128xf32> to vector<128x128xf32>
    %mul3A_422 = arith.mulf %mul3A_417, %mul3A_421 : vector<128x128xf32>
    %get3A_423 = arith.constant 0 : index
    %get3A_424 = arith.constant 0 : index
    %get3A_425 = vector.load %arg5[%get3A_423, %get3A_424] : memref<1x128xf32, #tpu.memory_space<vmem>>, vector<1x128xf32>
    %add3A_426 = vector.broadcast %get3A_425 : vector<1x128xf32> to vector<128x128xf32>
    %add3A_427 = arith.addf %mul3A_422, %add3A_426 : vector<128x128xf32>
    %mul3A_428 = arith.constant 5.000000e-01 : f32
    %mul3A_429 = vector.broadcast %mul3A_428 : f32 to vector<128x128xf32>
    %mul3A_430 = arith.mulf %mul3A_429, %add3A_427 : vector<128x128xf32>
    %mul3A_431 = arith.constant 0.707106769 : f32
    %mul3A_432 = vector.broadcast %mul3A_431 : f32 to vector<128x128xf32>
    %mul3A_433 = arith.mulf %add3A_427, %mul3A_432 : vector<128x128xf32>
    %erf3A_434 = math.erf %mul3A_433 : vector<128x128xf32>
    %add3A_435 = arith.constant 1.000000e+00 : f32
    %add3A_436 = vector.broadcast %add3A_435 : f32 to vector<128x128xf32>
    %add3A_437 = arith.addf %add3A_436, %erf3A_434 : vector<128x128xf32>
    %mul3A_438 = arith.mulf %mul3A_430, %add3A_437 : vector<128x128xf32>
    %concatenate3A_439 = tpu.concatenate %mul3A_291, %mul3A_340, %mul3A_389, %mul3A_438 in 1 : vector<128x128xf32>, vector<128x128xf32>, vector<128x128xf32>, vector<128x128xf32> -> vector<128x512xf32>
    %get3A_440 = arith.constant 0 : index
    %get3A_441 = arith.constant 0 : index
    %get3A_442 = vector.load %arg7[%get3A_440, %get3A_441] : memref<512x128xf32, #tpu.memory_space<vmem>>, vector<512x128xf32>
    %dot_general3A_443 = arith.constant dense<0.000000e+00> : vector<128x128xf32>
    %dot_general3A_444 = tpu.matmul %concatenate3A_439, %get3A_442, %dot_general3A_443 {dimension_numbers = #tpu.dot_dimension_numbers<[1], [0], [0], [1], [0, 0, 1, 1], [], []>, transpose_lhs_hint = false} : vector<128x512xf32>, vector<512x128xf32>, vector<128x128xf32> -> vector<128x128xf32>
    %get3A_445 = arith.constant 0 : index
    %get3A_446 = arith.constant 0 : index
    %get3A_447 = vector.load %arg8[%get3A_445, %get3A_446] : memref<1x128xf32, #tpu.memory_space<vmem>>, vector<1x128xf32>
    %add3A_448 = vector.broadcast %get3A_447 : vector<1x128xf32> to vector<128x128xf32>
    %add3A_449 = arith.addf %dot_general3A_444, %add3A_448 : vector<128x128xf32>
    %dot_general3A_450 = arith.constant dense<0.000000e+00> : vector<128x128xf32>
    %dot_general3A_451 = tpu.matmul %add3A_449, %get3A_7, %dot_general3A_450 {dimension_numbers = #tpu.dot_dimension_numbers<[1], [0], [0], [1], [0, 0, 1, 1], [], []>, transpose_lhs_hint = false} : vector<128x128xf32>, vector<128x128xf32>, vector<128x128xf32> -> vector<128x128xf32>
    %mul3A_452 = arith.mulf %add3A_449, %add3A_449 : vector<128x128xf32>
    %dot_general3A_453 = arith.constant dense<0.000000e+00> : vector<128x128xf32>
    %dot_general3A_454 = tpu.matmul %mul3A_452, %get3A_7, %dot_general3A_453 {dimension_numbers = #tpu.dot_dimension_numbers<[1], [0], [0], [1], [0, 0, 1, 1], [], []>, transpose_lhs_hint = false} : vector<128x128xf32>, vector<128x128xf32>, vector<128x128xf32> -> vector<128x128xf32>
    %sub3A_455 = arith.subf %add3A_449, %dot_general3A_451 : vector<128x128xf32>
    %mul3A_456 = arith.mulf %dot_general3A_451, %dot_general3A_451 : vector<128x128xf32>
    %sub3A_457 = arith.subf %dot_general3A_454, %mul3A_456 : vector<128x128xf32>
    %add3A_458 = arith.constant 9.99999974E-6 : f32
    %add3A_459 = vector.broadcast %add3A_458 : f32 to vector<128x128xf32>
    %add3A_460 = arith.addf %sub3A_457, %add3A_459 : vector<128x128xf32>
    %rsqrt3A_461 = math.rsqrt %add3A_460 : vector<128x128xf32>
    %mul3A_462 = arith.mulf %sub3A_455, %rsqrt3A_461 : vector<128x128xf32>
    %get3A_463 = arith.constant 0 : index
    %get3A_464 = arith.constant 0 : index
    %get3A_465 = vector.load %arg9[%get3A_463, %get3A_464] : memref<1x128xf32, #tpu.memory_space<vmem>>, vector<1x128xf32>
    %mul3A_466 = vector.broadcast %get3A_465 : vector<1x128xf32> to vector<128x128xf32>
    %mul3A_467 = arith.mulf %mul3A_462, %mul3A_466 : vector<128x128xf32>
    %get3A_468 = arith.constant 0 : index
    %get3A_469 = arith.constant 0 : index
    %get3A_470 = vector.load %arg10[%get3A_468, %get3A_469] : memref<1x128xf32, #tpu.memory_space<vmem>>, vector<1x128xf32>
    %add3A_471 = vector.broadcast %get3A_470 : vector<1x128xf32> to vector<128x128xf32>
    %add3A_472 = arith.addf %mul3A_467, %add3A_471 : vector<128x128xf32>
    %mul3A_473 = arith.constant 5.000000e-01 : f32
    %mul3A_474 = vector.broadcast %mul3A_473 : f32 to vector<128x128xf32>
    %mul3A_475 = arith.mulf %mul3A_474, %add3A_472 : vector<128x128xf32>
    %mul3A_476 = arith.constant 0.707106769 : f32
    %mul3A_477 = vector.broadcast %mul3A_476 : f32 to vector<128x128xf32>
    %mul3A_478 = arith.mulf %add3A_472, %mul3A_477 : vector<128x128xf32>
    %erf3A_479 = math.erf %mul3A_478 : vector<128x128xf32>
    %add3A_480 = arith.constant 1.000000e+00 : f32
    %add3A_481 = vector.broadcast %add3A_480 : f32 to vector<128x128xf32>
    %add3A_482 = arith.addf %add3A_481, %erf3A_479 : vector<128x128xf32>
    %mul3A_483 = arith.mulf %mul3A_475, %add3A_482 : vector<128x128xf32>
    %swap3A_484 = arith.constant 0 : index
    %swap3A_485 = arith.constant 128 : index
    %swap3A_486 = vector.load %arg12[%swap3A_484, %swap3A_485] : memref<128x1792xf32, #tpu.memory_space<vmem>>, vector<128x128xf32>
    tpu.vector_store %arg12[%swap3A_484, %swap3A_485], %mul3A_483 {strides = array<i32>} : memref<128x1792xf32, #tpu.memory_space<vmem>>, vector<128x128xf32>,
    %slice3A_487 = vector.extract_strided_slice %get3A_1 {offsets = [256, 0], sizes = [128, 128], strides = [1, 1]} : vector<28672x128xf32> to vector<128x128xf32>
    %slice3A_488 = vector.extract_strided_slice %get3A_1 {offsets = [2048, 0], sizes = [128, 128], strides = [1, 1]} : vector<28672x128xf32> to vector<128x128xf32>
    %slice3A_489 = vector.extract_strided_slice %get3A_1 {offsets = [3840, 0], sizes = [128, 128], strides = [1, 1]} : vector<28672x128xf32> to vector<128x128xf32>
    %slice3A_490 = vector.extract_strided_slice %get3A_1 {offsets = [5632, 0], sizes = [128, 128], strides = [1, 1]} : vector<28672x128xf32> to vector<128x128xf32>
    %concatenate3A_491 = tpu.concatenate %slice3A_487, %slice3A_488, %slice3A_489, %slice3A_490 in 0 : vector<128x128xf32>, vector<128x128xf32>, vector<128x128xf32>, vector<128x128xf32> -> vector<512x128xf32>
    %get3A_492 = arith.constant 0 : index
    %get3A_493 = arith.constant 0 : index
    %get3A_494 = vector.load %arg2[%get3A_492, %get3A_493] : memref<512x128xf32, #tpu.memory_space<vmem>>, vector<512x128xf32>
    %dot_general3A_495 = arith.constant dense<0.000000e+00> : vector<128x128xf32>
    %dot_general3A_496 = tpu.matmul %concatenate3A_491, %get3A_494, %dot_general3A_495 {dimension_numbers = #tpu.dot_dimension_numbers<[0], [0], [1], [1], [0, 1, 1, 1], [], []>, transpose_lhs_hint = false} : vector<512x128xf32>, vector<512x128xf32>, vector<128x128xf32> -> vector<128x128xf32>
    %get3A_497 = arith.constant 0 : index
    %get3A_498 = arith.constant 0 : index
    %get3A_499 = vector.load %arg3[%get3A_497, %get3A_498] : memref<1x128xf32, #tpu.memory_space<vmem>>, vector<1x128xf32>
    %add3A_500 = vector.broadcast %get3A_499 : vector<1x128xf32> to vector<128x128xf32>
    %add3A_501 = arith.addf %dot_general3A_496, %add3A_500 : vector<128x128xf32>
    %dot_general3A_502 = arith.constant dense<0.000000e+00> : vector<128x128xf32>
    %dot_general3A_503 = tpu.matmul %add3A_501, %get3A_4, %dot_general3A_502 {dimension_numbers = #tpu.dot_dimension_numbers<[1], [0], [0], [1], [0, 0, 1, 1], [], []>, transpose_lhs_hint = false} : vector<128x128xf32>, vector<128x128xf32>, vector<128x128xf32> -> vector<128x128xf32>
    %mul3A_504 = arith.mulf %add3A_501, %add3A_501 : vector<128x128xf32>
    %dot_general3A_505 = arith.constant dense<0.000000e+00> : vector<128x128xf32>
    %dot_general3A_506 = tpu.matmul %mul3A_504, %get3A_4, %dot_general3A_505 {dimension_numbers = #tpu.dot_dimension_numbers<[1], [0], [0], [1], [0, 0, 1, 1], [], []>, transpose_lhs_hint = false} : vector<128x128xf32>, vector<128x128xf32>, vector<128x128xf32> -> vector<128x128xf32>
    %mul3A_507 = arith.mulf %dot_general3A_503, %dot_general3A_503 : vector<128x128xf32>
    %sub3A_508 = arith.subf %dot_general3A_506, %mul3A_507 : vector<128x128xf32>
    %sub3A_509 = arith.subf %add3A_501, %dot_general3A_503 : vector<128x128xf32>
    %add3A_510 = arith.constant 9.99999974E-6 : f32
    %add3A_511 = vector.broadcast %add3A_510 : f32 to vector<128x128xf32>
    %add3A_512 = arith.addf %sub3A_508, %add3A_511 : vector<128x128xf32>
    %rsqrt3A_513 = math.rsqrt %add3A_512 : vector<128x128xf32>
    %mul3A_514 = arith.mulf %sub3A_509, %rsqrt3A_513 : vector<128x128xf32>
    %get3A_515 = arith.constant 0 : index
    %get3A_516 = arith.constant 0 : index
    %get3A_517 = vector.load %arg4[%get3A_515, %get3A_516] : memref<1x128xf32, #tpu.memory_space<vmem>>, vector<1x128xf32>
    %mul3A_518 = vector.broadcast %get3A_517 : vector<1x128xf32> to vector<128x128xf32>
    %mul3A_519 = arith.mulf %mul3A_514, %mul3A_518 : vector<128x128xf32>
    %get3A_520 = arith.constant 0 : index
    %get3A_521 = arith.constant 0 : index
    %get3A_522 = vector.load %arg5[%get3A_520, %get3A_521] : memref<1x128xf32, #tpu.memory_space<vmem>>, vector<1x128xf32>
    %add3A_523 = vector.broadcast %get3A_522 : vector<1x128xf32> to vector<128x128xf32>
    %add3A_524 = arith.addf %mul3A_519, %add3A_523 : vector<128x128xf32>
    %mul3A_525 = arith.constant 5.000000e-01 : f32
    %mul3A_526 = vector.broadcast %mul3A_525 : f32 to vector<128x128xf32>
    %mul3A_527 = arith.mulf %mul3A_526, %add3A_524 : vector<128x128xf32>
    %mul3A_528 = arith.constant 0.707106769 : f32
    %mul3A_529 = vector.broadcast %mul3A_528 : f32 to vector<128x128xf32>
    %mul3A_530 = arith.mulf %add3A_524, %mul3A_529 : vector<128x128xf32>
    %erf3A_531 = math.erf %mul3A_530 : vector<128x128xf32>
    %add3A_532 = arith.constant 1.000000e+00 : f32
    %add3A_533 = vector.broadcast %add3A_532 : f32 to vector<128x128xf32>
    %add3A_534 = arith.addf %add3A_533, %erf3A_531 : vector<128x128xf32>
    %mul3A_535 = arith.mulf %mul3A_527, %add3A_534 : vector<128x128xf32>
    %slice3A_536 = vector.extract_strided_slice %get3A_1 {offsets = [7424, 0], sizes = [128, 128], strides = [1, 1]} : vector<28672x128xf32> to vector<128x128xf32>
    %slice3A_537 = vector.extract_strided_slice %get3A_1 {offsets = [9216, 0], sizes = [128, 128], strides = [1, 1]} : vector<28672x128xf32> to vector<128x128xf32>
    %slice3A_538 = vector.extract_strided_slice %get3A_1 {offsets = [11008, 0], sizes = [128, 128], strides = [1, 1]} : vector<28672x128xf32> to vector<128x128xf32>
    %slice3A_539 = vector.extract_strided_slice %get3A_1 {offsets = [12800, 0], sizes = [128, 128], strides = [1, 1]} : vector<28672x128xf32> to vector<128x128xf32>
    %concatenate3A_540 = tpu.concatenate %slice3A_536, %slice3A_537, %slice3A_538, %slice3A_539 in 0 : vector<128x128xf32>, vector<128x128xf32>, vector<128x128xf32>, vector<128x128xf32> -> vector<512x128xf32>
    %get3A_541 = arith.constant 0 : index
    %get3A_542 = arith.constant 0 : index
    %get3A_543 = vector.load %arg2[%get3A_541, %get3A_542] : memref<512x128xf32, #tpu.memory_space<vmem>>, vector<512x128xf32>
    %dot_general3A_544 = arith.constant dense<0.000000e+00> : vector<128x128xf32>
    %dot_general3A_545 = tpu.matmul %concatenate3A_540, %get3A_543, %dot_general3A_544 {dimension_numbers = #tpu.dot_dimension_numbers<[0], [0], [1], [1], [0, 1, 1, 1], [], []>, transpose_lhs_hint = false} : vector<512x128xf32>, vector<512x128xf32>, vector<128x128xf32> -> vector<128x128xf32>
    %get3A_546 = arith.constant 0 : index
    %get3A_547 = arith.constant 0 : index
    %get3A_548 = vector.load %arg3[%get3A_546, %get3A_547] : memref<1x128xf32, #tpu.memory_space<vmem>>, vector<1x128xf32>
    %add3A_549 = vector.broadcast %get3A_548 : vector<1x128xf32> to vector<128x128xf32>
    %add3A_550 = arith.addf %dot_general3A_545, %add3A_549 : vector<128x128xf32>
    %dot_general3A_551 = arith.constant dense<0.000000e+00> : vector<128x128xf32>
    %dot_general3A_552 = tpu.matmul %add3A_550, %get3A_4, %dot_general3A_551 {dimension_numbers = #tpu.dot_dimension_numbers<[1], [0], [0], [1], [0, 0, 1, 1], [], []>, transpose_lhs_hint = false} : vector<128x128xf32>, vector<128x128xf32>, vector<128x128xf32> -> vector<128x128xf32>
    %mul3A_553 = arith.mulf %add3A_550, %add3A_550 : vector<128x128xf32>
    %dot_general3A_554 = arith.constant dense<0.000000e+00> : vector<128x128xf32>
    %dot_general3A_555 = tpu.matmul %mul3A_553, %get3A_4, %dot_general3A_554 {dimension_numbers = #tpu.dot_dimension_numbers<[1], [0], [0], [1], [0, 0, 1, 1], [], []>, transpose_lhs_hint = false} : vector<128x128xf32>, vector<128x128xf32>, vector<128x128xf32> -> vector<128x128xf32>
    %mul3A_556 = arith.mulf %dot_general3A_552, %dot_general3A_552 : vector<128x128xf32>
    %sub3A_557 = arith.subf %dot_general3A_555, %mul3A_556 : vector<128x128xf32>
    %sub3A_558 = arith.subf %add3A_550, %dot_general3A_552 : vector<128x128xf32>
    %add3A_559 = arith.constant 9.99999974E-6 : f32
    %add3A_560 = vector.broadcast %add3A_559 : f32 to vector<128x128xf32>
    %add3A_561 = arith.addf %sub3A_557, %add3A_560 : vector<128x128xf32>
    %rsqrt3A_562 = math.rsqrt %add3A_561 : vector<128x128xf32>
    %mul3A_563 = arith.mulf %sub3A_558, %rsqrt3A_562 : vector<128x128xf32>
    %get3A_564 = arith.constant 0 : index
    %get3A_565 = arith.constant 0 : index
    %get3A_566 = vector.load %arg4[%get3A_564, %get3A_565] : memref<1x128xf32, #tpu.memory_space<vmem>>, vector<1x128xf32>
    %mul3A_567 = vector.broadcast %get3A_566 : vector<1x128xf32> to vector<128x128xf32>
    %mul3A_568 = arith.mulf %mul3A_563, %mul3A_567 : vector<128x128xf32>
    %get3A_569 = arith.constant 0 : index
    %get3A_570 = arith.constant 0 : index
    %get3A_571 = vector.load %arg5[%get3A_569, %get3A_570] : memref<1x128xf32, #tpu.memory_space<vmem>>, vector<1x128xf32>
    %add3A_572 = vector.broadcast %get3A_571 : vector<1x128xf32> to vector<128x128xf32>
    %add3A_573 = arith.addf %mul3A_568, %add3A_572 : vector<128x128xf32>
    %mul3A_574 = arith.constant 5.000000e-01 : f32
    %mul3A_575 = vector.broadcast %mul3A_574 : f32 to vector<128x128xf32>
    %mul3A_576 = arith.mulf %mul3A_575, %add3A_573 : vector<128x128xf32>
    %mul3A_577 = arith.constant 0.707106769 : f32
    %mul3A_578 = vector.broadcast %mul3A_577 : f32 to vector<128x128xf32>
    %mul3A_579 = arith.mulf %add3A_573, %mul3A_578 : vector<128x128xf32>
    %erf3A_580 = math.erf %mul3A_579 : vector<128x128xf32>
    %add3A_581 = arith.constant 1.000000e+00 : f32
    %add3A_582 = vector.broadcast %add3A_581 : f32 to vector<128x128xf32>
    %add3A_583 = arith.addf %add3A_582, %erf3A_580 : vector<128x128xf32>
    %mul3A_584 = arith.mulf %mul3A_576, %add3A_583 : vector<128x128xf32>
    %slice3A_585 = vector.extract_strided_slice %get3A_1 {offsets = [14592, 0], sizes = [128, 128], strides = [1, 1]} : vector<28672x128xf32> to vector<128x128xf32>
    %slice3A_586 = vector.extract_strided_slice %get3A_1 {offsets = [16384, 0], sizes = [128, 128], strides = [1, 1]} : vector<28672x128xf32> to vector<128x128xf32>
    %slice3A_587 = vector.extract_strided_slice %get3A_1 {offsets = [18176, 0], sizes = [128, 128], strides = [1, 1]} : vector<28672x128xf32> to vector<128x128xf32>
    %slice3A_588 = vector.extract_strided_slice %get3A_1 {offsets = [19968, 0], sizes = [128, 128], strides = [1, 1]} : vector<28672x128xf32> to vector<128x128xf32>
    %concatenate3A_589 = tpu.concatenate %slice3A_585, %slice3A_586, %slice3A_587, %slice3A_588 in 0 : vector<128x128xf32>, vector<128x128xf32>, vector<128x128xf32>, vector<128x128xf32> -> vector<512x128xf32>
    %get3A_590 = arith.constant 0 : index
    %get3A_591 = arith.constant 0 : index
    %get3A_592 = vector.load %arg2[%get3A_590, %get3A_591] : memref<512x128xf32, #tpu.memory_space<vmem>>, vector<512x128xf32>
    %dot_general3A_593 = arith.constant dense<0.000000e+00> : vector<128x128xf32>
    %dot_general3A_594 = tpu.matmul %concatenate3A_589, %get3A_592, %dot_general3A_593 {dimension_numbers = #tpu.dot_dimension_numbers<[0], [0], [1], [1], [0, 1, 1, 1], [], []>, transpose_lhs_hint = false} : vector<512x128xf32>, vector<512x128xf32>, vector<128x128xf32> -> vector<128x128xf32>
    %get3A_595 = arith.constant 0 : index
    %get3A_596 = arith.constant 0 : index
    %get3A_597 = vector.load %arg3[%get3A_595, %get3A_596] : memref<1x128xf32, #tpu.memory_space<vmem>>, vector<1x128xf32>
    %add3A_598 = vector.broadcast %get3A_597 : vector<1x128xf32> to vector<128x128xf32>
    %add3A_599 = arith.addf %dot_general3A_594, %add3A_598 : vector<128x128xf32>
    %dot_general3A_600 = arith.constant dense<0.000000e+00> : vector<128x128xf32>
    %dot_general3A_601 = tpu.matmul %add3A_599, %get3A_4, %dot_general3A_600 {dimension_numbers = #tpu.dot_dimension_numbers<[1], [0], [0], [1], [0, 0, 1, 1], [], []>, transpose_lhs_hint = false} : vector<128x128xf32>, vector<128x128xf32>, vector<128x128xf32> -> vector<128x128xf32>
    %mul3A_602 = arith.mulf %add3A_599, %add3A_599 : vector<128x128xf32>
    %dot_general3A_603 = arith.constant dense<0.000000e+00> : vector<128x128xf32>
    %dot_general3A_604 = tpu.matmul %mul3A_602, %get3A_4, %dot_general3A_603 {dimension_numbers = #tpu.dot_dimension_numbers<[1], [0], [0], [1], [0, 0, 1, 1], [], []>, transpose_lhs_hint = false} : vector<128x128xf32>, vector<128x128xf32>, vector<128x128xf32> -> vector<128x128xf32>
    %mul3A_605 = arith.mulf %dot_general3A_601, %dot_general3A_601 : vector<128x128xf32>
    %sub3A_606 = arith.subf %dot_general3A_604, %mul3A_605 : vector<128x128xf32>
    %sub3A_607 = arith.subf %add3A_599, %dot_general3A_601 : vector<128x128xf32>
    %add3A_608 = arith.constant 9.99999974E-6 : f32
    %add3A_609 = vector.broadcast %add3A_608 : f32 to vector<128x128xf32>
    %add3A_610 = arith.addf %sub3A_606, %add3A_609 : vector<128x128xf32>
    %rsqrt3A_611 = math.rsqrt %add3A_610 : vector<128x128xf32>
    %mul3A_612 = arith.mulf %sub3A_607, %rsqrt3A_611 : vector<128x128xf32>
    %get3A_613 = arith.constant 0 : index
    %get3A_614 = arith.constant 0 : index
    %get3A_615 = vector.load %arg4[%get3A_613, %get3A_614] : memref<1x128xf32, #tpu.memory_space<vmem>>, vector<1x128xf32>
    %mul3A_616 = vector.broadcast %get3A_615 : vector<1x128xf32> to vector<128x128xf32>
    %mul3A_617 = arith.mulf %mul3A_612, %mul3A_616 : vector<128x128xf32>
    %get3A_618 = arith.constant 0 : index
    %get3A_619 = arith.constant 0 : index
    %get3A_620 = vector.load %arg5[%get3A_618, %get3A_619] : memref<1x128xf32, #tpu.memory_space<vmem>>, vector<1x128xf32>
    %add3A_621 = vector.broadcast %get3A_620 : vector<1x128xf32> to vector<128x128xf32>
    %add3A_622 = arith.addf %mul3A_617, %add3A_621 : vector<128x128xf32>
    %mul3A_623 = arith.constant 5.000000e-01 : f32
    %mul3A_624 = vector.broadcast %mul3A_623 : f32 to vector<128x128xf32>
    %mul3A_625 = arith.mulf %mul3A_624, %add3A_622 : vector<128x128xf32>
    %mul3A_626 = arith.constant 0.707106769 : f32
    %mul3A_627 = vector.broadcast %mul3A_626 : f32 to vector<128x128xf32>
    %mul3A_628 = arith.mulf %add3A_622, %mul3A_627 : vector<128x128xf32>
    %erf3A_629 = math.erf %mul3A_628 : vector<128x128xf32>
    %add3A_630 = arith.constant 1.000000e+00 : f32
    %add3A_631 = vector.broadcast %add3A_630 : f32 to vector<128x128xf32>
    %add3A_632 = arith.addf %add3A_631, %erf3A_629 : vector<128x128xf32>
    %mul3A_633 = arith.mulf %mul3A_625, %add3A_632 : vector<128x128xf32>
    %slice3A_634 = vector.extract_strided_slice %get3A_1 {offsets = [21760, 0], sizes = [128, 128], strides = [1, 1]} : vector<28672x128xf32> to vector<128x128xf32>
    %slice3A_635 = vector.extract_strided_slice %get3A_1 {offsets = [23552, 0], sizes = [128, 128], strides = [1, 1]} : vector<28672x128xf32> to vector<128x128xf32>
    %slice3A_636 = vector.extract_strided_slice %get3A_1 {offsets = [25344, 0], sizes = [128, 128], strides = [1, 1]} : vector<28672x128xf32> to vector<128x128xf32>
    %slice3A_637 = vector.extract_strided_slice %get3A_1 {offsets = [27136, 0], sizes = [128, 128], strides = [1, 1]} : vector<28672x128xf32> to vector<128x128xf32>
    %concatenate3A_638 = tpu.concatenate %slice3A_634, %slice3A_635, %slice3A_636, %slice3A_637 in 0 : vector<128x128xf32>, vector<128x128xf32>, vector<128x128xf32>, vector<128x128xf32> -> vector<512x128xf32>
    %get3A_639 = arith.constant 0 : index
    %get3A_640 = arith.constant 0 : index
    %get3A_641 = vector.load %arg2[%get3A_639, %get3A_640] : memref<512x128xf32, #tpu.memory_space<vmem>>, vector<512x128xf32>
    %dot_general3A_642 = arith.constant dense<0.000000e+00> : vector<128x128xf32>
    %dot_general3A_643 = tpu.matmul %concatenate3A_638, %get3A_641, %dot_general3A_642 {dimension_numbers = #tpu.dot_dimension_numbers<[0], [0], [1], [1], [0, 1, 1, 1], [], []>, transpose_lhs_hint = false} : vector<512x128xf32>, vector<512x128xf32>, vector<128x128xf32> -> vector<128x128xf32>
    %get3A_644 = arith.constant 0 : index
    %get3A_645 = arith.constant 0 : index
    %get3A_646 = vector.load %arg3[%get3A_644, %get3A_645] : memref<1x128xf32, #tpu.memory_space<vmem>>, vector<1x128xf32>
    %add3A_647 = vector.broadcast %get3A_646 : vector<1x128xf32> to vector<128x128xf32>
    %add3A_648 = arith.addf %dot_general3A_643, %add3A_647 : vector<128x128xf32>
    %dot_general3A_649 = arith.constant dense<0.000000e+00> : vector<128x128xf32>
    %dot_general3A_650 = tpu.matmul %add3A_648, %get3A_4, %dot_general3A_649 {dimension_numbers = #tpu.dot_dimension_numbers<[1], [0], [0], [1], [0, 0, 1, 1], [], []>, transpose_lhs_hint = false} : vector<128x128xf32>, vector<128x128xf32>, vector<128x128xf32> -> vector<128x128xf32>
    %mul3A_651 = arith.mulf %add3A_648, %add3A_648 : vector<128x128xf32>
    %dot_general3A_652 = arith.constant dense<0.000000e+00> : vector<128x128xf32>
    %dot_general3A_653 = tpu.matmul %mul3A_651, %get3A_4, %dot_general3A_652 {dimension_numbers = #tpu.dot_dimension_numbers<[1], [0], [0], [1], [0, 0, 1, 1], [], []>, transpose_lhs_hint = false} : vector<128x128xf32>, vector<128x128xf32>, vector<128x128xf32> -> vector<128x128xf32>
    %mul3A_654 = arith.mulf %dot_general3A_650, %dot_general3A_650 : vector<128x128xf32>
    %sub3A_655 = arith.subf %dot_general3A_653, %mul3A_654 : vector<128x128xf32>
    %sub3A_656 = arith.subf %add3A_648, %dot_general3A_650 : vector<128x128xf32>
    %add3A_657 = arith.constant 9.99999974E-6 : f32
    %add3A_658 = vector.broadcast %add3A_657 : f32 to vector<128x128xf32>
    %add3A_659 = arith.addf %sub3A_655, %add3A_658 : vector<128x128xf32>
    %rsqrt3A_660 = math.rsqrt %add3A_659 : vector<128x128xf32>
    %mul3A_661 = arith.mulf %sub3A_656, %rsqrt3A_660 : vector<128x128xf32>
    %get3A_662 = arith.constant 0 : index
    %get3A_663 = arith.constant 0 : index
    %get3A_664 = vector.load %arg4[%get3A_662, %get3A_663] : memref<1x128xf32, #tpu.memory_space<vmem>>, vector<1x128xf32>
    %mul3A_665 = vector.broadcast %get3A_664 : vector<1x128xf32> to vector<128x128xf32>
    %mul3A_666 = arith.mulf %mul3A_661, %mul3A_665 : vector<128x128xf32>
    %get3A_667 = arith.constant 0 : index
    %get3A_668 = arith.constant 0 : index
    %get3A_669 = vector.load %arg5[%get3A_667, %get3A_668] : memref<1x128xf32, #tpu.memory_space<vmem>>, vector<1x128xf32>
    %add3A_670 = vector.broadcast %get3A_669 : vector<1x128xf32> to vector<128x128xf32>
    %add3A_671 = arith.addf %mul3A_666, %add3A_670 : vector<128x128xf32>
    %mul3A_672 = arith.constant 5.000000e-01 : f32
    %mul3A_673 = vector.broadcast %mul3A_672 : f32 to vector<128x128xf32>
    %mul3A_674 = arith.mulf %mul3A_673, %add3A_671 : vector<128x128xf32>
    %mul3A_675 = arith.constant 0.707106769 : f32
    %mul3A_676 = vector.broadcast %mul3A_675 : f32 to vector<128x128xf32>
    %mul3A_677 = arith.mulf %add3A_671, %mul3A_676 : vector<128x128xf32>
    %erf3A_678 = math.erf %mul3A_677 : vector<128x128xf32>
    %add3A_679 = arith.constant 1.000000e+00 : f32
    %add3A_680 = vector.broadcast %add3A_679 : f32 to vector<128x128xf32>
    %add3A_681 = arith.addf %add3A_680, %erf3A_678 : vector<128x128xf32>
    %mul3A_682 = arith.mulf %mul3A_674, %add3A_681 : vector<128x128xf32>
    %concatenate3A_683 = tpu.concatenate %mul3A_535, %mul3A_584, %mul3A_633, %mul3A_682 in 1 : vector<128x128xf32>, vector<128x128xf32>, vector<128x128xf32>, vector<128x128xf32> -> vector<128x512xf32>
    %get3A_684 = arith.constant 0 : index
    %get3A_685 = arith.constant 0 : index
    %get3A_686 = vector.load %arg7[%get3A_684, %get3A_685] : memref<512x128xf32, #tpu.memory_space<vmem>>, vector<512x128xf32>
    %dot_general3A_687 = arith.constant dense<0.000000e+00> : vector<128x128xf32>
    %dot_general3A_688 = tpu.matmul %concatenate3A_683, %get3A_686, %dot_general3A_687 {dimension_numbers = #tpu.dot_dimension_numbers<[1], [0], [0], [1], [0, 0, 1, 1], [], []>, transpose_lhs_hint = false} : vector<128x512xf32>, vector<512x128xf32>, vector<128x128xf32> -> vector<128x128xf32>
    %get3A_689 = arith.constant 0 : index
    %get3A_690 = arith.constant 0 : index
    %get3A_691 = vector.load %arg8[%get3A_689, %get3A_690] : memref<1x128xf32, #tpu.memory_space<vmem>>, vector<1x128xf32>
    %add3A_692 = vector.broadcast %get3A_691 : vector<1x128xf32> to vector<128x128xf32>
    %add3A_693 = arith.addf %dot_general3A_688, %add3A_692 : vector<128x128xf32>
    %dot_general3A_694 = arith.constant dense<0.000000e+00> : vector<128x128xf32>
    %dot_general3A_695 = tpu.matmul %add3A_693, %get3A_7, %dot_general3A_694 {dimension_numbers = #tpu.dot_dimension_numbers<[1], [0], [0], [1], [0, 0, 1, 1], [], []>, transpose_lhs_hint = false} : vector<128x128xf32>, vector<128x128xf32>, vector<128x128xf32> -> vector<128x128xf32>
    %mul3A_696 = arith.mulf %add3A_693, %add3A_693 : vector<128x128xf32>
    %dot_general3A_697 = arith.constant dense<0.000000e+00> : vector<128x128xf32>
    %dot_general3A_698 = tpu.matmul %mul3A_696, %get3A_7, %dot_general3A_697 {dimension_numbers = #tpu.dot_dimension_numbers<[1], [0], [0], [1], [0, 0, 1, 1], [], []>, transpose_lhs_hint = false} : vector<128x128xf32>, vector<128x128xf32>, vector<128x128xf32> -> vector<128x128xf32>
    %sub3A_699 = arith.subf %add3A_693, %dot_general3A_695 : vector<128x128xf32>
    %mul3A_700 = arith.mulf %dot_general3A_695, %dot_general3A_695 : vector<128x128xf32>
    %sub3A_701 = arith.subf %dot_general3A_698, %mul3A_700 : vector<128x128xf32>
    %add3A_702 = arith.constant 9.99999974E-6 : f32
    %add3A_703 = vector.broadcast %add3A_702 : f32 to vector<128x128xf32>
    %add3A_704 = arith.addf %sub3A_701, %add3A_703 : vector<128x128xf32>
    %rsqrt3A_705 = math.rsqrt %add3A_704 : vector<128x128xf32>
    %mul3A_706 = arith.mulf %sub3A_699, %rsqrt3A_705 : vector<128x128xf32>
    %get3A_707 = arith.constant 0 : index
    %get3A_708 = arith.constant 0 : index
    %get3A_709 = vector.load %arg9[%get3A_707, %get3A_708] : memref<1x128xf32, #tpu.memory_space<vmem>>, vector<1x128xf32>
    %mul3A_710 = vector.broadcast %get3A_709 : vector<1x128xf32> to vector<128x128xf32>
    %mul3A_711 = arith.mulf %mul3A_706, %mul3A_710 : vector<128x128xf32>
    %get3A_712 = arith.constant 0 : index
    %get3A_713 = arith.constant 0 : index
    %get3A_714 = vector.load %arg10[%get3A_712, %get3A_713] : memref<1x128xf32, #tpu.memory_space<vmem>>, vector<1x128xf32>
    %add3A_715 = vector.broadcast %get3A_714 : vector<1x128xf32> to vector<128x128xf32>
    %add3A_716 = arith.addf %mul3A_711, %add3A_715 : vector<128x128xf32>
    %mul3A_717 = arith.constant 5.000000e-01 : f32
    %mul3A_718 = vector.broadcast %mul3A_717 : f32 to vector<128x128xf32>
    %mul3A_719 = arith.mulf %mul3A_718, %add3A_716 : vector<128x128xf32>
    %mul3A_720 = arith.constant 0.707106769 : f32
    %mul3A_721 = vector.broadcast %mul3A_720 : f32 to vector<128x128xf32>
    %mul3A_722 = arith.mulf %add3A_716, %mul3A_721 : vector<128x128xf32>
    %erf3A_723 = math.erf %mul3A_722 : vector<128x128xf32>
    %add3A_724 = arith.constant 1.000000e+00 : f32
    %add3A_725 = vector.broadcast %add3A_724 : f32 to vector<128x128xf32>
    %add3A_726 = arith.addf %add3A_725, %erf3A_723 : vector<128x128xf32>
    %mul3A_727 = arith.mulf %mul3A_719, %add3A_726 : vector<128x128xf32>
    %swap3A_728 = arith.constant 0 : index
    %swap3A_729 = arith.constant 256 : index
    %swap3A_730 = vector.load %arg12[%swap3A_728, %swap3A_729] : memref<128x1792xf32, #tpu.memory_space<vmem>>, vector<128x128xf32>
    tpu.vector_store %arg12[%swap3A_728, %swap3A_729], %mul3A_727 {strides = array<i32>} : memref<128x1792xf32, #tpu.memory_space<vmem>>, vector<128x128xf32>,
    %slice3A_731 = vector.extract_strided_slice %get3A_1 {offsets = [384, 0], sizes = [128, 128], strides = [1, 1]} : vector<28672x128xf32> to vector<128x128xf32>
    %slice3A_732 = vector.extract_strided_slice %get3A_1 {offsets = [2176, 0], sizes = [128, 128], strides = [1, 1]} : vector<28672x128xf32> to vector<128x128xf32>
    %slice3A_733 = vector.extract_strided_slice %get3A_1 {offsets = [3968, 0], sizes = [128, 128], strides = [1, 1]} : vector<28672x128xf32> to vector<128x128xf32>
    %slice3A_734 = vector.extract_strided_slice %get3A_1 {offsets = [5760, 0], sizes = [128, 128], strides = [1, 1]} : vector<28672x128xf32> to vector<128x128xf32>
    %concatenate3A_735 = tpu.concatenate %slice3A_731, %slice3A_732, %slice3A_733, %slice3A_734 in 0 : vector<128x128xf32>, vector<128x128xf32>, vector<128x128xf32>, vector<128x128xf32> -> vector<512x128xf32>
    %get3A_736 = arith.constant 0 : index
    %get3A_737 = arith.constant 0 : index
    %get3A_738 = vector.load %arg2[%get3A_736, %get3A_737] : memref<512x128xf32, #tpu.memory_space<vmem>>, vector<512x128xf32>
    %dot_general3A_739 = arith.constant dense<0.000000e+00> : vector<128x128xf32>
    %dot_general3A_740 = tpu.matmul %concatenate3A_735, %get3A_738, %dot_general3A_739 {dimension_numbers = #tpu.dot_dimension_numbers<[0], [0], [1], [1], [0, 1, 1, 1], [], []>, transpose_lhs_hint = false} : vector<512x128xf32>, vector<512x128xf32>, vector<128x128xf32> -> vector<128x128xf32>
    %get3A_741 = arith.constant 0 : index
    %get3A_742 = arith.constant 0 : index
    %get3A_743 = vector.load %arg3[%get3A_741, %get3A_742] : memref<1x128xf32, #tpu.memory_space<vmem>>, vector<1x128xf32>
    %add3A_744 = vector.broadcast %get3A_743 : vector<1x128xf32> to vector<128x128xf32>
    %add3A_745 = arith.addf %dot_general3A_740, %add3A_744 : vector<128x128xf32>
    %dot_general3A_746 = arith.constant dense<0.000000e+00> : vector<128x128xf32>
    %dot_general3A_747 = tpu.matmul %add3A_745, %get3A_4, %dot_general3A_746 {dimension_numbers = #tpu.dot_dimension_numbers<[1], [0], [0], [1], [0, 0, 1, 1], [], []>, transpose_lhs_hint = false} : vector<128x128xf32>, vector<128x128xf32>, vector<128x128xf32> -> vector<128x128xf32>
    %mul3A_748 = arith.mulf %add3A_745, %add3A_745 : vector<128x128xf32>
    %dot_general3A_749 = arith.constant dense<0.000000e+00> : vector<128x128xf32>
    %dot_general3A_750 = tpu.matmul %mul3A_748, %get3A_4, %dot_general3A_749 {dimension_numbers = #tpu.dot_dimension_numbers<[1], [0], [0], [1], [0, 0, 1, 1], [], []>, transpose_lhs_hint = false} : vector<128x128xf32>, vector<128x128xf32>, vector<128x128xf32> -> vector<128x128xf32>
    %mul3A_751 = arith.mulf %dot_general3A_747, %dot_general3A_747 : vector<128x128xf32>
    %sub3A_752 = arith.subf %dot_general3A_750, %mul3A_751 : vector<128x128xf32>
    %sub3A_753 = arith.subf %add3A_745, %dot_general3A_747 : vector<128x128xf32>
    %add3A_754 = arith.constant 9.99999974E-6 : f32
    %add3A_755 = vector.broadcast %add3A_754 : f32 to vector<128x128xf32>
    %add3A_756 = arith.addf %sub3A_752, %add3A_755 : vector<128x128xf32>
    %rsqrt3A_757 = math.rsqrt %add3A_756 : vector<128x128xf32>
    %mul3A_758 = arith.mulf %sub3A_753, %rsqrt3A_757 : vector<128x128xf32>
    %get3A_759 = arith.constant 0 : index
    %get3A_760 = arith.constant 0 : index
    %get3A_761 = vector.load %arg4[%get3A_759, %get3A_760] : memref<1x128xf32, #tpu.memory_space<vmem>>, vector<1x128xf32>
    %mul3A_762 = vector.broadcast %get3A_761 : vector<1x128xf32> to vector<128x128xf32>
    %mul3A_763 = arith.mulf %mul3A_758, %mul3A_762 : vector<128x128xf32>
    %get3A_764 = arith.constant 0 : index
    %get3A_765 = arith.constant 0 : index
    %get3A_766 = vector.load %arg5[%get3A_764, %get3A_765] : memref<1x128xf32, #tpu.memory_space<vmem>>, vector<1x128xf32>
    %add3A_767 = vector.broadcast %get3A_766 : vector<1x128xf32> to vector<128x128xf32>
    %add3A_768 = arith.addf %mul3A_763, %add3A_767 : vector<128x128xf32>
    %mul3A_769 = arith.constant 5.000000e-01 : f32
    %mul3A_770 = vector.broadcast %mul3A_769 : f32 to vector<128x128xf32>
    %mul3A_771 = arith.mulf %mul3A_770, %add3A_768 : vector<128x128xf32>
    %mul3A_772 = arith.constant 0.707106769 : f32
    %mul3A_773 = vector.broadcast %mul3A_772 : f32 to vector<128x128xf32>
    %mul3A_774 = arith.mulf %add3A_768, %mul3A_773 : vector<128x128xf32>
    %erf3A_775 = math.erf %mul3A_774 : vector<128x128xf32>
    %add3A_776 = arith.constant 1.000000e+00 : f32
    %add3A_777 = vector.broadcast %add3A_776 : f32 to vector<128x128xf32>
    %add3A_778 = arith.addf %add3A_777, %erf3A_775 : vector<128x128xf32>
    %mul3A_779 = arith.mulf %mul3A_771, %add3A_778 : vector<128x128xf32>
    %slice3A_780 = vector.extract_strided_slice %get3A_1 {offsets = [7552, 0], sizes = [128, 128], strides = [1, 1]} : vector<28672x128xf32> to vector<128x128xf32>
    %slice3A_781 = vector.extract_strided_slice %get3A_1 {offsets = [9344, 0], sizes = [128, 128], strides = [1, 1]} : vector<28672x128xf32> to vector<128x128xf32>
    %slice3A_782 = vector.extract_strided_slice %get3A_1 {offsets = [11136, 0], sizes = [128, 128], strides = [1, 1]} : vector<28672x128xf32> to vector<128x128xf32>
    %slice3A_783 = vector.extract_strided_slice %get3A_1 {offsets = [12928, 0], sizes = [128, 128], strides = [1, 1]} : vector<28672x128xf32> to vector<128x128xf32>
    %concatenate3A_784 = tpu.concatenate %slice3A_780, %slice3A_781, %slice3A_782, %slice3A_783 in 0 : vector<128x128xf32>, vector<128x128xf32>, vector<128x128xf32>, vector<128x128xf32> -> vector<512x128xf32>
    %get3A_785 = arith.constant 0 : index
    %get3A_786 = arith.constant 0 : index
    %get3A_787 = vector.load %arg2[%get3A_785, %get3A_786] : memref<512x128xf32, #tpu.memory_space<vmem>>, vector<512x128xf32>
    %dot_general3A_788 = arith.constant dense<0.000000e+00> : vector<128x128xf32>
    %dot_general3A_789 = tpu.matmul %concatenate3A_784, %get3A_787, %dot_general3A_788 {dimension_numbers = #tpu.dot_dimension_numbers<[0], [0], [1], [1], [0, 1, 1, 1], [], []>, transpose_lhs_hint = false} : vector<512x128xf32>, vector<512x128xf32>, vector<128x128xf32> -> vector<128x128xf32>
    %get3A_790 = arith.constant 0 : index
    %get3A_791 = arith.constant 0 : index
    %get3A_792 = vector.load %arg3[%get3A_790, %get3A_791] : memref<1x128xf32, #tpu.memory_space<vmem>>, vector<1x128xf32>
    %add3A_793 = vector.broadcast %get3A_792 : vector<1x128xf32> to vector<128x128xf32>
    %add3A_794 = arith.addf %dot_general3A_789, %add3A_793 : vector<128x128xf32>
    %dot_general3A_795 = arith.constant dense<0.000000e+00> : vector<128x128xf32>
    %dot_general3A_796 = tpu.matmul %add3A_794, %get3A_4, %dot_general3A_795 {dimension_numbers = #tpu.dot_dimension_numbers<[1], [0], [0], [1], [0, 0, 1, 1], [], []>, transpose_lhs_hint = false} : vector<128x128xf32>, vector<128x128xf32>, vector<128x128xf32> -> vector<128x128xf32>
    %mul3A_797 = arith.mulf %add3A_794, %add3A_794 : vector<128x128xf32>
    %dot_general3A_798 = arith.constant dense<0.000000e+00> : vector<128x128xf32>
    %dot_general3A_799 = tpu.matmul %mul3A_797, %get3A_4, %dot_general3A_798 {dimension_numbers = #tpu.dot_dimension_numbers<[1], [0], [0], [1], [0, 0, 1, 1], [], []>, transpose_lhs_hint = false} : vector<128x128xf32>, vector<128x128xf32>, vector<128x128xf32> -> vector<128x128xf32>
    %mul3A_800 = arith.mulf %dot_general3A_796, %dot_general3A_796 : vector<128x128xf32>
    %sub3A_801 = arith.subf %dot_general3A_799, %mul3A_800 : vector<128x128xf32>
    %sub3A_802 = arith.subf %add3A_794, %dot_general3A_796 : vector<128x128xf32>
    %add3A_803 = arith.constant 9.99999974E-6 : f32
    %add3A_804 = vector.broadcast %add3A_803 : f32 to vector<128x128xf32>
    %add3A_805 = arith.addf %sub3A_801, %add3A_804 : vector<128x128xf32>
    %rsqrt3A_806 = math.rsqrt %add3A_805 : vector<128x128xf32>
    %mul3A_807 = arith.mulf %sub3A_802, %rsqrt3A_806 : vector<128x128xf32>
    %get3A_808 = arith.constant 0 : index
    %get3A_809 = arith.constant 0 : index
    %get3A_810 = vector.load %arg4[%get3A_808, %get3A_809] : memref<1x128xf32, #tpu.memory_space<vmem>>, vector<1x128xf32>
    %mul3A_811 = vector.broadcast %get3A_810 : vector<1x128xf32> to vector<128x128xf32>
    %mul3A_812 = arith.mulf %mul3A_807, %mul3A_811 : vector<128x128xf32>
    %get3A_813 = arith.constant 0 : index
    %get3A_814 = arith.constant 0 : index
    %get3A_815 = vector.load %arg5[%get3A_813, %get3A_814] : memref<1x128xf32, #tpu.memory_space<vmem>>, vector<1x128xf32>
    %add3A_816 = vector.broadcast %get3A_815 : vector<1x128xf32> to vector<128x128xf32>
    %add3A_817 = arith.addf %mul3A_812, %add3A_816 : vector<128x128xf32>
    %mul3A_818 = arith.constant 5.000000e-01 : f32
    %mul3A_819 = vector.broadcast %mul3A_818 : f32 to vector<128x128xf32>
    %mul3A_820 = arith.mulf %mul3A_819, %add3A_817 : vector<128x128xf32>
    %mul3A_821 = arith.constant 0.707106769 : f32
    %mul3A_822 = vector.broadcast %mul3A_821 : f32 to vector<128x128xf32>
    %mul3A_823 = arith.mulf %add3A_817, %mul3A_822 : vector<128x128xf32>
    %erf3A_824 = math.erf %mul3A_823 : vector<128x128xf32>
    %add3A_825 = arith.constant 1.000000e+00 : f32
    %add3A_826 = vector.broadcast %add3A_825 : f32 to vector<128x128xf32>
    %add3A_827 = arith.addf %add3A_826, %erf3A_824 : vector<128x128xf32>
    %mul3A_828 = arith.mulf %mul3A_820, %add3A_827 : vector<128x128xf32>
    %slice3A_829 = vector.extract_strided_slice %get3A_1 {offsets = [14720, 0], sizes = [128, 128], strides = [1, 1]} : vector<28672x128xf32> to vector<128x128xf32>
    %slice3A_830 = vector.extract_strided_slice %get3A_1 {offsets = [16512, 0], sizes = [128, 128], strides = [1, 1]} : vector<28672x128xf32> to vector<128x128xf32>
    %slice3A_831 = vector.extract_strided_slice %get3A_1 {offsets = [18304, 0], sizes = [128, 128], strides = [1, 1]} : vector<28672x128xf32> to vector<128x128xf32>
    %slice3A_832 = vector.extract_strided_slice %get3A_1 {offsets = [20096, 0], sizes = [128, 128], strides = [1, 1]} : vector<28672x128xf32> to vector<128x128xf32>
    %concatenate3A_833 = tpu.concatenate %slice3A_829, %slice3A_830, %slice3A_831, %slice3A_832 in 0 : vector<128x128xf32>, vector<128x128xf32>, vector<128x128xf32>, vector<128x128xf32> -> vector<512x128xf32>
    %get3A_834 = arith.constant 0 : index
    %get3A_835 = arith.constant 0 : index
    %get3A_836 = vector.load %arg2[%get3A_834, %get3A_835] : memref<512x128xf32, #tpu.memory_space<vmem>>, vector<512x128xf32>
    %dot_general3A_837 = arith.constant dense<0.000000e+00> : vector<128x128xf32>
    %dot_general3A_838 = tpu.matmul %concatenate3A_833, %get3A_836, %dot_general3A_837 {dimension_numbers = #tpu.dot_dimension_numbers<[0], [0], [1], [1], [0, 1, 1, 1], [], []>, transpose_lhs_hint = false} : vector<512x128xf32>, vector<512x128xf32>, vector<128x128xf32> -> vector<128x128xf32>
    %get3A_839 = arith.constant 0 : index
    %get3A_840 = arith.constant 0 : index
    %get3A_841 = vector.load %arg3[%get3A_839, %get3A_840] : memref<1x128xf32, #tpu.memory_space<vmem>>, vector<1x128xf32>
    %add3A_842 = vector.broadcast %get3A_841 : vector<1x128xf32> to vector<128x128xf32>
    %add3A_843 = arith.addf %dot_general3A_838, %add3A_842 : vector<128x128xf32>
    %dot_general3A_844 = arith.constant dense<0.000000e+00> : vector<128x128xf32>
    %dot_general3A_845 = tpu.matmul %add3A_843, %get3A_4, %dot_general3A_844 {dimension_numbers = #tpu.dot_dimension_numbers<[1], [0], [0], [1], [0, 0, 1, 1], [], []>, transpose_lhs_hint = false} : vector<128x128xf32>, vector<128x128xf32>, vector<128x128xf32> -> vector<128x128xf32>
    %mul3A_846 = arith.mulf %add3A_843, %add3A_843 : vector<128x128xf32>
    %dot_general3A_847 = arith.constant dense<0.000000e+00> : vector<128x128xf32>
    %dot_general3A_848 = tpu.matmul %mul3A_846, %get3A_4, %dot_general3A_847 {dimension_numbers = #tpu.dot_dimension_numbers<[1], [0], [0], [1], [0, 0, 1, 1], [], []>, transpose_lhs_hint = false} : vector<128x128xf32>, vector<128x128xf32>, vector<128x128xf32> -> vector<128x128xf32>
    %mul3A_849 = arith.mulf %dot_general3A_845, %dot_general3A_845 : vector<128x128xf32>
    %sub3A_850 = arith.subf %dot_general3A_848, %mul3A_849 : vector<128x128xf32>
    %sub3A_851 = arith.subf %add3A_843, %dot_general3A_845 : vector<128x128xf32>
    %add3A_852 = arith.constant 9.99999974E-6 : f32
    %add3A_853 = vector.broadcast %add3A_852 : f32 to vector<128x128xf32>
    %add3A_854 = arith.addf %sub3A_850, %add3A_853 : vector<128x128xf32>
    %rsqrt3A_855 = math.rsqrt %add3A_854 : vector<128x128xf32>
    %mul3A_856 = arith.mulf %sub3A_851, %rsqrt3A_855 : vector<128x128xf32>
    %get3A_857 = arith.constant 0 : index
    %get3A_858 = arith.constant 0 : index
    %get3A_859 = vector.load %arg4[%get3A_857, %get3A_858] : memref<1x128xf32, #tpu.memory_space<vmem>>, vector<1x128xf32>
    %mul3A_860 = vector.broadcast %get3A_859 : vector<1x128xf32> to vector<128x128xf32>
    %mul3A_861 = arith.mulf %mul3A_856, %mul3A_860 : vector<128x128xf32>
    %get3A_862 = arith.constant 0 : index
    %get3A_863 = arith.constant 0 : index
    %get3A_864 = vector.load %arg5[%get3A_862, %get3A_863] : memref<1x128xf32, #tpu.memory_space<vmem>>, vector<1x128xf32>
    %add3A_865 = vector.broadcast %get3A_864 : vector<1x128xf32> to vector<128x128xf32>
    %add3A_866 = arith.addf %mul3A_861, %add3A_865 : vector<128x128xf32>
    %mul3A_867 = arith.constant 5.000000e-01 : f32
    %mul3A_868 = vector.broadcast %mul3A_867 : f32 to vector<128x128xf32>
    %mul3A_869 = arith.mulf %mul3A_868, %add3A_866 : vector<128x128xf32>
    %mul3A_870 = arith.constant 0.707106769 : f32
    %mul3A_871 = vector.broadcast %mul3A_870 : f32 to vector<128x128xf32>
    %mul3A_872 = arith.mulf %add3A_866, %mul3A_871 : vector<128x128xf32>
    %erf3A_873 = math.erf %mul3A_872 : vector<128x128xf32>
    %add3A_874 = arith.constant 1.000000e+00 : f32
    %add3A_875 = vector.broadcast %add3A_874 : f32 to vector<128x128xf32>
    %add3A_876 = arith.addf %add3A_875, %erf3A_873 : vector<128x128xf32>
    %mul3A_877 = arith.mulf %mul3A_869, %add3A_876 : vector<128x128xf32>
    %slice3A_878 = vector.extract_strided_slice %get3A_1 {offsets = [21888, 0], sizes = [128, 128], strides = [1, 1]} : vector<28672x128xf32> to vector<128x128xf32>
    %slice3A_879 = vector.extract_strided_slice %get3A_1 {offsets = [23680, 0], sizes = [128, 128], strides = [1, 1]} : vector<28672x128xf32> to vector<128x128xf32>
    %slice3A_880 = vector.extract_strided_slice %get3A_1 {offsets = [25472, 0], sizes = [128, 128], strides = [1, 1]} : vector<28672x128xf32> to vector<128x128xf32>
    %slice3A_881 = vector.extract_strided_slice %get3A_1 {offsets = [27264, 0], sizes = [128, 128], strides = [1, 1]} : vector<28672x128xf32> to vector<128x128xf32>
    %concatenate3A_882 = tpu.concatenate %slice3A_878, %slice3A_879, %slice3A_880, %slice3A_881 in 0 : vector<128x128xf32>, vector<128x128xf32>, vector<128x128xf32>, vector<128x128xf32> -> vector<512x128xf32>
    %get3A_883 = arith.constant 0 : index
    %get3A_884 = arith.constant 0 : index
    %get3A_885 = vector.load %arg2[%get3A_883, %get3A_884] : memref<512x128xf32, #tpu.memory_space<vmem>>, vector<512x128xf32>
    %dot_general3A_886 = arith.constant dense<0.000000e+00> : vector<128x128xf32>
    %dot_general3A_887 = tpu.matmul %concatenate3A_882, %get3A_885, %dot_general3A_886 {dimension_numbers = #tpu.dot_dimension_numbers<[0], [0], [1], [1], [0, 1, 1, 1], [], []>, transpose_lhs_hint = false} : vector<512x128xf32>, vector<512x128xf32>, vector<128x128xf32> -> vector<128x128xf32>
    %get3A_888 = arith.constant 0 : index
    %get3A_889 = arith.constant 0 : index
    %get3A_890 = vector.load %arg3[%get3A_888, %get3A_889] : memref<1x128xf32, #tpu.memory_space<vmem>>, vector<1x128xf32>
    %add3A_891 = vector.broadcast %get3A_890 : vector<1x128xf32> to vector<128x128xf32>
    %add3A_892 = arith.addf %dot_general3A_887, %add3A_891 : vector<128x128xf32>
    %dot_general3A_893 = arith.constant dense<0.000000e+00> : vector<128x128xf32>
    %dot_general3A_894 = tpu.matmul %add3A_892, %get3A_4, %dot_general3A_893 {dimension_numbers = #tpu.dot_dimension_numbers<[1], [0], [0], [1], [0, 0, 1, 1], [], []>, transpose_lhs_hint = false} : vector<128x128xf32>, vector<128x128xf32>, vector<128x128xf32> -> vector<128x128xf32>
    %mul3A_895 = arith.mulf %add3A_892, %add3A_892 : vector<128x128xf32>
    %dot_general3A_896 = arith.constant dense<0.000000e+00> : vector<128x128xf32>
    %dot_general3A_897 = tpu.matmul %mul3A_895, %get3A_4, %dot_general3A_896 {dimension_numbers = #tpu.dot_dimension_numbers<[1], [0], [0], [1], [0, 0, 1, 1], [], []>, transpose_lhs_hint = false} : vector<128x128xf32>, vector<128x128xf32>, vector<128x128xf32> -> vector<128x128xf32>
    %mul3A_898 = arith.mulf %dot_general3A_894, %dot_general3A_894 : vector<128x128xf32>
    %sub3A_899 = arith.subf %dot_general3A_897, %mul3A_898 : vector<128x128xf32>
    %sub3A_900 = arith.subf %add3A_892, %dot_general3A_894 : vector<128x128xf32>
    %add3A_901 = arith.constant 9.99999974E-6 : f32
    %add3A_902 = vector.broadcast %add3A_901 : f32 to vector<128x128xf32>
    %add3A_903 = arith.addf %sub3A_899, %add3A_902 : vector<128x128xf32>
    %rsqrt3A_904 = math.rsqrt %add3A_903 : vector<128x128xf32>
    %mul3A_905 = arith.mulf %sub3A_900, %rsqrt3A_904 : vector<128x128xf32>
    %get3A_906 = arith.constant 0 : index
    %get3A_907 = arith.constant 0 : index
    %get3A_908 = vector.load %arg4[%get3A_906, %get3A_907] : memref<1x128xf32, #tpu.memory_space<vmem>>, vector<1x128xf32>
    %mul3A_909 = vector.broadcast %get3A_908 : vector<1x128xf32> to vector<128x128xf32>
    %mul3A_910 = arith.mulf %mul3A_905, %mul3A_909 : vector<128x128xf32>
    %get3A_911 = arith.constant 0 : index
    %get3A_912 = arith.constant 0 : index
    %get3A_913 = vector.load %arg5[%get3A_911, %get3A_912] : memref<1x128xf32, #tpu.memory_space<vmem>>, vector<1x128xf32>
    %add3A_914 = vector.broadcast %get3A_913 : vector<1x128xf32> to vector<128x128xf32>
    %add3A_915 = arith.addf %mul3A_910, %add3A_914 : vector<128x128xf32>
    %mul3A_916 = arith.constant 5.000000e-01 : f32
    %mul3A_917 = vector.broadcast %mul3A_916 : f32 to vector<128x128xf32>
    %mul3A_918 = arith.mulf %mul3A_917, %add3A_915 : vector<128x128xf32>
    %mul3A_919 = arith.constant 0.707106769 : f32
    %mul3A_920 = vector.broadcast %mul3A_919 : f32 to vector<128x128xf32>
    %mul3A_921 = arith.mulf %add3A_915, %mul3A_920 : vector<128x128xf32>
    %erf3A_922 = math.erf %mul3A_921 : vector<128x128xf32>
    %add3A_923 = arith.constant 1.000000e+00 : f32
    %add3A_924 = vector.broadcast %add3A_923 : f32 to vector<128x128xf32>
    %add3A_925 = arith.addf %add3A_924, %erf3A_922 : vector<128x128xf32>
    %mul3A_926 = arith.mulf %mul3A_918, %add3A_925 : vector<128x128xf32>
    %concatenate3A_927 = tpu.concatenate %mul3A_779, %mul3A_828, %mul3A_877, %mul3A_926 in 1 : vector<128x128xf32>, vector<128x128xf32>, vector<128x128xf32>, vector<128x128xf32> -> vector<128x512xf32>
    %get3A_928 = arith.constant 0 : index
    %get3A_929 = arith.constant 0 : index
    %get3A_930 = vector.load %arg7[%get3A_928, %get3A_929] : memref<512x128xf32, #tpu.memory_space<vmem>>, vector<512x128xf32>
    %dot_general3A_931 = arith.constant dense<0.000000e+00> : vector<128x128xf32>
    %dot_general3A_932 = tpu.matmul %concatenate3A_927, %get3A_930, %dot_general3A_931 {dimension_numbers = #tpu.dot_dimension_numbers<[1], [0], [0], [1], [0, 0, 1, 1], [], []>, transpose_lhs_hint = false} : vector<128x512xf32>, vector<512x128xf32>, vector<128x128xf32> -> vector<128x128xf32>
    %get3A_933 = arith.constant 0 : index
    %get3A_934 = arith.constant 0 : index
    %get3A_935 = vector.load %arg8[%get3A_933, %get3A_934] : memref<1x128xf32, #tpu.memory_space<vmem>>, vector<1x128xf32>
    %add3A_936 = vector.broadcast %get3A_935 : vector<1x128xf32> to vector<128x128xf32>
    %add3A_937 = arith.addf %dot_general3A_932, %add3A_936 : vector<128x128xf32>
    %dot_general3A_938 = arith.constant dense<0.000000e+00> : vector<128x128xf32>
    %dot_general3A_939 = tpu.matmul %add3A_937, %get3A_7, %dot_general3A_938 {dimension_numbers = #tpu.dot_dimension_numbers<[1], [0], [0], [1], [0, 0, 1, 1], [], []>, transpose_lhs_hint = false} : vector<128x128xf32>, vector<128x128xf32>, vector<128x128xf32> -> vector<128x128xf32>
    %mul3A_940 = arith.mulf %add3A_937, %add3A_937 : vector<128x128xf32>
    %dot_general3A_941 = arith.constant dense<0.000000e+00> : vector<128x128xf32>
    %dot_general3A_942 = tpu.matmul %mul3A_940, %get3A_7, %dot_general3A_941 {dimension_numbers = #tpu.dot_dimension_numbers<[1], [0], [0], [1], [0, 0, 1, 1], [], []>, transpose_lhs_hint = false} : vector<128x128xf32>, vector<128x128xf32>, vector<128x128xf32> -> vector<128x128xf32>
    %sub3A_943 = arith.subf %add3A_937, %dot_general3A_939 : vector<128x128xf32>
    %mul3A_944 = arith.mulf %dot_general3A_939, %dot_general3A_939 : vector<128x128xf32>
    %sub3A_945 = arith.subf %dot_general3A_942, %mul3A_944 : vector<128x128xf32>
    %add3A_946 = arith.constant 9.99999974E-6 : f32
    %add3A_947 = vector.broadcast %add3A_946 : f32 to vector<128x128xf32>
    %add3A_948 = arith.addf %sub3A_945, %add3A_947 : vector<128x128xf32>
    %rsqrt3A_949 = math.rsqrt %add3A_948 : vector<128x128xf32>
    %mul3A_950 = arith.mulf %sub3A_943, %rsqrt3A_949 : vector<128x128xf32>
    %get3A_951 = arith.constant 0 : index
    %get3A_952 = arith.constant 0 : index
    %get3A_953 = vector.load %arg9[%get3A_951, %get3A_952] : memref<1x128xf32, #tpu.memory_space<vmem>>, vector<1x128xf32>
    %mul3A_954 = vector.broadcast %get3A_953 : vector<1x128xf32> to vector<128x128xf32>
    %mul3A_955 = arith.mulf %mul3A_950, %mul3A_954 : vector<128x128xf32>
    %get3A_956 = arith.constant 0 : index
    %get3A_957 = arith.constant 0 : index
    %get3A_958 = vector.load %arg10[%get3A_956, %get3A_957] : memref<1x128xf32, #tpu.memory_space<vmem>>, vector<1x128xf32>
    %add3A_959 = vector.broadcast %get3A_958 : vector<1x128xf32> to vector<128x128xf32>
    %add3A_960 = arith.addf %mul3A_955, %add3A_959 : vector<128x128xf32>
    %mul3A_961 = arith.constant 5.000000e-01 : f32
    %mul3A_962 = vector.broadcast %mul3A_961 : f32 to vector<128x128xf32>
    %mul3A_963 = arith.mulf %mul3A_962, %add3A_960 : vector<128x128xf32>
    %mul3A_964 = arith.constant 0.707106769 : f32
    %mul3A_965 = vector.broadcast %mul3A_964 : f32 to vector<128x128xf32>
    %mul3A_966 = arith.mulf %add3A_960, %mul3A_965 : vector<128x128xf32>
    %erf3A_967 = math.erf %mul3A_966 : vector<128x128xf32>
    %add3A_968 = arith.constant 1.000000e+00 : f32
    %add3A_969 = vector.broadcast %add3A_968 : f32 to vector<128x128xf32>
    %add3A_970 = arith.addf %add3A_969, %erf3A_967 : vector<128x128xf32>
    %mul3A_971 = arith.mulf %mul3A_963, %add3A_970 : vector<128x128xf32>
    %swap3A_972 = arith.constant 0 : index
    %swap3A_973 = arith.constant 384 : index
    %swap3A_974 = vector.load %arg12[%swap3A_972, %swap3A_973] : memref<128x1792xf32, #tpu.memory_space<vmem>>, vector<128x128xf32>
    tpu.vector_store %arg12[%swap3A_972, %swap3A_973], %mul3A_971 {strides = array<i32>} : memref<128x1792xf32, #tpu.memory_space<vmem>>, vector<128x128xf32>,
    %slice3A_975 = vector.extract_strided_slice %get3A_1 {offsets = [512, 0], sizes = [128, 128], strides = [1, 1]} : vector<28672x128xf32> to vector<128x128xf32>
    %slice3A_976 = vector.extract_strided_slice %get3A_1 {offsets = [2304, 0], sizes = [128, 128], strides = [1, 1]} : vector<28672x128xf32> to vector<128x128xf32>
    %slice3A_977 = vector.extract_strided_slice %get3A_1 {offsets = [4096, 0], sizes = [128, 128], strides = [1, 1]} : vector<28672x128xf32> to vector<128x128xf32>
    %slice3A_978 = vector.extract_strided_slice %get3A_1 {offsets = [5888, 0], sizes = [128, 128], strides = [1, 1]} : vector<28672x128xf32> to vector<128x128xf32>
    %concatenate3A_979 = tpu.concatenate %slice3A_975, %slice3A_976, %slice3A_977, %slice3A_978 in 0 : vector<128x128xf32>, vector<128x128xf32>, vector<128x128xf32>, vector<128x128xf32> -> vector<512x128xf32>
    %get3A_980 = arith.constant 0 : index
    %get3A_981 = arith.constant 0 : index
    %get3A_982 = vector.load %arg2[%get3A_980, %get3A_981] : memref<512x128xf32, #tpu.memory_space<vmem>>, vector<512x128xf32>
    %dot_general3A_983 = arith.constant dense<0.000000e+00> : vector<128x128xf32>
    %dot_general3A_984 = tpu.matmul %concatenate3A_979, %get3A_982, %dot_general3A_983 {dimension_numbers = #tpu.dot_dimension_numbers<[0], [0], [1], [1], [0, 1, 1, 1], [], []>, transpose_lhs_hint = false} : vector<512x128xf32>, vector<512x128xf32>, vector<128x128xf32> -> vector<128x128xf32>
    %get3A_985 = arith.constant 0 : index
    %get3A_986 = arith.constant 0 : index
    %get3A_987 = vector.load %arg3[%get3A_985, %get3A_986] : memref<1x128xf32, #tpu.memory_space<vmem>>, vector<1x128xf32>
    %add3A_988 = vector.broadcast %get3A_987 : vector<1x128xf32> to vector<128x128xf32>
    %add3A_989 = arith.addf %dot_general3A_984, %add3A_988 : vector<128x128xf32>
    %dot_general3A_990 = arith.constant dense<0.000000e+00> : vector<128x128xf32>
    %dot_general3A_991 = tpu.matmul %add3A_989, %get3A_4, %dot_general3A_990 {dimension_numbers = #tpu.dot_dimension_numbers<[1], [0], [0], [1], [0, 0, 1, 1], [], []>, transpose_lhs_hint = false} : vector<128x128xf32>, vector<128x128xf32>, vector<128x128xf32> -> vector<128x128xf32>
    %mul3A_992 = arith.mulf %add3A_989, %add3A_989 : vector<128x128xf32>
    %dot_general3A_993 = arith.constant dense<0.000000e+00> : vector<128x128xf32>
    %dot_general3A_994 = tpu.matmul %mul3A_992, %get3A_4, %dot_general3A_993 {dimension_numbers = #tpu.dot_dimension_numbers<[1], [0], [0], [1], [0, 0, 1, 1], [], []>, transpose_lhs_hint = false} : vector<128x128xf32>, vector<128x128xf32>, vector<128x128xf32> -> vector<128x128xf32>
    %mul3A_995 = arith.mulf %dot_general3A_991, %dot_general3A_991 : vector<128x128xf32>
    %sub3A_996 = arith.subf %dot_general3A_994, %mul3A_995 : vector<128x128xf32>
    %sub3A_997 = arith.subf %add3A_989, %dot_general3A_991 : vector<128x128xf32>
    %add3A_998 = arith.constant 9.99999974E-6 : f32
    %add3A_999 = vector.broadcast %add3A_998 : f32 to vector<128x128xf32>
    %add3A_1000 = arith.addf %sub3A_996, %add3A_999 : vector<128x128xf32>
    %rsqrt3A_1001 = math.rsqrt %add3A_1000 : vector<128x128xf32>
    %mul3A_1002 = arith.mulf %sub3A_997, %rsqrt3A_1001 : vector<128x128xf32>
    %get3A_1003 = arith.constant 0 : index
    %get3A_1004 = arith.constant 0 : index
    %get3A_1005 = vector.load %arg4[%get3A_1003, %get3A_1004] : memref<1x128xf32, #tpu.memory_space<vmem>>, vector<1x128xf32>
    %mul3A_1006 = vector.broadcast %get3A_1005 : vector<1x128xf32> to vector<128x128xf32>
    %mul3A_1007 = arith.mulf %mul3A_1002, %mul3A_1006 : vector<128x128xf32>
    %get3A_1008 = arith.constant 0 : index
    %get3A_1009 = arith.constant 0 : index
    %get3A_1010 = vector.load %arg5[%get3A_1008, %get3A_1009] : memref<1x128xf32, #tpu.memory_space<vmem>>, vector<1x128xf32>
    %add3A_1011 = vector.broadcast %get3A_1010 : vector<1x128xf32> to vector<128x128xf32>
    %add3A_1012 = arith.addf %mul3A_1007, %add3A_1011 : vector<128x128xf32>
    %mul3A_1013 = arith.constant 5.000000e-01 : f32
    %mul3A_1014 = vector.broadcast %mul3A_1013 : f32 to vector<128x128xf32>
    %mul3A_1015 = arith.mulf %mul3A_1014, %add3A_1012 : vector<128x128xf32>
    %mul3A_1016 = arith.constant 0.707106769 : f32
    %mul3A_1017 = vector.broadcast %mul3A_1016 : f32 to vector<128x128xf32>
    %mul3A_1018 = arith.mulf %add3A_1012, %mul3A_1017 : vector<128x128xf32>
    %erf3A_1019 = math.erf %mul3A_1018 : vector<128x128xf32>
    %add3A_1020 = arith.constant 1.000000e+00 : f32
    %add3A_1021 = vector.broadcast %add3A_1020 : f32 to vector<128x128xf32>
    %add3A_1022 = arith.addf %add3A_1021, %erf3A_1019 : vector<128x128xf32>
    %mul3A_1023 = arith.mulf %mul3A_1015, %add3A_1022 : vector<128x128xf32>
    %slice3A_1024 = vector.extract_strided_slice %get3A_1 {offsets = [7680, 0], sizes = [128, 128], strides = [1, 1]} : vector<28672x128xf32> to vector<128x128xf32>
    %slice3A_1025 = vector.extract_strided_slice %get3A_1 {offsets = [9472, 0], sizes = [128, 128], strides = [1, 1]} : vector<28672x128xf32> to vector<128x128xf32>
    %slice3A_1026 = vector.extract_strided_slice %get3A_1 {offsets = [11264, 0], sizes = [128, 128], strides = [1, 1]} : vector<28672x128xf32> to vector<128x128xf32>
    %slice3A_1027 = vector.extract_strided_slice %get3A_1 {offsets = [13056, 0], sizes = [128, 128], strides = [1, 1]} : vector<28672x128xf32> to vector<128x128xf32>
    %concatenate3A_1028 = tpu.concatenate %slice3A_1024, %slice3A_1025, %slice3A_1026, %slice3A_1027 in 0 : vector<128x128xf32>, vector<128x128xf32>, vector<128x128xf32>, vector<128x128xf32> -> vector<512x128xf32>
    %get3A_1029 = arith.constant 0 : index
    %get3A_1030 = arith.constant 0 : index
    %get3A_1031 = vector.load %arg2[%get3A_1029, %get3A_1030] : memref<512x128xf32, #tpu.memory_space<vmem>>, vector<512x128xf32>
    %dot_general3A_1032 = arith.constant dense<0.000000e+00> : vector<128x128xf32>
    %dot_general3A_1033 = tpu.matmul %concatenate3A_1028, %get3A_1031, %dot_general3A_1032 {dimension_numbers = #tpu.dot_dimension_numbers<[0], [0], [1], [1], [0, 1, 1, 1], [], []>, transpose_lhs_hint = false} : vector<512x128xf32>, vector<512x128xf32>, vector<128x128xf32> -> vector<128x128xf32>
    %get3A_1034 = arith.constant 0 : index
    %get3A_1035 = arith.constant 0 : index
    %get3A_1036 = vector.load %arg3[%get3A_1034, %get3A_1035] : memref<1x128xf32, #tpu.memory_space<vmem>>, vector<1x128xf32>
    %add3A_1037 = vector.broadcast %get3A_1036 : vector<1x128xf32> to vector<128x128xf32>
    %add3A_1038 = arith.addf %dot_general3A_1033, %add3A_1037 : vector<128x128xf32>
    %dot_general3A_1039 = arith.constant dense<0.000000e+00> : vector<128x128xf32>
    %dot_general3A_1040 = tpu.matmul %add3A_1038, %get3A_4, %dot_general3A_1039 {dimension_numbers = #tpu.dot_dimension_numbers<[1], [0], [0], [1], [0, 0, 1, 1], [], []>, transpose_lhs_hint = false} : vector<128x128xf32>, vector<128x128xf32>, vector<128x128xf32> -> vector<128x128xf32>
    %mul3A_1041 = arith.mulf %add3A_1038, %add3A_1038 : vector<128x128xf32>
    %dot_general3A_1042 = arith.constant dense<0.000000e+00> : vector<128x128xf32>
    %dot_general3A_1043 = tpu.matmul %mul3A_1041, %get3A_4, %dot_general3A_1042 {dimension_numbers = #tpu.dot_dimension_numbers<[1], [0], [0], [1], [0, 0, 1, 1], [], []>, transpose_lhs_hint = false} : vector<128x128xf32>, vector<128x128xf32>, vector<128x128xf32> -> vector<128x128xf32>
    %mul3A_1044 = arith.mulf %dot_general3A_1040, %dot_general3A_1040 : vector<128x128xf32>
    %sub3A_1045 = arith.subf %dot_general3A_1043, %mul3A_1044 : vector<128x128xf32>
    %sub3A_1046 = arith.subf %add3A_1038, %dot_general3A_1040 : vector<128x128xf32>
    %add3A_1047 = arith.constant 9.99999974E-6 : f32
    %add3A_1048 = vector.broadcast %add3A_1047 : f32 to vector<128x128xf32>
    %add3A_1049 = arith.addf %sub3A_1045, %add3A_1048 : vector<128x128xf32>
    %rsqrt3A_1050 = math.rsqrt %add3A_1049 : vector<128x128xf32>
    %mul3A_1051 = arith.mulf %sub3A_1046, %rsqrt3A_1050 : vector<128x128xf32>
    %get3A_1052 = arith.constant 0 : index
    %get3A_1053 = arith.constant 0 : index
    %get3A_1054 = vector.load %arg4[%get3A_1052, %get3A_1053] : memref<1x128xf32, #tpu.memory_space<vmem>>, vector<1x128xf32>
    %mul3A_1055 = vector.broadcast %get3A_1054 : vector<1x128xf32> to vector<128x128xf32>
    %mul3A_1056 = arith.mulf %mul3A_1051, %mul3A_1055 : vector<128x128xf32>
    %get3A_1057 = arith.constant 0 : index
    %get3A_1058 = arith.constant 0 : index
    %get3A_1059 = vector.load %arg5[%get3A_1057, %get3A_1058] : memref<1x128xf32, #tpu.memory_space<vmem>>, vector<1x128xf32>
    %add3A_1060 = vector.broadcast %get3A_1059 : vector<1x128xf32> to vector<128x128xf32>
    %add3A_1061 = arith.addf %mul3A_1056, %add3A_1060 : vector<128x128xf32>
    %mul3A_1062 = arith.constant 5.000000e-01 : f32
    %mul3A_1063 = vector.broadcast %mul3A_1062 : f32 to vector<128x128xf32>
    %mul3A_1064 = arith.mulf %mul3A_1063, %add3A_1061 : vector<128x128xf32>
    %mul3A_1065 = arith.constant 0.707106769 : f32
    %mul3A_1066 = vector.broadcast %mul3A_1065 : f32 to vector<128x128xf32>
    %mul3A_1067 = arith.mulf %add3A_1061, %mul3A_1066 : vector<128x128xf32>
    %erf3A_1068 = math.erf %mul3A_1067 : vector<128x128xf32>
    %add3A_1069 = arith.constant 1.000000e+00 : f32
    %add3A_1070 = vector.broadcast %add3A_1069 : f32 to vector<128x128xf32>
    %add3A_1071 = arith.addf %add3A_1070, %erf3A_1068 : vector<128x128xf32>
    %mul3A_1072 = arith.mulf %mul3A_1064, %add3A_1071 : vector<128x128xf32>
    %slice3A_1073 = vector.extract_strided_slice %get3A_1 {offsets = [14848, 0], sizes = [128, 128], strides = [1, 1]} : vector<28672x128xf32> to vector<128x128xf32>
    %slice3A_1074 = vector.extract_strided_slice %get3A_1 {offsets = [16640, 0], sizes = [128, 128], strides = [1, 1]} : vector<28672x128xf32> to vector<128x128xf32>
    %slice3A_1075 = vector.extract_strided_slice %get3A_1 {offsets = [18432, 0], sizes = [128, 128], strides = [1, 1]} : vector<28672x128xf32> to vector<128x128xf32>
    %slice3A_1076 = vector.extract_strided_slice %get3A_1 {offsets = [20224, 0], sizes = [128, 128], strides = [1, 1]} : vector<28672x128xf32> to vector<128x128xf32>
    %concatenate3A_1077 = tpu.concatenate %slice3A_1073, %slice3A_1074, %slice3A_1075, %slice3A_1076 in 0 : vector<128x128xf32>, vector<128x128xf32>, vector<128x128xf32>, vector<128x128xf32> -> vector<512x128xf32>
    %get3A_1078 = arith.constant 0 : index
    %get3A_1079 = arith.constant 0 : index
    %get3A_1080 = vector.load %arg2[%get3A_1078, %get3A_1079] : memref<512x128xf32, #tpu.memory_space<vmem>>, vector<512x128xf32>
    %dot_general3A_1081 = arith.constant dense<0.000000e+00> : vector<128x128xf32>
    %dot_general3A_1082 = tpu.matmul %concatenate3A_1077, %get3A_1080, %dot_general3A_1081 {dimension_numbers = #tpu.dot_dimension_numbers<[0], [0], [1], [1], [0, 1, 1, 1], [], []>, transpose_lhs_hint = false} : vector<512x128xf32>, vector<512x128xf32>, vector<128x128xf32> -> vector<128x128xf32>
    %get3A_1083 = arith.constant 0 : index
    %get3A_1084 = arith.constant 0 : index
    %get3A_1085 = vector.load %arg3[%get3A_1083, %get3A_1084] : memref<1x128xf32, #tpu.memory_space<vmem>>, vector<1x128xf32>
    %add3A_1086 = vector.broadcast %get3A_1085 : vector<1x128xf32> to vector<128x128xf32>
    %add3A_1087 = arith.addf %dot_general3A_1082, %add3A_1086 : vector<128x128xf32>
    %dot_general3A_1088 = arith.constant dense<0.000000e+00> : vector<128x128xf32>
    %dot_general3A_1089 = tpu.matmul %add3A_1087, %get3A_4, %dot_general3A_1088 {dimension_numbers = #tpu.dot_dimension_numbers<[1], [0], [0], [1], [0, 0, 1, 1], [], []>, transpose_lhs_hint = false} : vector<128x128xf32>, vector<128x128xf32>, vector<128x128xf32> -> vector<128x128xf32>
    %mul3A_1090 = arith.mulf %add3A_1087, %add3A_1087 : vector<128x128xf32>
    %dot_general3A_1091 = arith.constant dense<0.000000e+00> : vector<128x128xf32>
    %dot_general3A_1092 = tpu.matmul %mul3A_1090, %get3A_4, %dot_general3A_1091 {dimension_numbers = #tpu.dot_dimension_numbers<[1], [0], [0], [1], [0, 0, 1, 1], [], []>, transpose_lhs_hint = false} : vector<128x128xf32>, vector<128x128xf32>, vector<128x128xf32> -> vector<128x128xf32>
    %mul3A_1093 = arith.mulf %dot_general3A_1089, %dot_general3A_1089 : vector<128x128xf32>
    %sub3A_1094 = arith.subf %dot_general3A_1092, %mul3A_1093 : vector<128x128xf32>
    %sub3A_1095 = arith.subf %add3A_1087, %dot_general3A_1089 : vector<128x128xf32>
    %add3A_1096 = arith.constant 9.99999974E-6 : f32
    %add3A_1097 = vector.broadcast %add3A_1096 : f32 to vector<128x128xf32>
    %add3A_1098 = arith.addf %sub3A_1094, %add3A_1097 : vector<128x128xf32>
    %rsqrt3A_1099 = math.rsqrt %add3A_1098 : vector<128x128xf32>
    %mul3A_1100 = arith.mulf %sub3A_1095, %rsqrt3A_1099 : vector<128x128xf32>
    %get3A_1101 = arith.constant 0 : index
    %get3A_1102 = arith.constant 0 : index
    %get3A_1103 = vector.load %arg4[%get3A_1101, %get3A_1102] : memref<1x128xf32, #tpu.memory_space<vmem>>, vector<1x128xf32>
    %mul3A_1104 = vector.broadcast %get3A_1103 : vector<1x128xf32> to vector<128x128xf32>
    %mul3A_1105 = arith.mulf %mul3A_1100, %mul3A_1104 : vector<128x128xf32>
    %get3A_1106 = arith.constant 0 : index
    %get3A_1107 = arith.constant 0 : index
    %get3A_1108 = vector.load %arg5[%get3A_1106, %get3A_1107] : memref<1x128xf32, #tpu.memory_space<vmem>>, vector<1x128xf32>
    %add3A_1109 = vector.broadcast %get3A_1108 : vector<1x128xf32> to vector<128x128xf32>
    %add3A_1110 = arith.addf %mul3A_1105, %add3A_1109 : vector<128x128xf32>
    %mul3A_1111 = arith.constant 5.000000e-01 : f32
    %mul3A_1112 = vector.broadcast %mul3A_1111 : f32 to vector<128x128xf32>
    %mul3A_1113 = arith.mulf %mul3A_1112, %add3A_1110 : vector<128x128xf32>
    %mul3A_1114 = arith.constant 0.707106769 : f32
    %mul3A_1115 = vector.broadcast %mul3A_1114 : f32 to vector<128x128xf32>
    %mul3A_1116 = arith.mulf %add3A_1110, %mul3A_1115 : vector<128x128xf32>
    %erf3A_1117 = math.erf %mul3A_1116 : vector<128x128xf32>
    %add3A_1118 = arith.constant 1.000000e+00 : f32
    %add3A_1119 = vector.broadcast %add3A_1118 : f32 to vector<128x128xf32>
    %add3A_1120 = arith.addf %add3A_1119, %erf3A_1117 : vector<128x128xf32>
    %mul3A_1121 = arith.mulf %mul3A_1113, %add3A_1120 : vector<128x128xf32>
    %slice3A_1122 = vector.extract_strided_slice %get3A_1 {offsets = [22016, 0], sizes = [128, 128], strides = [1, 1]} : vector<28672x128xf32> to vector<128x128xf32>
    %slice3A_1123 = vector.extract_strided_slice %get3A_1 {offsets = [23808, 0], sizes = [128, 128], strides = [1, 1]} : vector<28672x128xf32> to vector<128x128xf32>
    %slice3A_1124 = vector.extract_strided_slice %get3A_1 {offsets = [25600, 0], sizes = [128, 128], strides = [1, 1]} : vector<28672x128xf32> to vector<128x128xf32>
    %slice3A_1125 = vector.extract_strided_slice %get3A_1 {offsets = [27392, 0], sizes = [128, 128], strides = [1, 1]} : vector<28672x128xf32> to vector<128x128xf32>
    %concatenate3A_1126 = tpu.concatenate %slice3A_1122, %slice3A_1123, %slice3A_1124, %slice3A_1125 in 0 : vector<128x128xf32>, vector<128x128xf32>, vector<128x128xf32>, vector<128x128xf32> -> vector<512x128xf32>
    %get3A_1127 = arith.constant 0 : index
    %get3A_1128 = arith.constant 0 : index
    %get3A_1129 = vector.load %arg2[%get3A_1127, %get3A_1128] : memref<512x128xf32, #tpu.memory_space<vmem>>, vector<512x128xf32>
    %dot_general3A_1130 = arith.constant dense<0.000000e+00> : vector<128x128xf32>
    %dot_general3A_1131 = tpu.matmul %concatenate3A_1126, %get3A_1129, %dot_general3A_1130 {dimension_numbers = #tpu.dot_dimension_numbers<[0], [0], [1], [1], [0, 1, 1, 1], [], []>, transpose_lhs_hint = false} : vector<512x128xf32>, vector<512x128xf32>, vector<128x128xf32> -> vector<128x128xf32>
    %get3A_1132 = arith.constant 0 : index
    %get3A_1133 = arith.constant 0 : index
    %get3A_1134 = vector.load %arg3[%get3A_1132, %get3A_1133] : memref<1x128xf32, #tpu.memory_space<vmem>>, vector<1x128xf32>
    %add3A_1135 = vector.broadcast %get3A_1134 : vector<1x128xf32> to vector<128x128xf32>
    %add3A_1136 = arith.addf %dot_general3A_1131, %add3A_1135 : vector<128x128xf32>
    %dot_general3A_1137 = arith.constant dense<0.000000e+00> : vector<128x128xf32>
    %dot_general3A_1138 = tpu.matmul %add3A_1136, %get3A_4, %dot_general3A_1137 {dimension_numbers = #tpu.dot_dimension_numbers<[1], [0], [0], [1], [0, 0, 1, 1], [], []>, transpose_lhs_hint = false} : vector<128x128xf32>, vector<128x128xf32>, vector<128x128xf32> -> vector<128x128xf32>
    %mul3A_1139 = arith.mulf %add3A_1136, %add3A_1136 : vector<128x128xf32>
    %dot_general3A_1140 = arith.constant dense<0.000000e+00> : vector<128x128xf32>
    %dot_general3A_1141 = tpu.matmul %mul3A_1139, %get3A_4, %dot_general3A_1140 {dimension_numbers = #tpu.dot_dimension_numbers<[1], [0], [0], [1], [0, 0, 1, 1], [], []>, transpose_lhs_hint = false} : vector<128x128xf32>, vector<128x128xf32>, vector<128x128xf32> -> vector<128x128xf32>
    %mul3A_1142 = arith.mulf %dot_general3A_1138, %dot_general3A_1138 : vector<128x128xf32>
    %sub3A_1143 = arith.subf %dot_general3A_1141, %mul3A_1142 : vector<128x128xf32>
    %sub3A_1144 = arith.subf %add3A_1136, %dot_general3A_1138 : vector<128x128xf32>
    %add3A_1145 = arith.constant 9.99999974E-6 : f32
    %add3A_1146 = vector.broadcast %add3A_1145 : f32 to vector<128x128xf32>
    %add3A_1147 = arith.addf %sub3A_1143, %add3A_1146 : vector<128x128xf32>
    %rsqrt3A_1148 = math.rsqrt %add3A_1147 : vector<128x128xf32>
    %mul3A_1149 = arith.mulf %sub3A_1144, %rsqrt3A_1148 : vector<128x128xf32>
    %get3A_1150 = arith.constant 0 : index
    %get3A_1151 = arith.constant 0 : index
    %get3A_1152 = vector.load %arg4[%get3A_1150, %get3A_1151] : memref<1x128xf32, #tpu.memory_space<vmem>>, vector<1x128xf32>
    %mul3A_1153 = vector.broadcast %get3A_1152 : vector<1x128xf32> to vector<128x128xf32>
    %mul3A_1154 = arith.mulf %mul3A_1149, %mul3A_1153 : vector<128x128xf32>
    %get3A_1155 = arith.constant 0 : index
    %get3A_1156 = arith.constant 0 : index
    %get3A_1157 = vector.load %arg5[%get3A_1155, %get3A_1156] : memref<1x128xf32, #tpu.memory_space<vmem>>, vector<1x128xf32>
    %add3A_1158 = vector.broadcast %get3A_1157 : vector<1x128xf32> to vector<128x128xf32>
    %add3A_1159 = arith.addf %mul3A_1154, %add3A_1158 : vector<128x128xf32>
    %mul3A_1160 = arith.constant 5.000000e-01 : f32
    %mul3A_1161 = vector.broadcast %mul3A_1160 : f32 to vector<128x128xf32>
    %mul3A_1162 = arith.mulf %mul3A_1161, %add3A_1159 : vector<128x128xf32>
    %mul3A_1163 = arith.constant 0.707106769 : f32
    %mul3A_1164 = vector.broadcast %mul3A_1163 : f32 to vector<128x128xf32>
    %mul3A_1165 = arith.mulf %add3A_1159, %mul3A_1164 : vector<128x128xf32>
    %erf3A_1166 = math.erf %mul3A_1165 : vector<128x128xf32>
    %add3A_1167 = arith.constant 1.000000e+00 : f32
    %add3A_1168 = vector.broadcast %add3A_1167 : f32 to vector<128x128xf32>
    %add3A_1169 = arith.addf %add3A_1168, %erf3A_1166 : vector<128x128xf32>
    %mul3A_1170 = arith.mulf %mul3A_1162, %add3A_1169 : vector<128x128xf32>
    %concatenate3A_1171 = tpu.concatenate %mul3A_1023, %mul3A_1072, %mul3A_1121, %mul3A_1170 in 1 : vector<128x128xf32>, vector<128x128xf32>, vector<128x128xf32>, vector<128x128xf32> -> vector<128x512xf32>
    %get3A_1172 = arith.constant 0 : index
    %get3A_1173 = arith.constant 0 : index
    %get3A_1174 = vector.load %arg7[%get3A_1172, %get3A_1173] : memref<512x128xf32, #tpu.memory_space<vmem>>, vector<512x128xf32>
    %dot_general3A_1175 = arith.constant dense<0.000000e+00> : vector<128x128xf32>
    %dot_general3A_1176 = tpu.matmul %concatenate3A_1171, %get3A_1174, %dot_general3A_1175 {dimension_numbers = #tpu.dot_dimension_numbers<[1], [0], [0], [1], [0, 0, 1, 1], [], []>, transpose_lhs_hint = false} : vector<128x512xf32>, vector<512x128xf32>, vector<128x128xf32> -> vector<128x128xf32>
    %get3A_1177 = arith.constant 0 : index
    %get3A_1178 = arith.constant 0 : index
    %get3A_1179 = vector.load %arg8[%get3A_1177, %get3A_1178] : memref<1x128xf32, #tpu.memory_space<vmem>>, vector<1x128xf32>
    %add3A_1180 = vector.broadcast %get3A_1179 : vector<1x128xf32> to vector<128x128xf32>
    %add3A_1181 = arith.addf %dot_general3A_1176, %add3A_1180 : vector<128x128xf32>
    %dot_general3A_1182 = arith.constant dense<0.000000e+00> : vector<128x128xf32>
    %dot_general3A_1183 = tpu.matmul %add3A_1181, %get3A_7, %dot_general3A_1182 {dimension_numbers = #tpu.dot_dimension_numbers<[1], [0], [0], [1], [0, 0, 1, 1], [], []>, transpose_lhs_hint = false} : vector<128x128xf32>, vector<128x128xf32>, vector<128x128xf32> -> vector<128x128xf32>
    %mul3A_1184 = arith.mulf %add3A_1181, %add3A_1181 : vector<128x128xf32>
    %dot_general3A_1185 = arith.constant dense<0.000000e+00> : vector<128x128xf32>
    %dot_general3A_1186 = tpu.matmul %mul3A_1184, %get3A_7, %dot_general3A_1185 {dimension_numbers = #tpu.dot_dimension_numbers<[1], [0], [0], [1], [0, 0, 1, 1], [], []>, transpose_lhs_hint = false} : vector<128x128xf32>, vector<128x128xf32>, vector<128x128xf32> -> vector<128x128xf32>
    %sub3A_1187 = arith.subf %add3A_1181, %dot_general3A_1183 : vector<128x128xf32>
    %mul3A_1188 = arith.mulf %dot_general3A_1183, %dot_general3A_1183 : vector<128x128xf32>
    %sub3A_1189 = arith.subf %dot_general3A_1186, %mul3A_1188 : vector<128x128xf32>
    %add3A_1190 = arith.constant 9.99999974E-6 : f32
    %add3A_1191 = vector.broadcast %add3A_1190 : f32 to vector<128x128xf32>
    %add3A_1192 = arith.addf %sub3A_1189, %add3A_1191 : vector<128x128xf32>
    %rsqrt3A_1193 = math.rsqrt %add3A_1192 : vector<128x128xf32>
    %mul3A_1194 = arith.mulf %sub3A_1187, %rsqrt3A_1193 : vector<128x128xf32>
    %get3A_1195 = arith.constant 0 : index
    %get3A_1196 = arith.constant 0 : index
    %get3A_1197 = vector.load %arg9[%get3A_1195, %get3A_1196] : memref<1x128xf32, #tpu.memory_space<vmem>>, vector<1x128xf32>
    %mul3A_1198 = vector.broadcast %get3A_1197 : vector<1x128xf32> to vector<128x128xf32>
    %mul3A_1199 = arith.mulf %mul3A_1194, %mul3A_1198 : vector<128x128xf32>
    %get3A_1200 = arith.constant 0 : index
    %get3A_1201 = arith.constant 0 : index
    %get3A_1202 = vector.load %arg10[%get3A_1200, %get3A_1201] : memref<1x128xf32, #tpu.memory_space<vmem>>, vector<1x128xf32>
    %add3A_1203 = vector.broadcast %get3A_1202 : vector<1x128xf32> to vector<128x128xf32>
    %add3A_1204 = arith.addf %mul3A_1199, %add3A_1203 : vector<128x128xf32>
    %mul3A_1205 = arith.constant 5.000000e-01 : f32
    %mul3A_1206 = vector.broadcast %mul3A_1205 : f32 to vector<128x128xf32>
    %mul3A_1207 = arith.mulf %mul3A_1206, %add3A_1204 : vector<128x128xf32>
    %mul3A_1208 = arith.constant 0.707106769 : f32
    %mul3A_1209 = vector.broadcast %mul3A_1208 : f32 to vector<128x128xf32>
    %mul3A_1210 = arith.mulf %add3A_1204, %mul3A_1209 : vector<128x128xf32>
    %erf3A_1211 = math.erf %mul3A_1210 : vector<128x128xf32>
    %add3A_1212 = arith.constant 1.000000e+00 : f32
    %add3A_1213 = vector.broadcast %add3A_1212 : f32 to vector<128x128xf32>
    %add3A_1214 = arith.addf %add3A_1213, %erf3A_1211 : vector<128x128xf32>
    %mul3A_1215 = arith.mulf %mul3A_1207, %add3A_1214 : vector<128x128xf32>
    %swap3A_1216 = arith.constant 0 : index
    %swap3A_1217 = arith.constant 512 : index
    %swap3A_1218 = vector.load %arg12[%swap3A_1216, %swap3A_1217] : memref<128x1792xf32, #tpu.memory_space<vmem>>, vector<128x128xf32>
    tpu.vector_store %arg12[%swap3A_1216, %swap3A_1217], %mul3A_1215 {strides = array<i32>} : memref<128x1792xf32, #tpu.memory_space<vmem>>, vector<128x128xf32>,
    %slice3A_1219 = vector.extract_strided_slice %get3A_1 {offsets = [640, 0], sizes = [128, 128], strides = [1, 1]} : vector<28672x128xf32> to vector<128x128xf32>
    %slice3A_1220 = vector.extract_strided_slice %get3A_1 {offsets = [2432, 0], sizes = [128, 128], strides = [1, 1]} : vector<28672x128xf32> to vector<128x128xf32>
    %slice3A_1221 = vector.extract_strided_slice %get3A_1 {offsets = [4224, 0], sizes = [128, 128], strides = [1, 1]} : vector<28672x128xf32> to vector<128x128xf32>
    %slice3A_1222 = vector.extract_strided_slice %get3A_1 {offsets = [6016, 0], sizes = [128, 128], strides = [1, 1]} : vector<28672x128xf32> to vector<128x128xf32>
    %concatenate3A_1223 = tpu.concatenate %slice3A_1219, %slice3A_1220, %slice3A_1221, %slice3A_1222 in 0 : vector<128x128xf32>, vector<128x128xf32>, vector<128x128xf32>, vector<128x128xf32> -> vector<512x128xf32>
    %get3A_1224 = arith.constant 0 : index
    %get3A_1225 = arith.constant 0 : index
    %get3A_1226 = vector.load %arg2[%get3A_1224, %get3A_1225] : memref<512x128xf32, #tpu.memory_space<vmem>>, vector<512x128xf32>
    %dot_general3A_1227 = arith.constant dense<0.000000e+00> : vector<128x128xf32>
    %dot_general3A_1228 = tpu.matmul %concatenate3A_1223, %get3A_1226, %dot_general3A_1227 {dimension_numbers = #tpu.dot_dimension_numbers<[0], [0], [1], [1], [0, 1, 1, 1], [], []>, transpose_lhs_hint = false} : vector<512x128xf32>, vector<512x128xf32>, vector<128x128xf32> -> vector<128x128xf32>
    %get3A_1229 = arith.constant 0 : index
    %get3A_1230 = arith.constant 0 : index
    %get3A_1231 = vector.load %arg3[%get3A_1229, %get3A_1230] : memref<1x128xf32, #tpu.memory_space<vmem>>, vector<1x128xf32>
    %add3A_1232 = vector.broadcast %get3A_1231 : vector<1x128xf32> to vector<128x128xf32>
    %add3A_1233 = arith.addf %dot_general3A_1228, %add3A_1232 : vector<128x128xf32>
    %dot_general3A_1234 = arith.constant dense<0.000000e+00> : vector<128x128xf32>
    %dot_general3A_1235 = tpu.matmul %add3A_1233, %get3A_4, %dot_general3A_1234 {dimension_numbers = #tpu.dot_dimension_numbers<[1], [0], [0], [1], [0, 0, 1, 1], [], []>, transpose_lhs_hint = false} : vector<128x128xf32>, vector<128x128xf32>, vector<128x128xf32> -> vector<128x128xf32>
    %mul3A_1236 = arith.mulf %add3A_1233, %add3A_1233 : vector<128x128xf32>
    %dot_general3A_1237 = arith.constant dense<0.000000e+00> : vector<128x128xf32>
    %dot_general3A_1238 = tpu.matmul %mul3A_1236, %get3A_4, %dot_general3A_1237 {dimension_numbers = #tpu.dot_dimension_numbers<[1], [0], [0], [1], [0, 0, 1, 1], [], []>, transpose_lhs_hint = false} : vector<128x128xf32>, vector<128x128xf32>, vector<128x128xf32> -> vector<128x128xf32>
    %mul3A_1239 = arith.mulf %dot_general3A_1235, %dot_general3A_1235 : vector<128x128xf32>
    %sub3A_1240 = arith.subf %dot_general3A_1238, %mul3A_1239 : vector<128x128xf32>
    %sub3A_1241 = arith.subf %add3A_1233, %dot_general3A_1235 : vector<128x128xf32>
    %add3A_1242 = arith.constant 9.99999974E-6 : f32
    %add3A_1243 = vector.broadcast %add3A_1242 : f32 to vector<128x128xf32>
    %add3A_1244 = arith.addf %sub3A_1240, %add3A_1243 : vector<128x128xf32>
    %rsqrt3A_1245 = math.rsqrt %add3A_1244 : vector<128x128xf32>
    %mul3A_1246 = arith.mulf %sub3A_1241, %rsqrt3A_1245 : vector<128x128xf32>
    %get3A_1247 = arith.constant 0 : index
    %get3A_1248 = arith.constant 0 : index
    %get3A_1249 = vector.load %arg4[%get3A_1247, %get3A_1248] : memref<1x128xf32, #tpu.memory_space<vmem>>, vector<1x128xf32>
    %mul3A_1250 = vector.broadcast %get3A_1249 : vector<1x128xf32> to vector<128x128xf32>
    %mul3A_1251 = arith.mulf %mul3A_1246, %mul3A_1250 : vector<128x128xf32>
    %get3A_1252 = arith.constant 0 : index
    %get3A_1253 = arith.constant 0 : index
    %get3A_1254 = vector.load %arg5[%get3A_1252, %get3A_1253] : memref<1x128xf32, #tpu.memory_space<vmem>>, vector<1x128xf32>
    %add3A_1255 = vector.broadcast %get3A_1254 : vector<1x128xf32> to vector<128x128xf32>
    %add3A_1256 = arith.addf %mul3A_1251, %add3A_1255 : vector<128x128xf32>
    %mul3A_1257 = arith.constant 5.000000e-01 : f32
    %mul3A_1258 = vector.broadcast %mul3A_1257 : f32 to vector<128x128xf32>
    %mul3A_1259 = arith.mulf %mul3A_1258, %add3A_1256 : vector<128x128xf32>
    %mul3A_1260 = arith.constant 0.707106769 : f32
    %mul3A_1261 = vector.broadcast %mul3A_1260 : f32 to vector<128x128xf32>
    %mul3A_1262 = arith.mulf %add3A_1256, %mul3A_1261 : vector<128x128xf32>
    %erf3A_1263 = math.erf %mul3A_1262 : vector<128x128xf32>
    %add3A_1264 = arith.constant 1.000000e+00 : f32
    %add3A_1265 = vector.broadcast %add3A_1264 : f32 to vector<128x128xf32>
    %add3A_1266 = arith.addf %add3A_1265, %erf3A_1263 : vector<128x128xf32>
    %mul3A_1267 = arith.mulf %mul3A_1259, %add3A_1266 : vector<128x128xf32>
    %slice3A_1268 = vector.extract_strided_slice %get3A_1 {offsets = [7808, 0], sizes = [128, 128], strides = [1, 1]} : vector<28672x128xf32> to vector<128x128xf32>
    %slice3A_1269 = vector.extract_strided_slice %get3A_1 {offsets = [9600, 0], sizes = [128, 128], strides = [1, 1]} : vector<28672x128xf32> to vector<128x128xf32>
    %slice3A_1270 = vector.extract_strided_slice %get3A_1 {offsets = [11392, 0], sizes = [128, 128], strides = [1, 1]} : vector<28672x128xf32> to vector<128x128xf32>
    %slice3A_1271 = vector.extract_strided_slice %get3A_1 {offsets = [13184, 0], sizes = [128, 128], strides = [1, 1]} : vector<28672x128xf32> to vector<128x128xf32>
    %concatenate3A_1272 = tpu.concatenate %slice3A_1268, %slice3A_1269, %slice3A_1270, %slice3A_1271 in 0 : vector<128x128xf32>, vector<128x128xf32>, vector<128x128xf32>, vector<128x128xf32> -> vector<512x128xf32>
    %get3A_1273 = arith.constant 0 : index
    %get3A_1274 = arith.constant 0 : index
    %get3A_1275 = vector.load %arg2[%get3A_1273, %get3A_1274] : memref<512x128xf32, #tpu.memory_space<vmem>>, vector<512x128xf32>
    %dot_general3A_1276 = arith.constant dense<0.000000e+00> : vector<128x128xf32>
    %dot_general3A_1277 = tpu.matmul %concatenate3A_1272, %get3A_1275, %dot_general3A_1276 {dimension_numbers = #tpu.dot_dimension_numbers<[0], [0], [1], [1], [0, 1, 1, 1], [], []>, transpose_lhs_hint = false} : vector<512x128xf32>, vector<512x128xf32>, vector<128x128xf32> -> vector<128x128xf32>
    %get3A_1278 = arith.constant 0 : index
    %get3A_1279 = arith.constant 0 : index
    %get3A_1280 = vector.load %arg3[%get3A_1278, %get3A_1279] : memref<1x128xf32, #tpu.memory_space<vmem>>, vector<1x128xf32>
    %add3A_1281 = vector.broadcast %get3A_1280 : vector<1x128xf32> to vector<128x128xf32>
    %add3A_1282 = arith.addf %dot_general3A_1277, %add3A_1281 : vector<128x128xf32>
    %dot_general3A_1283 = arith.constant dense<0.000000e+00> : vector<128x128xf32>
    %dot_general3A_1284 = tpu.matmul %add3A_1282, %get3A_4, %dot_general3A_1283 {dimension_numbers = #tpu.dot_dimension_numbers<[1], [0], [0], [1], [0, 0, 1, 1], [], []>, transpose_lhs_hint = false} : vector<128x128xf32>, vector<128x128xf32>, vector<128x128xf32> -> vector<128x128xf32>
    %mul3A_1285 = arith.mulf %add3A_1282, %add3A_1282 : vector<128x128xf32>
    %dot_general3A_1286 = arith.constant dense<0.000000e+00> : vector<128x128xf32>
    %dot_general3A_1287 = tpu.matmul %mul3A_1285, %get3A_4, %dot_general3A_1286 {dimension_numbers = #tpu.dot_dimension_numbers<[1], [0], [0], [1], [0, 0, 1, 1], [], []>, transpose_lhs_hint = false} : vector<128x128xf32>, vector<128x128xf32>, vector<128x128xf32> -> vector<128x128xf32>
    %mul3A_1288 = arith.mulf %dot_general3A_1284, %dot_general3A_1284 : vector<128x128xf32>
    %sub3A_1289 = arith.subf %dot_general3A_1287, %mul3A_1288 : vector<128x128xf32>
    %sub3A_1290 = arith.subf %add3A_1282, %dot_general3A_1284 : vector<128x128xf32>
    %add3A_1291 = arith.constant 9.99999974E-6 : f32
    %add3A_1292 = vector.broadcast %add3A_1291 : f32 to vector<128x128xf32>
    %add3A_1293 = arith.addf %sub3A_1289, %add3A_1292 : vector<128x128xf32>
    %rsqrt3A_1294 = math.rsqrt %add3A_1293 : vector<128x128xf32>
    %mul3A_1295 = arith.mulf %sub3A_1290, %rsqrt3A_1294 : vector<128x128xf32>
    %get3A_1296 = arith.constant 0 : index
    %get3A_1297 = arith.constant 0 : index
    %get3A_1298 = vector.load %arg4[%get3A_1296, %get3A_1297] : memref<1x128xf32, #tpu.memory_space<vmem>>, vector<1x128xf32>
    %mul3A_1299 = vector.broadcast %get3A_1298 : vector<1x128xf32> to vector<128x128xf32>
    %mul3A_1300 = arith.mulf %mul3A_1295, %mul3A_1299 : vector<128x128xf32>
    %get3A_1301 = arith.constant 0 : index
    %get3A_1302 = arith.constant 0 : index
    %get3A_1303 = vector.load %arg5[%get3A_1301, %get3A_1302] : memref<1x128xf32, #tpu.memory_space<vmem>>, vector<1x128xf32>
    %add3A_1304 = vector.broadcast %get3A_1303 : vector<1x128xf32> to vector<128x128xf32>
    %add3A_1305 = arith.addf %mul3A_1300, %add3A_1304 : vector<128x128xf32>
    %mul3A_1306 = arith.constant 5.000000e-01 : f32
    %mul3A_1307 = vector.broadcast %mul3A_1306 : f32 to vector<128x128xf32>
    %mul3A_1308 = arith.mulf %mul3A_1307, %add3A_1305 : vector<128x128xf32>
    %mul3A_1309 = arith.constant 0.707106769 : f32
    %mul3A_1310 = vector.broadcast %mul3A_1309 : f32 to vector<128x128xf32>
    %mul3A_1311 = arith.mulf %add3A_1305, %mul3A_1310 : vector<128x128xf32>
    %erf3A_1312 = math.erf %mul3A_1311 : vector<128x128xf32>
    %add3A_1313 = arith.constant 1.000000e+00 : f32
    %add3A_1314 = vector.broadcast %add3A_1313 : f32 to vector<128x128xf32>
    %add3A_1315 = arith.addf %add3A_1314, %erf3A_1312 : vector<128x128xf32>
    %mul3A_1316 = arith.mulf %mul3A_1308, %add3A_1315 : vector<128x128xf32>
    %slice3A_1317 = vector.extract_strided_slice %get3A_1 {offsets = [14976, 0], sizes = [128, 128], strides = [1, 1]} : vector<28672x128xf32> to vector<128x128xf32>
    %slice3A_1318 = vector.extract_strided_slice %get3A_1 {offsets = [16768, 0], sizes = [128, 128], strides = [1, 1]} : vector<28672x128xf32> to vector<128x128xf32>
    %slice3A_1319 = vector.extract_strided_slice %get3A_1 {offsets = [18560, 0], sizes = [128, 128], strides = [1, 1]} : vector<28672x128xf32> to vector<128x128xf32>
    %slice3A_1320 = vector.extract_strided_slice %get3A_1 {offsets = [20352, 0], sizes = [128, 128], strides = [1, 1]} : vector<28672x128xf32> to vector<128x128xf32>
    %concatenate3A_1321 = tpu.concatenate %slice3A_1317, %slice3A_1318, %slice3A_1319, %slice3A_1320 in 0 : vector<128x128xf32>, vector<128x128xf32>, vector<128x128xf32>, vector<128x128xf32> -> vector<512x128xf32>
    %get3A_1322 = arith.constant 0 : index
    %get3A_1323 = arith.constant 0 : index
    %get3A_1324 = vector.load %arg2[%get3A_1322, %get3A_1323] : memref<512x128xf32, #tpu.memory_space<vmem>>, vector<512x128xf32>
    %dot_general3A_1325 = arith.constant dense<0.000000e+00> : vector<128x128xf32>
    %dot_general3A_1326 = tpu.matmul %concatenate3A_1321, %get3A_1324, %dot_general3A_1325 {dimension_numbers = #tpu.dot_dimension_numbers<[0], [0], [1], [1], [0, 1, 1, 1], [], []>, transpose_lhs_hint = false} : vector<512x128xf32>, vector<512x128xf32>, vector<128x128xf32> -> vector<128x128xf32>
    %get3A_1327 = arith.constant 0 : index
    %get3A_1328 = arith.constant 0 : index
    %get3A_1329 = vector.load %arg3[%get3A_1327, %get3A_1328] : memref<1x128xf32, #tpu.memory_space<vmem>>, vector<1x128xf32>
    %add3A_1330 = vector.broadcast %get3A_1329 : vector<1x128xf32> to vector<128x128xf32>
    %add3A_1331 = arith.addf %dot_general3A_1326, %add3A_1330 : vector<128x128xf32>
    %dot_general3A_1332 = arith.constant dense<0.000000e+00> : vector<128x128xf32>
    %dot_general3A_1333 = tpu.matmul %add3A_1331, %get3A_4, %dot_general3A_1332 {dimension_numbers = #tpu.dot_dimension_numbers<[1], [0], [0], [1], [0, 0, 1, 1], [], []>, transpose_lhs_hint = false} : vector<128x128xf32>, vector<128x128xf32>, vector<128x128xf32> -> vector<128x128xf32>
    %mul3A_1334 = arith.mulf %add3A_1331, %add3A_1331 : vector<128x128xf32>
    %dot_general3A_1335 = arith.constant dense<0.000000e+00> : vector<128x128xf32>
    %dot_general3A_1336 = tpu.matmul %mul3A_1334, %get3A_4, %dot_general3A_1335 {dimension_numbers = #tpu.dot_dimension_numbers<[1], [0], [0], [1], [0, 0, 1, 1], [], []>, transpose_lhs_hint = false} : vector<128x128xf32>, vector<128x128xf32>, vector<128x128xf32> -> vector<128x128xf32>
    %mul3A_1337 = arith.mulf %dot_general3A_1333, %dot_general3A_1333 : vector<128x128xf32>
    %sub3A_1338 = arith.subf %dot_general3A_1336, %mul3A_1337 : vector<128x128xf32>
    %sub3A_1339 = arith.subf %add3A_1331, %dot_general3A_1333 : vector<128x128xf32>
    %add3A_1340 = arith.constant 9.99999974E-6 : f32
    %add3A_1341 = vector.broadcast %add3A_1340 : f32 to vector<128x128xf32>
    %add3A_1342 = arith.addf %sub3A_1338, %add3A_1341 : vector<128x128xf32>
    %rsqrt3A_1343 = math.rsqrt %add3A_1342 : vector<128x128xf32>
    %mul3A_1344 = arith.mulf %sub3A_1339, %rsqrt3A_1343 : vector<128x128xf32>
    %get3A_1345 = arith.constant 0 : index
    %get3A_1346 = arith.constant 0 : index
    %get3A_1347 = vector.load %arg4[%get3A_1345, %get3A_1346] : memref<1x128xf32, #tpu.memory_space<vmem>>, vector<1x128xf32>
    %mul3A_1348 = vector.broadcast %get3A_1347 : vector<1x128xf32> to vector<128x128xf32>
    %mul3A_1349 = arith.mulf %mul3A_1344, %mul3A_1348 : vector<128x128xf32>
    %get3A_1350 = arith.constant 0 : index
    %get3A_1351 = arith.constant 0 : index
    %get3A_1352 = vector.load %arg5[%get3A_1350, %get3A_1351] : memref<1x128xf32, #tpu.memory_space<vmem>>, vector<1x128xf32>
    %add3A_1353 = vector.broadcast %get3A_1352 : vector<1x128xf32> to vector<128x128xf32>
    %add3A_1354 = arith.addf %mul3A_1349, %add3A_1353 : vector<128x128xf32>
    %mul3A_1355 = arith.constant 5.000000e-01 : f32
    %mul3A_1356 = vector.broadcast %mul3A_1355 : f32 to vector<128x128xf32>
    %mul3A_1357 = arith.mulf %mul3A_1356, %add3A_1354 : vector<128x128xf32>
    %mul3A_1358 = arith.constant 0.707106769 : f32
    %mul3A_1359 = vector.broadcast %mul3A_1358 : f32 to vector<128x128xf32>
    %mul3A_1360 = arith.mulf %add3A_1354, %mul3A_1359 : vector<128x128xf32>
    %erf3A_1361 = math.erf %mul3A_1360 : vector<128x128xf32>
    %add3A_1362 = arith.constant 1.000000e+00 : f32
    %add3A_1363 = vector.broadcast %add3A_1362 : f32 to vector<128x128xf32>
    %add3A_1364 = arith.addf %add3A_1363, %erf3A_1361 : vector<128x128xf32>
    %mul3A_1365 = arith.mulf %mul3A_1357, %add3A_1364 : vector<128x128xf32>
    %slice3A_1366 = vector.extract_strided_slice %get3A_1 {offsets = [22144, 0], sizes = [128, 128], strides = [1, 1]} : vector<28672x128xf32> to vector<128x128xf32>
    %slice3A_1367 = vector.extract_strided_slice %get3A_1 {offsets = [23936, 0], sizes = [128, 128], strides = [1, 1]} : vector<28672x128xf32> to vector<128x128xf32>
    %slice3A_1368 = vector.extract_strided_slice %get3A_1 {offsets = [25728, 0], sizes = [128, 128], strides = [1, 1]} : vector<28672x128xf32> to vector<128x128xf32>
    %slice3A_1369 = vector.extract_strided_slice %get3A_1 {offsets = [27520, 0], sizes = [128, 128], strides = [1, 1]} : vector<28672x128xf32> to vector<128x128xf32>
    %concatenate3A_1370 = tpu.concatenate %slice3A_1366, %slice3A_1367, %slice3A_1368, %slice3A_1369 in 0 : vector<128x128xf32>, vector<128x128xf32>, vector<128x128xf32>, vector<128x128xf32> -> vector<512x128xf32>
    %get3A_1371 = arith.constant 0 : index
    %get3A_1372 = arith.constant 0 : index
    %get3A_1373 = vector.load %arg2[%get3A_1371, %get3A_1372] : memref<512x128xf32, #tpu.memory_space<vmem>>, vector<512x128xf32>
    %dot_general3A_1374 = arith.constant dense<0.000000e+00> : vector<128x128xf32>
    %dot_general3A_1375 = tpu.matmul %concatenate3A_1370, %get3A_1373, %dot_general3A_1374 {dimension_numbers = #tpu.dot_dimension_numbers<[0], [0], [1], [1], [0, 1, 1, 1], [], []>, transpose_lhs_hint = false} : vector<512x128xf32>, vector<512x128xf32>, vector<128x128xf32> -> vector<128x128xf32>
    %get3A_1376 = arith.constant 0 : index
    %get3A_1377 = arith.constant 0 : index
    %get3A_1378 = vector.load %arg3[%get3A_1376, %get3A_1377] : memref<1x128xf32, #tpu.memory_space<vmem>>, vector<1x128xf32>
    %add3A_1379 = vector.broadcast %get3A_1378 : vector<1x128xf32> to vector<128x128xf32>
    %add3A_1380 = arith.addf %dot_general3A_1375, %add3A_1379 : vector<128x128xf32>
    %dot_general3A_1381 = arith.constant dense<0.000000e+00> : vector<128x128xf32>
    %dot_general3A_1382 = tpu.matmul %add3A_1380, %get3A_4, %dot_general3A_1381 {dimension_numbers = #tpu.dot_dimension_numbers<[1], [0], [0], [1], [0, 0, 1, 1], [], []>, transpose_lhs_hint = false} : vector<128x128xf32>, vector<128x128xf32>, vector<128x128xf32> -> vector<128x128xf32>
    %mul3A_1383 = arith.mulf %add3A_1380, %add3A_1380 : vector<128x128xf32>
    %dot_general3A_1384 = arith.constant dense<0.000000e+00> : vector<128x128xf32>
    %dot_general3A_1385 = tpu.matmul %mul3A_1383, %get3A_4, %dot_general3A_1384 {dimension_numbers = #tpu.dot_dimension_numbers<[1], [0], [0], [1], [0, 0, 1, 1], [], []>, transpose_lhs_hint = false} : vector<128x128xf32>, vector<128x128xf32>, vector<128x128xf32> -> vector<128x128xf32>
    %mul3A_1386 = arith.mulf %dot_general3A_1382, %dot_general3A_1382 : vector<128x128xf32>
    %sub3A_1387 = arith.subf %dot_general3A_1385, %mul3A_1386 : vector<128x128xf32>
    %sub3A_1388 = arith.subf %add3A_1380, %dot_general3A_1382 : vector<128x128xf32>
    %add3A_1389 = arith.constant 9.99999974E-6 : f32
    %add3A_1390 = vector.broadcast %add3A_1389 : f32 to vector<128x128xf32>
    %add3A_1391 = arith.addf %sub3A_1387, %add3A_1390 : vector<128x128xf32>
    %rsqrt3A_1392 = math.rsqrt %add3A_1391 : vector<128x128xf32>
    %mul3A_1393 = arith.mulf %sub3A_1388, %rsqrt3A_1392 : vector<128x128xf32>
    %get3A_1394 = arith.constant 0 : index
    %get3A_1395 = arith.constant 0 : index
    %get3A_1396 = vector.load %arg4[%get3A_1394, %get3A_1395] : memref<1x128xf32, #tpu.memory_space<vmem>>, vector<1x128xf32>
    %mul3A_1397 = vector.broadcast %get3A_1396 : vector<1x128xf32> to vector<128x128xf32>
    %mul3A_1398 = arith.mulf %mul3A_1393, %mul3A_1397 : vector<128x128xf32>
    %get3A_1399 = arith.constant 0 : index
    %get3A_1400 = arith.constant 0 : index
    %get3A_1401 = vector.load %arg5[%get3A_1399, %get3A_1400] : memref<1x128xf32, #tpu.memory_space<vmem>>, vector<1x128xf32>
    %add3A_1402 = vector.broadcast %get3A_1401 : vector<1x128xf32> to vector<128x128xf32>
    %add3A_1403 = arith.addf %mul3A_1398, %add3A_1402 : vector<128x128xf32>
    %mul3A_1404 = arith.constant 5.000000e-01 : f32
    %mul3A_1405 = vector.broadcast %mul3A_1404 : f32 to vector<128x128xf32>
    %mul3A_1406 = arith.mulf %mul3A_1405, %add3A_1403 : vector<128x128xf32>
    %mul3A_1407 = arith.constant 0.707106769 : f32
    %mul3A_1408 = vector.broadcast %mul3A_1407 : f32 to vector<128x128xf32>
    %mul3A_1409 = arith.mulf %add3A_1403, %mul3A_1408 : vector<128x128xf32>
    %erf3A_1410 = math.erf %mul3A_1409 : vector<128x128xf32>
    %add3A_1411 = arith.constant 1.000000e+00 : f32
    %add3A_1412 = vector.broadcast %add3A_1411 : f32 to vector<128x128xf32>
    %add3A_1413 = arith.addf %add3A_1412, %erf3A_1410 : vector<128x128xf32>
    %mul3A_1414 = arith.mulf %mul3A_1406, %add3A_1413 : vector<128x128xf32>
    %concatenate3A_1415 = tpu.concatenate %mul3A_1267, %mul3A_1316, %mul3A_1365, %mul3A_1414 in 1 : vector<128x128xf32>, vector<128x128xf32>, vector<128x128xf32>, vector<128x128xf32> -> vector<128x512xf32>
    %get3A_1416 = arith.constant 0 : index
    %get3A_1417 = arith.constant 0 : index
    %get3A_1418 = vector.load %arg7[%get3A_1416, %get3A_1417] : memref<512x128xf32, #tpu.memory_space<vmem>>, vector<512x128xf32>
    %dot_general3A_1419 = arith.constant dense<0.000000e+00> : vector<128x128xf32>
    %dot_general3A_1420 = tpu.matmul %concatenate3A_1415, %get3A_1418, %dot_general3A_1419 {dimension_numbers = #tpu.dot_dimension_numbers<[1], [0], [0], [1], [0, 0, 1, 1], [], []>, transpose_lhs_hint = false} : vector<128x512xf32>, vector<512x128xf32>, vector<128x128xf32> -> vector<128x128xf32>
    %get3A_1421 = arith.constant 0 : index
    %get3A_1422 = arith.constant 0 : index
    %get3A_1423 = vector.load %arg8[%get3A_1421, %get3A_1422] : memref<1x128xf32, #tpu.memory_space<vmem>>, vector<1x128xf32>
    %add3A_1424 = vector.broadcast %get3A_1423 : vector<1x128xf32> to vector<128x128xf32>
    %add3A_1425 = arith.addf %dot_general3A_1420, %add3A_1424 : vector<128x128xf32>
    %dot_general3A_1426 = arith.constant dense<0.000000e+00> : vector<128x128xf32>
    %dot_general3A_1427 = tpu.matmul %add3A_1425, %get3A_7, %dot_general3A_1426 {dimension_numbers = #tpu.dot_dimension_numbers<[1], [0], [0], [1], [0, 0, 1, 1], [], []>, transpose_lhs_hint = false} : vector<128x128xf32>, vector<128x128xf32>, vector<128x128xf32> -> vector<128x128xf32>
    %mul3A_1428 = arith.mulf %add3A_1425, %add3A_1425 : vector<128x128xf32>
    %dot_general3A_1429 = arith.constant dense<0.000000e+00> : vector<128x128xf32>
    %dot_general3A_1430 = tpu.matmul %mul3A_1428, %get3A_7, %dot_general3A_1429 {dimension_numbers = #tpu.dot_dimension_numbers<[1], [0], [0], [1], [0, 0, 1, 1], [], []>, transpose_lhs_hint = false} : vector<128x128xf32>, vector<128x128xf32>, vector<128x128xf32> -> vector<128x128xf32>
    %sub3A_1431 = arith.subf %add3A_1425, %dot_general3A_1427 : vector<128x128xf32>
    %mul3A_1432 = arith.mulf %dot_general3A_1427, %dot_general3A_1427 : vector<128x128xf32>
    %sub3A_1433 = arith.subf %dot_general3A_1430, %mul3A_1432 : vector<128x128xf32>
    %add3A_1434 = arith.constant 9.99999974E-6 : f32
    %add3A_1435 = vector.broadcast %add3A_1434 : f32 to vector<128x128xf32>
    %add3A_1436 = arith.addf %sub3A_1433, %add3A_1435 : vector<128x128xf32>
    %rsqrt3A_1437 = math.rsqrt %add3A_1436 : vector<128x128xf32>
    %mul3A_1438 = arith.mulf %sub3A_1431, %rsqrt3A_1437 : vector<128x128xf32>
    %get3A_1439 = arith.constant 0 : index
    %get3A_1440 = arith.constant 0 : index
    %get3A_1441 = vector.load %arg9[%get3A_1439, %get3A_1440] : memref<1x128xf32, #tpu.memory_space<vmem>>, vector<1x128xf32>
    %mul3A_1442 = vector.broadcast %get3A_1441 : vector<1x128xf32> to vector<128x128xf32>
    %mul3A_1443 = arith.mulf %mul3A_1438, %mul3A_1442 : vector<128x128xf32>
    %get3A_1444 = arith.constant 0 : index
    %get3A_1445 = arith.constant 0 : index
    %get3A_1446 = vector.load %arg10[%get3A_1444, %get3A_1445] : memref<1x128xf32, #tpu.memory_space<vmem>>, vector<1x128xf32>
    %add3A_1447 = vector.broadcast %get3A_1446 : vector<1x128xf32> to vector<128x128xf32>
    %add3A_1448 = arith.addf %mul3A_1443, %add3A_1447 : vector<128x128xf32>
    %mul3A_1449 = arith.constant 5.000000e-01 : f32
    %mul3A_1450 = vector.broadcast %mul3A_1449 : f32 to vector<128x128xf32>
    %mul3A_1451 = arith.mulf %mul3A_1450, %add3A_1448 : vector<128x128xf32>
    %mul3A_1452 = arith.constant 0.707106769 : f32
    %mul3A_1453 = vector.broadcast %mul3A_1452 : f32 to vector<128x128xf32>
    %mul3A_1454 = arith.mulf %add3A_1448, %mul3A_1453 : vector<128x128xf32>
    %erf3A_1455 = math.erf %mul3A_1454 : vector<128x128xf32>
    %add3A_1456 = arith.constant 1.000000e+00 : f32
    %add3A_1457 = vector.broadcast %add3A_1456 : f32 to vector<128x128xf32>
    %add3A_1458 = arith.addf %add3A_1457, %erf3A_1455 : vector<128x128xf32>
    %mul3A_1459 = arith.mulf %mul3A_1451, %add3A_1458 : vector<128x128xf32>
    %swap3A_1460 = arith.constant 0 : index
    %swap3A_1461 = arith.constant 640 : index
    %swap3A_1462 = vector.load %arg12[%swap3A_1460, %swap3A_1461] : memref<128x1792xf32, #tpu.memory_space<vmem>>, vector<128x128xf32>
    tpu.vector_store %arg12[%swap3A_1460, %swap3A_1461], %mul3A_1459 {strides = array<i32>} : memref<128x1792xf32, #tpu.memory_space<vmem>>, vector<128x128xf32>,
    %slice3A_1463 = vector.extract_strided_slice %get3A_1 {offsets = [768, 0], sizes = [128, 128], strides = [1, 1]} : vector<28672x128xf32> to vector<128x128xf32>
    %slice3A_1464 = vector.extract_strided_slice %get3A_1 {offsets = [2560, 0], sizes = [128, 128], strides = [1, 1]} : vector<28672x128xf32> to vector<128x128xf32>
    %slice3A_1465 = vector.extract_strided_slice %get3A_1 {offsets = [4352, 0], sizes = [128, 128], strides = [1, 1]} : vector<28672x128xf32> to vector<128x128xf32>
    %slice3A_1466 = vector.extract_strided_slice %get3A_1 {offsets = [6144, 0], sizes = [128, 128], strides = [1, 1]} : vector<28672x128xf32> to vector<128x128xf32>
    %concatenate3A_1467 = tpu.concatenate %slice3A_1463, %slice3A_1464, %slice3A_1465, %slice3A_1466 in 0 : vector<128x128xf32>, vector<128x128xf32>, vector<128x128xf32>, vector<128x128xf32> -> vector<512x128xf32>
    %get3A_1468 = arith.constant 0 : index
    %get3A_1469 = arith.constant 0 : index
    %get3A_1470 = vector.load %arg2[%get3A_1468, %get3A_1469] : memref<512x128xf32, #tpu.memory_space<vmem>>, vector<512x128xf32>
    %dot_general3A_1471 = arith.constant dense<0.000000e+00> : vector<128x128xf32>
    %dot_general3A_1472 = tpu.matmul %concatenate3A_1467, %get3A_1470, %dot_general3A_1471 {dimension_numbers = #tpu.dot_dimension_numbers<[0], [0], [1], [1], [0, 1, 1, 1], [], []>, transpose_lhs_hint = false} : vector<512x128xf32>, vector<512x128xf32>, vector<128x128xf32> -> vector<128x128xf32>
    %get3A_1473 = arith.constant 0 : index
    %get3A_1474 = arith.constant 0 : index
    %get3A_1475 = vector.load %arg3[%get3A_1473, %get3A_1474] : memref<1x128xf32, #tpu.memory_space<vmem>>, vector<1x128xf32>
    %add3A_1476 = vector.broadcast %get3A_1475 : vector<1x128xf32> to vector<128x128xf32>
    %add3A_1477 = arith.addf %dot_general3A_1472, %add3A_1476 : vector<128x128xf32>
    %dot_general3A_1478 = arith.constant dense<0.000000e+00> : vector<128x128xf32>
    %dot_general3A_1479 = tpu.matmul %add3A_1477, %get3A_4, %dot_general3A_1478 {dimension_numbers = #tpu.dot_dimension_numbers<[1], [0], [0], [1], [0, 0, 1, 1], [], []>, transpose_lhs_hint = false} : vector<128x128xf32>, vector<128x128xf32>, vector<128x128xf32> -> vector<128x128xf32>
    %mul3A_1480 = arith.mulf %add3A_1477, %add3A_1477 : vector<128x128xf32>
    %dot_general3A_1481 = arith.constant dense<0.000000e+00> : vector<128x128xf32>
    %dot_general3A_1482 = tpu.matmul %mul3A_1480, %get3A_4, %dot_general3A_1481 {dimension_numbers = #tpu.dot_dimension_numbers<[1], [0], [0], [1], [0, 0, 1, 1], [], []>, transpose_lhs_hint = false} : vector<128x128xf32>, vector<128x128xf32>, vector<128x128xf32> -> vector<128x128xf32>
    %mul3A_1483 = arith.mulf %dot_general3A_1479, %dot_general3A_1479 : vector<128x128xf32>
    %sub3A_1484 = arith.subf %dot_general3A_1482, %mul3A_1483 : vector<128x128xf32>
    %sub3A_1485 = arith.subf %add3A_1477, %dot_general3A_1479 : vector<128x128xf32>
    %add3A_1486 = arith.constant 9.99999974E-6 : f32
    %add3A_1487 = vector.broadcast %add3A_1486 : f32 to vector<128x128xf32>
    %add3A_1488 = arith.addf %sub3A_1484, %add3A_1487 : vector<128x128xf32>
    %rsqrt3A_1489 = math.rsqrt %add3A_1488 : vector<128x128xf32>
    %mul3A_1490 = arith.mulf %sub3A_1485, %rsqrt3A_1489 : vector<128x128xf32>
    %get3A_1491 = arith.constant 0 : index
    %get3A_1492 = arith.constant 0 : index
    %get3A_1493 = vector.load %arg4[%get3A_1491, %get3A_1492] : memref<1x128xf32, #tpu.memory_space<vmem>>, vector<1x128xf32>
    %mul3A_1494 = vector.broadcast %get3A_1493 : vector<1x128xf32> to vector<128x128xf32>
    %mul3A_1495 = arith.mulf %mul3A_1490, %mul3A_1494 : vector<128x128xf32>
    %get3A_1496 = arith.constant 0 : index
    %get3A_1497 = arith.constant 0 : index
    %get3A_1498 = vector.load %arg5[%get3A_1496, %get3A_1497] : memref<1x128xf32, #tpu.memory_space<vmem>>, vector<1x128xf32>
    %add3A_1499 = vector.broadcast %get3A_1498 : vector<1x128xf32> to vector<128x128xf32>
    %add3A_1500 = arith.addf %mul3A_1495, %add3A_1499 : vector<128x128xf32>
    %mul3A_1501 = arith.constant 5.000000e-01 : f32
    %mul3A_1502 = vector.broadcast %mul3A_1501 : f32 to vector<128x128xf32>
    %mul3A_1503 = arith.mulf %mul3A_1502, %add3A_1500 : vector<128x128xf32>
    %mul3A_1504 = arith.constant 0.707106769 : f32
    %mul3A_1505 = vector.broadcast %mul3A_1504 : f32 to vector<128x128xf32>
    %mul3A_1506 = arith.mulf %add3A_1500, %mul3A_1505 : vector<128x128xf32>
    %erf3A_1507 = math.erf %mul3A_1506 : vector<128x128xf32>
    %add3A_1508 = arith.constant 1.000000e+00 : f32
    %add3A_1509 = vector.broadcast %add3A_1508 : f32 to vector<128x128xf32>
    %add3A_1510 = arith.addf %add3A_1509, %erf3A_1507 : vector<128x128xf32>
    %mul3A_1511 = arith.mulf %mul3A_1503, %add3A_1510 : vector<128x128xf32>
    %slice3A_1512 = vector.extract_strided_slice %get3A_1 {offsets = [7936, 0], sizes = [128, 128], strides = [1, 1]} : vector<28672x128xf32> to vector<128x128xf32>
    %slice3A_1513 = vector.extract_strided_slice %get3A_1 {offsets = [9728, 0], sizes = [128, 128], strides = [1, 1]} : vector<28672x128xf32> to vector<128x128xf32>
    %slice3A_1514 = vector.extract_strided_slice %get3A_1 {offsets = [11520, 0], sizes = [128, 128], strides = [1, 1]} : vector<28672x128xf32> to vector<128x128xf32>
    %slice3A_1515 = vector.extract_strided_slice %get3A_1 {offsets = [13312, 0], sizes = [128, 128], strides = [1, 1]} : vector<28672x128xf32> to vector<128x128xf32>
    %concatenate3A_1516 = tpu.concatenate %slice3A_1512, %slice3A_1513, %slice3A_1514, %slice3A_1515 in 0 : vector<128x128xf32>, vector<128x128xf32>, vector<128x128xf32>, vector<128x128xf32> -> vector<512x128xf32>
    %get3A_1517 = arith.constant 0 : index
    %get3A_1518 = arith.constant 0 : index
    %get3A_1519 = vector.load %arg2[%get3A_1517, %get3A_1518] : memref<512x128xf32, #tpu.memory_space<vmem>>, vector<512x128xf32>
    %dot_general3A_1520 = arith.constant dense<0.000000e+00> : vector<128x128xf32>
    %dot_general3A_1521 = tpu.matmul %concatenate3A_1516, %get3A_1519, %dot_general3A_1520 {dimension_numbers = #tpu.dot_dimension_numbers<[0], [0], [1], [1], [0, 1, 1, 1], [], []>, transpose_lhs_hint = false} : vector<512x128xf32>, vector<512x128xf32>, vector<128x128xf32> -> vector<128x128xf32>
    %get3A_1522 = arith.constant 0 : index
    %get3A_1523 = arith.constant 0 : index
    %get3A_1524 = vector.load %arg3[%get3A_1522, %get3A_1523] : memref<1x128xf32, #tpu.memory_space<vmem>>, vector<1x128xf32>
    %add3A_1525 = vector.broadcast %get3A_1524 : vector<1x128xf32> to vector<128x128xf32>
    %add3A_1526 = arith.addf %dot_general3A_1521, %add3A_1525 : vector<128x128xf32>
    %dot_general3A_1527 = arith.constant dense<0.000000e+00> : vector<128x128xf32>
    %dot_general3A_1528 = tpu.matmul %add3A_1526, %get3A_4, %dot_general3A_1527 {dimension_numbers = #tpu.dot_dimension_numbers<[1], [0], [0], [1], [0, 0, 1, 1], [], []>, transpose_lhs_hint = false} : vector<128x128xf32>, vector<128x128xf32>, vector<128x128xf32> -> vector<128x128xf32>
    %mul3A_1529 = arith.mulf %add3A_1526, %add3A_1526 : vector<128x128xf32>
    %dot_general3A_1530 = arith.constant dense<0.000000e+00> : vector<128x128xf32>
    %dot_general3A_1531 = tpu.matmul %mul3A_1529, %get3A_4, %dot_general3A_1530 {dimension_numbers = #tpu.dot_dimension_numbers<[1], [0], [0], [1], [0, 0, 1, 1], [], []>, transpose_lhs_hint = false} : vector<128x128xf32>, vector<128x128xf32>, vector<128x128xf32> -> vector<128x128xf32>
    %mul3A_1532 = arith.mulf %dot_general3A_1528, %dot_general3A_1528 : vector<128x128xf32>
    %sub3A_1533 = arith.subf %dot_general3A_1531, %mul3A_1532 : vector<128x128xf32>
    %sub3A_1534 = arith.subf %add3A_1526, %dot_general3A_1528 : vector<128x128xf32>
    %add3A_1535 = arith.constant 9.99999974E-6 : f32
    %add3A_1536 = vector.broadcast %add3A_1535 : f32 to vector<128x128xf32>
    %add3A_1537 = arith.addf %sub3A_1533, %add3A_1536 : vector<128x128xf32>
    %rsqrt3A_1538 = math.rsqrt %add3A_1537 : vector<128x128xf32>
    %mul3A_1539 = arith.mulf %sub3A_1534, %rsqrt3A_1538 : vector<128x128xf32>
    %get3A_1540 = arith.constant 0 : index
    %get3A_1541 = arith.constant 0 : index
    %get3A_1542 = vector.load %arg4[%get3A_1540, %get3A_1541] : memref<1x128xf32, #tpu.memory_space<vmem>>, vector<1x128xf32>
    %mul3A_1543 = vector.broadcast %get3A_1542 : vector<1x128xf32> to vector<128x128xf32>
    %mul3A_1544 = arith.mulf %mul3A_1539, %mul3A_1543 : vector<128x128xf32>
    %get3A_1545 = arith.constant 0 : index
    %get3A_1546 = arith.constant 0 : index
    %get3A_1547 = vector.load %arg5[%get3A_1545, %get3A_1546] : memref<1x128xf32, #tpu.memory_space<vmem>>, vector<1x128xf32>
    %add3A_1548 = vector.broadcast %get3A_1547 : vector<1x128xf32> to vector<128x128xf32>
    %add3A_1549 = arith.addf %mul3A_1544, %add3A_1548 : vector<128x128xf32>
    %mul3A_1550 = arith.constant 5.000000e-01 : f32
    %mul3A_1551 = vector.broadcast %mul3A_1550 : f32 to vector<128x128xf32>
    %mul3A_1552 = arith.mulf %mul3A_1551, %add3A_1549 : vector<128x128xf32>
    %mul3A_1553 = arith.constant 0.707106769 : f32
    %mul3A_1554 = vector.broadcast %mul3A_1553 : f32 to vector<128x128xf32>
    %mul3A_1555 = arith.mulf %add3A_1549, %mul3A_1554 : vector<128x128xf32>
    %erf3A_1556 = math.erf %mul3A_1555 : vector<128x128xf32>
    %add3A_1557 = arith.constant 1.000000e+00 : f32
    %add3A_1558 = vector.broadcast %add3A_1557 : f32 to vector<128x128xf32>
    %add3A_1559 = arith.addf %add3A_1558, %erf3A_1556 : vector<128x128xf32>
    %mul3A_1560 = arith.mulf %mul3A_1552, %add3A_1559 : vector<128x128xf32>
    %slice3A_1561 = vector.extract_strided_slice %get3A_1 {offsets = [15104, 0], sizes = [128, 128], strides = [1, 1]} : vector<28672x128xf32> to vector<128x128xf32>
    %slice3A_1562 = vector.extract_strided_slice %get3A_1 {offsets = [16896, 0], sizes = [128, 128], strides = [1, 1]} : vector<28672x128xf32> to vector<128x128xf32>
    %slice3A_1563 = vector.extract_strided_slice %get3A_1 {offsets = [18688, 0], sizes = [128, 128], strides = [1, 1]} : vector<28672x128xf32> to vector<128x128xf32>
    %slice3A_1564 = vector.extract_strided_slice %get3A_1 {offsets = [20480, 0], sizes = [128, 128], strides = [1, 1]} : vector<28672x128xf32> to vector<128x128xf32>
    %concatenate3A_1565 = tpu.concatenate %slice3A_1561, %slice3A_1562, %slice3A_1563, %slice3A_1564 in 0 : vector<128x128xf32>, vector<128x128xf32>, vector<128x128xf32>, vector<128x128xf32> -> vector<512x128xf32>
    %get3A_1566 = arith.constant 0 : index
    %get3A_1567 = arith.constant 0 : index
    %get3A_1568 = vector.load %arg2[%get3A_1566, %get3A_1567] : memref<512x128xf32, #tpu.memory_space<vmem>>, vector<512x128xf32>
    %dot_general3A_1569 = arith.constant dense<0.000000e+00> : vector<128x128xf32>
    %dot_general3A_1570 = tpu.matmul %concatenate3A_1565, %get3A_1568, %dot_general3A_1569 {dimension_numbers = #tpu.dot_dimension_numbers<[0], [0], [1], [1], [0, 1, 1, 1], [], []>, transpose_lhs_hint = false} : vector<512x128xf32>, vector<512x128xf32>, vector<128x128xf32> -> vector<128x128xf32>
    %get3A_1571 = arith.constant 0 : index
    %get3A_1572 = arith.constant 0 : index
    %get3A_1573 = vector.load %arg3[%get3A_1571, %get3A_1572] : memref<1x128xf32, #tpu.memory_space<vmem>>, vector<1x128xf32>
    %add3A_1574 = vector.broadcast %get3A_1573 : vector<1x128xf32> to vector<128x128xf32>
    %add3A_1575 = arith.addf %dot_general3A_1570, %add3A_1574 : vector<128x128xf32>
    %dot_general3A_1576 = arith.constant dense<0.000000e+00> : vector<128x128xf32>
    %dot_general3A_1577 = tpu.matmul %add3A_1575, %get3A_4, %dot_general3A_1576 {dimension_numbers = #tpu.dot_dimension_numbers<[1], [0], [0], [1], [0, 0, 1, 1], [], []>, transpose_lhs_hint = false} : vector<128x128xf32>, vector<128x128xf32>, vector<128x128xf32> -> vector<128x128xf32>
    %mul3A_1578 = arith.mulf %add3A_1575, %add3A_1575 : vector<128x128xf32>
    %dot_general3A_1579 = arith.constant dense<0.000000e+00> : vector<128x128xf32>
    %dot_general3A_1580 = tpu.matmul %mul3A_1578, %get3A_4, %dot_general3A_1579 {dimension_numbers = #tpu.dot_dimension_numbers<[1], [0], [0], [1], [0, 0, 1, 1], [], []>, transpose_lhs_hint = false} : vector<128x128xf32>, vector<128x128xf32>, vector<128x128xf32> -> vector<128x128xf32>
    %mul3A_1581 = arith.mulf %dot_general3A_1577, %dot_general3A_1577 : vector<128x128xf32>
    %sub3A_1582 = arith.subf %dot_general3A_1580, %mul3A_1581 : vector<128x128xf32>
    %sub3A_1583 = arith.subf %add3A_1575, %dot_general3A_1577 : vector<128x128xf32>
    %add3A_1584 = arith.constant 9.99999974E-6 : f32
    %add3A_1585 = vector.broadcast %add3A_1584 : f32 to vector<128x128xf32>
    %add3A_1586 = arith.addf %sub3A_1582, %add3A_1585 : vector<128x128xf32>
    %rsqrt3A_1587 = math.rsqrt %add3A_1586 : vector<128x128xf32>
    %mul3A_1588 = arith.mulf %sub3A_1583, %rsqrt3A_1587 : vector<128x128xf32>
    %get3A_1589 = arith.constant 0 : index
    %get3A_1590 = arith.constant 0 : index
    %get3A_1591 = vector.load %arg4[%get3A_1589, %get3A_1590] : memref<1x128xf32, #tpu.memory_space<vmem>>, vector<1x128xf32>
    %mul3A_1592 = vector.broadcast %get3A_1591 : vector<1x128xf32> to vector<128x128xf32>
    %mul3A_1593 = arith.mulf %mul3A_1588, %mul3A_1592 : vector<128x128xf32>
    %get3A_1594 = arith.constant 0 : index
    %get3A_1595 = arith.constant 0 : index
    %get3A_1596 = vector.load %arg5[%get3A_1594, %get3A_1595] : memref<1x128xf32, #tpu.memory_space<vmem>>, vector<1x128xf32>
    %add3A_1597 = vector.broadcast %get3A_1596 : vector<1x128xf32> to vector<128x128xf32>
    %add3A_1598 = arith.addf %mul3A_1593, %add3A_1597 : vector<128x128xf32>
    %mul3A_1599 = arith.constant 5.000000e-01 : f32
    %mul3A_1600 = vector.broadcast %mul3A_1599 : f32 to vector<128x128xf32>
    %mul3A_1601 = arith.mulf %mul3A_1600, %add3A_1598 : vector<128x128xf32>
    %mul3A_1602 = arith.constant 0.707106769 : f32
    %mul3A_1603 = vector.broadcast %mul3A_1602 : f32 to vector<128x128xf32>
    %mul3A_1604 = arith.mulf %add3A_1598, %mul3A_1603 : vector<128x128xf32>
    %erf3A_1605 = math.erf %mul3A_1604 : vector<128x128xf32>
    %add3A_1606 = arith.constant 1.000000e+00 : f32
    %add3A_1607 = vector.broadcast %add3A_1606 : f32 to vector<128x128xf32>
    %add3A_1608 = arith.addf %add3A_1607, %erf3A_1605 : vector<128x128xf32>
    %mul3A_1609 = arith.mulf %mul3A_1601, %add3A_1608 : vector<128x128xf32>
    %slice3A_1610 = vector.extract_strided_slice %get3A_1 {offsets = [22272, 0], sizes = [128, 128], strides = [1, 1]} : vector<28672x128xf32> to vector<128x128xf32>
    %slice3A_1611 = vector.extract_strided_slice %get3A_1 {offsets = [24064, 0], sizes = [128, 128], strides = [1, 1]} : vector<28672x128xf32> to vector<128x128xf32>
    %slice3A_1612 = vector.extract_strided_slice %get3A_1 {offsets = [25856, 0], sizes = [128, 128], strides = [1, 1]} : vector<28672x128xf32> to vector<128x128xf32>
    %slice3A_1613 = vector.extract_strided_slice %get3A_1 {offsets = [27648, 0], sizes = [128, 128], strides = [1, 1]} : vector<28672x128xf32> to vector<128x128xf32>
    %concatenate3A_1614 = tpu.concatenate %slice3A_1610, %slice3A_1611, %slice3A_1612, %slice3A_1613 in 0 : vector<128x128xf32>, vector<128x128xf32>, vector<128x128xf32>, vector<128x128xf32> -> vector<512x128xf32>
    %get3A_1615 = arith.constant 0 : index
    %get3A_1616 = arith.constant 0 : index
    %get3A_1617 = vector.load %arg2[%get3A_1615, %get3A_1616] : memref<512x128xf32, #tpu.memory_space<vmem>>, vector<512x128xf32>
    %dot_general3A_1618 = arith.constant dense<0.000000e+00> : vector<128x128xf32>
    %dot_general3A_1619 = tpu.matmul %concatenate3A_1614, %get3A_1617, %dot_general3A_1618 {dimension_numbers = #tpu.dot_dimension_numbers<[0], [0], [1], [1], [0, 1, 1, 1], [], []>, transpose_lhs_hint = false} : vector<512x128xf32>, vector<512x128xf32>, vector<128x128xf32> -> vector<128x128xf32>
    %get3A_1620 = arith.constant 0 : index
    %get3A_1621 = arith.constant 0 : index
    %get3A_1622 = vector.load %arg3[%get3A_1620, %get3A_1621] : memref<1x128xf32, #tpu.memory_space<vmem>>, vector<1x128xf32>
    %add3A_1623 = vector.broadcast %get3A_1622 : vector<1x128xf32> to vector<128x128xf32>
    %add3A_1624 = arith.addf %dot_general3A_1619, %add3A_1623 : vector<128x128xf32>
    %dot_general3A_1625 = arith.constant dense<0.000000e+00> : vector<128x128xf32>
    %dot_general3A_1626 = tpu.matmul %add3A_1624, %get3A_4, %dot_general3A_1625 {dimension_numbers = #tpu.dot_dimension_numbers<[1], [0], [0], [1], [0, 0, 1, 1], [], []>, transpose_lhs_hint = false} : vector<128x128xf32>, vector<128x128xf32>, vector<128x128xf32> -> vector<128x128xf32>
    %mul3A_1627 = arith.mulf %add3A_1624, %add3A_1624 : vector<128x128xf32>
    %dot_general3A_1628 = arith.constant dense<0.000000e+00> : vector<128x128xf32>
    %dot_general3A_1629 = tpu.matmul %mul3A_1627, %get3A_4, %dot_general3A_1628 {dimension_numbers = #tpu.dot_dimension_numbers<[1], [0], [0], [1], [0, 0, 1, 1], [], []>, transpose_lhs_hint = false} : vector<128x128xf32>, vector<128x128xf32>, vector<128x128xf32> -> vector<128x128xf32>
    %mul3A_1630 = arith.mulf %dot_general3A_1626, %dot_general3A_1626 : vector<128x128xf32>
    %sub3A_1631 = arith.subf %dot_general3A_1629, %mul3A_1630 : vector<128x128xf32>
    %sub3A_1632 = arith.subf %add3A_1624, %dot_general3A_1626 : vector<128x128xf32>
    %add3A_1633 = arith.constant 9.99999974E-6 : f32
    %add3A_1634 = vector.broadcast %add3A_1633 : f32 to vector<128x128xf32>
    %add3A_1635 = arith.addf %sub3A_1631, %add3A_1634 : vector<128x128xf32>
    %rsqrt3A_1636 = math.rsqrt %add3A_1635 : vector<128x128xf32>
    %mul3A_1637 = arith.mulf %sub3A_1632, %rsqrt3A_1636 : vector<128x128xf32>
    %get3A_1638 = arith.constant 0 : index
    %get3A_1639 = arith.constant 0 : index
    %get3A_1640 = vector.load %arg4[%get3A_1638, %get3A_1639] : memref<1x128xf32, #tpu.memory_space<vmem>>, vector<1x128xf32>
    %mul3A_1641 = vector.broadcast %get3A_1640 : vector<1x128xf32> to vector<128x128xf32>
    %mul3A_1642 = arith.mulf %mul3A_1637, %mul3A_1641 : vector<128x128xf32>
    %get3A_1643 = arith.constant 0 : index
    %get3A_1644 = arith.constant 0 : index
    %get3A_1645 = vector.load %arg5[%get3A_1643, %get3A_1644] : memref<1x128xf32, #tpu.memory_space<vmem>>, vector<1x128xf32>
    %add3A_1646 = vector.broadcast %get3A_1645 : vector<1x128xf32> to vector<128x128xf32>
    %add3A_1647 = arith.addf %mul3A_1642, %add3A_1646 : vector<128x128xf32>
    %mul3A_1648 = arith.constant 5.000000e-01 : f32
    %mul3A_1649 = vector.broadcast %mul3A_1648 : f32 to vector<128x128xf32>
    %mul3A_1650 = arith.mulf %mul3A_1649, %add3A_1647 : vector<128x128xf32>
    %mul3A_1651 = arith.constant 0.707106769 : f32
    %mul3A_1652 = vector.broadcast %mul3A_1651 : f32 to vector<128x128xf32>
    %mul3A_1653 = arith.mulf %add3A_1647, %mul3A_1652 : vector<128x128xf32>
    %erf3A_1654 = math.erf %mul3A_1653 : vector<128x128xf32>
    %add3A_1655 = arith.constant 1.000000e+00 : f32
    %add3A_1656 = vector.broadcast %add3A_1655 : f32 to vector<128x128xf32>
    %add3A_1657 = arith.addf %add3A_1656, %erf3A_1654 : vector<128x128xf32>
    %mul3A_1658 = arith.mulf %mul3A_1650, %add3A_1657 : vector<128x128xf32>
    %concatenate3A_1659 = tpu.concatenate %mul3A_1511, %mul3A_1560, %mul3A_1609, %mul3A_1658 in 1 : vector<128x128xf32>, vector<128x128xf32>, vector<128x128xf32>, vector<128x128xf32> -> vector<128x512xf32>
    %get3A_1660 = arith.constant 0 : index
    %get3A_1661 = arith.constant 0 : index
    %get3A_1662 = vector.load %arg7[%get3A_1660, %get3A_1661] : memref<512x128xf32, #tpu.memory_space<vmem>>, vector<512x128xf32>
    %dot_general3A_1663 = arith.constant dense<0.000000e+00> : vector<128x128xf32>
    %dot_general3A_1664 = tpu.matmul %concatenate3A_1659, %get3A_1662, %dot_general3A_1663 {dimension_numbers = #tpu.dot_dimension_numbers<[1], [0], [0], [1], [0, 0, 1, 1], [], []>, transpose_lhs_hint = false} : vector<128x512xf32>, vector<512x128xf32>, vector<128x128xf32> -> vector<128x128xf32>
    %get3A_1665 = arith.constant 0 : index
    %get3A_1666 = arith.constant 0 : index
    %get3A_1667 = vector.load %arg8[%get3A_1665, %get3A_1666] : memref<1x128xf32, #tpu.memory_space<vmem>>, vector<1x128xf32>
    %add3A_1668 = vector.broadcast %get3A_1667 : vector<1x128xf32> to vector<128x128xf32>
    %add3A_1669 = arith.addf %dot_general3A_1664, %add3A_1668 : vector<128x128xf32>
    %dot_general3A_1670 = arith.constant dense<0.000000e+00> : vector<128x128xf32>
    %dot_general3A_1671 = tpu.matmul %add3A_1669, %get3A_7, %dot_general3A_1670 {dimension_numbers = #tpu.dot_dimension_numbers<[1], [0], [0], [1], [0, 0, 1, 1], [], []>, transpose_lhs_hint = false} : vector<128x128xf32>, vector<128x128xf32>, vector<128x128xf32> -> vector<128x128xf32>
    %mul3A_1672 = arith.mulf %add3A_1669, %add3A_1669 : vector<128x128xf32>
    %dot_general3A_1673 = arith.constant dense<0.000000e+00> : vector<128x128xf32>
    %dot_general3A_1674 = tpu.matmul %mul3A_1672, %get3A_7, %dot_general3A_1673 {dimension_numbers = #tpu.dot_dimension_numbers<[1], [0], [0], [1], [0, 0, 1, 1], [], []>, transpose_lhs_hint = false} : vector<128x128xf32>, vector<128x128xf32>, vector<128x128xf32> -> vector<128x128xf32>
    %sub3A_1675 = arith.subf %add3A_1669, %dot_general3A_1671 : vector<128x128xf32>
    %mul3A_1676 = arith.mulf %dot_general3A_1671, %dot_general3A_1671 : vector<128x128xf32>
    %sub3A_1677 = arith.subf %dot_general3A_1674, %mul3A_1676 : vector<128x128xf32>
    %add3A_1678 = arith.constant 9.99999974E-6 : f32
    %add3A_1679 = vector.broadcast %add3A_1678 : f32 to vector<128x128xf32>
    %add3A_1680 = arith.addf %sub3A_1677, %add3A_1679 : vector<128x128xf32>
    %rsqrt3A_1681 = math.rsqrt %add3A_1680 : vector<128x128xf32>
    %mul3A_1682 = arith.mulf %sub3A_1675, %rsqrt3A_1681 : vector<128x128xf32>
    %get3A_1683 = arith.constant 0 : index
    %get3A_1684 = arith.constant 0 : index
    %get3A_1685 = vector.load %arg9[%get3A_1683, %get3A_1684] : memref<1x128xf32, #tpu.memory_space<vmem>>, vector<1x128xf32>
    %mul3A_1686 = vector.broadcast %get3A_1685 : vector<1x128xf32> to vector<128x128xf32>
    %mul3A_1687 = arith.mulf %mul3A_1682, %mul3A_1686 : vector<128x128xf32>
    %get3A_1688 = arith.constant 0 : index
    %get3A_1689 = arith.constant 0 : index
    %get3A_1690 = vector.load %arg10[%get3A_1688, %get3A_1689] : memref<1x128xf32, #tpu.memory_space<vmem>>, vector<1x128xf32>
    %add3A_1691 = vector.broadcast %get3A_1690 : vector<1x128xf32> to vector<128x128xf32>
    %add3A_1692 = arith.addf %mul3A_1687, %add3A_1691 : vector<128x128xf32>
    %mul3A_1693 = arith.constant 5.000000e-01 : f32
    %mul3A_1694 = vector.broadcast %mul3A_1693 : f32 to vector<128x128xf32>
    %mul3A_1695 = arith.mulf %mul3A_1694, %add3A_1692 : vector<128x128xf32>
    %mul3A_1696 = arith.constant 0.707106769 : f32
    %mul3A_1697 = vector.broadcast %mul3A_1696 : f32 to vector<128x128xf32>
    %mul3A_1698 = arith.mulf %add3A_1692, %mul3A_1697 : vector<128x128xf32>
    %erf3A_1699 = math.erf %mul3A_1698 : vector<128x128xf32>
    %add3A_1700 = arith.constant 1.000000e+00 : f32
    %add3A_1701 = vector.broadcast %add3A_1700 : f32 to vector<128x128xf32>
    %add3A_1702 = arith.addf %add3A_1701, %erf3A_1699 : vector<128x128xf32>
    %mul3A_1703 = arith.mulf %mul3A_1695, %add3A_1702 : vector<128x128xf32>
    %swap3A_1704 = arith.constant 0 : index
    %swap3A_1705 = arith.constant 768 : index
    %swap3A_1706 = vector.load %arg12[%swap3A_1704, %swap3A_1705] : memref<128x1792xf32, #tpu.memory_space<vmem>>, vector<128x128xf32>
    tpu.vector_store %arg12[%swap3A_1704, %swap3A_1705], %mul3A_1703 {strides = array<i32>} : memref<128x1792xf32, #tpu.memory_space<vmem>>, vector<128x128xf32>,
    %slice3A_1707 = vector.extract_strided_slice %get3A_1 {offsets = [896, 0], sizes = [128, 128], strides = [1, 1]} : vector<28672x128xf32> to vector<128x128xf32>
    %slice3A_1708 = vector.extract_strided_slice %get3A_1 {offsets = [2688, 0], sizes = [128, 128], strides = [1, 1]} : vector<28672x128xf32> to vector<128x128xf32>
    %slice3A_1709 = vector.extract_strided_slice %get3A_1 {offsets = [4480, 0], sizes = [128, 128], strides = [1, 1]} : vector<28672x128xf32> to vector<128x128xf32>
    %slice3A_1710 = vector.extract_strided_slice %get3A_1 {offsets = [6272, 0], sizes = [128, 128], strides = [1, 1]} : vector<28672x128xf32> to vector<128x128xf32>
    %concatenate3A_1711 = tpu.concatenate %slice3A_1707, %slice3A_1708, %slice3A_1709, %slice3A_1710 in 0 : vector<128x128xf32>, vector<128x128xf32>, vector<128x128xf32>, vector<128x128xf32> -> vector<512x128xf32>
    %get3A_1712 = arith.constant 0 : index
    %get3A_1713 = arith.constant 0 : index
    %get3A_1714 = vector.load %arg2[%get3A_1712, %get3A_1713] : memref<512x128xf32, #tpu.memory_space<vmem>>, vector<512x128xf32>
    %dot_general3A_1715 = arith.constant dense<0.000000e+00> : vector<128x128xf32>
    %dot_general3A_1716 = tpu.matmul %concatenate3A_1711, %get3A_1714, %dot_general3A_1715 {dimension_numbers = #tpu.dot_dimension_numbers<[0], [0], [1], [1], [0, 1, 1, 1], [], []>, transpose_lhs_hint = false} : vector<512x128xf32>, vector<512x128xf32>, vector<128x128xf32> -> vector<128x128xf32>
    %get3A_1717 = arith.constant 0 : index
    %get3A_1718 = arith.constant 0 : index
    %get3A_1719 = vector.load %arg3[%get3A_1717, %get3A_1718] : memref<1x128xf32, #tpu.memory_space<vmem>>, vector<1x128xf32>
    %add3A_1720 = vector.broadcast %get3A_1719 : vector<1x128xf32> to vector<128x128xf32>
    %add3A_1721 = arith.addf %dot_general3A_1716, %add3A_1720 : vector<128x128xf32>
    %dot_general3A_1722 = arith.constant dense<0.000000e+00> : vector<128x128xf32>
    %dot_general3A_1723 = tpu.matmul %add3A_1721, %get3A_4, %dot_general3A_1722 {dimension_numbers = #tpu.dot_dimension_numbers<[1], [0], [0], [1], [0, 0, 1, 1], [], []>, transpose_lhs_hint = false} : vector<128x128xf32>, vector<128x128xf32>, vector<128x128xf32> -> vector<128x128xf32>
    %mul3A_1724 = arith.mulf %add3A_1721, %add3A_1721 : vector<128x128xf32>
    %dot_general3A_1725 = arith.constant dense<0.000000e+00> : vector<128x128xf32>
    %dot_general3A_1726 = tpu.matmul %mul3A_1724, %get3A_4, %dot_general3A_1725 {dimension_numbers = #tpu.dot_dimension_numbers<[1], [0], [0], [1], [0, 0, 1, 1], [], []>, transpose_lhs_hint = false} : vector<128x128xf32>, vector<128x128xf32>, vector<128x128xf32> -> vector<128x128xf32>
    %mul3A_1727 = arith.mulf %dot_general3A_1723, %dot_general3A_1723 : vector<128x128xf32>
    %sub3A_1728 = arith.subf %dot_general3A_1726, %mul3A_1727 : vector<128x128xf32>
    %sub3A_1729 = arith.subf %add3A_1721, %dot_general3A_1723 : vector<128x128xf32>
    %add3A_1730 = arith.constant 9.99999974E-6 : f32
    %add3A_1731 = vector.broadcast %add3A_1730 : f32 to vector<128x128xf32>
    %add3A_1732 = arith.addf %sub3A_1728, %add3A_1731 : vector<128x128xf32>
    %rsqrt3A_1733 = math.rsqrt %add3A_1732 : vector<128x128xf32>
    %mul3A_1734 = arith.mulf %sub3A_1729, %rsqrt3A_1733 : vector<128x128xf32>
    %get3A_1735 = arith.constant 0 : index
    %get3A_1736 = arith.constant 0 : index
    %get3A_1737 = vector.load %arg4[%get3A_1735, %get3A_1736] : memref<1x128xf32, #tpu.memory_space<vmem>>, vector<1x128xf32>
    %mul3A_1738 = vector.broadcast %get3A_1737 : vector<1x128xf32> to vector<128x128xf32>
    %mul3A_1739 = arith.mulf %mul3A_1734, %mul3A_1738 : vector<128x128xf32>
    %get3A_1740 = arith.constant 0 : index
    %get3A_1741 = arith.constant 0 : index
    %get3A_1742 = vector.load %arg5[%get3A_1740, %get3A_1741] : memref<1x128xf32, #tpu.memory_space<vmem>>, vector<1x128xf32>
    %add3A_1743 = vector.broadcast %get3A_1742 : vector<1x128xf32> to vector<128x128xf32>
    %add3A_1744 = arith.addf %mul3A_1739, %add3A_1743 : vector<128x128xf32>
    %mul3A_1745 = arith.constant 5.000000e-01 : f32
    %mul3A_1746 = vector.broadcast %mul3A_1745 : f32 to vector<128x128xf32>
    %mul3A_1747 = arith.mulf %mul3A_1746, %add3A_1744 : vector<128x128xf32>
    %mul3A_1748 = arith.constant 0.707106769 : f32
    %mul3A_1749 = vector.broadcast %mul3A_1748 : f32 to vector<128x128xf32>
    %mul3A_1750 = arith.mulf %add3A_1744, %mul3A_1749 : vector<128x128xf32>
    %erf3A_1751 = math.erf %mul3A_1750 : vector<128x128xf32>
    %add3A_1752 = arith.constant 1.000000e+00 : f32
    %add3A_1753 = vector.broadcast %add3A_1752 : f32 to vector<128x128xf32>
    %add3A_1754 = arith.addf %add3A_1753, %erf3A_1751 : vector<128x128xf32>
    %mul3A_1755 = arith.mulf %mul3A_1747, %add3A_1754 : vector<128x128xf32>
    %slice3A_1756 = vector.extract_strided_slice %get3A_1 {offsets = [8064, 0], sizes = [128, 128], strides = [1, 1]} : vector<28672x128xf32> to vector<128x128xf32>
    %slice3A_1757 = vector.extract_strided_slice %get3A_1 {offsets = [9856, 0], sizes = [128, 128], strides = [1, 1]} : vector<28672x128xf32> to vector<128x128xf32>
    %slice3A_1758 = vector.extract_strided_slice %get3A_1 {offsets = [11648, 0], sizes = [128, 128], strides = [1, 1]} : vector<28672x128xf32> to vector<128x128xf32>
    %slice3A_1759 = vector.extract_strided_slice %get3A_1 {offsets = [13440, 0], sizes = [128, 128], strides = [1, 1]} : vector<28672x128xf32> to vector<128x128xf32>
    %concatenate3A_1760 = tpu.concatenate %slice3A_1756, %slice3A_1757, %slice3A_1758, %slice3A_1759 in 0 : vector<128x128xf32>, vector<128x128xf32>, vector<128x128xf32>, vector<128x128xf32> -> vector<512x128xf32>
    %get3A_1761 = arith.constant 0 : index
    %get3A_1762 = arith.constant 0 : index
    %get3A_1763 = vector.load %arg2[%get3A_1761, %get3A_1762] : memref<512x128xf32, #tpu.memory_space<vmem>>, vector<512x128xf32>
    %dot_general3A_1764 = arith.constant dense<0.000000e+00> : vector<128x128xf32>
    %dot_general3A_1765 = tpu.matmul %concatenate3A_1760, %get3A_1763, %dot_general3A_1764 {dimension_numbers = #tpu.dot_dimension_numbers<[0], [0], [1], [1], [0, 1, 1, 1], [], []>, transpose_lhs_hint = false} : vector<512x128xf32>, vector<512x128xf32>, vector<128x128xf32> -> vector<128x128xf32>
    %get3A_1766 = arith.constant 0 : index
    %get3A_1767 = arith.constant 0 : index
    %get3A_1768 = vector.load %arg3[%get3A_1766, %get3A_1767] : memref<1x128xf32, #tpu.memory_space<vmem>>, vector<1x128xf32>
    %add3A_1769 = vector.broadcast %get3A_1768 : vector<1x128xf32> to vector<128x128xf32>
    %add3A_1770 = arith.addf %dot_general3A_1765, %add3A_1769 : vector<128x128xf32>
    %dot_general3A_1771 = arith.constant dense<0.000000e+00> : vector<128x128xf32>
    %dot_general3A_1772 = tpu.matmul %add3A_1770, %get3A_4, %dot_general3A_1771 {dimension_numbers = #tpu.dot_dimension_numbers<[1], [0], [0], [1], [0, 0, 1, 1], [], []>, transpose_lhs_hint = false} : vector<128x128xf32>, vector<128x128xf32>, vector<128x128xf32> -> vector<128x128xf32>
    %mul3A_1773 = arith.mulf %add3A_1770, %add3A_1770 : vector<128x128xf32>
    %dot_general3A_1774 = arith.constant dense<0.000000e+00> : vector<128x128xf32>
    %dot_general3A_1775 = tpu.matmul %mul3A_1773, %get3A_4, %dot_general3A_1774 {dimension_numbers = #tpu.dot_dimension_numbers<[1], [0], [0], [1], [0, 0, 1, 1], [], []>, transpose_lhs_hint = false} : vector<128x128xf32>, vector<128x128xf32>, vector<128x128xf32> -> vector<128x128xf32>
    %mul3A_1776 = arith.mulf %dot_general3A_1772, %dot_general3A_1772 : vector<128x128xf32>
    %sub3A_1777 = arith.subf %dot_general3A_1775, %mul3A_1776 : vector<128x128xf32>
    %sub3A_1778 = arith.subf %add3A_1770, %dot_general3A_1772 : vector<128x128xf32>
    %add3A_1779 = arith.constant 9.99999974E-6 : f32
    %add3A_1780 = vector.broadcast %add3A_1779 : f32 to vector<128x128xf32>
    %add3A_1781 = arith.addf %sub3A_1777, %add3A_1780 : vector<128x128xf32>
    %rsqrt3A_1782 = math.rsqrt %add3A_1781 : vector<128x128xf32>
    %mul3A_1783 = arith.mulf %sub3A_1778, %rsqrt3A_1782 : vector<128x128xf32>
    %get3A_1784 = arith.constant 0 : index
    %get3A_1785 = arith.constant 0 : index
    %get3A_1786 = vector.load %arg4[%get3A_1784, %get3A_1785] : memref<1x128xf32, #tpu.memory_space<vmem>>, vector<1x128xf32>
    %mul3A_1787 = vector.broadcast %get3A_1786 : vector<1x128xf32> to vector<128x128xf32>
    %mul3A_1788 = arith.mulf %mul3A_1783, %mul3A_1787 : vector<128x128xf32>
    %get3A_1789 = arith.constant 0 : index
    %get3A_1790 = arith.constant 0 : index
    %get3A_1791 = vector.load %arg5[%get3A_1789, %get3A_1790] : memref<1x128xf32, #tpu.memory_space<vmem>>, vector<1x128xf32>
    %add3A_1792 = vector.broadcast %get3A_1791 : vector<1x128xf32> to vector<128x128xf32>
    %add3A_1793 = arith.addf %mul3A_1788, %add3A_1792 : vector<128x128xf32>
    %mul3A_1794 = arith.constant 5.000000e-01 : f32
    %mul3A_1795 = vector.broadcast %mul3A_1794 : f32 to vector<128x128xf32>
    %mul3A_1796 = arith.mulf %mul3A_1795, %add3A_1793 : vector<128x128xf32>
    %mul3A_1797 = arith.constant 0.707106769 : f32
    %mul3A_1798 = vector.broadcast %mul3A_1797 : f32 to vector<128x128xf32>
    %mul3A_1799 = arith.mulf %add3A_1793, %mul3A_1798 : vector<128x128xf32>
    %erf3A_1800 = math.erf %mul3A_1799 : vector<128x128xf32>
    %add3A_1801 = arith.constant 1.000000e+00 : f32
    %add3A_1802 = vector.broadcast %add3A_1801 : f32 to vector<128x128xf32>
    %add3A_1803 = arith.addf %add3A_1802, %erf3A_1800 : vector<128x128xf32>
    %mul3A_1804 = arith.mulf %mul3A_1796, %add3A_1803 : vector<128x128xf32>
    %slice3A_1805 = vector.extract_strided_slice %get3A_1 {offsets = [15232, 0], sizes = [128, 128], strides = [1, 1]} : vector<28672x128xf32> to vector<128x128xf32>
    %slice3A_1806 = vector.extract_strided_slice %get3A_1 {offsets = [17024, 0], sizes = [128, 128], strides = [1, 1]} : vector<28672x128xf32> to vector<128x128xf32>
    %slice3A_1807 = vector.extract_strided_slice %get3A_1 {offsets = [18816, 0], sizes = [128, 128], strides = [1, 1]} : vector<28672x128xf32> to vector<128x128xf32>
    %slice3A_1808 = vector.extract_strided_slice %get3A_1 {offsets = [20608, 0], sizes = [128, 128], strides = [1, 1]} : vector<28672x128xf32> to vector<128x128xf32>
    %concatenate3A_1809 = tpu.concatenate %slice3A_1805, %slice3A_1806, %slice3A_1807, %slice3A_1808 in 0 : vector<128x128xf32>, vector<128x128xf32>, vector<128x128xf32>, vector<128x128xf32> -> vector<512x128xf32>
    %get3A_1810 = arith.constant 0 : index
    %get3A_1811 = arith.constant 0 : index
    %get3A_1812 = vector.load %arg2[%get3A_1810, %get3A_1811] : memref<512x128xf32, #tpu.memory_space<vmem>>, vector<512x128xf32>
    %dot_general3A_1813 = arith.constant dense<0.000000e+00> : vector<128x128xf32>
    %dot_general3A_1814 = tpu.matmul %concatenate3A_1809, %get3A_1812, %dot_general3A_1813 {dimension_numbers = #tpu.dot_dimension_numbers<[0], [0], [1], [1], [0, 1, 1, 1], [], []>, transpose_lhs_hint = false} : vector<512x128xf32>, vector<512x128xf32>, vector<128x128xf32> -> vector<128x128xf32>
    %get3A_1815 = arith.constant 0 : index
    %get3A_1816 = arith.constant 0 : index
    %get3A_1817 = vector.load %arg3[%get3A_1815, %get3A_1816] : memref<1x128xf32, #tpu.memory_space<vmem>>, vector<1x128xf32>
    %add3A_1818 = vector.broadcast %get3A_1817 : vector<1x128xf32> to vector<128x128xf32>
    %add3A_1819 = arith.addf %dot_general3A_1814, %add3A_1818 : vector<128x128xf32>
    %dot_general3A_1820 = arith.constant dense<0.000000e+00> : vector<128x128xf32>
    %dot_general3A_1821 = tpu.matmul %add3A_1819, %get3A_4, %dot_general3A_1820 {dimension_numbers = #tpu.dot_dimension_numbers<[1], [0], [0], [1], [0, 0, 1, 1], [], []>, transpose_lhs_hint = false} : vector<128x128xf32>, vector<128x128xf32>, vector<128x128xf32> -> vector<128x128xf32>
    %mul3A_1822 = arith.mulf %add3A_1819, %add3A_1819 : vector<128x128xf32>
    %dot_general3A_1823 = arith.constant dense<0.000000e+00> : vector<128x128xf32>
    %dot_general3A_1824 = tpu.matmul %mul3A_1822, %get3A_4, %dot_general3A_1823 {dimension_numbers = #tpu.dot_dimension_numbers<[1], [0], [0], [1], [0, 0, 1, 1], [], []>, transpose_lhs_hint = false} : vector<128x128xf32>, vector<128x128xf32>, vector<128x128xf32> -> vector<128x128xf32>
    %mul3A_1825 = arith.mulf %dot_general3A_1821, %dot_general3A_1821 : vector<128x128xf32>
    %sub3A_1826 = arith.subf %dot_general3A_1824, %mul3A_1825 : vector<128x128xf32>
    %sub3A_1827 = arith.subf %add3A_1819, %dot_general3A_1821 : vector<128x128xf32>
    %add3A_1828 = arith.constant 9.99999974E-6 : f32
    %add3A_1829 = vector.broadcast %add3A_1828 : f32 to vector<128x128xf32>
    %add3A_1830 = arith.addf %sub3A_1826, %add3A_1829 : vector<128x128xf32>
    %rsqrt3A_1831 = math.rsqrt %add3A_1830 : vector<128x128xf32>
    %mul3A_1832 = arith.mulf %sub3A_1827, %rsqrt3A_1831 : vector<128x128xf32>
    %get3A_1833 = arith.constant 0 : index
    %get3A_1834 = arith.constant 0 : index
    %get3A_1835 = vector.load %arg4[%get3A_1833, %get3A_1834] : memref<1x128xf32, #tpu.memory_space<vmem>>, vector<1x128xf32>
    %mul3A_1836 = vector.broadcast %get3A_1835 : vector<1x128xf32> to vector<128x128xf32>
    %mul3A_1837 = arith.mulf %mul3A_1832, %mul3A_1836 : vector<128x128xf32>
    %get3A_1838 = arith.constant 0 : index
    %get3A_1839 = arith.constant 0 : index
    %get3A_1840 = vector.load %arg5[%get3A_1838, %get3A_1839] : memref<1x128xf32, #tpu.memory_space<vmem>>, vector<1x128xf32>
    %add3A_1841 = vector.broadcast %get3A_1840 : vector<1x128xf32> to vector<128x128xf32>
    %add3A_1842 = arith.addf %mul3A_1837, %add3A_1841 : vector<128x128xf32>
    %mul3A_1843 = arith.constant 5.000000e-01 : f32
    %mul3A_1844 = vector.broadcast %mul3A_1843 : f32 to vector<128x128xf32>
    %mul3A_1845 = arith.mulf %mul3A_1844, %add3A_1842 : vector<128x128xf32>
    %mul3A_1846 = arith.constant 0.707106769 : f32
    %mul3A_1847 = vector.broadcast %mul3A_1846 : f32 to vector<128x128xf32>
    %mul3A_1848 = arith.mulf %add3A_1842, %mul3A_1847 : vector<128x128xf32>
    %erf3A_1849 = math.erf %mul3A_1848 : vector<128x128xf32>
    %add3A_1850 = arith.constant 1.000000e+00 : f32
    %add3A_1851 = vector.broadcast %add3A_1850 : f32 to vector<128x128xf32>
    %add3A_1852 = arith.addf %add3A_1851, %erf3A_1849 : vector<128x128xf32>
    %mul3A_1853 = arith.mulf %mul3A_1845, %add3A_1852 : vector<128x128xf32>
    %slice3A_1854 = vector.extract_strided_slice %get3A_1 {offsets = [22400, 0], sizes = [128, 128], strides = [1, 1]} : vector<28672x128xf32> to vector<128x128xf32>
    %slice3A_1855 = vector.extract_strided_slice %get3A_1 {offsets = [24192, 0], sizes = [128, 128], strides = [1, 1]} : vector<28672x128xf32> to vector<128x128xf32>
    %slice3A_1856 = vector.extract_strided_slice %get3A_1 {offsets = [25984, 0], sizes = [128, 128], strides = [1, 1]} : vector<28672x128xf32> to vector<128x128xf32>
    %slice3A_1857 = vector.extract_strided_slice %get3A_1 {offsets = [27776, 0], sizes = [128, 128], strides = [1, 1]} : vector<28672x128xf32> to vector<128x128xf32>
    %concatenate3A_1858 = tpu.concatenate %slice3A_1854, %slice3A_1855, %slice3A_1856, %slice3A_1857 in 0 : vector<128x128xf32>, vector<128x128xf32>, vector<128x128xf32>, vector<128x128xf32> -> vector<512x128xf32>
    %get3A_1859 = arith.constant 0 : index
    %get3A_1860 = arith.constant 0 : index
    %get3A_1861 = vector.load %arg2[%get3A_1859, %get3A_1860] : memref<512x128xf32, #tpu.memory_space<vmem>>, vector<512x128xf32>
    %dot_general3A_1862 = arith.constant dense<0.000000e+00> : vector<128x128xf32>
    %dot_general3A_1863 = tpu.matmul %concatenate3A_1858, %get3A_1861, %dot_general3A_1862 {dimension_numbers = #tpu.dot_dimension_numbers<[0], [0], [1], [1], [0, 1, 1, 1], [], []>, transpose_lhs_hint = false} : vector<512x128xf32>, vector<512x128xf32>, vector<128x128xf32> -> vector<128x128xf32>
    %get3A_1864 = arith.constant 0 : index
    %get3A_1865 = arith.constant 0 : index
    %get3A_1866 = vector.load %arg3[%get3A_1864, %get3A_1865] : memref<1x128xf32, #tpu.memory_space<vmem>>, vector<1x128xf32>
    %add3A_1867 = vector.broadcast %get3A_1866 : vector<1x128xf32> to vector<128x128xf32>
    %add3A_1868 = arith.addf %dot_general3A_1863, %add3A_1867 : vector<128x128xf32>
    %dot_general3A_1869 = arith.constant dense<0.000000e+00> : vector<128x128xf32>
    %dot_general3A_1870 = tpu.matmul %add3A_1868, %get3A_4, %dot_general3A_1869 {dimension_numbers = #tpu.dot_dimension_numbers<[1], [0], [0], [1], [0, 0, 1, 1], [], []>, transpose_lhs_hint = false} : vector<128x128xf32>, vector<128x128xf32>, vector<128x128xf32> -> vector<128x128xf32>
    %mul3A_1871 = arith.mulf %add3A_1868, %add3A_1868 : vector<128x128xf32>
    %dot_general3A_1872 = arith.constant dense<0.000000e+00> : vector<128x128xf32>
    %dot_general3A_1873 = tpu.matmul %mul3A_1871, %get3A_4, %dot_general3A_1872 {dimension_numbers = #tpu.dot_dimension_numbers<[1], [0], [0], [1], [0, 0, 1, 1], [], []>, transpose_lhs_hint = false} : vector<128x128xf32>, vector<128x128xf32>, vector<128x128xf32> -> vector<128x128xf32>
    %mul3A_1874 = arith.mulf %dot_general3A_1870, %dot_general3A_1870 : vector<128x128xf32>
    %sub3A_1875 = arith.subf %dot_general3A_1873, %mul3A_1874 : vector<128x128xf32>
    %sub3A_1876 = arith.subf %add3A_1868, %dot_general3A_1870 : vector<128x128xf32>
    %add3A_1877 = arith.constant 9.99999974E-6 : f32
    %add3A_1878 = vector.broadcast %add3A_1877 : f32 to vector<128x128xf32>
    %add3A_1879 = arith.addf %sub3A_1875, %add3A_1878 : vector<128x128xf32>
    %rsqrt3A_1880 = math.rsqrt %add3A_1879 : vector<128x128xf32>
    %mul3A_1881 = arith.mulf %sub3A_1876, %rsqrt3A_1880 : vector<128x128xf32>
    %get3A_1882 = arith.constant 0 : index
    %get3A_1883 = arith.constant 0 : index
    %get3A_1884 = vector.load %arg4[%get3A_1882, %get3A_1883] : memref<1x128xf32, #tpu.memory_space<vmem>>, vector<1x128xf32>
    %mul3A_1885 = vector.broadcast %get3A_1884 : vector<1x128xf32> to vector<128x128xf32>
    %mul3A_1886 = arith.mulf %mul3A_1881, %mul3A_1885 : vector<128x128xf32>
    %get3A_1887 = arith.constant 0 : index
    %get3A_1888 = arith.constant 0 : index
    %get3A_1889 = vector.load %arg5[%get3A_1887, %get3A_1888] : memref<1x128xf32, #tpu.memory_space<vmem>>, vector<1x128xf32>
    %add3A_1890 = vector.broadcast %get3A_1889 : vector<1x128xf32> to vector<128x128xf32>
    %add3A_1891 = arith.addf %mul3A_1886, %add3A_1890 : vector<128x128xf32>
    %mul3A_1892 = arith.constant 5.000000e-01 : f32
    %mul3A_1893 = vector.broadcast %mul3A_1892 : f32 to vector<128x128xf32>
    %mul3A_1894 = arith.mulf %mul3A_1893, %add3A_1891 : vector<128x128xf32>
    %mul3A_1895 = arith.constant 0.707106769 : f32
    %mul3A_1896 = vector.broadcast %mul3A_1895 : f32 to vector<128x128xf32>
    %mul3A_1897 = arith.mulf %add3A_1891, %mul3A_1896 : vector<128x128xf32>
    %erf3A_1898 = math.erf %mul3A_1897 : vector<128x128xf32>
    %add3A_1899 = arith.constant 1.000000e+00 : f32
    %add3A_1900 = vector.broadcast %add3A_1899 : f32 to vector<128x128xf32>
    %add3A_1901 = arith.addf %add3A_1900, %erf3A_1898 : vector<128x128xf32>
    %mul3A_1902 = arith.mulf %mul3A_1894, %add3A_1901 : vector<128x128xf32>
    %concatenate3A_1903 = tpu.concatenate %mul3A_1755, %mul3A_1804, %mul3A_1853, %mul3A_1902 in 1 : vector<128x128xf32>, vector<128x128xf32>, vector<128x128xf32>, vector<128x128xf32> -> vector<128x512xf32>
    %get3A_1904 = arith.constant 0 : index
    %get3A_1905 = arith.constant 0 : index
    %get3A_1906 = vector.load %arg7[%get3A_1904, %get3A_1905] : memref<512x128xf32, #tpu.memory_space<vmem>>, vector<512x128xf32>
    %dot_general3A_1907 = arith.constant dense<0.000000e+00> : vector<128x128xf32>
    %dot_general3A_1908 = tpu.matmul %concatenate3A_1903, %get3A_1906, %dot_general3A_1907 {dimension_numbers = #tpu.dot_dimension_numbers<[1], [0], [0], [1], [0, 0, 1, 1], [], []>, transpose_lhs_hint = false} : vector<128x512xf32>, vector<512x128xf32>, vector<128x128xf32> -> vector<128x128xf32>
    %get3A_1909 = arith.constant 0 : index
    %get3A_1910 = arith.constant 0 : index
    %get3A_1911 = vector.load %arg8[%get3A_1909, %get3A_1910] : memref<1x128xf32, #tpu.memory_space<vmem>>, vector<1x128xf32>
    %add3A_1912 = vector.broadcast %get3A_1911 : vector<1x128xf32> to vector<128x128xf32>
    %add3A_1913 = arith.addf %dot_general3A_1908, %add3A_1912 : vector<128x128xf32>
    %dot_general3A_1914 = arith.constant dense<0.000000e+00> : vector<128x128xf32>
    %dot_general3A_1915 = tpu.matmul %add3A_1913, %get3A_7, %dot_general3A_1914 {dimension_numbers = #tpu.dot_dimension_numbers<[1], [0], [0], [1], [0, 0, 1, 1], [], []>, transpose_lhs_hint = false} : vector<128x128xf32>, vector<128x128xf32>, vector<128x128xf32> -> vector<128x128xf32>
    %mul3A_1916 = arith.mulf %add3A_1913, %add3A_1913 : vector<128x128xf32>
    %dot_general3A_1917 = arith.constant dense<0.000000e+00> : vector<128x128xf32>
    %dot_general3A_1918 = tpu.matmul %mul3A_1916, %get3A_7, %dot_general3A_1917 {dimension_numbers = #tpu.dot_dimension_numbers<[1], [0], [0], [1], [0, 0, 1, 1], [], []>, transpose_lhs_hint = false} : vector<128x128xf32>, vector<128x128xf32>, vector<128x128xf32> -> vector<128x128xf32>
    %sub3A_1919 = arith.subf %add3A_1913, %dot_general3A_1915 : vector<128x128xf32>
    %mul3A_1920 = arith.mulf %dot_general3A_1915, %dot_general3A_1915 : vector<128x128xf32>
    %sub3A_1921 = arith.subf %dot_general3A_1918, %mul3A_1920 : vector<128x128xf32>
    %add3A_1922 = arith.constant 9.99999974E-6 : f32
    %add3A_1923 = vector.broadcast %add3A_1922 : f32 to vector<128x128xf32>
    %add3A_1924 = arith.addf %sub3A_1921, %add3A_1923 : vector<128x128xf32>
    %rsqrt3A_1925 = math.rsqrt %add3A_1924 : vector<128x128xf32>
    %mul3A_1926 = arith.mulf %sub3A_1919, %rsqrt3A_1925 : vector<128x128xf32>
    %get3A_1927 = arith.constant 0 : index
    %get3A_1928 = arith.constant 0 : index
    %get3A_1929 = vector.load %arg9[%get3A_1927, %get3A_1928] : memref<1x128xf32, #tpu.memory_space<vmem>>, vector<1x128xf32>
    %mul3A_1930 = vector.broadcast %get3A_1929 : vector<1x128xf32> to vector<128x128xf32>
    %mul3A_1931 = arith.mulf %mul3A_1926, %mul3A_1930 : vector<128x128xf32>
    %get3A_1932 = arith.constant 0 : index
    %get3A_1933 = arith.constant 0 : index
    %get3A_1934 = vector.load %arg10[%get3A_1932, %get3A_1933] : memref<1x128xf32, #tpu.memory_space<vmem>>, vector<1x128xf32>
    %add3A_1935 = vector.broadcast %get3A_1934 : vector<1x128xf32> to vector<128x128xf32>
    %add3A_1936 = arith.addf %mul3A_1931, %add3A_1935 : vector<128x128xf32>
    %mul3A_1937 = arith.constant 5.000000e-01 : f32
    %mul3A_1938 = vector.broadcast %mul3A_1937 : f32 to vector<128x128xf32>
    %mul3A_1939 = arith.mulf %mul3A_1938, %add3A_1936 : vector<128x128xf32>
    %mul3A_1940 = arith.constant 0.707106769 : f32
    %mul3A_1941 = vector.broadcast %mul3A_1940 : f32 to vector<128x128xf32>
    %mul3A_1942 = arith.mulf %add3A_1936, %mul3A_1941 : vector<128x128xf32>
    %erf3A_1943 = math.erf %mul3A_1942 : vector<128x128xf32>
    %add3A_1944 = arith.constant 1.000000e+00 : f32
    %add3A_1945 = vector.broadcast %add3A_1944 : f32 to vector<128x128xf32>
    %add3A_1946 = arith.addf %add3A_1945, %erf3A_1943 : vector<128x128xf32>
    %mul3A_1947 = arith.mulf %mul3A_1939, %add3A_1946 : vector<128x128xf32>
    %swap3A_1948 = arith.constant 0 : index
    %swap3A_1949 = arith.constant 896 : index
    %swap3A_1950 = vector.load %arg12[%swap3A_1948, %swap3A_1949] : memref<128x1792xf32, #tpu.memory_space<vmem>>, vector<128x128xf32>
    tpu.vector_store %arg12[%swap3A_1948, %swap3A_1949], %mul3A_1947 {strides = array<i32>} : memref<128x1792xf32, #tpu.memory_space<vmem>>, vector<128x128xf32>,
    %slice3A_1951 = vector.extract_strided_slice %get3A_1 {offsets = [1024, 0], sizes = [128, 128], strides = [1, 1]} : vector<28672x128xf32> to vector<128x128xf32>
    %slice3A_1952 = vector.extract_strided_slice %get3A_1 {offsets = [2816, 0], sizes = [128, 128], strides = [1, 1]} : vector<28672x128xf32> to vector<128x128xf32>
    %slice3A_1953 = vector.extract_strided_slice %get3A_1 {offsets = [4608, 0], sizes = [128, 128], strides = [1, 1]} : vector<28672x128xf32> to vector<128x128xf32>
    %slice3A_1954 = vector.extract_strided_slice %get3A_1 {offsets = [6400, 0], sizes = [128, 128], strides = [1, 1]} : vector<28672x128xf32> to vector<128x128xf32>
    %concatenate3A_1955 = tpu.concatenate %slice3A_1951, %slice3A_1952, %slice3A_1953, %slice3A_1954 in 0 : vector<128x128xf32>, vector<128x128xf32>, vector<128x128xf32>, vector<128x128xf32> -> vector<512x128xf32>
    %get3A_1956 = arith.constant 0 : index
    %get3A_1957 = arith.constant 0 : index
    %get3A_1958 = vector.load %arg2[%get3A_1956, %get3A_1957] : memref<512x128xf32, #tpu.memory_space<vmem>>, vector<512x128xf32>
    %dot_general3A_1959 = arith.constant dense<0.000000e+00> : vector<128x128xf32>
    %dot_general3A_1960 = tpu.matmul %concatenate3A_1955, %get3A_1958, %dot_general3A_1959 {dimension_numbers = #tpu.dot_dimension_numbers<[0], [0], [1], [1], [0, 1, 1, 1], [], []>, transpose_lhs_hint = false} : vector<512x128xf32>, vector<512x128xf32>, vector<128x128xf32> -> vector<128x128xf32>
    %get3A_1961 = arith.constant 0 : index
    %get3A_1962 = arith.constant 0 : index
    %get3A_1963 = vector.load %arg3[%get3A_1961, %get3A_1962] : memref<1x128xf32, #tpu.memory_space<vmem>>, vector<1x128xf32>
    %add3A_1964 = vector.broadcast %get3A_1963 : vector<1x128xf32> to vector<128x128xf32>
    %add3A_1965 = arith.addf %dot_general3A_1960, %add3A_1964 : vector<128x128xf32>
    %dot_general3A_1966 = arith.constant dense<0.000000e+00> : vector<128x128xf32>
    %dot_general3A_1967 = tpu.matmul %add3A_1965, %get3A_4, %dot_general3A_1966 {dimension_numbers = #tpu.dot_dimension_numbers<[1], [0], [0], [1], [0, 0, 1, 1], [], []>, transpose_lhs_hint = false} : vector<128x128xf32>, vector<128x128xf32>, vector<128x128xf32> -> vector<128x128xf32>
    %mul3A_1968 = arith.mulf %add3A_1965, %add3A_1965 : vector<128x128xf32>
    %dot_general3A_1969 = arith.constant dense<0.000000e+00> : vector<128x128xf32>
    %dot_general3A_1970 = tpu.matmul %mul3A_1968, %get3A_4, %dot_general3A_1969 {dimension_numbers = #tpu.dot_dimension_numbers<[1], [0], [0], [1], [0, 0, 1, 1], [], []>, transpose_lhs_hint = false} : vector<128x128xf32>, vector<128x128xf32>, vector<128x128xf32> -> vector<128x128xf32>
    %mul3A_1971 = arith.mulf %dot_general3A_1967, %dot_general3A_1967 : vector<128x128xf32>
    %sub3A_1972 = arith.subf %dot_general3A_1970, %mul3A_1971 : vector<128x128xf32>
    %sub3A_1973 = arith.subf %add3A_1965, %dot_general3A_1967 : vector<128x128xf32>
    %add3A_1974 = arith.constant 9.99999974E-6 : f32
    %add3A_1975 = vector.broadcast %add3A_1974 : f32 to vector<128x128xf32>
    %add3A_1976 = arith.addf %sub3A_1972, %add3A_1975 : vector<128x128xf32>
    %rsqrt3A_1977 = math.rsqrt %add3A_1976 : vector<128x128xf32>
    %mul3A_1978 = arith.mulf %sub3A_1973, %rsqrt3A_1977 : vector<128x128xf32>
    %get3A_1979 = arith.constant 0 : index
    %get3A_1980 = arith.constant 0 : index
    %get3A_1981 = vector.load %arg4[%get3A_1979, %get3A_1980] : memref<1x128xf32, #tpu.memory_space<vmem>>, vector<1x128xf32>
    %mul3A_1982 = vector.broadcast %get3A_1981 : vector<1x128xf32> to vector<128x128xf32>
    %mul3A_1983 = arith.mulf %mul3A_1978, %mul3A_1982 : vector<128x128xf32>
    %get3A_1984 = arith.constant 0 : index
    %get3A_1985 = arith.constant 0 : index
    %get3A_1986 = vector.load %arg5[%get3A_1984, %get3A_1985] : memref<1x128xf32, #tpu.memory_space<vmem>>, vector<1x128xf32>
    %add3A_1987 = vector.broadcast %get3A_1986 : vector<1x128xf32> to vector<128x128xf32>
    %add3A_1988 = arith.addf %mul3A_1983, %add3A_1987 : vector<128x128xf32>
    %mul3A_1989 = arith.constant 5.000000e-01 : f32
    %mul3A_1990 = vector.broadcast %mul3A_1989 : f32 to vector<128x128xf32>
    %mul3A_1991 = arith.mulf %mul3A_1990, %add3A_1988 : vector<128x128xf32>
    %mul3A_1992 = arith.constant 0.707106769 : f32
    %mul3A_1993 = vector.broadcast %mul3A_1992 : f32 to vector<128x128xf32>
    %mul3A_1994 = arith.mulf %add3A_1988, %mul3A_1993 : vector<128x128xf32>
    %erf3A_1995 = math.erf %mul3A_1994 : vector<128x128xf32>
    %add3A_1996 = arith.constant 1.000000e+00 : f32
    %add3A_1997 = vector.broadcast %add3A_1996 : f32 to vector<128x128xf32>
    %add3A_1998 = arith.addf %add3A_1997, %erf3A_1995 : vector<128x128xf32>
    %mul3A_1999 = arith.mulf %mul3A_1991, %add3A_1998 : vector<128x128xf32>
    %slice3A_2000 = vector.extract_strided_slice %get3A_1 {offsets = [8192, 0], sizes = [128, 128], strides = [1, 1]} : vector<28672x128xf32> to vector<128x128xf32>
    %slice3A_2001 = vector.extract_strided_slice %get3A_1 {offsets = [9984, 0], sizes = [128, 128], strides = [1, 1]} : vector<28672x128xf32> to vector<128x128xf32>
    %slice3A_2002 = vector.extract_strided_slice %get3A_1 {offsets = [11776, 0], sizes = [128, 128], strides = [1, 1]} : vector<28672x128xf32> to vector<128x128xf32>
    %slice3A_2003 = vector.extract_strided_slice %get3A_1 {offsets = [13568, 0], sizes = [128, 128], strides = [1, 1]} : vector<28672x128xf32> to vector<128x128xf32>
    %concatenate3A_2004 = tpu.concatenate %slice3A_2000, %slice3A_2001, %slice3A_2002, %slice3A_2003 in 0 : vector<128x128xf32>, vector<128x128xf32>, vector<128x128xf32>, vector<128x128xf32> -> vector<512x128xf32>
    %get3A_2005 = arith.constant 0 : index
    %get3A_2006 = arith.constant 0 : index
    %get3A_2007 = vector.load %arg2[%get3A_2005, %get3A_2006] : memref<512x128xf32, #tpu.memory_space<vmem>>, vector<512x128xf32>
    %dot_general3A_2008 = arith.constant dense<0.000000e+00> : vector<128x128xf32>
    %dot_general3A_2009 = tpu.matmul %concatenate3A_2004, %get3A_2007, %dot_general3A_2008 {dimension_numbers = #tpu.dot_dimension_numbers<[0], [0], [1], [1], [0, 1, 1, 1], [], []>, transpose_lhs_hint = false} : vector<512x128xf32>, vector<512x128xf32>, vector<128x128xf32> -> vector<128x128xf32>
    %get3A_2010 = arith.constant 0 : index
    %get3A_2011 = arith.constant 0 : index
    %get3A_2012 = vector.load %arg3[%get3A_2010, %get3A_2011] : memref<1x128xf32, #tpu.memory_space<vmem>>, vector<1x128xf32>
    %add3A_2013 = vector.broadcast %get3A_2012 : vector<1x128xf32> to vector<128x128xf32>
    %add3A_2014 = arith.addf %dot_general3A_2009, %add3A_2013 : vector<128x128xf32>
    %dot_general3A_2015 = arith.constant dense<0.000000e+00> : vector<128x128xf32>
    %dot_general3A_2016 = tpu.matmul %add3A_2014, %get3A_4, %dot_general3A_2015 {dimension_numbers = #tpu.dot_dimension_numbers<[1], [0], [0], [1], [0, 0, 1, 1], [], []>, transpose_lhs_hint = false} : vector<128x128xf32>, vector<128x128xf32>, vector<128x128xf32> -> vector<128x128xf32>
    %mul3A_2017 = arith.mulf %add3A_2014, %add3A_2014 : vector<128x128xf32>
    %dot_general3A_2018 = arith.constant dense<0.000000e+00> : vector<128x128xf32>
    %dot_general3A_2019 = tpu.matmul %mul3A_2017, %get3A_4, %dot_general3A_2018 {dimension_numbers = #tpu.dot_dimension_numbers<[1], [0], [0], [1], [0, 0, 1, 1], [], []>, transpose_lhs_hint = false} : vector<128x128xf32>, vector<128x128xf32>, vector<128x128xf32> -> vector<128x128xf32>
    %mul3A_2020 = arith.mulf %dot_general3A_2016, %dot_general3A_2016 : vector<128x128xf32>
    %sub3A_2021 = arith.subf %dot_general3A_2019, %mul3A_2020 : vector<128x128xf32>
    %sub3A_2022 = arith.subf %add3A_2014, %dot_general3A_2016 : vector<128x128xf32>
    %add3A_2023 = arith.constant 9.99999974E-6 : f32
    %add3A_2024 = vector.broadcast %add3A_2023 : f32 to vector<128x128xf32>
    %add3A_2025 = arith.addf %sub3A_2021, %add3A_2024 : vector<128x128xf32>
    %rsqrt3A_2026 = math.rsqrt %add3A_2025 : vector<128x128xf32>
    %mul3A_2027 = arith.mulf %sub3A_2022, %rsqrt3A_2026 : vector<128x128xf32>
    %get3A_2028 = arith.constant 0 : index
    %get3A_2029 = arith.constant 0 : index
    %get3A_2030 = vector.load %arg4[%get3A_2028, %get3A_2029] : memref<1x128xf32, #tpu.memory_space<vmem>>, vector<1x128xf32>
    %mul3A_2031 = vector.broadcast %get3A_2030 : vector<1x128xf32> to vector<128x128xf32>
    %mul3A_2032 = arith.mulf %mul3A_2027, %mul3A_2031 : vector<128x128xf32>
    %get3A_2033 = arith.constant 0 : index
    %get3A_2034 = arith.constant 0 : index
    %get3A_2035 = vector.load %arg5[%get3A_2033, %get3A_2034] : memref<1x128xf32, #tpu.memory_space<vmem>>, vector<1x128xf32>
    %add3A_2036 = vector.broadcast %get3A_2035 : vector<1x128xf32> to vector<128x128xf32>
    %add3A_2037 = arith.addf %mul3A_2032, %add3A_2036 : vector<128x128xf32>
    %mul3A_2038 = arith.constant 5.000000e-01 : f32
    %mul3A_2039 = vector.broadcast %mul3A_2038 : f32 to vector<128x128xf32>
    %mul3A_2040 = arith.mulf %mul3A_2039, %add3A_2037 : vector<128x128xf32>
    %mul3A_2041 = arith.constant 0.707106769 : f32
    %mul3A_2042 = vector.broadcast %mul3A_2041 : f32 to vector<128x128xf32>
    %mul3A_2043 = arith.mulf %add3A_2037, %mul3A_2042 : vector<128x128xf32>
    %erf3A_2044 = math.erf %mul3A_2043 : vector<128x128xf32>
    %add3A_2045 = arith.constant 1.000000e+00 : f32
    %add3A_2046 = vector.broadcast %add3A_2045 : f32 to vector<128x128xf32>
    %add3A_2047 = arith.addf %add3A_2046, %erf3A_2044 : vector<128x128xf32>
    %mul3A_2048 = arith.mulf %mul3A_2040, %add3A_2047 : vector<128x128xf32>
    %slice3A_2049 = vector.extract_strided_slice %get3A_1 {offsets = [15360, 0], sizes = [128, 128], strides = [1, 1]} : vector<28672x128xf32> to vector<128x128xf32>
    %slice3A_2050 = vector.extract_strided_slice %get3A_1 {offsets = [17152, 0], sizes = [128, 128], strides = [1, 1]} : vector<28672x128xf32> to vector<128x128xf32>
    %slice3A_2051 = vector.extract_strided_slice %get3A_1 {offsets = [18944, 0], sizes = [128, 128], strides = [1, 1]} : vector<28672x128xf32> to vector<128x128xf32>
    %slice3A_2052 = vector.extract_strided_slice %get3A_1 {offsets = [20736, 0], sizes = [128, 128], strides = [1, 1]} : vector<28672x128xf32> to vector<128x128xf32>
    %concatenate3A_2053 = tpu.concatenate %slice3A_2049, %slice3A_2050, %slice3A_2051, %slice3A_2052 in 0 : vector<128x128xf32>, vector<128x128xf32>, vector<128x128xf32>, vector<128x128xf32> -> vector<512x128xf32>
    %get3A_2054 = arith.constant 0 : index
    %get3A_2055 = arith.constant 0 : index
    %get3A_2056 = vector.load %arg2[%get3A_2054, %get3A_2055] : memref<512x128xf32, #tpu.memory_space<vmem>>, vector<512x128xf32>
    %dot_general3A_2057 = arith.constant dense<0.000000e+00> : vector<128x128xf32>
    %dot_general3A_2058 = tpu.matmul %concatenate3A_2053, %get3A_2056, %dot_general3A_2057 {dimension_numbers = #tpu.dot_dimension_numbers<[0], [0], [1], [1], [0, 1, 1, 1], [], []>, transpose_lhs_hint = false} : vector<512x128xf32>, vector<512x128xf32>, vector<128x128xf32> -> vector<128x128xf32>
    %get3A_2059 = arith.constant 0 : index
    %get3A_2060 = arith.constant 0 : index
    %get3A_2061 = vector.load %arg3[%get3A_2059, %get3A_2060] : memref<1x128xf32, #tpu.memory_space<vmem>>, vector<1x128xf32>
    %add3A_2062 = vector.broadcast %get3A_2061 : vector<1x128xf32> to vector<128x128xf32>
    %add3A_2063 = arith.addf %dot_general3A_2058, %add3A_2062 : vector<128x128xf32>
    %dot_general3A_2064 = arith.constant dense<0.000000e+00> : vector<128x128xf32>
    %dot_general3A_2065 = tpu.matmul %add3A_2063, %get3A_4, %dot_general3A_2064 {dimension_numbers = #tpu.dot_dimension_numbers<[1], [0], [0], [1], [0, 0, 1, 1], [], []>, transpose_lhs_hint = false} : vector<128x128xf32>, vector<128x128xf32>, vector<128x128xf32> -> vector<128x128xf32>
    %mul3A_2066 = arith.mulf %add3A_2063, %add3A_2063 : vector<128x128xf32>
    %dot_general3A_2067 = arith.constant dense<0.000000e+00> : vector<128x128xf32>
    %dot_general3A_2068 = tpu.matmul %mul3A_2066, %get3A_4, %dot_general3A_2067 {dimension_numbers = #tpu.dot_dimension_numbers<[1], [0], [0], [1], [0, 0, 1, 1], [], []>, transpose_lhs_hint = false} : vector<128x128xf32>, vector<128x128xf32>, vector<128x128xf32> -> vector<128x128xf32>
    %mul3A_2069 = arith.mulf %dot_general3A_2065, %dot_general3A_2065 : vector<128x128xf32>
    %sub3A_2070 = arith.subf %dot_general3A_2068, %mul3A_2069 : vector<128x128xf32>
    %sub3A_2071 = arith.subf %add3A_2063, %dot_general3A_2065 : vector<128x128xf32>
    %add3A_2072 = arith.constant 9.99999974E-6 : f32
    %add3A_2073 = vector.broadcast %add3A_2072 : f32 to vector<128x128xf32>
    %add3A_2074 = arith.addf %sub3A_2070, %add3A_2073 : vector<128x128xf32>
    %rsqrt3A_2075 = math.rsqrt %add3A_2074 : vector<128x128xf32>
    %mul3A_2076 = arith.mulf %sub3A_2071, %rsqrt3A_2075 : vector<128x128xf32>
    %get3A_2077 = arith.constant 0 : index
    %get3A_2078 = arith.constant 0 : index
    %get3A_2079 = vector.load %arg4[%get3A_2077, %get3A_2078] : memref<1x128xf32, #tpu.memory_space<vmem>>, vector<1x128xf32>
    %mul3A_2080 = vector.broadcast %get3A_2079 : vector<1x128xf32> to vector<128x128xf32>
    %mul3A_2081 = arith.mulf %mul3A_2076, %mul3A_2080 : vector<128x128xf32>
    %get3A_2082 = arith.constant 0 : index
    %get3A_2083 = arith.constant 0 : index
    %get3A_2084 = vector.load %arg5[%get3A_2082, %get3A_2083] : memref<1x128xf32, #tpu.memory_space<vmem>>, vector<1x128xf32>
    %add3A_2085 = vector.broadcast %get3A_2084 : vector<1x128xf32> to vector<128x128xf32>
    %add3A_2086 = arith.addf %mul3A_2081, %add3A_2085 : vector<128x128xf32>
    %mul3A_2087 = arith.constant 5.000000e-01 : f32
    %mul3A_2088 = vector.broadcast %mul3A_2087 : f32 to vector<128x128xf32>
    %mul3A_2089 = arith.mulf %mul3A_2088, %add3A_2086 : vector<128x128xf32>
    %mul3A_2090 = arith.constant 0.707106769 : f32
    %mul3A_2091 = vector.broadcast %mul3A_2090 : f32 to vector<128x128xf32>
    %mul3A_2092 = arith.mulf %add3A_2086, %mul3A_2091 : vector<128x128xf32>
    %erf3A_2093 = math.erf %mul3A_2092 : vector<128x128xf32>
    %add3A_2094 = arith.constant 1.000000e+00 : f32
    %add3A_2095 = vector.broadcast %add3A_2094 : f32 to vector<128x128xf32>
    %add3A_2096 = arith.addf %add3A_2095, %erf3A_2093 : vector<128x128xf32>
    %mul3A_2097 = arith.mulf %mul3A_2089, %add3A_2096 : vector<128x128xf32>
    %slice3A_2098 = vector.extract_strided_slice %get3A_1 {offsets = [22528, 0], sizes = [128, 128], strides = [1, 1]} : vector<28672x128xf32> to vector<128x128xf32>
    %slice3A_2099 = vector.extract_strided_slice %get3A_1 {offsets = [24320, 0], sizes = [128, 128], strides = [1, 1]} : vector<28672x128xf32> to vector<128x128xf32>
    %slice3A_2100 = vector.extract_strided_slice %get3A_1 {offsets = [26112, 0], sizes = [128, 128], strides = [1, 1]} : vector<28672x128xf32> to vector<128x128xf32>
    %slice3A_2101 = vector.extract_strided_slice %get3A_1 {offsets = [27904, 0], sizes = [128, 128], strides = [1, 1]} : vector<28672x128xf32> to vector<128x128xf32>
    %concatenate3A_2102 = tpu.concatenate %slice3A_2098, %slice3A_2099, %slice3A_2100, %slice3A_2101 in 0 : vector<128x128xf32>, vector<128x128xf32>, vector<128x128xf32>, vector<128x128xf32> -> vector<512x128xf32>
    %get3A_2103 = arith.constant 0 : index
    %get3A_2104 = arith.constant 0 : index
    %get3A_2105 = vector.load %arg2[%get3A_2103, %get3A_2104] : memref<512x128xf32, #tpu.memory_space<vmem>>, vector<512x128xf32>
    %dot_general3A_2106 = arith.constant dense<0.000000e+00> : vector<128x128xf32>
    %dot_general3A_2107 = tpu.matmul %concatenate3A_2102, %get3A_2105, %dot_general3A_2106 {dimension_numbers = #tpu.dot_dimension_numbers<[0], [0], [1], [1], [0, 1, 1, 1], [], []>, transpose_lhs_hint = false} : vector<512x128xf32>, vector<512x128xf32>, vector<128x128xf32> -> vector<128x128xf32>
    %get3A_2108 = arith.constant 0 : index
    %get3A_2109 = arith.constant 0 : index
    %get3A_2110 = vector.load %arg3[%get3A_2108, %get3A_2109] : memref<1x128xf32, #tpu.memory_space<vmem>>, vector<1x128xf32>
    %add3A_2111 = vector.broadcast %get3A_2110 : vector<1x128xf32> to vector<128x128xf32>
    %add3A_2112 = arith.addf %dot_general3A_2107, %add3A_2111 : vector<128x128xf32>
    %dot_general3A_2113 = arith.constant dense<0.000000e+00> : vector<128x128xf32>
    %dot_general3A_2114 = tpu.matmul %add3A_2112, %get3A_4, %dot_general3A_2113 {dimension_numbers = #tpu.dot_dimension_numbers<[1], [0], [0], [1], [0, 0, 1, 1], [], []>, transpose_lhs_hint = false} : vector<128x128xf32>, vector<128x128xf32>, vector<128x128xf32> -> vector<128x128xf32>
    %mul3A_2115 = arith.mulf %add3A_2112, %add3A_2112 : vector<128x128xf32>
    %dot_general3A_2116 = arith.constant dense<0.000000e+00> : vector<128x128xf32>
    %dot_general3A_2117 = tpu.matmul %mul3A_2115, %get3A_4, %dot_general3A_2116 {dimension_numbers = #tpu.dot_dimension_numbers<[1], [0], [0], [1], [0, 0, 1, 1], [], []>, transpose_lhs_hint = false} : vector<128x128xf32>, vector<128x128xf32>, vector<128x128xf32> -> vector<128x128xf32>
    %mul3A_2118 = arith.mulf %dot_general3A_2114, %dot_general3A_2114 : vector<128x128xf32>
    %sub3A_2119 = arith.subf %dot_general3A_2117, %mul3A_2118 : vector<128x128xf32>
    %sub3A_2120 = arith.subf %add3A_2112, %dot_general3A_2114 : vector<128x128xf32>
    %add3A_2121 = arith.constant 9.99999974E-6 : f32
    %add3A_2122 = vector.broadcast %add3A_2121 : f32 to vector<128x128xf32>
    %add3A_2123 = arith.addf %sub3A_2119, %add3A_2122 : vector<128x128xf32>
    %rsqrt3A_2124 = math.rsqrt %add3A_2123 : vector<128x128xf32>
    %mul3A_2125 = arith.mulf %sub3A_2120, %rsqrt3A_2124 : vector<128x128xf32>
    %get3A_2126 = arith.constant 0 : index
    %get3A_2127 = arith.constant 0 : index
    %get3A_2128 = vector.load %arg4[%get3A_2126, %get3A_2127] : memref<1x128xf32, #tpu.memory_space<vmem>>, vector<1x128xf32>
    %mul3A_2129 = vector.broadcast %get3A_2128 : vector<1x128xf32> to vector<128x128xf32>
    %mul3A_2130 = arith.mulf %mul3A_2125, %mul3A_2129 : vector<128x128xf32>
    %get3A_2131 = arith.constant 0 : index
    %get3A_2132 = arith.constant 0 : index
    %get3A_2133 = vector.load %arg5[%get3A_2131, %get3A_2132] : memref<1x128xf32, #tpu.memory_space<vmem>>, vector<1x128xf32>
    %add3A_2134 = vector.broadcast %get3A_2133 : vector<1x128xf32> to vector<128x128xf32>
    %add3A_2135 = arith.addf %mul3A_2130, %add3A_2134 : vector<128x128xf32>
    %mul3A_2136 = arith.constant 5.000000e-01 : f32
    %mul3A_2137 = vector.broadcast %mul3A_2136 : f32 to vector<128x128xf32>
    %mul3A_2138 = arith.mulf %mul3A_2137, %add3A_2135 : vector<128x128xf32>
    %mul3A_2139 = arith.constant 0.707106769 : f32
    %mul3A_2140 = vector.broadcast %mul3A_2139 : f32 to vector<128x128xf32>
    %mul3A_2141 = arith.mulf %add3A_2135, %mul3A_2140 : vector<128x128xf32>
    %erf3A_2142 = math.erf %mul3A_2141 : vector<128x128xf32>
    %add3A_2143 = arith.constant 1.000000e+00 : f32
    %add3A_2144 = vector.broadcast %add3A_2143 : f32 to vector<128x128xf32>
    %add3A_2145 = arith.addf %add3A_2144, %erf3A_2142 : vector<128x128xf32>
    %mul3A_2146 = arith.mulf %mul3A_2138, %add3A_2145 : vector<128x128xf32>
    %concatenate3A_2147 = tpu.concatenate %mul3A_1999, %mul3A_2048, %mul3A_2097, %mul3A_2146 in 1 : vector<128x128xf32>, vector<128x128xf32>, vector<128x128xf32>, vector<128x128xf32> -> vector<128x512xf32>
    %get3A_2148 = arith.constant 0 : index
    %get3A_2149 = arith.constant 0 : index
    %get3A_2150 = vector.load %arg7[%get3A_2148, %get3A_2149] : memref<512x128xf32, #tpu.memory_space<vmem>>, vector<512x128xf32>
    %dot_general3A_2151 = arith.constant dense<0.000000e+00> : vector<128x128xf32>
    %dot_general3A_2152 = tpu.matmul %concatenate3A_2147, %get3A_2150, %dot_general3A_2151 {dimension_numbers = #tpu.dot_dimension_numbers<[1], [0], [0], [1], [0, 0, 1, 1], [], []>, transpose_lhs_hint = false} : vector<128x512xf32>, vector<512x128xf32>, vector<128x128xf32> -> vector<128x128xf32>
    %get3A_2153 = arith.constant 0 : index
    %get3A_2154 = arith.constant 0 : index
    %get3A_2155 = vector.load %arg8[%get3A_2153, %get3A_2154] : memref<1x128xf32, #tpu.memory_space<vmem>>, vector<1x128xf32>
    %add3A_2156 = vector.broadcast %get3A_2155 : vector<1x128xf32> to vector<128x128xf32>
    %add3A_2157 = arith.addf %dot_general3A_2152, %add3A_2156 : vector<128x128xf32>
    %dot_general3A_2158 = arith.constant dense<0.000000e+00> : vector<128x128xf32>
    %dot_general3A_2159 = tpu.matmul %add3A_2157, %get3A_7, %dot_general3A_2158 {dimension_numbers = #tpu.dot_dimension_numbers<[1], [0], [0], [1], [0, 0, 1, 1], [], []>, transpose_lhs_hint = false} : vector<128x128xf32>, vector<128x128xf32>, vector<128x128xf32> -> vector<128x128xf32>
    %mul3A_2160 = arith.mulf %add3A_2157, %add3A_2157 : vector<128x128xf32>
    %dot_general3A_2161 = arith.constant dense<0.000000e+00> : vector<128x128xf32>
    %dot_general3A_2162 = tpu.matmul %mul3A_2160, %get3A_7, %dot_general3A_2161 {dimension_numbers = #tpu.dot_dimension_numbers<[1], [0], [0], [1], [0, 0, 1, 1], [], []>, transpose_lhs_hint = false} : vector<128x128xf32>, vector<128x128xf32>, vector<128x128xf32> -> vector<128x128xf32>
    %sub3A_2163 = arith.subf %add3A_2157, %dot_general3A_2159 : vector<128x128xf32>
    %mul3A_2164 = arith.mulf %dot_general3A_2159, %dot_general3A_2159 : vector<128x128xf32>
    %sub3A_2165 = arith.subf %dot_general3A_2162, %mul3A_2164 : vector<128x128xf32>
    %add3A_2166 = arith.constant 9.99999974E-6 : f32
    %add3A_2167 = vector.broadcast %add3A_2166 : f32 to vector<128x128xf32>
    %add3A_2168 = arith.addf %sub3A_2165, %add3A_2167 : vector<128x128xf32>
    %rsqrt3A_2169 = math.rsqrt %add3A_2168 : vector<128x128xf32>
    %mul3A_2170 = arith.mulf %sub3A_2163, %rsqrt3A_2169 : vector<128x128xf32>
    %get3A_2171 = arith.constant 0 : index
    %get3A_2172 = arith.constant 0 : index
    %get3A_2173 = vector.load %arg9[%get3A_2171, %get3A_2172] : memref<1x128xf32, #tpu.memory_space<vmem>>, vector<1x128xf32>
    %mul3A_2174 = vector.broadcast %get3A_2173 : vector<1x128xf32> to vector<128x128xf32>
    %mul3A_2175 = arith.mulf %mul3A_2170, %mul3A_2174 : vector<128x128xf32>
    %get3A_2176 = arith.constant 0 : index
    %get3A_2177 = arith.constant 0 : index
    %get3A_2178 = vector.load %arg10[%get3A_2176, %get3A_2177] : memref<1x128xf32, #tpu.memory_space<vmem>>, vector<1x128xf32>
    %add3A_2179 = vector.broadcast %get3A_2178 : vector<1x128xf32> to vector<128x128xf32>
    %add3A_2180 = arith.addf %mul3A_2175, %add3A_2179 : vector<128x128xf32>
    %mul3A_2181 = arith.constant 5.000000e-01 : f32
    %mul3A_2182 = vector.broadcast %mul3A_2181 : f32 to vector<128x128xf32>
    %mul3A_2183 = arith.mulf %mul3A_2182, %add3A_2180 : vector<128x128xf32>
    %mul3A_2184 = arith.constant 0.707106769 : f32
    %mul3A_2185 = vector.broadcast %mul3A_2184 : f32 to vector<128x128xf32>
    %mul3A_2186 = arith.mulf %add3A_2180, %mul3A_2185 : vector<128x128xf32>
    %erf3A_2187 = math.erf %mul3A_2186 : vector<128x128xf32>
    %add3A_2188 = arith.constant 1.000000e+00 : f32
    %add3A_2189 = vector.broadcast %add3A_2188 : f32 to vector<128x128xf32>
    %add3A_2190 = arith.addf %add3A_2189, %erf3A_2187 : vector<128x128xf32>
    %mul3A_2191 = arith.mulf %mul3A_2183, %add3A_2190 : vector<128x128xf32>
    %swap3A_2192 = arith.constant 0 : index
    %swap3A_2193 = arith.constant 1024 : index
    %swap3A_2194 = vector.load %arg12[%swap3A_2192, %swap3A_2193] : memref<128x1792xf32, #tpu.memory_space<vmem>>, vector<128x128xf32>
    tpu.vector_store %arg12[%swap3A_2192, %swap3A_2193], %mul3A_2191 {strides = array<i32>} : memref<128x1792xf32, #tpu.memory_space<vmem>>, vector<128x128xf32>,
    %slice3A_2195 = vector.extract_strided_slice %get3A_1 {offsets = [1152, 0], sizes = [128, 128], strides = [1, 1]} : vector<28672x128xf32> to vector<128x128xf32>
    %slice3A_2196 = vector.extract_strided_slice %get3A_1 {offsets = [2944, 0], sizes = [128, 128], strides = [1, 1]} : vector<28672x128xf32> to vector<128x128xf32>
    %slice3A_2197 = vector.extract_strided_slice %get3A_1 {offsets = [4736, 0], sizes = [128, 128], strides = [1, 1]} : vector<28672x128xf32> to vector<128x128xf32>
    %slice3A_2198 = vector.extract_strided_slice %get3A_1 {offsets = [6528, 0], sizes = [128, 128], strides = [1, 1]} : vector<28672x128xf32> to vector<128x128xf32>
    %concatenate3A_2199 = tpu.concatenate %slice3A_2195, %slice3A_2196, %slice3A_2197, %slice3A_2198 in 0 : vector<128x128xf32>, vector<128x128xf32>, vector<128x128xf32>, vector<128x128xf32> -> vector<512x128xf32>
    %get3A_2200 = arith.constant 0 : index
    %get3A_2201 = arith.constant 0 : index
    %get3A_2202 = vector.load %arg2[%get3A_2200, %get3A_2201] : memref<512x128xf32, #tpu.memory_space<vmem>>, vector<512x128xf32>
    %dot_general3A_2203 = arith.constant dense<0.000000e+00> : vector<128x128xf32>
    %dot_general3A_2204 = tpu.matmul %concatenate3A_2199, %get3A_2202, %dot_general3A_2203 {dimension_numbers = #tpu.dot_dimension_numbers<[0], [0], [1], [1], [0, 1, 1, 1], [], []>, transpose_lhs_hint = false} : vector<512x128xf32>, vector<512x128xf32>, vector<128x128xf32> -> vector<128x128xf32>
    %get3A_2205 = arith.constant 0 : index
    %get3A_2206 = arith.constant 0 : index
    %get3A_2207 = vector.load %arg3[%get3A_2205, %get3A_2206] : memref<1x128xf32, #tpu.memory_space<vmem>>, vector<1x128xf32>
    %add3A_2208 = vector.broadcast %get3A_2207 : vector<1x128xf32> to vector<128x128xf32>
    %add3A_2209 = arith.addf %dot_general3A_2204, %add3A_2208 : vector<128x128xf32>
    %dot_general3A_2210 = arith.constant dense<0.000000e+00> : vector<128x128xf32>
    %dot_general3A_2211 = tpu.matmul %add3A_2209, %get3A_4, %dot_general3A_2210 {dimension_numbers = #tpu.dot_dimension_numbers<[1], [0], [0], [1], [0, 0, 1, 1], [], []>, transpose_lhs_hint = false} : vector<128x128xf32>, vector<128x128xf32>, vector<128x128xf32> -> vector<128x128xf32>
    %mul3A_2212 = arith.mulf %add3A_2209, %add3A_2209 : vector<128x128xf32>
    %dot_general3A_2213 = arith.constant dense<0.000000e+00> : vector<128x128xf32>
    %dot_general3A_2214 = tpu.matmul %mul3A_2212, %get3A_4, %dot_general3A_2213 {dimension_numbers = #tpu.dot_dimension_numbers<[1], [0], [0], [1], [0, 0, 1, 1], [], []>, transpose_lhs_hint = false} : vector<128x128xf32>, vector<128x128xf32>, vector<128x128xf32> -> vector<128x128xf32>
    %mul3A_2215 = arith.mulf %dot_general3A_2211, %dot_general3A_2211 : vector<128x128xf32>
    %sub3A_2216 = arith.subf %dot_general3A_2214, %mul3A_2215 : vector<128x128xf32>
    %sub3A_2217 = arith.subf %add3A_2209, %dot_general3A_2211 : vector<128x128xf32>
    %add3A_2218 = arith.constant 9.99999974E-6 : f32
    %add3A_2219 = vector.broadcast %add3A_2218 : f32 to vector<128x128xf32>
    %add3A_2220 = arith.addf %sub3A_2216, %add3A_2219 : vector<128x128xf32>
    %rsqrt3A_2221 = math.rsqrt %add3A_2220 : vector<128x128xf32>
    %mul3A_2222 = arith.mulf %sub3A_2217, %rsqrt3A_2221 : vector<128x128xf32>
    %get3A_2223 = arith.constant 0 : index
    %get3A_2224 = arith.constant 0 : index
    %get3A_2225 = vector.load %arg4[%get3A_2223, %get3A_2224] : memref<1x128xf32, #tpu.memory_space<vmem>>, vector<1x128xf32>
    %mul3A_2226 = vector.broadcast %get3A_2225 : vector<1x128xf32> to vector<128x128xf32>
    %mul3A_2227 = arith.mulf %mul3A_2222, %mul3A_2226 : vector<128x128xf32>
    %get3A_2228 = arith.constant 0 : index
    %get3A_2229 = arith.constant 0 : index
    %get3A_2230 = vector.load %arg5[%get3A_2228, %get3A_2229] : memref<1x128xf32, #tpu.memory_space<vmem>>, vector<1x128xf32>
    %add3A_2231 = vector.broadcast %get3A_2230 : vector<1x128xf32> to vector<128x128xf32>
    %add3A_2232 = arith.addf %mul3A_2227, %add3A_2231 : vector<128x128xf32>
    %mul3A_2233 = arith.constant 5.000000e-01 : f32
    %mul3A_2234 = vector.broadcast %mul3A_2233 : f32 to vector<128x128xf32>
    %mul3A_2235 = arith.mulf %mul3A_2234, %add3A_2232 : vector<128x128xf32>
    %mul3A_2236 = arith.constant 0.707106769 : f32
    %mul3A_2237 = vector.broadcast %mul3A_2236 : f32 to vector<128x128xf32>
    %mul3A_2238 = arith.mulf %add3A_2232, %mul3A_2237 : vector<128x128xf32>
    %erf3A_2239 = math.erf %mul3A_2238 : vector<128x128xf32>
    %add3A_2240 = arith.constant 1.000000e+00 : f32
    %add3A_2241 = vector.broadcast %add3A_2240 : f32 to vector<128x128xf32>
    %add3A_2242 = arith.addf %add3A_2241, %erf3A_2239 : vector<128x128xf32>
    %mul3A_2243 = arith.mulf %mul3A_2235, %add3A_2242 : vector<128x128xf32>
    %slice3A_2244 = vector.extract_strided_slice %get3A_1 {offsets = [8320, 0], sizes = [128, 128], strides = [1, 1]} : vector<28672x128xf32> to vector<128x128xf32>
    %slice3A_2245 = vector.extract_strided_slice %get3A_1 {offsets = [10112, 0], sizes = [128, 128], strides = [1, 1]} : vector<28672x128xf32> to vector<128x128xf32>
    %slice3A_2246 = vector.extract_strided_slice %get3A_1 {offsets = [11904, 0], sizes = [128, 128], strides = [1, 1]} : vector<28672x128xf32> to vector<128x128xf32>
    %slice3A_2247 = vector.extract_strided_slice %get3A_1 {offsets = [13696, 0], sizes = [128, 128], strides = [1, 1]} : vector<28672x128xf32> to vector<128x128xf32>
    %concatenate3A_2248 = tpu.concatenate %slice3A_2244, %slice3A_2245, %slice3A_2246, %slice3A_2247 in 0 : vector<128x128xf32>, vector<128x128xf32>, vector<128x128xf32>, vector<128x128xf32> -> vector<512x128xf32>
    %get3A_2249 = arith.constant 0 : index
    %get3A_2250 = arith.constant 0 : index
    %get3A_2251 = vector.load %arg2[%get3A_2249, %get3A_2250] : memref<512x128xf32, #tpu.memory_space<vmem>>, vector<512x128xf32>
    %dot_general3A_2252 = arith.constant dense<0.000000e+00> : vector<128x128xf32>
    %dot_general3A_2253 = tpu.matmul %concatenate3A_2248, %get3A_2251, %dot_general3A_2252 {dimension_numbers = #tpu.dot_dimension_numbers<[0], [0], [1], [1], [0, 1, 1, 1], [], []>, transpose_lhs_hint = false} : vector<512x128xf32>, vector<512x128xf32>, vector<128x128xf32> -> vector<128x128xf32>
    %get3A_2254 = arith.constant 0 : index
    %get3A_2255 = arith.constant 0 : index
    %get3A_2256 = vector.load %arg3[%get3A_2254, %get3A_2255] : memref<1x128xf32, #tpu.memory_space<vmem>>, vector<1x128xf32>
    %add3A_2257 = vector.broadcast %get3A_2256 : vector<1x128xf32> to vector<128x128xf32>
    %add3A_2258 = arith.addf %dot_general3A_2253, %add3A_2257 : vector<128x128xf32>
    %dot_general3A_2259 = arith.constant dense<0.000000e+00> : vector<128x128xf32>
    %dot_general3A_2260 = tpu.matmul %add3A_2258, %get3A_4, %dot_general3A_2259 {dimension_numbers = #tpu.dot_dimension_numbers<[1], [0], [0], [1], [0, 0, 1, 1], [], []>, transpose_lhs_hint = false} : vector<128x128xf32>, vector<128x128xf32>, vector<128x128xf32> -> vector<128x128xf32>
    %mul3A_2261 = arith.mulf %add3A_2258, %add3A_2258 : vector<128x128xf32>
    %dot_general3A_2262 = arith.constant dense<0.000000e+00> : vector<128x128xf32>
    %dot_general3A_2263 = tpu.matmul %mul3A_2261, %get3A_4, %dot_general3A_2262 {dimension_numbers = #tpu.dot_dimension_numbers<[1], [0], [0], [1], [0, 0, 1, 1], [], []>, transpose_lhs_hint = false} : vector<128x128xf32>, vector<128x128xf32>, vector<128x128xf32> -> vector<128x128xf32>
    %mul3A_2264 = arith.mulf %dot_general3A_2260, %dot_general3A_2260 : vector<128x128xf32>
    %sub3A_2265 = arith.subf %dot_general3A_2263, %mul3A_2264 : vector<128x128xf32>
    %sub3A_2266 = arith.subf %add3A_2258, %dot_general3A_2260 : vector<128x128xf32>
    %add3A_2267 = arith.constant 9.99999974E-6 : f32
    %add3A_2268 = vector.broadcast %add3A_2267 : f32 to vector<128x128xf32>
    %add3A_2269 = arith.addf %sub3A_2265, %add3A_2268 : vector<128x128xf32>
    %rsqrt3A_2270 = math.rsqrt %add3A_2269 : vector<128x128xf32>
    %mul3A_2271 = arith.mulf %sub3A_2266, %rsqrt3A_2270 : vector<128x128xf32>
    %get3A_2272 = arith.constant 0 : index
    %get3A_2273 = arith.constant 0 : index
    %get3A_2274 = vector.load %arg4[%get3A_2272, %get3A_2273] : memref<1x128xf32, #tpu.memory_space<vmem>>, vector<1x128xf32>
    %mul3A_2275 = vector.broadcast %get3A_2274 : vector<1x128xf32> to vector<128x128xf32>
    %mul3A_2276 = arith.mulf %mul3A_2271, %mul3A_2275 : vector<128x128xf32>
    %get3A_2277 = arith.constant 0 : index
    %get3A_2278 = arith.constant 0 : index
    %get3A_2279 = vector.load %arg5[%get3A_2277, %get3A_2278] : memref<1x128xf32, #tpu.memory_space<vmem>>, vector<1x128xf32>
    %add3A_2280 = vector.broadcast %get3A_2279 : vector<1x128xf32> to vector<128x128xf32>
    %add3A_2281 = arith.addf %mul3A_2276, %add3A_2280 : vector<128x128xf32>
    %mul3A_2282 = arith.constant 5.000000e-01 : f32
    %mul3A_2283 = vector.broadcast %mul3A_2282 : f32 to vector<128x128xf32>
    %mul3A_2284 = arith.mulf %mul3A_2283, %add3A_2281 : vector<128x128xf32>
    %mul3A_2285 = arith.constant 0.707106769 : f32
    %mul3A_2286 = vector.broadcast %mul3A_2285 : f32 to vector<128x128xf32>
    %mul3A_2287 = arith.mulf %add3A_2281, %mul3A_2286 : vector<128x128xf32>
    %erf3A_2288 = math.erf %mul3A_2287 : vector<128x128xf32>
    %add3A_2289 = arith.constant 1.000000e+00 : f32
    %add3A_2290 = vector.broadcast %add3A_2289 : f32 to vector<128x128xf32>
    %add3A_2291 = arith.addf %add3A_2290, %erf3A_2288 : vector<128x128xf32>
    %mul3A_2292 = arith.mulf %mul3A_2284, %add3A_2291 : vector<128x128xf32>
    %slice3A_2293 = vector.extract_strided_slice %get3A_1 {offsets = [15488, 0], sizes = [128, 128], strides = [1, 1]} : vector<28672x128xf32> to vector<128x128xf32>
    %slice3A_2294 = vector.extract_strided_slice %get3A_1 {offsets = [17280, 0], sizes = [128, 128], strides = [1, 1]} : vector<28672x128xf32> to vector<128x128xf32>
    %slice3A_2295 = vector.extract_strided_slice %get3A_1 {offsets = [19072, 0], sizes = [128, 128], strides = [1, 1]} : vector<28672x128xf32> to vector<128x128xf32>
    %slice3A_2296 = vector.extract_strided_slice %get3A_1 {offsets = [20864, 0], sizes = [128, 128], strides = [1, 1]} : vector<28672x128xf32> to vector<128x128xf32>
    %concatenate3A_2297 = tpu.concatenate %slice3A_2293, %slice3A_2294, %slice3A_2295, %slice3A_2296 in 0 : vector<128x128xf32>, vector<128x128xf32>, vector<128x128xf32>, vector<128x128xf32> -> vector<512x128xf32>
    %get3A_2298 = arith.constant 0 : index
    %get3A_2299 = arith.constant 0 : index
    %get3A_2300 = vector.load %arg2[%get3A_2298, %get3A_2299] : memref<512x128xf32, #tpu.memory_space<vmem>>, vector<512x128xf32>
    %dot_general3A_2301 = arith.constant dense<0.000000e+00> : vector<128x128xf32>
    %dot_general3A_2302 = tpu.matmul %concatenate3A_2297, %get3A_2300, %dot_general3A_2301 {dimension_numbers = #tpu.dot_dimension_numbers<[0], [0], [1], [1], [0, 1, 1, 1], [], []>, transpose_lhs_hint = false} : vector<512x128xf32>, vector<512x128xf32>, vector<128x128xf32> -> vector<128x128xf32>
    %get3A_2303 = arith.constant 0 : index
    %get3A_2304 = arith.constant 0 : index
    %get3A_2305 = vector.load %arg3[%get3A_2303, %get3A_2304] : memref<1x128xf32, #tpu.memory_space<vmem>>, vector<1x128xf32>
    %add3A_2306 = vector.broadcast %get3A_2305 : vector<1x128xf32> to vector<128x128xf32>
    %add3A_2307 = arith.addf %dot_general3A_2302, %add3A_2306 : vector<128x128xf32>
    %dot_general3A_2308 = arith.constant dense<0.000000e+00> : vector<128x128xf32>
    %dot_general3A_2309 = tpu.matmul %add3A_2307, %get3A_4, %dot_general3A_2308 {dimension_numbers = #tpu.dot_dimension_numbers<[1], [0], [0], [1], [0, 0, 1, 1], [], []>, transpose_lhs_hint = false} : vector<128x128xf32>, vector<128x128xf32>, vector<128x128xf32> -> vector<128x128xf32>
    %mul3A_2310 = arith.mulf %add3A_2307, %add3A_2307 : vector<128x128xf32>
    %dot_general3A_2311 = arith.constant dense<0.000000e+00> : vector<128x128xf32>
    %dot_general3A_2312 = tpu.matmul %mul3A_2310, %get3A_4, %dot_general3A_2311 {dimension_numbers = #tpu.dot_dimension_numbers<[1], [0], [0], [1], [0, 0, 1, 1], [], []>, transpose_lhs_hint = false} : vector<128x128xf32>, vector<128x128xf32>, vector<128x128xf32> -> vector<128x128xf32>
    %mul3A_2313 = arith.mulf %dot_general3A_2309, %dot_general3A_2309 : vector<128x128xf32>
    %sub3A_2314 = arith.subf %dot_general3A_2312, %mul3A_2313 : vector<128x128xf32>
    %sub3A_2315 = arith.subf %add3A_2307, %dot_general3A_2309 : vector<128x128xf32>
    %add3A_2316 = arith.constant 9.99999974E-6 : f32
    %add3A_2317 = vector.broadcast %add3A_2316 : f32 to vector<128x128xf32>
    %add3A_2318 = arith.addf %sub3A_2314, %add3A_2317 : vector<128x128xf32>
    %rsqrt3A_2319 = math.rsqrt %add3A_2318 : vector<128x128xf32>
    %mul3A_2320 = arith.mulf %sub3A_2315, %rsqrt3A_2319 : vector<128x128xf32>
    %get3A_2321 = arith.constant 0 : index
    %get3A_2322 = arith.constant 0 : index
    %get3A_2323 = vector.load %arg4[%get3A_2321, %get3A_2322] : memref<1x128xf32, #tpu.memory_space<vmem>>, vector<1x128xf32>
    %mul3A_2324 = vector.broadcast %get3A_2323 : vector<1x128xf32> to vector<128x128xf32>
    %mul3A_2325 = arith.mulf %mul3A_2320, %mul3A_2324 : vector<128x128xf32>
    %get3A_2326 = arith.constant 0 : index
    %get3A_2327 = arith.constant 0 : index
    %get3A_2328 = vector.load %arg5[%get3A_2326, %get3A_2327] : memref<1x128xf32, #tpu.memory_space<vmem>>, vector<1x128xf32>
    %add3A_2329 = vector.broadcast %get3A_2328 : vector<1x128xf32> to vector<128x128xf32>
    %add3A_2330 = arith.addf %mul3A_2325, %add3A_2329 : vector<128x128xf32>
    %mul3A_2331 = arith.constant 5.000000e-01 : f32
    %mul3A_2332 = vector.broadcast %mul3A_2331 : f32 to vector<128x128xf32>
    %mul3A_2333 = arith.mulf %mul3A_2332, %add3A_2330 : vector<128x128xf32>
    %mul3A_2334 = arith.constant 0.707106769 : f32
    %mul3A_2335 = vector.broadcast %mul3A_2334 : f32 to vector<128x128xf32>
    %mul3A_2336 = arith.mulf %add3A_2330, %mul3A_2335 : vector<128x128xf32>
    %erf3A_2337 = math.erf %mul3A_2336 : vector<128x128xf32>
    %add3A_2338 = arith.constant 1.000000e+00 : f32
    %add3A_2339 = vector.broadcast %add3A_2338 : f32 to vector<128x128xf32>
    %add3A_2340 = arith.addf %add3A_2339, %erf3A_2337 : vector<128x128xf32>
    %mul3A_2341 = arith.mulf %mul3A_2333, %add3A_2340 : vector<128x128xf32>
    %slice3A_2342 = vector.extract_strided_slice %get3A_1 {offsets = [22656, 0], sizes = [128, 128], strides = [1, 1]} : vector<28672x128xf32> to vector<128x128xf32>
    %slice3A_2343 = vector.extract_strided_slice %get3A_1 {offsets = [24448, 0], sizes = [128, 128], strides = [1, 1]} : vector<28672x128xf32> to vector<128x128xf32>
    %slice3A_2344 = vector.extract_strided_slice %get3A_1 {offsets = [26240, 0], sizes = [128, 128], strides = [1, 1]} : vector<28672x128xf32> to vector<128x128xf32>
    %slice3A_2345 = vector.extract_strided_slice %get3A_1 {offsets = [28032, 0], sizes = [128, 128], strides = [1, 1]} : vector<28672x128xf32> to vector<128x128xf32>
    %concatenate3A_2346 = tpu.concatenate %slice3A_2342, %slice3A_2343, %slice3A_2344, %slice3A_2345 in 0 : vector<128x128xf32>, vector<128x128xf32>, vector<128x128xf32>, vector<128x128xf32> -> vector<512x128xf32>
    %get3A_2347 = arith.constant 0 : index
    %get3A_2348 = arith.constant 0 : index
    %get3A_2349 = vector.load %arg2[%get3A_2347, %get3A_2348] : memref<512x128xf32, #tpu.memory_space<vmem>>, vector<512x128xf32>
    %dot_general3A_2350 = arith.constant dense<0.000000e+00> : vector<128x128xf32>
    %dot_general3A_2351 = tpu.matmul %concatenate3A_2346, %get3A_2349, %dot_general3A_2350 {dimension_numbers = #tpu.dot_dimension_numbers<[0], [0], [1], [1], [0, 1, 1, 1], [], []>, transpose_lhs_hint = false} : vector<512x128xf32>, vector<512x128xf32>, vector<128x128xf32> -> vector<128x128xf32>
    %get3A_2352 = arith.constant 0 : index
    %get3A_2353 = arith.constant 0 : index
    %get3A_2354 = vector.load %arg3[%get3A_2352, %get3A_2353] : memref<1x128xf32, #tpu.memory_space<vmem>>, vector<1x128xf32>
    %add3A_2355 = vector.broadcast %get3A_2354 : vector<1x128xf32> to vector<128x128xf32>
    %add3A_2356 = arith.addf %dot_general3A_2351, %add3A_2355 : vector<128x128xf32>
    %dot_general3A_2357 = arith.constant dense<0.000000e+00> : vector<128x128xf32>
    %dot_general3A_2358 = tpu.matmul %add3A_2356, %get3A_4, %dot_general3A_2357 {dimension_numbers = #tpu.dot_dimension_numbers<[1], [0], [0], [1], [0, 0, 1, 1], [], []>, transpose_lhs_hint = false} : vector<128x128xf32>, vector<128x128xf32>, vector<128x128xf32> -> vector<128x128xf32>
    %mul3A_2359 = arith.mulf %add3A_2356, %add3A_2356 : vector<128x128xf32>
    %dot_general3A_2360 = arith.constant dense<0.000000e+00> : vector<128x128xf32>
    %dot_general3A_2361 = tpu.matmul %mul3A_2359, %get3A_4, %dot_general3A_2360 {dimension_numbers = #tpu.dot_dimension_numbers<[1], [0], [0], [1], [0, 0, 1, 1], [], []>, transpose_lhs_hint = false} : vector<128x128xf32>, vector<128x128xf32>, vector<128x128xf32> -> vector<128x128xf32>
    %mul3A_2362 = arith.mulf %dot_general3A_2358, %dot_general3A_2358 : vector<128x128xf32>
    %sub3A_2363 = arith.subf %dot_general3A_2361, %mul3A_2362 : vector<128x128xf32>
    %sub3A_2364 = arith.subf %add3A_2356, %dot_general3A_2358 : vector<128x128xf32>
    %add3A_2365 = arith.constant 9.99999974E-6 : f32
    %add3A_2366 = vector.broadcast %add3A_2365 : f32 to vector<128x128xf32>
    %add3A_2367 = arith.addf %sub3A_2363, %add3A_2366 : vector<128x128xf32>
    %rsqrt3A_2368 = math.rsqrt %add3A_2367 : vector<128x128xf32>
    %mul3A_2369 = arith.mulf %sub3A_2364, %rsqrt3A_2368 : vector<128x128xf32>
    %get3A_2370 = arith.constant 0 : index
    %get3A_2371 = arith.constant 0 : index
    %get3A_2372 = vector.load %arg4[%get3A_2370, %get3A_2371] : memref<1x128xf32, #tpu.memory_space<vmem>>, vector<1x128xf32>
    %mul3A_2373 = vector.broadcast %get3A_2372 : vector<1x128xf32> to vector<128x128xf32>
    %mul3A_2374 = arith.mulf %mul3A_2369, %mul3A_2373 : vector<128x128xf32>
    %get3A_2375 = arith.constant 0 : index
    %get3A_2376 = arith.constant 0 : index
    %get3A_2377 = vector.load %arg5[%get3A_2375, %get3A_2376] : memref<1x128xf32, #tpu.memory_space<vmem>>, vector<1x128xf32>
    %add3A_2378 = vector.broadcast %get3A_2377 : vector<1x128xf32> to vector<128x128xf32>
    %add3A_2379 = arith.addf %mul3A_2374, %add3A_2378 : vector<128x128xf32>
    %mul3A_2380 = arith.constant 5.000000e-01 : f32
    %mul3A_2381 = vector.broadcast %mul3A_2380 : f32 to vector<128x128xf32>
    %mul3A_2382 = arith.mulf %mul3A_2381, %add3A_2379 : vector<128x128xf32>
    %mul3A_2383 = arith.constant 0.707106769 : f32
    %mul3A_2384 = vector.broadcast %mul3A_2383 : f32 to vector<128x128xf32>
    %mul3A_2385 = arith.mulf %add3A_2379, %mul3A_2384 : vector<128x128xf32>
    %erf3A_2386 = math.erf %mul3A_2385 : vector<128x128xf32>
    %add3A_2387 = arith.constant 1.000000e+00 : f32
    %add3A_2388 = vector.broadcast %add3A_2387 : f32 to vector<128x128xf32>
    %add3A_2389 = arith.addf %add3A_2388, %erf3A_2386 : vector<128x128xf32>
    %mul3A_2390 = arith.mulf %mul3A_2382, %add3A_2389 : vector<128x128xf32>
    %concatenate3A_2391 = tpu.concatenate %mul3A_2243, %mul3A_2292, %mul3A_2341, %mul3A_2390 in 1 : vector<128x128xf32>, vector<128x128xf32>, vector<128x128xf32>, vector<128x128xf32> -> vector<128x512xf32>
    %get3A_2392 = arith.constant 0 : index
    %get3A_2393 = arith.constant 0 : index
    %get3A_2394 = vector.load %arg7[%get3A_2392, %get3A_2393] : memref<512x128xf32, #tpu.memory_space<vmem>>, vector<512x128xf32>
    %dot_general3A_2395 = arith.constant dense<0.000000e+00> : vector<128x128xf32>
    %dot_general3A_2396 = tpu.matmul %concatenate3A_2391, %get3A_2394, %dot_general3A_2395 {dimension_numbers = #tpu.dot_dimension_numbers<[1], [0], [0], [1], [0, 0, 1, 1], [], []>, transpose_lhs_hint = false} : vector<128x512xf32>, vector<512x128xf32>, vector<128x128xf32> -> vector<128x128xf32>
    %get3A_2397 = arith.constant 0 : index
    %get3A_2398 = arith.constant 0 : index
    %get3A_2399 = vector.load %arg8[%get3A_2397, %get3A_2398] : memref<1x128xf32, #tpu.memory_space<vmem>>, vector<1x128xf32>
    %add3A_2400 = vector.broadcast %get3A_2399 : vector<1x128xf32> to vector<128x128xf32>
    %add3A_2401 = arith.addf %dot_general3A_2396, %add3A_2400 : vector<128x128xf32>
    %dot_general3A_2402 = arith.constant dense<0.000000e+00> : vector<128x128xf32>
    %dot_general3A_2403 = tpu.matmul %add3A_2401, %get3A_7, %dot_general3A_2402 {dimension_numbers = #tpu.dot_dimension_numbers<[1], [0], [0], [1], [0, 0, 1, 1], [], []>, transpose_lhs_hint = false} : vector<128x128xf32>, vector<128x128xf32>, vector<128x128xf32> -> vector<128x128xf32>
    %mul3A_2404 = arith.mulf %add3A_2401, %add3A_2401 : vector<128x128xf32>
    %dot_general3A_2405 = arith.constant dense<0.000000e+00> : vector<128x128xf32>
    %dot_general3A_2406 = tpu.matmul %mul3A_2404, %get3A_7, %dot_general3A_2405 {dimension_numbers = #tpu.dot_dimension_numbers<[1], [0], [0], [1], [0, 0, 1, 1], [], []>, transpose_lhs_hint = false} : vector<128x128xf32>, vector<128x128xf32>, vector<128x128xf32> -> vector<128x128xf32>
    %sub3A_2407 = arith.subf %add3A_2401, %dot_general3A_2403 : vector<128x128xf32>
    %mul3A_2408 = arith.mulf %dot_general3A_2403, %dot_general3A_2403 : vector<128x128xf32>
    %sub3A_2409 = arith.subf %dot_general3A_2406, %mul3A_2408 : vector<128x128xf32>
    %add3A_2410 = arith.constant 9.99999974E-6 : f32
    %add3A_2411 = vector.broadcast %add3A_2410 : f32 to vector<128x128xf32>
    %add3A_2412 = arith.addf %sub3A_2409, %add3A_2411 : vector<128x128xf32>
    %rsqrt3A_2413 = math.rsqrt %add3A_2412 : vector<128x128xf32>
    %mul3A_2414 = arith.mulf %sub3A_2407, %rsqrt3A_2413 : vector<128x128xf32>
    %get3A_2415 = arith.constant 0 : index
    %get3A_2416 = arith.constant 0 : index
    %get3A_2417 = vector.load %arg9[%get3A_2415, %get3A_2416] : memref<1x128xf32, #tpu.memory_space<vmem>>, vector<1x128xf32>
    %mul3A_2418 = vector.broadcast %get3A_2417 : vector<1x128xf32> to vector<128x128xf32>
    %mul3A_2419 = arith.mulf %mul3A_2414, %mul3A_2418 : vector<128x128xf32>
    %get3A_2420 = arith.constant 0 : index
    %get3A_2421 = arith.constant 0 : index
    %get3A_2422 = vector.load %arg10[%get3A_2420, %get3A_2421] : memref<1x128xf32, #tpu.memory_space<vmem>>, vector<1x128xf32>
    %add3A_2423 = vector.broadcast %get3A_2422 : vector<1x128xf32> to vector<128x128xf32>
    %add3A_2424 = arith.addf %mul3A_2419, %add3A_2423 : vector<128x128xf32>
    %mul3A_2425 = arith.constant 5.000000e-01 : f32
    %mul3A_2426 = vector.broadcast %mul3A_2425 : f32 to vector<128x128xf32>
    %mul3A_2427 = arith.mulf %mul3A_2426, %add3A_2424 : vector<128x128xf32>
    %mul3A_2428 = arith.constant 0.707106769 : f32
    %mul3A_2429 = vector.broadcast %mul3A_2428 : f32 to vector<128x128xf32>
    %mul3A_2430 = arith.mulf %add3A_2424, %mul3A_2429 : vector<128x128xf32>
    %erf3A_2431 = math.erf %mul3A_2430 : vector<128x128xf32>
    %add3A_2432 = arith.constant 1.000000e+00 : f32
    %add3A_2433 = vector.broadcast %add3A_2432 : f32 to vector<128x128xf32>
    %add3A_2434 = arith.addf %add3A_2433, %erf3A_2431 : vector<128x128xf32>
    %mul3A_2435 = arith.mulf %mul3A_2427, %add3A_2434 : vector<128x128xf32>
    %swap3A_2436 = arith.constant 0 : index
    %swap3A_2437 = arith.constant 1152 : index
    %swap3A_2438 = vector.load %arg12[%swap3A_2436, %swap3A_2437] : memref<128x1792xf32, #tpu.memory_space<vmem>>, vector<128x128xf32>
    tpu.vector_store %arg12[%swap3A_2436, %swap3A_2437], %mul3A_2435 {strides = array<i32>} : memref<128x1792xf32, #tpu.memory_space<vmem>>, vector<128x128xf32>,
    %slice3A_2439 = vector.extract_strided_slice %get3A_1 {offsets = [1280, 0], sizes = [128, 128], strides = [1, 1]} : vector<28672x128xf32> to vector<128x128xf32>
    %slice3A_2440 = vector.extract_strided_slice %get3A_1 {offsets = [3072, 0], sizes = [128, 128], strides = [1, 1]} : vector<28672x128xf32> to vector<128x128xf32>
    %slice3A_2441 = vector.extract_strided_slice %get3A_1 {offsets = [4864, 0], sizes = [128, 128], strides = [1, 1]} : vector<28672x128xf32> to vector<128x128xf32>
    %slice3A_2442 = vector.extract_strided_slice %get3A_1 {offsets = [6656, 0], sizes = [128, 128], strides = [1, 1]} : vector<28672x128xf32> to vector<128x128xf32>
    %concatenate3A_2443 = tpu.concatenate %slice3A_2439, %slice3A_2440, %slice3A_2441, %slice3A_2442 in 0 : vector<128x128xf32>, vector<128x128xf32>, vector<128x128xf32>, vector<128x128xf32> -> vector<512x128xf32>
    %get3A_2444 = arith.constant 0 : index
    %get3A_2445 = arith.constant 0 : index
    %get3A_2446 = vector.load %arg2[%get3A_2444, %get3A_2445] : memref<512x128xf32, #tpu.memory_space<vmem>>, vector<512x128xf32>
    %dot_general3A_2447 = arith.constant dense<0.000000e+00> : vector<128x128xf32>
    %dot_general3A_2448 = tpu.matmul %concatenate3A_2443, %get3A_2446, %dot_general3A_2447 {dimension_numbers = #tpu.dot_dimension_numbers<[0], [0], [1], [1], [0, 1, 1, 1], [], []>, transpose_lhs_hint = false} : vector<512x128xf32>, vector<512x128xf32>, vector<128x128xf32> -> vector<128x128xf32>
    %get3A_2449 = arith.constant 0 : index
    %get3A_2450 = arith.constant 0 : index
    %get3A_2451 = vector.load %arg3[%get3A_2449, %get3A_2450] : memref<1x128xf32, #tpu.memory_space<vmem>>, vector<1x128xf32>
    %add3A_2452 = vector.broadcast %get3A_2451 : vector<1x128xf32> to vector<128x128xf32>
    %add3A_2453 = arith.addf %dot_general3A_2448, %add3A_2452 : vector<128x128xf32>
    %dot_general3A_2454 = arith.constant dense<0.000000e+00> : vector<128x128xf32>
    %dot_general3A_2455 = tpu.matmul %add3A_2453, %get3A_4, %dot_general3A_2454 {dimension_numbers = #tpu.dot_dimension_numbers<[1], [0], [0], [1], [0, 0, 1, 1], [], []>, transpose_lhs_hint = false} : vector<128x128xf32>, vector<128x128xf32>, vector<128x128xf32> -> vector<128x128xf32>
    %mul3A_2456 = arith.mulf %add3A_2453, %add3A_2453 : vector<128x128xf32>
    %dot_general3A_2457 = arith.constant dense<0.000000e+00> : vector<128x128xf32>
    %dot_general3A_2458 = tpu.matmul %mul3A_2456, %get3A_4, %dot_general3A_2457 {dimension_numbers = #tpu.dot_dimension_numbers<[1], [0], [0], [1], [0, 0, 1, 1], [], []>, transpose_lhs_hint = false} : vector<128x128xf32>, vector<128x128xf32>, vector<128x128xf32> -> vector<128x128xf32>
    %mul3A_2459 = arith.mulf %dot_general3A_2455, %dot_general3A_2455 : vector<128x128xf32>
    %sub3A_2460 = arith.subf %dot_general3A_2458, %mul3A_2459 : vector<128x128xf32>
    %sub3A_2461 = arith.subf %add3A_2453, %dot_general3A_2455 : vector<128x128xf32>
    %add3A_2462 = arith.constant 9.99999974E-6 : f32
    %add3A_2463 = vector.broadcast %add3A_2462 : f32 to vector<128x128xf32>
    %add3A_2464 = arith.addf %sub3A_2460, %add3A_2463 : vector<128x128xf32>
    %rsqrt3A_2465 = math.rsqrt %add3A_2464 : vector<128x128xf32>
    %mul3A_2466 = arith.mulf %sub3A_2461, %rsqrt3A_2465 : vector<128x128xf32>
    %get3A_2467 = arith.constant 0 : index
    %get3A_2468 = arith.constant 0 : index
    %get3A_2469 = vector.load %arg4[%get3A_2467, %get3A_2468] : memref<1x128xf32, #tpu.memory_space<vmem>>, vector<1x128xf32>
    %mul3A_2470 = vector.broadcast %get3A_2469 : vector<1x128xf32> to vector<128x128xf32>
    %mul3A_2471 = arith.mulf %mul3A_2466, %mul3A_2470 : vector<128x128xf32>
    %get3A_2472 = arith.constant 0 : index
    %get3A_2473 = arith.constant 0 : index
    %get3A_2474 = vector.load %arg5[%get3A_2472, %get3A_2473] : memref<1x128xf32, #tpu.memory_space<vmem>>, vector<1x128xf32>
    %add3A_2475 = vector.broadcast %get3A_2474 : vector<1x128xf32> to vector<128x128xf32>
    %add3A_2476 = arith.addf %mul3A_2471, %add3A_2475 : vector<128x128xf32>
    %mul3A_2477 = arith.constant 5.000000e-01 : f32
    %mul3A_2478 = vector.broadcast %mul3A_2477 : f32 to vector<128x128xf32>
    %mul3A_2479 = arith.mulf %mul3A_2478, %add3A_2476 : vector<128x128xf32>
    %mul3A_2480 = arith.constant 0.707106769 : f32
    %mul3A_2481 = vector.broadcast %mul3A_2480 : f32 to vector<128x128xf32>
    %mul3A_2482 = arith.mulf %add3A_2476, %mul3A_2481 : vector<128x128xf32>
    %erf3A_2483 = math.erf %mul3A_2482 : vector<128x128xf32>
    %add3A_2484 = arith.constant 1.000000e+00 : f32
    %add3A_2485 = vector.broadcast %add3A_2484 : f32 to vector<128x128xf32>
    %add3A_2486 = arith.addf %add3A_2485, %erf3A_2483 : vector<128x128xf32>
    %mul3A_2487 = arith.mulf %mul3A_2479, %add3A_2486 : vector<128x128xf32>
    %slice3A_2488 = vector.extract_strided_slice %get3A_1 {offsets = [8448, 0], sizes = [128, 128], strides = [1, 1]} : vector<28672x128xf32> to vector<128x128xf32>
    %slice3A_2489 = vector.extract_strided_slice %get3A_1 {offsets = [10240, 0], sizes = [128, 128], strides = [1, 1]} : vector<28672x128xf32> to vector<128x128xf32>
    %slice3A_2490 = vector.extract_strided_slice %get3A_1 {offsets = [12032, 0], sizes = [128, 128], strides = [1, 1]} : vector<28672x128xf32> to vector<128x128xf32>
    %slice3A_2491 = vector.extract_strided_slice %get3A_1 {offsets = [13824, 0], sizes = [128, 128], strides = [1, 1]} : vector<28672x128xf32> to vector<128x128xf32>
    %concatenate3A_2492 = tpu.concatenate %slice3A_2488, %slice3A_2489, %slice3A_2490, %slice3A_2491 in 0 : vector<128x128xf32>, vector<128x128xf32>, vector<128x128xf32>, vector<128x128xf32> -> vector<512x128xf32>
    %get3A_2493 = arith.constant 0 : index
    %get3A_2494 = arith.constant 0 : index
    %get3A_2495 = vector.load %arg2[%get3A_2493, %get3A_2494] : memref<512x128xf32, #tpu.memory_space<vmem>>, vector<512x128xf32>
    %dot_general3A_2496 = arith.constant dense<0.000000e+00> : vector<128x128xf32>
    %dot_general3A_2497 = tpu.matmul %concatenate3A_2492, %get3A_2495, %dot_general3A_2496 {dimension_numbers = #tpu.dot_dimension_numbers<[0], [0], [1], [1], [0, 1, 1, 1], [], []>, transpose_lhs_hint = false} : vector<512x128xf32>, vector<512x128xf32>, vector<128x128xf32> -> vector<128x128xf32>
    %get3A_2498 = arith.constant 0 : index
    %get3A_2499 = arith.constant 0 : index
    %get3A_2500 = vector.load %arg3[%get3A_2498, %get3A_2499] : memref<1x128xf32, #tpu.memory_space<vmem>>, vector<1x128xf32>
    %add3A_2501 = vector.broadcast %get3A_2500 : vector<1x128xf32> to vector<128x128xf32>
    %add3A_2502 = arith.addf %dot_general3A_2497, %add3A_2501 : vector<128x128xf32>
    %dot_general3A_2503 = arith.constant dense<0.000000e+00> : vector<128x128xf32>
    %dot_general3A_2504 = tpu.matmul %add3A_2502, %get3A_4, %dot_general3A_2503 {dimension_numbers = #tpu.dot_dimension_numbers<[1], [0], [0], [1], [0, 0, 1, 1], [], []>, transpose_lhs_hint = false} : vector<128x128xf32>, vector<128x128xf32>, vector<128x128xf32> -> vector<128x128xf32>
    %mul3A_2505 = arith.mulf %add3A_2502, %add3A_2502 : vector<128x128xf32>
    %dot_general3A_2506 = arith.constant dense<0.000000e+00> : vector<128x128xf32>
    %dot_general3A_2507 = tpu.matmul %mul3A_2505, %get3A_4, %dot_general3A_2506 {dimension_numbers = #tpu.dot_dimension_numbers<[1], [0], [0], [1], [0, 0, 1, 1], [], []>, transpose_lhs_hint = false} : vector<128x128xf32>, vector<128x128xf32>, vector<128x128xf32> -> vector<128x128xf32>
    %mul3A_2508 = arith.mulf %dot_general3A_2504, %dot_general3A_2504 : vector<128x128xf32>
    %sub3A_2509 = arith.subf %dot_general3A_2507, %mul3A_2508 : vector<128x128xf32>
    %sub3A_2510 = arith.subf %add3A_2502, %dot_general3A_2504 : vector<128x128xf32>
    %add3A_2511 = arith.constant 9.99999974E-6 : f32
    %add3A_2512 = vector.broadcast %add3A_2511 : f32 to vector<128x128xf32>
    %add3A_2513 = arith.addf %sub3A_2509, %add3A_2512 : vector<128x128xf32>
    %rsqrt3A_2514 = math.rsqrt %add3A_2513 : vector<128x128xf32>
    %mul3A_2515 = arith.mulf %sub3A_2510, %rsqrt3A_2514 : vector<128x128xf32>
    %get3A_2516 = arith.constant 0 : index
    %get3A_2517 = arith.constant 0 : index
    %get3A_2518 = vector.load %arg4[%get3A_2516, %get3A_2517] : memref<1x128xf32, #tpu.memory_space<vmem>>, vector<1x128xf32>
    %mul3A_2519 = vector.broadcast %get3A_2518 : vector<1x128xf32> to vector<128x128xf32>
    %mul3A_2520 = arith.mulf %mul3A_2515, %mul3A_2519 : vector<128x128xf32>
    %get3A_2521 = arith.constant 0 : index
    %get3A_2522 = arith.constant 0 : index
    %get3A_2523 = vector.load %arg5[%get3A_2521, %get3A_2522] : memref<1x128xf32, #tpu.memory_space<vmem>>, vector<1x128xf32>
    %add3A_2524 = vector.broadcast %get3A_2523 : vector<1x128xf32> to vector<128x128xf32>
    %add3A_2525 = arith.addf %mul3A_2520, %add3A_2524 : vector<128x128xf32>
    %mul3A_2526 = arith.constant 5.000000e-01 : f32
    %mul3A_2527 = vector.broadcast %mul3A_2526 : f32 to vector<128x128xf32>
    %mul3A_2528 = arith.mulf %mul3A_2527, %add3A_2525 : vector<128x128xf32>
    %mul3A_2529 = arith.constant 0.707106769 : f32
    %mul3A_2530 = vector.broadcast %mul3A_2529 : f32 to vector<128x128xf32>
    %mul3A_2531 = arith.mulf %add3A_2525, %mul3A_2530 : vector<128x128xf32>
    %erf3A_2532 = math.erf %mul3A_2531 : vector<128x128xf32>
    %add3A_2533 = arith.constant 1.000000e+00 : f32
    %add3A_2534 = vector.broadcast %add3A_2533 : f32 to vector<128x128xf32>
    %add3A_2535 = arith.addf %add3A_2534, %erf3A_2532 : vector<128x128xf32>
    %mul3A_2536 = arith.mulf %mul3A_2528, %add3A_2535 : vector<128x128xf32>
    %slice3A_2537 = vector.extract_strided_slice %get3A_1 {offsets = [15616, 0], sizes = [128, 128], strides = [1, 1]} : vector<28672x128xf32> to vector<128x128xf32>
    %slice3A_2538 = vector.extract_strided_slice %get3A_1 {offsets = [17408, 0], sizes = [128, 128], strides = [1, 1]} : vector<28672x128xf32> to vector<128x128xf32>
    %slice3A_2539 = vector.extract_strided_slice %get3A_1 {offsets = [19200, 0], sizes = [128, 128], strides = [1, 1]} : vector<28672x128xf32> to vector<128x128xf32>
    %slice3A_2540 = vector.extract_strided_slice %get3A_1 {offsets = [20992, 0], sizes = [128, 128], strides = [1, 1]} : vector<28672x128xf32> to vector<128x128xf32>
    %concatenate3A_2541 = tpu.concatenate %slice3A_2537, %slice3A_2538, %slice3A_2539, %slice3A_2540 in 0 : vector<128x128xf32>, vector<128x128xf32>, vector<128x128xf32>, vector<128x128xf32> -> vector<512x128xf32>
    %get3A_2542 = arith.constant 0 : index
    %get3A_2543 = arith.constant 0 : index
    %get3A_2544 = vector.load %arg2[%get3A_2542, %get3A_2543] : memref<512x128xf32, #tpu.memory_space<vmem>>, vector<512x128xf32>
    %dot_general3A_2545 = arith.constant dense<0.000000e+00> : vector<128x128xf32>
    %dot_general3A_2546 = tpu.matmul %concatenate3A_2541, %get3A_2544, %dot_general3A_2545 {dimension_numbers = #tpu.dot_dimension_numbers<[0], [0], [1], [1], [0, 1, 1, 1], [], []>, transpose_lhs_hint = false} : vector<512x128xf32>, vector<512x128xf32>, vector<128x128xf32> -> vector<128x128xf32>
    %get3A_2547 = arith.constant 0 : index
    %get3A_2548 = arith.constant 0 : index
    %get3A_2549 = vector.load %arg3[%get3A_2547, %get3A_2548] : memref<1x128xf32, #tpu.memory_space<vmem>>, vector<1x128xf32>
    %add3A_2550 = vector.broadcast %get3A_2549 : vector<1x128xf32> to vector<128x128xf32>
    %add3A_2551 = arith.addf %dot_general3A_2546, %add3A_2550 : vector<128x128xf32>
    %dot_general3A_2552 = arith.constant dense<0.000000e+00> : vector<128x128xf32>
    %dot_general3A_2553 = tpu.matmul %add3A_2551, %get3A_4, %dot_general3A_2552 {dimension_numbers = #tpu.dot_dimension_numbers<[1], [0], [0], [1], [0, 0, 1, 1], [], []>, transpose_lhs_hint = false} : vector<128x128xf32>, vector<128x128xf32>, vector<128x128xf32> -> vector<128x128xf32>
    %mul3A_2554 = arith.mulf %add3A_2551, %add3A_2551 : vector<128x128xf32>
    %dot_general3A_2555 = arith.constant dense<0.000000e+00> : vector<128x128xf32>
    %dot_general3A_2556 = tpu.matmul %mul3A_2554, %get3A_4, %dot_general3A_2555 {dimension_numbers = #tpu.dot_dimension_numbers<[1], [0], [0], [1], [0, 0, 1, 1], [], []>, transpose_lhs_hint = false} : vector<128x128xf32>, vector<128x128xf32>, vector<128x128xf32> -> vector<128x128xf32>
    %mul3A_2557 = arith.mulf %dot_general3A_2553, %dot_general3A_2553 : vector<128x128xf32>
    %sub3A_2558 = arith.subf %dot_general3A_2556, %mul3A_2557 : vector<128x128xf32>
    %sub3A_2559 = arith.subf %add3A_2551, %dot_general3A_2553 : vector<128x128xf32>
    %add3A_2560 = arith.constant 9.99999974E-6 : f32
    %add3A_2561 = vector.broadcast %add3A_2560 : f32 to vector<128x128xf32>
    %add3A_2562 = arith.addf %sub3A_2558, %add3A_2561 : vector<128x128xf32>
    %rsqrt3A_2563 = math.rsqrt %add3A_2562 : vector<128x128xf32>
    %mul3A_2564 = arith.mulf %sub3A_2559, %rsqrt3A_2563 : vector<128x128xf32>
    %get3A_2565 = arith.constant 0 : index
    %get3A_2566 = arith.constant 0 : index
    %get3A_2567 = vector.load %arg4[%get3A_2565, %get3A_2566] : memref<1x128xf32, #tpu.memory_space<vmem>>, vector<1x128xf32>
    %mul3A_2568 = vector.broadcast %get3A_2567 : vector<1x128xf32> to vector<128x128xf32>
    %mul3A_2569 = arith.mulf %mul3A_2564, %mul3A_2568 : vector<128x128xf32>
    %get3A_2570 = arith.constant 0 : index
    %get3A_2571 = arith.constant 0 : index
    %get3A_2572 = vector.load %arg5[%get3A_2570, %get3A_2571] : memref<1x128xf32, #tpu.memory_space<vmem>>, vector<1x128xf32>
    %add3A_2573 = vector.broadcast %get3A_2572 : vector<1x128xf32> to vector<128x128xf32>
    %add3A_2574 = arith.addf %mul3A_2569, %add3A_2573 : vector<128x128xf32>
    %mul3A_2575 = arith.constant 5.000000e-01 : f32
    %mul3A_2576 = vector.broadcast %mul3A_2575 : f32 to vector<128x128xf32>
    %mul3A_2577 = arith.mulf %mul3A_2576, %add3A_2574 : vector<128x128xf32>
    %mul3A_2578 = arith.constant 0.707106769 : f32
    %mul3A_2579 = vector.broadcast %mul3A_2578 : f32 to vector<128x128xf32>
    %mul3A_2580 = arith.mulf %add3A_2574, %mul3A_2579 : vector<128x128xf32>
    %erf3A_2581 = math.erf %mul3A_2580 : vector<128x128xf32>
    %add3A_2582 = arith.constant 1.000000e+00 : f32
    %add3A_2583 = vector.broadcast %add3A_2582 : f32 to vector<128x128xf32>
    %add3A_2584 = arith.addf %add3A_2583, %erf3A_2581 : vector<128x128xf32>
    %mul3A_2585 = arith.mulf %mul3A_2577, %add3A_2584 : vector<128x128xf32>
    %slice3A_2586 = vector.extract_strided_slice %get3A_1 {offsets = [22784, 0], sizes = [128, 128], strides = [1, 1]} : vector<28672x128xf32> to vector<128x128xf32>
    %slice3A_2587 = vector.extract_strided_slice %get3A_1 {offsets = [24576, 0], sizes = [128, 128], strides = [1, 1]} : vector<28672x128xf32> to vector<128x128xf32>
    %slice3A_2588 = vector.extract_strided_slice %get3A_1 {offsets = [26368, 0], sizes = [128, 128], strides = [1, 1]} : vector<28672x128xf32> to vector<128x128xf32>
    %slice3A_2589 = vector.extract_strided_slice %get3A_1 {offsets = [28160, 0], sizes = [128, 128], strides = [1, 1]} : vector<28672x128xf32> to vector<128x128xf32>
    %concatenate3A_2590 = tpu.concatenate %slice3A_2586, %slice3A_2587, %slice3A_2588, %slice3A_2589 in 0 : vector<128x128xf32>, vector<128x128xf32>, vector<128x128xf32>, vector<128x128xf32> -> vector<512x128xf32>
    %get3A_2591 = arith.constant 0 : index
    %get3A_2592 = arith.constant 0 : index
    %get3A_2593 = vector.load %arg2[%get3A_2591, %get3A_2592] : memref<512x128xf32, #tpu.memory_space<vmem>>, vector<512x128xf32>
    %dot_general3A_2594 = arith.constant dense<0.000000e+00> : vector<128x128xf32>
    %dot_general3A_2595 = tpu.matmul %concatenate3A_2590, %get3A_2593, %dot_general3A_2594 {dimension_numbers = #tpu.dot_dimension_numbers<[0], [0], [1], [1], [0, 1, 1, 1], [], []>, transpose_lhs_hint = false} : vector<512x128xf32>, vector<512x128xf32>, vector<128x128xf32> -> vector<128x128xf32>
    %get3A_2596 = arith.constant 0 : index
    %get3A_2597 = arith.constant 0 : index
    %get3A_2598 = vector.load %arg3[%get3A_2596, %get3A_2597] : memref<1x128xf32, #tpu.memory_space<vmem>>, vector<1x128xf32>
    %add3A_2599 = vector.broadcast %get3A_2598 : vector<1x128xf32> to vector<128x128xf32>
    %add3A_2600 = arith.addf %dot_general3A_2595, %add3A_2599 : vector<128x128xf32>
    %dot_general3A_2601 = arith.constant dense<0.000000e+00> : vector<128x128xf32>
    %dot_general3A_2602 = tpu.matmul %add3A_2600, %get3A_4, %dot_general3A_2601 {dimension_numbers = #tpu.dot_dimension_numbers<[1], [0], [0], [1], [0, 0, 1, 1], [], []>, transpose_lhs_hint = false} : vector<128x128xf32>, vector<128x128xf32>, vector<128x128xf32> -> vector<128x128xf32>
    %mul3A_2603 = arith.mulf %add3A_2600, %add3A_2600 : vector<128x128xf32>
    %dot_general3A_2604 = arith.constant dense<0.000000e+00> : vector<128x128xf32>
    %dot_general3A_2605 = tpu.matmul %mul3A_2603, %get3A_4, %dot_general3A_2604 {dimension_numbers = #tpu.dot_dimension_numbers<[1], [0], [0], [1], [0, 0, 1, 1], [], []>, transpose_lhs_hint = false} : vector<128x128xf32>, vector<128x128xf32>, vector<128x128xf32> -> vector<128x128xf32>
    %mul3A_2606 = arith.mulf %dot_general3A_2602, %dot_general3A_2602 : vector<128x128xf32>
    %sub3A_2607 = arith.subf %dot_general3A_2605, %mul3A_2606 : vector<128x128xf32>
    %sub3A_2608 = arith.subf %add3A_2600, %dot_general3A_2602 : vector<128x128xf32>
    %add3A_2609 = arith.constant 9.99999974E-6 : f32
    %add3A_2610 = vector.broadcast %add3A_2609 : f32 to vector<128x128xf32>
    %add3A_2611 = arith.addf %sub3A_2607, %add3A_2610 : vector<128x128xf32>
    %rsqrt3A_2612 = math.rsqrt %add3A_2611 : vector<128x128xf32>
    %mul3A_2613 = arith.mulf %sub3A_2608, %rsqrt3A_2612 : vector<128x128xf32>
    %get3A_2614 = arith.constant 0 : index
    %get3A_2615 = arith.constant 0 : index
    %get3A_2616 = vector.load %arg4[%get3A_2614, %get3A_2615] : memref<1x128xf32, #tpu.memory_space<vmem>>, vector<1x128xf32>
    %mul3A_2617 = vector.broadcast %get3A_2616 : vector<1x128xf32> to vector<128x128xf32>
    %mul3A_2618 = arith.mulf %mul3A_2613, %mul3A_2617 : vector<128x128xf32>
    %get3A_2619 = arith.constant 0 : index
    %get3A_2620 = arith.constant 0 : index
    %get3A_2621 = vector.load %arg5[%get3A_2619, %get3A_2620] : memref<1x128xf32, #tpu.memory_space<vmem>>, vector<1x128xf32>
    %add3A_2622 = vector.broadcast %get3A_2621 : vector<1x128xf32> to vector<128x128xf32>
    %add3A_2623 = arith.addf %mul3A_2618, %add3A_2622 : vector<128x128xf32>
    %mul3A_2624 = arith.constant 5.000000e-01 : f32
    %mul3A_2625 = vector.broadcast %mul3A_2624 : f32 to vector<128x128xf32>
    %mul3A_2626 = arith.mulf %mul3A_2625, %add3A_2623 : vector<128x128xf32>
    %mul3A_2627 = arith.constant 0.707106769 : f32
    %mul3A_2628 = vector.broadcast %mul3A_2627 : f32 to vector<128x128xf32>
    %mul3A_2629 = arith.mulf %add3A_2623, %mul3A_2628 : vector<128x128xf32>
    %erf3A_2630 = math.erf %mul3A_2629 : vector<128x128xf32>
    %add3A_2631 = arith.constant 1.000000e+00 : f32
    %add3A_2632 = vector.broadcast %add3A_2631 : f32 to vector<128x128xf32>
    %add3A_2633 = arith.addf %add3A_2632, %erf3A_2630 : vector<128x128xf32>
    %mul3A_2634 = arith.mulf %mul3A_2626, %add3A_2633 : vector<128x128xf32>
    %concatenate3A_2635 = tpu.concatenate %mul3A_2487, %mul3A_2536, %mul3A_2585, %mul3A_2634 in 1 : vector<128x128xf32>, vector<128x128xf32>, vector<128x128xf32>, vector<128x128xf32> -> vector<128x512xf32>
    %get3A_2636 = arith.constant 0 : index
    %get3A_2637 = arith.constant 0 : index
    %get3A_2638 = vector.load %arg7[%get3A_2636, %get3A_2637] : memref<512x128xf32, #tpu.memory_space<vmem>>, vector<512x128xf32>
    %dot_general3A_2639 = arith.constant dense<0.000000e+00> : vector<128x128xf32>
    %dot_general3A_2640 = tpu.matmul %concatenate3A_2635, %get3A_2638, %dot_general3A_2639 {dimension_numbers = #tpu.dot_dimension_numbers<[1], [0], [0], [1], [0, 0, 1, 1], [], []>, transpose_lhs_hint = false} : vector<128x512xf32>, vector<512x128xf32>, vector<128x128xf32> -> vector<128x128xf32>
    %get3A_2641 = arith.constant 0 : index
    %get3A_2642 = arith.constant 0 : index
    %get3A_2643 = vector.load %arg8[%get3A_2641, %get3A_2642] : memref<1x128xf32, #tpu.memory_space<vmem>>, vector<1x128xf32>
    %add3A_2644 = vector.broadcast %get3A_2643 : vector<1x128xf32> to vector<128x128xf32>
    %add3A_2645 = arith.addf %dot_general3A_2640, %add3A_2644 : vector<128x128xf32>
    %dot_general3A_2646 = arith.constant dense<0.000000e+00> : vector<128x128xf32>
    %dot_general3A_2647 = tpu.matmul %add3A_2645, %get3A_7, %dot_general3A_2646 {dimension_numbers = #tpu.dot_dimension_numbers<[1], [0], [0], [1], [0, 0, 1, 1], [], []>, transpose_lhs_hint = false} : vector<128x128xf32>, vector<128x128xf32>, vector<128x128xf32> -> vector<128x128xf32>
    %mul3A_2648 = arith.mulf %add3A_2645, %add3A_2645 : vector<128x128xf32>
    %dot_general3A_2649 = arith.constant dense<0.000000e+00> : vector<128x128xf32>
    %dot_general3A_2650 = tpu.matmul %mul3A_2648, %get3A_7, %dot_general3A_2649 {dimension_numbers = #tpu.dot_dimension_numbers<[1], [0], [0], [1], [0, 0, 1, 1], [], []>, transpose_lhs_hint = false} : vector<128x128xf32>, vector<128x128xf32>, vector<128x128xf32> -> vector<128x128xf32>
    %sub3A_2651 = arith.subf %add3A_2645, %dot_general3A_2647 : vector<128x128xf32>
    %mul3A_2652 = arith.mulf %dot_general3A_2647, %dot_general3A_2647 : vector<128x128xf32>
    %sub3A_2653 = arith.subf %dot_general3A_2650, %mul3A_2652 : vector<128x128xf32>
    %add3A_2654 = arith.constant 9.99999974E-6 : f32
    %add3A_2655 = vector.broadcast %add3A_2654 : f32 to vector<128x128xf32>
    %add3A_2656 = arith.addf %sub3A_2653, %add3A_2655 : vector<128x128xf32>
    %rsqrt3A_2657 = math.rsqrt %add3A_2656 : vector<128x128xf32>
    %mul3A_2658 = arith.mulf %sub3A_2651, %rsqrt3A_2657 : vector<128x128xf32>
    %get3A_2659 = arith.constant 0 : index
    %get3A_2660 = arith.constant 0 : index
    %get3A_2661 = vector.load %arg9[%get3A_2659, %get3A_2660] : memref<1x128xf32, #tpu.memory_space<vmem>>, vector<1x128xf32>
    %mul3A_2662 = vector.broadcast %get3A_2661 : vector<1x128xf32> to vector<128x128xf32>
    %mul3A_2663 = arith.mulf %mul3A_2658, %mul3A_2662 : vector<128x128xf32>
    %get3A_2664 = arith.constant 0 : index
    %get3A_2665 = arith.constant 0 : index
    %get3A_2666 = vector.load %arg10[%get3A_2664, %get3A_2665] : memref<1x128xf32, #tpu.memory_space<vmem>>, vector<1x128xf32>
    %add3A_2667 = vector.broadcast %get3A_2666 : vector<1x128xf32> to vector<128x128xf32>
    %add3A_2668 = arith.addf %mul3A_2663, %add3A_2667 : vector<128x128xf32>
    %mul3A_2669 = arith.constant 5.000000e-01 : f32
    %mul3A_2670 = vector.broadcast %mul3A_2669 : f32 to vector<128x128xf32>
    %mul3A_2671 = arith.mulf %mul3A_2670, %add3A_2668 : vector<128x128xf32>
    %mul3A_2672 = arith.constant 0.707106769 : f32
    %mul3A_2673 = vector.broadcast %mul3A_2672 : f32 to vector<128x128xf32>
    %mul3A_2674 = arith.mulf %add3A_2668, %mul3A_2673 : vector<128x128xf32>
    %erf3A_2675 = math.erf %mul3A_2674 : vector<128x128xf32>
    %add3A_2676 = arith.constant 1.000000e+00 : f32
    %add3A_2677 = vector.broadcast %add3A_2676 : f32 to vector<128x128xf32>
    %add3A_2678 = arith.addf %add3A_2677, %erf3A_2675 : vector<128x128xf32>
    %mul3A_2679 = arith.mulf %mul3A_2671, %add3A_2678 : vector<128x128xf32>
    %swap3A_2680 = arith.constant 0 : index
    %swap3A_2681 = arith.constant 1280 : index
    %swap3A_2682 = vector.load %arg12[%swap3A_2680, %swap3A_2681] : memref<128x1792xf32, #tpu.memory_space<vmem>>, vector<128x128xf32>
    tpu.vector_store %arg12[%swap3A_2680, %swap3A_2681], %mul3A_2679 {strides = array<i32>} : memref<128x1792xf32, #tpu.memory_space<vmem>>, vector<128x128xf32>,
    %slice3A_2683 = vector.extract_strided_slice %get3A_1 {offsets = [1408, 0], sizes = [128, 128], strides = [1, 1]} : vector<28672x128xf32> to vector<128x128xf32>
    %slice3A_2684 = vector.extract_strided_slice %get3A_1 {offsets = [3200, 0], sizes = [128, 128], strides = [1, 1]} : vector<28672x128xf32> to vector<128x128xf32>
    %slice3A_2685 = vector.extract_strided_slice %get3A_1 {offsets = [4992, 0], sizes = [128, 128], strides = [1, 1]} : vector<28672x128xf32> to vector<128x128xf32>
    %slice3A_2686 = vector.extract_strided_slice %get3A_1 {offsets = [6784, 0], sizes = [128, 128], strides = [1, 1]} : vector<28672x128xf32> to vector<128x128xf32>
    %concatenate3A_2687 = tpu.concatenate %slice3A_2683, %slice3A_2684, %slice3A_2685, %slice3A_2686 in 0 : vector<128x128xf32>, vector<128x128xf32>, vector<128x128xf32>, vector<128x128xf32> -> vector<512x128xf32>
    %get3A_2688 = arith.constant 0 : index
    %get3A_2689 = arith.constant 0 : index
    %get3A_2690 = vector.load %arg2[%get3A_2688, %get3A_2689] : memref<512x128xf32, #tpu.memory_space<vmem>>, vector<512x128xf32>
    %dot_general3A_2691 = arith.constant dense<0.000000e+00> : vector<128x128xf32>
    %dot_general3A_2692 = tpu.matmul %concatenate3A_2687, %get3A_2690, %dot_general3A_2691 {dimension_numbers = #tpu.dot_dimension_numbers<[0], [0], [1], [1], [0, 1, 1, 1], [], []>, transpose_lhs_hint = false} : vector<512x128xf32>, vector<512x128xf32>, vector<128x128xf32> -> vector<128x128xf32>
    %get3A_2693 = arith.constant 0 : index
    %get3A_2694 = arith.constant 0 : index
    %get3A_2695 = vector.load %arg3[%get3A_2693, %get3A_2694] : memref<1x128xf32, #tpu.memory_space<vmem>>, vector<1x128xf32>
    %add3A_2696 = vector.broadcast %get3A_2695 : vector<1x128xf32> to vector<128x128xf32>
    %add3A_2697 = arith.addf %dot_general3A_2692, %add3A_2696 : vector<128x128xf32>
    %dot_general3A_2698 = arith.constant dense<0.000000e+00> : vector<128x128xf32>
    %dot_general3A_2699 = tpu.matmul %add3A_2697, %get3A_4, %dot_general3A_2698 {dimension_numbers = #tpu.dot_dimension_numbers<[1], [0], [0], [1], [0, 0, 1, 1], [], []>, transpose_lhs_hint = false} : vector<128x128xf32>, vector<128x128xf32>, vector<128x128xf32> -> vector<128x128xf32>
    %mul3A_2700 = arith.mulf %add3A_2697, %add3A_2697 : vector<128x128xf32>
    %dot_general3A_2701 = arith.constant dense<0.000000e+00> : vector<128x128xf32>
    %dot_general3A_2702 = tpu.matmul %mul3A_2700, %get3A_4, %dot_general3A_2701 {dimension_numbers = #tpu.dot_dimension_numbers<[1], [0], [0], [1], [0, 0, 1, 1], [], []>, transpose_lhs_hint = false} : vector<128x128xf32>, vector<128x128xf32>, vector<128x128xf32> -> vector<128x128xf32>
    %mul3A_2703 = arith.mulf %dot_general3A_2699, %dot_general3A_2699 : vector<128x128xf32>
    %sub3A_2704 = arith.subf %dot_general3A_2702, %mul3A_2703 : vector<128x128xf32>
    %sub3A_2705 = arith.subf %add3A_2697, %dot_general3A_2699 : vector<128x128xf32>
    %add3A_2706 = arith.constant 9.99999974E-6 : f32
    %add3A_2707 = vector.broadcast %add3A_2706 : f32 to vector<128x128xf32>
    %add3A_2708 = arith.addf %sub3A_2704, %add3A_2707 : vector<128x128xf32>
    %rsqrt3A_2709 = math.rsqrt %add3A_2708 : vector<128x128xf32>
    %mul3A_2710 = arith.mulf %sub3A_2705, %rsqrt3A_2709 : vector<128x128xf32>
    %get3A_2711 = arith.constant 0 : index
    %get3A_2712 = arith.constant 0 : index
    %get3A_2713 = vector.load %arg4[%get3A_2711, %get3A_2712] : memref<1x128xf32, #tpu.memory_space<vmem>>, vector<1x128xf32>
    %mul3A_2714 = vector.broadcast %get3A_2713 : vector<1x128xf32> to vector<128x128xf32>
    %mul3A_2715 = arith.mulf %mul3A_2710, %mul3A_2714 : vector<128x128xf32>
    %get3A_2716 = arith.constant 0 : index
    %get3A_2717 = arith.constant 0 : index
    %get3A_2718 = vector.load %arg5[%get3A_2716, %get3A_2717] : memref<1x128xf32, #tpu.memory_space<vmem>>, vector<1x128xf32>
    %add3A_2719 = vector.broadcast %get3A_2718 : vector<1x128xf32> to vector<128x128xf32>
    %add3A_2720 = arith.addf %mul3A_2715, %add3A_2719 : vector<128x128xf32>
    %mul3A_2721 = arith.constant 5.000000e-01 : f32
    %mul3A_2722 = vector.broadcast %mul3A_2721 : f32 to vector<128x128xf32>
    %mul3A_2723 = arith.mulf %mul3A_2722, %add3A_2720 : vector<128x128xf32>
    %mul3A_2724 = arith.constant 0.707106769 : f32
    %mul3A_2725 = vector.broadcast %mul3A_2724 : f32 to vector<128x128xf32>
    %mul3A_2726 = arith.mulf %add3A_2720, %mul3A_2725 : vector<128x128xf32>
    %erf3A_2727 = math.erf %mul3A_2726 : vector<128x128xf32>
    %add3A_2728 = arith.constant 1.000000e+00 : f32
    %add3A_2729 = vector.broadcast %add3A_2728 : f32 to vector<128x128xf32>
    %add3A_2730 = arith.addf %add3A_2729, %erf3A_2727 : vector<128x128xf32>
    %mul3A_2731 = arith.mulf %mul3A_2723, %add3A_2730 : vector<128x128xf32>
    %slice3A_2732 = vector.extract_strided_slice %get3A_1 {offsets = [8576, 0], sizes = [128, 128], strides = [1, 1]} : vector<28672x128xf32> to vector<128x128xf32>
    %slice3A_2733 = vector.extract_strided_slice %get3A_1 {offsets = [10368, 0], sizes = [128, 128], strides = [1, 1]} : vector<28672x128xf32> to vector<128x128xf32>
    %slice3A_2734 = vector.extract_strided_slice %get3A_1 {offsets = [12160, 0], sizes = [128, 128], strides = [1, 1]} : vector<28672x128xf32> to vector<128x128xf32>
    %slice3A_2735 = vector.extract_strided_slice %get3A_1 {offsets = [13952, 0], sizes = [128, 128], strides = [1, 1]} : vector<28672x128xf32> to vector<128x128xf32>
    %concatenate3A_2736 = tpu.concatenate %slice3A_2732, %slice3A_2733, %slice3A_2734, %slice3A_2735 in 0 : vector<128x128xf32>, vector<128x128xf32>, vector<128x128xf32>, vector<128x128xf32> -> vector<512x128xf32>
    %get3A_2737 = arith.constant 0 : index
    %get3A_2738 = arith.constant 0 : index
    %get3A_2739 = vector.load %arg2[%get3A_2737, %get3A_2738] : memref<512x128xf32, #tpu.memory_space<vmem>>, vector<512x128xf32>
    %dot_general3A_2740 = arith.constant dense<0.000000e+00> : vector<128x128xf32>
    %dot_general3A_2741 = tpu.matmul %concatenate3A_2736, %get3A_2739, %dot_general3A_2740 {dimension_numbers = #tpu.dot_dimension_numbers<[0], [0], [1], [1], [0, 1, 1, 1], [], []>, transpose_lhs_hint = false} : vector<512x128xf32>, vector<512x128xf32>, vector<128x128xf32> -> vector<128x128xf32>
    %get3A_2742 = arith.constant 0 : index
    %get3A_2743 = arith.constant 0 : index
    %get3A_2744 = vector.load %arg3[%get3A_2742, %get3A_2743] : memref<1x128xf32, #tpu.memory_space<vmem>>, vector<1x128xf32>
    %add3A_2745 = vector.broadcast %get3A_2744 : vector<1x128xf32> to vector<128x128xf32>
    %add3A_2746 = arith.addf %dot_general3A_2741, %add3A_2745 : vector<128x128xf32>
    %dot_general3A_2747 = arith.constant dense<0.000000e+00> : vector<128x128xf32>
    %dot_general3A_2748 = tpu.matmul %add3A_2746, %get3A_4, %dot_general3A_2747 {dimension_numbers = #tpu.dot_dimension_numbers<[1], [0], [0], [1], [0, 0, 1, 1], [], []>, transpose_lhs_hint = false} : vector<128x128xf32>, vector<128x128xf32>, vector<128x128xf32> -> vector<128x128xf32>
    %mul3A_2749 = arith.mulf %add3A_2746, %add3A_2746 : vector<128x128xf32>
    %dot_general3A_2750 = arith.constant dense<0.000000e+00> : vector<128x128xf32>
    %dot_general3A_2751 = tpu.matmul %mul3A_2749, %get3A_4, %dot_general3A_2750 {dimension_numbers = #tpu.dot_dimension_numbers<[1], [0], [0], [1], [0, 0, 1, 1], [], []>, transpose_lhs_hint = false} : vector<128x128xf32>, vector<128x128xf32>, vector<128x128xf32> -> vector<128x128xf32>
    %mul3A_2752 = arith.mulf %dot_general3A_2748, %dot_general3A_2748 : vector<128x128xf32>
    %sub3A_2753 = arith.subf %dot_general3A_2751, %mul3A_2752 : vector<128x128xf32>
    %sub3A_2754 = arith.subf %add3A_2746, %dot_general3A_2748 : vector<128x128xf32>
    %add3A_2755 = arith.constant 9.99999974E-6 : f32
    %add3A_2756 = vector.broadcast %add3A_2755 : f32 to vector<128x128xf32>
    %add3A_2757 = arith.addf %sub3A_2753, %add3A_2756 : vector<128x128xf32>
    %rsqrt3A_2758 = math.rsqrt %add3A_2757 : vector<128x128xf32>
    %mul3A_2759 = arith.mulf %sub3A_2754, %rsqrt3A_2758 : vector<128x128xf32>
    %get3A_2760 = arith.constant 0 : index
    %get3A_2761 = arith.constant 0 : index
    %get3A_2762 = vector.load %arg4[%get3A_2760, %get3A_2761] : memref<1x128xf32, #tpu.memory_space<vmem>>, vector<1x128xf32>
    %mul3A_2763 = vector.broadcast %get3A_2762 : vector<1x128xf32> to vector<128x128xf32>
    %mul3A_2764 = arith.mulf %mul3A_2759, %mul3A_2763 : vector<128x128xf32>
    %get3A_2765 = arith.constant 0 : index
    %get3A_2766 = arith.constant 0 : index
    %get3A_2767 = vector.load %arg5[%get3A_2765, %get3A_2766] : memref<1x128xf32, #tpu.memory_space<vmem>>, vector<1x128xf32>
    %add3A_2768 = vector.broadcast %get3A_2767 : vector<1x128xf32> to vector<128x128xf32>
    %add3A_2769 = arith.addf %mul3A_2764, %add3A_2768 : vector<128x128xf32>
    %mul3A_2770 = arith.constant 5.000000e-01 : f32
    %mul3A_2771 = vector.broadcast %mul3A_2770 : f32 to vector<128x128xf32>
    %mul3A_2772 = arith.mulf %mul3A_2771, %add3A_2769 : vector<128x128xf32>
    %mul3A_2773 = arith.constant 0.707106769 : f32
    %mul3A_2774 = vector.broadcast %mul3A_2773 : f32 to vector<128x128xf32>
    %mul3A_2775 = arith.mulf %add3A_2769, %mul3A_2774 : vector<128x128xf32>
    %erf3A_2776 = math.erf %mul3A_2775 : vector<128x128xf32>
    %add3A_2777 = arith.constant 1.000000e+00 : f32
    %add3A_2778 = vector.broadcast %add3A_2777 : f32 to vector<128x128xf32>
    %add3A_2779 = arith.addf %add3A_2778, %erf3A_2776 : vector<128x128xf32>
    %mul3A_2780 = arith.mulf %mul3A_2772, %add3A_2779 : vector<128x128xf32>
    %slice3A_2781 = vector.extract_strided_slice %get3A_1 {offsets = [15744, 0], sizes = [128, 128], strides = [1, 1]} : vector<28672x128xf32> to vector<128x128xf32>
    %slice3A_2782 = vector.extract_strided_slice %get3A_1 {offsets = [17536, 0], sizes = [128, 128], strides = [1, 1]} : vector<28672x128xf32> to vector<128x128xf32>
    %slice3A_2783 = vector.extract_strided_slice %get3A_1 {offsets = [19328, 0], sizes = [128, 128], strides = [1, 1]} : vector<28672x128xf32> to vector<128x128xf32>
    %slice3A_2784 = vector.extract_strided_slice %get3A_1 {offsets = [21120, 0], sizes = [128, 128], strides = [1, 1]} : vector<28672x128xf32> to vector<128x128xf32>
    %concatenate3A_2785 = tpu.concatenate %slice3A_2781, %slice3A_2782, %slice3A_2783, %slice3A_2784 in 0 : vector<128x128xf32>, vector<128x128xf32>, vector<128x128xf32>, vector<128x128xf32> -> vector<512x128xf32>
    %get3A_2786 = arith.constant 0 : index
    %get3A_2787 = arith.constant 0 : index
    %get3A_2788 = vector.load %arg2[%get3A_2786, %get3A_2787] : memref<512x128xf32, #tpu.memory_space<vmem>>, vector<512x128xf32>
    %dot_general3A_2789 = arith.constant dense<0.000000e+00> : vector<128x128xf32>
    %dot_general3A_2790 = tpu.matmul %concatenate3A_2785, %get3A_2788, %dot_general3A_2789 {dimension_numbers = #tpu.dot_dimension_numbers<[0], [0], [1], [1], [0, 1, 1, 1], [], []>, transpose_lhs_hint = false} : vector<512x128xf32>, vector<512x128xf32>, vector<128x128xf32> -> vector<128x128xf32>
    %get3A_2791 = arith.constant 0 : index
    %get3A_2792 = arith.constant 0 : index
    %get3A_2793 = vector.load %arg3[%get3A_2791, %get3A_2792] : memref<1x128xf32, #tpu.memory_space<vmem>>, vector<1x128xf32>
    %add3A_2794 = vector.broadcast %get3A_2793 : vector<1x128xf32> to vector<128x128xf32>
    %add3A_2795 = arith.addf %dot_general3A_2790, %add3A_2794 : vector<128x128xf32>
    %dot_general3A_2796 = arith.constant dense<0.000000e+00> : vector<128x128xf32>
    %dot_general3A_2797 = tpu.matmul %add3A_2795, %get3A_4, %dot_general3A_2796 {dimension_numbers = #tpu.dot_dimension_numbers<[1], [0], [0], [1], [0, 0, 1, 1], [], []>, transpose_lhs_hint = false} : vector<128x128xf32>, vector<128x128xf32>, vector<128x128xf32> -> vector<128x128xf32>
    %mul3A_2798 = arith.mulf %add3A_2795, %add3A_2795 : vector<128x128xf32>
    %dot_general3A_2799 = arith.constant dense<0.000000e+00> : vector<128x128xf32>
    %dot_general3A_2800 = tpu.matmul %mul3A_2798, %get3A_4, %dot_general3A_2799 {dimension_numbers = #tpu.dot_dimension_numbers<[1], [0], [0], [1], [0, 0, 1, 1], [], []>, transpose_lhs_hint = false} : vector<128x128xf32>, vector<128x128xf32>, vector<128x128xf32> -> vector<128x128xf32>
    %mul3A_2801 = arith.mulf %dot_general3A_2797, %dot_general3A_2797 : vector<128x128xf32>
    %sub3A_2802 = arith.subf %dot_general3A_2800, %mul3A_2801 : vector<128x128xf32>
    %sub3A_2803 = arith.subf %add3A_2795, %dot_general3A_2797 : vector<128x128xf32>
    %add3A_2804 = arith.constant 9.99999974E-6 : f32
    %add3A_2805 = vector.broadcast %add3A_2804 : f32 to vector<128x128xf32>
    %add3A_2806 = arith.addf %sub3A_2802, %add3A_2805 : vector<128x128xf32>
    %rsqrt3A_2807 = math.rsqrt %add3A_2806 : vector<128x128xf32>
    %mul3A_2808 = arith.mulf %sub3A_2803, %rsqrt3A_2807 : vector<128x128xf32>
    %get3A_2809 = arith.constant 0 : index
    %get3A_2810 = arith.constant 0 : index
    %get3A_2811 = vector.load %arg4[%get3A_2809, %get3A_2810] : memref<1x128xf32, #tpu.memory_space<vmem>>, vector<1x128xf32>
    %mul3A_2812 = vector.broadcast %get3A_2811 : vector<1x128xf32> to vector<128x128xf32>
    %mul3A_2813 = arith.mulf %mul3A_2808, %mul3A_2812 : vector<128x128xf32>
    %get3A_2814 = arith.constant 0 : index
    %get3A_2815 = arith.constant 0 : index
    %get3A_2816 = vector.load %arg5[%get3A_2814, %get3A_2815] : memref<1x128xf32, #tpu.memory_space<vmem>>, vector<1x128xf32>
    %add3A_2817 = vector.broadcast %get3A_2816 : vector<1x128xf32> to vector<128x128xf32>
    %add3A_2818 = arith.addf %mul3A_2813, %add3A_2817 : vector<128x128xf32>
    %mul3A_2819 = arith.constant 5.000000e-01 : f32
    %mul3A_2820 = vector.broadcast %mul3A_2819 : f32 to vector<128x128xf32>
    %mul3A_2821 = arith.mulf %mul3A_2820, %add3A_2818 : vector<128x128xf32>
    %mul3A_2822 = arith.constant 0.707106769 : f32
    %mul3A_2823 = vector.broadcast %mul3A_2822 : f32 to vector<128x128xf32>
    %mul3A_2824 = arith.mulf %add3A_2818, %mul3A_2823 : vector<128x128xf32>
    %erf3A_2825 = math.erf %mul3A_2824 : vector<128x128xf32>
    %add3A_2826 = arith.constant 1.000000e+00 : f32
    %add3A_2827 = vector.broadcast %add3A_2826 : f32 to vector<128x128xf32>
    %add3A_2828 = arith.addf %add3A_2827, %erf3A_2825 : vector<128x128xf32>
    %mul3A_2829 = arith.mulf %mul3A_2821, %add3A_2828 : vector<128x128xf32>
    %slice3A_2830 = vector.extract_strided_slice %get3A_1 {offsets = [22912, 0], sizes = [128, 128], strides = [1, 1]} : vector<28672x128xf32> to vector<128x128xf32>
    %slice3A_2831 = vector.extract_strided_slice %get3A_1 {offsets = [24704, 0], sizes = [128, 128], strides = [1, 1]} : vector<28672x128xf32> to vector<128x128xf32>
    %slice3A_2832 = vector.extract_strided_slice %get3A_1 {offsets = [26496, 0], sizes = [128, 128], strides = [1, 1]} : vector<28672x128xf32> to vector<128x128xf32>
    %slice3A_2833 = vector.extract_strided_slice %get3A_1 {offsets = [28288, 0], sizes = [128, 128], strides = [1, 1]} : vector<28672x128xf32> to vector<128x128xf32>
    %concatenate3A_2834 = tpu.concatenate %slice3A_2830, %slice3A_2831, %slice3A_2832, %slice3A_2833 in 0 : vector<128x128xf32>, vector<128x128xf32>, vector<128x128xf32>, vector<128x128xf32> -> vector<512x128xf32>
    %get3A_2835 = arith.constant 0 : index
    %get3A_2836 = arith.constant 0 : index
    %get3A_2837 = vector.load %arg2[%get3A_2835, %get3A_2836] : memref<512x128xf32, #tpu.memory_space<vmem>>, vector<512x128xf32>
    %dot_general3A_2838 = arith.constant dense<0.000000e+00> : vector<128x128xf32>
    %dot_general3A_2839 = tpu.matmul %concatenate3A_2834, %get3A_2837, %dot_general3A_2838 {dimension_numbers = #tpu.dot_dimension_numbers<[0], [0], [1], [1], [0, 1, 1, 1], [], []>, transpose_lhs_hint = false} : vector<512x128xf32>, vector<512x128xf32>, vector<128x128xf32> -> vector<128x128xf32>
    %get3A_2840 = arith.constant 0 : index
    %get3A_2841 = arith.constant 0 : index
    %get3A_2842 = vector.load %arg3[%get3A_2840, %get3A_2841] : memref<1x128xf32, #tpu.memory_space<vmem>>, vector<1x128xf32>
    %add3A_2843 = vector.broadcast %get3A_2842 : vector<1x128xf32> to vector<128x128xf32>
    %add3A_2844 = arith.addf %dot_general3A_2839, %add3A_2843 : vector<128x128xf32>
    %dot_general3A_2845 = arith.constant dense<0.000000e+00> : vector<128x128xf32>
    %dot_general3A_2846 = tpu.matmul %add3A_2844, %get3A_4, %dot_general3A_2845 {dimension_numbers = #tpu.dot_dimension_numbers<[1], [0], [0], [1], [0, 0, 1, 1], [], []>, transpose_lhs_hint = false} : vector<128x128xf32>, vector<128x128xf32>, vector<128x128xf32> -> vector<128x128xf32>
    %mul3A_2847 = arith.mulf %add3A_2844, %add3A_2844 : vector<128x128xf32>
    %dot_general3A_2848 = arith.constant dense<0.000000e+00> : vector<128x128xf32>
    %dot_general3A_2849 = tpu.matmul %mul3A_2847, %get3A_4, %dot_general3A_2848 {dimension_numbers = #tpu.dot_dimension_numbers<[1], [0], [0], [1], [0, 0, 1, 1], [], []>, transpose_lhs_hint = false} : vector<128x128xf32>, vector<128x128xf32>, vector<128x128xf32> -> vector<128x128xf32>
    %mul3A_2850 = arith.mulf %dot_general3A_2846, %dot_general3A_2846 : vector<128x128xf32>
    %sub3A_2851 = arith.subf %dot_general3A_2849, %mul3A_2850 : vector<128x128xf32>
    %sub3A_2852 = arith.subf %add3A_2844, %dot_general3A_2846 : vector<128x128xf32>
    %add3A_2853 = arith.constant 9.99999974E-6 : f32
    %add3A_2854 = vector.broadcast %add3A_2853 : f32 to vector<128x128xf32>
    %add3A_2855 = arith.addf %sub3A_2851, %add3A_2854 : vector<128x128xf32>
    %rsqrt3A_2856 = math.rsqrt %add3A_2855 : vector<128x128xf32>
    %mul3A_2857 = arith.mulf %sub3A_2852, %rsqrt3A_2856 : vector<128x128xf32>
    %get3A_2858 = arith.constant 0 : index
    %get3A_2859 = arith.constant 0 : index
    %get3A_2860 = vector.load %arg4[%get3A_2858, %get3A_2859] : memref<1x128xf32, #tpu.memory_space<vmem>>, vector<1x128xf32>
    %mul3A_2861 = vector.broadcast %get3A_2860 : vector<1x128xf32> to vector<128x128xf32>
    %mul3A_2862 = arith.mulf %mul3A_2857, %mul3A_2861 : vector<128x128xf32>
    %get3A_2863 = arith.constant 0 : index
    %get3A_2864 = arith.constant 0 : index
    %get3A_2865 = vector.load %arg5[%get3A_2863, %get3A_2864] : memref<1x128xf32, #tpu.memory_space<vmem>>, vector<1x128xf32>
    %add3A_2866 = vector.broadcast %get3A_2865 : vector<1x128xf32> to vector<128x128xf32>
    %add3A_2867 = arith.addf %mul3A_2862, %add3A_2866 : vector<128x128xf32>
    %mul3A_2868 = arith.constant 5.000000e-01 : f32
    %mul3A_2869 = vector.broadcast %mul3A_2868 : f32 to vector<128x128xf32>
    %mul3A_2870 = arith.mulf %mul3A_2869, %add3A_2867 : vector<128x128xf32>
    %mul3A_2871 = arith.constant 0.707106769 : f32
    %mul3A_2872 = vector.broadcast %mul3A_2871 : f32 to vector<128x128xf32>
    %mul3A_2873 = arith.mulf %add3A_2867, %mul3A_2872 : vector<128x128xf32>
    %erf3A_2874 = math.erf %mul3A_2873 : vector<128x128xf32>
    %add3A_2875 = arith.constant 1.000000e+00 : f32
    %add3A_2876 = vector.broadcast %add3A_2875 : f32 to vector<128x128xf32>
    %add3A_2877 = arith.addf %add3A_2876, %erf3A_2874 : vector<128x128xf32>
    %mul3A_2878 = arith.mulf %mul3A_2870, %add3A_2877 : vector<128x128xf32>
    %concatenate3A_2879 = tpu.concatenate %mul3A_2731, %mul3A_2780, %mul3A_2829, %mul3A_2878 in 1 : vector<128x128xf32>, vector<128x128xf32>, vector<128x128xf32>, vector<128x128xf32> -> vector<128x512xf32>
    %get3A_2880 = arith.constant 0 : index
    %get3A_2881 = arith.constant 0 : index
    %get3A_2882 = vector.load %arg7[%get3A_2880, %get3A_2881] : memref<512x128xf32, #tpu.memory_space<vmem>>, vector<512x128xf32>
    %dot_general3A_2883 = arith.constant dense<0.000000e+00> : vector<128x128xf32>
    %dot_general3A_2884 = tpu.matmul %concatenate3A_2879, %get3A_2882, %dot_general3A_2883 {dimension_numbers = #tpu.dot_dimension_numbers<[1], [0], [0], [1], [0, 0, 1, 1], [], []>, transpose_lhs_hint = false} : vector<128x512xf32>, vector<512x128xf32>, vector<128x128xf32> -> vector<128x128xf32>
    %get3A_2885 = arith.constant 0 : index
    %get3A_2886 = arith.constant 0 : index
    %get3A_2887 = vector.load %arg8[%get3A_2885, %get3A_2886] : memref<1x128xf32, #tpu.memory_space<vmem>>, vector<1x128xf32>
    %add3A_2888 = vector.broadcast %get3A_2887 : vector<1x128xf32> to vector<128x128xf32>
    %add3A_2889 = arith.addf %dot_general3A_2884, %add3A_2888 : vector<128x128xf32>
    %dot_general3A_2890 = arith.constant dense<0.000000e+00> : vector<128x128xf32>
    %dot_general3A_2891 = tpu.matmul %add3A_2889, %get3A_7, %dot_general3A_2890 {dimension_numbers = #tpu.dot_dimension_numbers<[1], [0], [0], [1], [0, 0, 1, 1], [], []>, transpose_lhs_hint = false} : vector<128x128xf32>, vector<128x128xf32>, vector<128x128xf32> -> vector<128x128xf32>
    %mul3A_2892 = arith.mulf %add3A_2889, %add3A_2889 : vector<128x128xf32>
    %dot_general3A_2893 = arith.constant dense<0.000000e+00> : vector<128x128xf32>
    %dot_general3A_2894 = tpu.matmul %mul3A_2892, %get3A_7, %dot_general3A_2893 {dimension_numbers = #tpu.dot_dimension_numbers<[1], [0], [0], [1], [0, 0, 1, 1], [], []>, transpose_lhs_hint = false} : vector<128x128xf32>, vector<128x128xf32>, vector<128x128xf32> -> vector<128x128xf32>
    %sub3A_2895 = arith.subf %add3A_2889, %dot_general3A_2891 : vector<128x128xf32>
    %mul3A_2896 = arith.mulf %dot_general3A_2891, %dot_general3A_2891 : vector<128x128xf32>
    %sub3A_2897 = arith.subf %dot_general3A_2894, %mul3A_2896 : vector<128x128xf32>
    %add3A_2898 = arith.constant 9.99999974E-6 : f32
    %add3A_2899 = vector.broadcast %add3A_2898 : f32 to vector<128x128xf32>
    %add3A_2900 = arith.addf %sub3A_2897, %add3A_2899 : vector<128x128xf32>
    %rsqrt3A_2901 = math.rsqrt %add3A_2900 : vector<128x128xf32>
    %mul3A_2902 = arith.mulf %sub3A_2895, %rsqrt3A_2901 : vector<128x128xf32>
    %get3A_2903 = arith.constant 0 : index
    %get3A_2904 = arith.constant 0 : index
    %get3A_2905 = vector.load %arg9[%get3A_2903, %get3A_2904] : memref<1x128xf32, #tpu.memory_space<vmem>>, vector<1x128xf32>
    %mul3A_2906 = vector.broadcast %get3A_2905 : vector<1x128xf32> to vector<128x128xf32>
    %mul3A_2907 = arith.mulf %mul3A_2902, %mul3A_2906 : vector<128x128xf32>
    %get3A_2908 = arith.constant 0 : index
    %get3A_2909 = arith.constant 0 : index
    %get3A_2910 = vector.load %arg10[%get3A_2908, %get3A_2909] : memref<1x128xf32, #tpu.memory_space<vmem>>, vector<1x128xf32>
    %add3A_2911 = vector.broadcast %get3A_2910 : vector<1x128xf32> to vector<128x128xf32>
    %add3A_2912 = arith.addf %mul3A_2907, %add3A_2911 : vector<128x128xf32>
    %mul3A_2913 = arith.constant 5.000000e-01 : f32
    %mul3A_2914 = vector.broadcast %mul3A_2913 : f32 to vector<128x128xf32>
    %mul3A_2915 = arith.mulf %mul3A_2914, %add3A_2912 : vector<128x128xf32>
    %mul3A_2916 = arith.constant 0.707106769 : f32
    %mul3A_2917 = vector.broadcast %mul3A_2916 : f32 to vector<128x128xf32>
    %mul3A_2918 = arith.mulf %add3A_2912, %mul3A_2917 : vector<128x128xf32>
    %erf3A_2919 = math.erf %mul3A_2918 : vector<128x128xf32>
    %add3A_2920 = arith.constant 1.000000e+00 : f32
    %add3A_2921 = vector.broadcast %add3A_2920 : f32 to vector<128x128xf32>
    %add3A_2922 = arith.addf %add3A_2921, %erf3A_2919 : vector<128x128xf32>
    %mul3A_2923 = arith.mulf %mul3A_2915, %add3A_2922 : vector<128x128xf32>
    %swap3A_2924 = arith.constant 0 : index
    %swap3A_2925 = arith.constant 1408 : index
    %swap3A_2926 = vector.load %arg12[%swap3A_2924, %swap3A_2925] : memref<128x1792xf32, #tpu.memory_space<vmem>>, vector<128x128xf32>
    tpu.vector_store %arg12[%swap3A_2924, %swap3A_2925], %mul3A_2923 {strides = array<i32>} : memref<128x1792xf32, #tpu.memory_space<vmem>>, vector<128x128xf32>,
    %slice3A_2927 = vector.extract_strided_slice %get3A_1 {offsets = [1536, 0], sizes = [128, 128], strides = [1, 1]} : vector<28672x128xf32> to vector<128x128xf32>
    %slice3A_2928 = vector.extract_strided_slice %get3A_1 {offsets = [3328, 0], sizes = [128, 128], strides = [1, 1]} : vector<28672x128xf32> to vector<128x128xf32>
    %slice3A_2929 = vector.extract_strided_slice %get3A_1 {offsets = [5120, 0], sizes = [128, 128], strides = [1, 1]} : vector<28672x128xf32> to vector<128x128xf32>
    %slice3A_2930 = vector.extract_strided_slice %get3A_1 {offsets = [6912, 0], sizes = [128, 128], strides = [1, 1]} : vector<28672x128xf32> to vector<128x128xf32>
    %concatenate3A_2931 = tpu.concatenate %slice3A_2927, %slice3A_2928, %slice3A_2929, %slice3A_2930 in 0 : vector<128x128xf32>, vector<128x128xf32>, vector<128x128xf32>, vector<128x128xf32> -> vector<512x128xf32>
    %get3A_2932 = arith.constant 0 : index
    %get3A_2933 = arith.constant 0 : index
    %get3A_2934 = vector.load %arg2[%get3A_2932, %get3A_2933] : memref<512x128xf32, #tpu.memory_space<vmem>>, vector<512x128xf32>
    %dot_general3A_2935 = arith.constant dense<0.000000e+00> : vector<128x128xf32>
    %dot_general3A_2936 = tpu.matmul %concatenate3A_2931, %get3A_2934, %dot_general3A_2935 {dimension_numbers = #tpu.dot_dimension_numbers<[0], [0], [1], [1], [0, 1, 1, 1], [], []>, transpose_lhs_hint = false} : vector<512x128xf32>, vector<512x128xf32>, vector<128x128xf32> -> vector<128x128xf32>
    %get3A_2937 = arith.constant 0 : index
    %get3A_2938 = arith.constant 0 : index
    %get3A_2939 = vector.load %arg3[%get3A_2937, %get3A_2938] : memref<1x128xf32, #tpu.memory_space<vmem>>, vector<1x128xf32>
    %add3A_2940 = vector.broadcast %get3A_2939 : vector<1x128xf32> to vector<128x128xf32>
    %add3A_2941 = arith.addf %dot_general3A_2936, %add3A_2940 : vector<128x128xf32>
    %dot_general3A_2942 = arith.constant dense<0.000000e+00> : vector<128x128xf32>
    %dot_general3A_2943 = tpu.matmul %add3A_2941, %get3A_4, %dot_general3A_2942 {dimension_numbers = #tpu.dot_dimension_numbers<[1], [0], [0], [1], [0, 0, 1, 1], [], []>, transpose_lhs_hint = false} : vector<128x128xf32>, vector<128x128xf32>, vector<128x128xf32> -> vector<128x128xf32>
    %mul3A_2944 = arith.mulf %add3A_2941, %add3A_2941 : vector<128x128xf32>
    %dot_general3A_2945 = arith.constant dense<0.000000e+00> : vector<128x128xf32>
    %dot_general3A_2946 = tpu.matmul %mul3A_2944, %get3A_4, %dot_general3A_2945 {dimension_numbers = #tpu.dot_dimension_numbers<[1], [0], [0], [1], [0, 0, 1, 1], [], []>, transpose_lhs_hint = false} : vector<128x128xf32>, vector<128x128xf32>, vector<128x128xf32> -> vector<128x128xf32>
    %mul3A_2947 = arith.mulf %dot_general3A_2943, %dot_general3A_2943 : vector<128x128xf32>
    %sub3A_2948 = arith.subf %dot_general3A_2946, %mul3A_2947 : vector<128x128xf32>
    %sub3A_2949 = arith.subf %add3A_2941, %dot_general3A_2943 : vector<128x128xf32>
    %add3A_2950 = arith.constant 9.99999974E-6 : f32
    %add3A_2951 = vector.broadcast %add3A_2950 : f32 to vector<128x128xf32>
    %add3A_2952 = arith.addf %sub3A_2948, %add3A_2951 : vector<128x128xf32>
    %rsqrt3A_2953 = math.rsqrt %add3A_2952 : vector<128x128xf32>
    %mul3A_2954 = arith.mulf %sub3A_2949, %rsqrt3A_2953 : vector<128x128xf32>
    %get3A_2955 = arith.constant 0 : index
    %get3A_2956 = arith.constant 0 : index
    %get3A_2957 = vector.load %arg4[%get3A_2955, %get3A_2956] : memref<1x128xf32, #tpu.memory_space<vmem>>, vector<1x128xf32>
    %mul3A_2958 = vector.broadcast %get3A_2957 : vector<1x128xf32> to vector<128x128xf32>
    %mul3A_2959 = arith.mulf %mul3A_2954, %mul3A_2958 : vector<128x128xf32>
    %get3A_2960 = arith.constant 0 : index
    %get3A_2961 = arith.constant 0 : index
    %get3A_2962 = vector.load %arg5[%get3A_2960, %get3A_2961] : memref<1x128xf32, #tpu.memory_space<vmem>>, vector<1x128xf32>
    %add3A_2963 = vector.broadcast %get3A_2962 : vector<1x128xf32> to vector<128x128xf32>
    %add3A_2964 = arith.addf %mul3A_2959, %add3A_2963 : vector<128x128xf32>
    %mul3A_2965 = arith.constant 5.000000e-01 : f32
    %mul3A_2966 = vector.broadcast %mul3A_2965 : f32 to vector<128x128xf32>
    %mul3A_2967 = arith.mulf %mul3A_2966, %add3A_2964 : vector<128x128xf32>
    %mul3A_2968 = arith.constant 0.707106769 : f32
    %mul3A_2969 = vector.broadcast %mul3A_2968 : f32 to vector<128x128xf32>
    %mul3A_2970 = arith.mulf %add3A_2964, %mul3A_2969 : vector<128x128xf32>
    %erf3A_2971 = math.erf %mul3A_2970 : vector<128x128xf32>
    %add3A_2972 = arith.constant 1.000000e+00 : f32
    %add3A_2973 = vector.broadcast %add3A_2972 : f32 to vector<128x128xf32>
    %add3A_2974 = arith.addf %add3A_2973, %erf3A_2971 : vector<128x128xf32>
    %mul3A_2975 = arith.mulf %mul3A_2967, %add3A_2974 : vector<128x128xf32>
    %slice3A_2976 = vector.extract_strided_slice %get3A_1 {offsets = [8704, 0], sizes = [128, 128], strides = [1, 1]} : vector<28672x128xf32> to vector<128x128xf32>
    %slice3A_2977 = vector.extract_strided_slice %get3A_1 {offsets = [10496, 0], sizes = [128, 128], strides = [1, 1]} : vector<28672x128xf32> to vector<128x128xf32>
    %slice3A_2978 = vector.extract_strided_slice %get3A_1 {offsets = [12288, 0], sizes = [128, 128], strides = [1, 1]} : vector<28672x128xf32> to vector<128x128xf32>
    %slice3A_2979 = vector.extract_strided_slice %get3A_1 {offsets = [14080, 0], sizes = [128, 128], strides = [1, 1]} : vector<28672x128xf32> to vector<128x128xf32>
    %concatenate3A_2980 = tpu.concatenate %slice3A_2976, %slice3A_2977, %slice3A_2978, %slice3A_2979 in 0 : vector<128x128xf32>, vector<128x128xf32>, vector<128x128xf32>, vector<128x128xf32> -> vector<512x128xf32>
    %get3A_2981 = arith.constant 0 : index
    %get3A_2982 = arith.constant 0 : index
    %get3A_2983 = vector.load %arg2[%get3A_2981, %get3A_2982] : memref<512x128xf32, #tpu.memory_space<vmem>>, vector<512x128xf32>
    %dot_general3A_2984 = arith.constant dense<0.000000e+00> : vector<128x128xf32>
    %dot_general3A_2985 = tpu.matmul %concatenate3A_2980, %get3A_2983, %dot_general3A_2984 {dimension_numbers = #tpu.dot_dimension_numbers<[0], [0], [1], [1], [0, 1, 1, 1], [], []>, transpose_lhs_hint = false} : vector<512x128xf32>, vector<512x128xf32>, vector<128x128xf32> -> vector<128x128xf32>
    %get3A_2986 = arith.constant 0 : index
    %get3A_2987 = arith.constant 0 : index
    %get3A_2988 = vector.load %arg3[%get3A_2986, %get3A_2987] : memref<1x128xf32, #tpu.memory_space<vmem>>, vector<1x128xf32>
    %add3A_2989 = vector.broadcast %get3A_2988 : vector<1x128xf32> to vector<128x128xf32>
    %add3A_2990 = arith.addf %dot_general3A_2985, %add3A_2989 : vector<128x128xf32>
    %dot_general3A_2991 = arith.constant dense<0.000000e+00> : vector<128x128xf32>
    %dot_general3A_2992 = tpu.matmul %add3A_2990, %get3A_4, %dot_general3A_2991 {dimension_numbers = #tpu.dot_dimension_numbers<[1], [0], [0], [1], [0, 0, 1, 1], [], []>, transpose_lhs_hint = false} : vector<128x128xf32>, vector<128x128xf32>, vector<128x128xf32> -> vector<128x128xf32>
    %mul3A_2993 = arith.mulf %add3A_2990, %add3A_2990 : vector<128x128xf32>
    %dot_general3A_2994 = arith.constant dense<0.000000e+00> : vector<128x128xf32>
    %dot_general3A_2995 = tpu.matmul %mul3A_2993, %get3A_4, %dot_general3A_2994 {dimension_numbers = #tpu.dot_dimension_numbers<[1], [0], [0], [1], [0, 0, 1, 1], [], []>, transpose_lhs_hint = false} : vector<128x128xf32>, vector<128x128xf32>, vector<128x128xf32> -> vector<128x128xf32>
    %mul3A_2996 = arith.mulf %dot_general3A_2992, %dot_general3A_2992 : vector<128x128xf32>
    %sub3A_2997 = arith.subf %dot_general3A_2995, %mul3A_2996 : vector<128x128xf32>
    %sub3A_2998 = arith.subf %add3A_2990, %dot_general3A_2992 : vector<128x128xf32>
    %add3A_2999 = arith.constant 9.99999974E-6 : f32
    %add3A_3000 = vector.broadcast %add3A_2999 : f32 to vector<128x128xf32>
    %add3A_3001 = arith.addf %sub3A_2997, %add3A_3000 : vector<128x128xf32>
    %rsqrt3A_3002 = math.rsqrt %add3A_3001 : vector<128x128xf32>
    %mul3A_3003 = arith.mulf %sub3A_2998, %rsqrt3A_3002 : vector<128x128xf32>
    %get3A_3004 = arith.constant 0 : index
    %get3A_3005 = arith.constant 0 : index
    %get3A_3006 = vector.load %arg4[%get3A_3004, %get3A_3005] : memref<1x128xf32, #tpu.memory_space<vmem>>, vector<1x128xf32>
    %mul3A_3007 = vector.broadcast %get3A_3006 : vector<1x128xf32> to vector<128x128xf32>
    %mul3A_3008 = arith.mulf %mul3A_3003, %mul3A_3007 : vector<128x128xf32>
    %get3A_3009 = arith.constant 0 : index
    %get3A_3010 = arith.constant 0 : index
    %get3A_3011 = vector.load %arg5[%get3A_3009, %get3A_3010] : memref<1x128xf32, #tpu.memory_space<vmem>>, vector<1x128xf32>
    %add3A_3012 = vector.broadcast %get3A_3011 : vector<1x128xf32> to vector<128x128xf32>
    %add3A_3013 = arith.addf %mul3A_3008, %add3A_3012 : vector<128x128xf32>
    %mul3A_3014 = arith.constant 5.000000e-01 : f32
    %mul3A_3015 = vector.broadcast %mul3A_3014 : f32 to vector<128x128xf32>
    %mul3A_3016 = arith.mulf %mul3A_3015, %add3A_3013 : vector<128x128xf32>
    %mul3A_3017 = arith.constant 0.707106769 : f32
    %mul3A_3018 = vector.broadcast %mul3A_3017 : f32 to vector<128x128xf32>
    %mul3A_3019 = arith.mulf %add3A_3013, %mul3A_3018 : vector<128x128xf32>
    %erf3A_3020 = math.erf %mul3A_3019 : vector<128x128xf32>
    %add3A_3021 = arith.constant 1.000000e+00 : f32
    %add3A_3022 = vector.broadcast %add3A_3021 : f32 to vector<128x128xf32>
    %add3A_3023 = arith.addf %add3A_3022, %erf3A_3020 : vector<128x128xf32>
    %mul3A_3024 = arith.mulf %mul3A_3016, %add3A_3023 : vector<128x128xf32>
    %slice3A_3025 = vector.extract_strided_slice %get3A_1 {offsets = [15872, 0], sizes = [128, 128], strides = [1, 1]} : vector<28672x128xf32> to vector<128x128xf32>
    %slice3A_3026 = vector.extract_strided_slice %get3A_1 {offsets = [17664, 0], sizes = [128, 128], strides = [1, 1]} : vector<28672x128xf32> to vector<128x128xf32>
    %slice3A_3027 = vector.extract_strided_slice %get3A_1 {offsets = [19456, 0], sizes = [128, 128], strides = [1, 1]} : vector<28672x128xf32> to vector<128x128xf32>
    %slice3A_3028 = vector.extract_strided_slice %get3A_1 {offsets = [21248, 0], sizes = [128, 128], strides = [1, 1]} : vector<28672x128xf32> to vector<128x128xf32>
    %concatenate3A_3029 = tpu.concatenate %slice3A_3025, %slice3A_3026, %slice3A_3027, %slice3A_3028 in 0 : vector<128x128xf32>, vector<128x128xf32>, vector<128x128xf32>, vector<128x128xf32> -> vector<512x128xf32>
    %get3A_3030 = arith.constant 0 : index
    %get3A_3031 = arith.constant 0 : index
    %get3A_3032 = vector.load %arg2[%get3A_3030, %get3A_3031] : memref<512x128xf32, #tpu.memory_space<vmem>>, vector<512x128xf32>
    %dot_general3A_3033 = arith.constant dense<0.000000e+00> : vector<128x128xf32>
    %dot_general3A_3034 = tpu.matmul %concatenate3A_3029, %get3A_3032, %dot_general3A_3033 {dimension_numbers = #tpu.dot_dimension_numbers<[0], [0], [1], [1], [0, 1, 1, 1], [], []>, transpose_lhs_hint = false} : vector<512x128xf32>, vector<512x128xf32>, vector<128x128xf32> -> vector<128x128xf32>
    %get3A_3035 = arith.constant 0 : index
    %get3A_3036 = arith.constant 0 : index
    %get3A_3037 = vector.load %arg3[%get3A_3035, %get3A_3036] : memref<1x128xf32, #tpu.memory_space<vmem>>, vector<1x128xf32>
    %add3A_3038 = vector.broadcast %get3A_3037 : vector<1x128xf32> to vector<128x128xf32>
    %add3A_3039 = arith.addf %dot_general3A_3034, %add3A_3038 : vector<128x128xf32>
    %dot_general3A_3040 = arith.constant dense<0.000000e+00> : vector<128x128xf32>
    %dot_general3A_3041 = tpu.matmul %add3A_3039, %get3A_4, %dot_general3A_3040 {dimension_numbers = #tpu.dot_dimension_numbers<[1], [0], [0], [1], [0, 0, 1, 1], [], []>, transpose_lhs_hint = false} : vector<128x128xf32>, vector<128x128xf32>, vector<128x128xf32> -> vector<128x128xf32>
    %mul3A_3042 = arith.mulf %add3A_3039, %add3A_3039 : vector<128x128xf32>
    %dot_general3A_3043 = arith.constant dense<0.000000e+00> : vector<128x128xf32>
    %dot_general3A_3044 = tpu.matmul %mul3A_3042, %get3A_4, %dot_general3A_3043 {dimension_numbers = #tpu.dot_dimension_numbers<[1], [0], [0], [1], [0, 0, 1, 1], [], []>, transpose_lhs_hint = false} : vector<128x128xf32>, vector<128x128xf32>, vector<128x128xf32> -> vector<128x128xf32>
    %mul3A_3045 = arith.mulf %dot_general3A_3041, %dot_general3A_3041 : vector<128x128xf32>
    %sub3A_3046 = arith.subf %dot_general3A_3044, %mul3A_3045 : vector<128x128xf32>
    %sub3A_3047 = arith.subf %add3A_3039, %dot_general3A_3041 : vector<128x128xf32>
    %add3A_3048 = arith.constant 9.99999974E-6 : f32
    %add3A_3049 = vector.broadcast %add3A_3048 : f32 to vector<128x128xf32>
    %add3A_3050 = arith.addf %sub3A_3046, %add3A_3049 : vector<128x128xf32>
    %rsqrt3A_3051 = math.rsqrt %add3A_3050 : vector<128x128xf32>
    %mul3A_3052 = arith.mulf %sub3A_3047, %rsqrt3A_3051 : vector<128x128xf32>
    %get3A_3053 = arith.constant 0 : index
    %get3A_3054 = arith.constant 0 : index
    %get3A_3055 = vector.load %arg4[%get3A_3053, %get3A_3054] : memref<1x128xf32, #tpu.memory_space<vmem>>, vector<1x128xf32>
    %mul3A_3056 = vector.broadcast %get3A_3055 : vector<1x128xf32> to vector<128x128xf32>
    %mul3A_3057 = arith.mulf %mul3A_3052, %mul3A_3056 : vector<128x128xf32>
    %get3A_3058 = arith.constant 0 : index
    %get3A_3059 = arith.constant 0 : index
    %get3A_3060 = vector.load %arg5[%get3A_3058, %get3A_3059] : memref<1x128xf32, #tpu.memory_space<vmem>>, vector<1x128xf32>
    %add3A_3061 = vector.broadcast %get3A_3060 : vector<1x128xf32> to vector<128x128xf32>
    %add3A_3062 = arith.addf %mul3A_3057, %add3A_3061 : vector<128x128xf32>
    %mul3A_3063 = arith.constant 5.000000e-01 : f32
    %mul3A_3064 = vector.broadcast %mul3A_3063 : f32 to vector<128x128xf32>
    %mul3A_3065 = arith.mulf %mul3A_3064, %add3A_3062 : vector<128x128xf32>
    %mul3A_3066 = arith.constant 0.707106769 : f32
    %mul3A_3067 = vector.broadcast %mul3A_3066 : f32 to vector<128x128xf32>
    %mul3A_3068 = arith.mulf %add3A_3062, %mul3A_3067 : vector<128x128xf32>
    %erf3A_3069 = math.erf %mul3A_3068 : vector<128x128xf32>
    %add3A_3070 = arith.constant 1.000000e+00 : f32
    %add3A_3071 = vector.broadcast %add3A_3070 : f32 to vector<128x128xf32>
    %add3A_3072 = arith.addf %add3A_3071, %erf3A_3069 : vector<128x128xf32>
    %mul3A_3073 = arith.mulf %mul3A_3065, %add3A_3072 : vector<128x128xf32>
    %slice3A_3074 = vector.extract_strided_slice %get3A_1 {offsets = [23040, 0], sizes = [128, 128], strides = [1, 1]} : vector<28672x128xf32> to vector<128x128xf32>
    %slice3A_3075 = vector.extract_strided_slice %get3A_1 {offsets = [24832, 0], sizes = [128, 128], strides = [1, 1]} : vector<28672x128xf32> to vector<128x128xf32>
    %slice3A_3076 = vector.extract_strided_slice %get3A_1 {offsets = [26624, 0], sizes = [128, 128], strides = [1, 1]} : vector<28672x128xf32> to vector<128x128xf32>
    %slice3A_3077 = vector.extract_strided_slice %get3A_1 {offsets = [28416, 0], sizes = [128, 128], strides = [1, 1]} : vector<28672x128xf32> to vector<128x128xf32>
    %concatenate3A_3078 = tpu.concatenate %slice3A_3074, %slice3A_3075, %slice3A_3076, %slice3A_3077 in 0 : vector<128x128xf32>, vector<128x128xf32>, vector<128x128xf32>, vector<128x128xf32> -> vector<512x128xf32>
    %get3A_3079 = arith.constant 0 : index
    %get3A_3080 = arith.constant 0 : index
    %get3A_3081 = vector.load %arg2[%get3A_3079, %get3A_3080] : memref<512x128xf32, #tpu.memory_space<vmem>>, vector<512x128xf32>
    %dot_general3A_3082 = arith.constant dense<0.000000e+00> : vector<128x128xf32>
    %dot_general3A_3083 = tpu.matmul %concatenate3A_3078, %get3A_3081, %dot_general3A_3082 {dimension_numbers = #tpu.dot_dimension_numbers<[0], [0], [1], [1], [0, 1, 1, 1], [], []>, transpose_lhs_hint = false} : vector<512x128xf32>, vector<512x128xf32>, vector<128x128xf32> -> vector<128x128xf32>
    %get3A_3084 = arith.constant 0 : index
    %get3A_3085 = arith.constant 0 : index
    %get3A_3086 = vector.load %arg3[%get3A_3084, %get3A_3085] : memref<1x128xf32, #tpu.memory_space<vmem>>, vector<1x128xf32>
    %add3A_3087 = vector.broadcast %get3A_3086 : vector<1x128xf32> to vector<128x128xf32>
    %add3A_3088 = arith.addf %dot_general3A_3083, %add3A_3087 : vector<128x128xf32>
    %dot_general3A_3089 = arith.constant dense<0.000000e+00> : vector<128x128xf32>
    %dot_general3A_3090 = tpu.matmul %add3A_3088, %get3A_4, %dot_general3A_3089 {dimension_numbers = #tpu.dot_dimension_numbers<[1], [0], [0], [1], [0, 0, 1, 1], [], []>, transpose_lhs_hint = false} : vector<128x128xf32>, vector<128x128xf32>, vector<128x128xf32> -> vector<128x128xf32>
    %mul3A_3091 = arith.mulf %add3A_3088, %add3A_3088 : vector<128x128xf32>
    %dot_general3A_3092 = arith.constant dense<0.000000e+00> : vector<128x128xf32>
    %dot_general3A_3093 = tpu.matmul %mul3A_3091, %get3A_4, %dot_general3A_3092 {dimension_numbers = #tpu.dot_dimension_numbers<[1], [0], [0], [1], [0, 0, 1, 1], [], []>, transpose_lhs_hint = false} : vector<128x128xf32>, vector<128x128xf32>, vector<128x128xf32> -> vector<128x128xf32>
    %mul3A_3094 = arith.mulf %dot_general3A_3090, %dot_general3A_3090 : vector<128x128xf32>
    %sub3A_3095 = arith.subf %dot_general3A_3093, %mul3A_3094 : vector<128x128xf32>
    %sub3A_3096 = arith.subf %add3A_3088, %dot_general3A_3090 : vector<128x128xf32>
    %add3A_3097 = arith.constant 9.99999974E-6 : f32
    %add3A_3098 = vector.broadcast %add3A_3097 : f32 to vector<128x128xf32>
    %add3A_3099 = arith.addf %sub3A_3095, %add3A_3098 : vector<128x128xf32>
    %rsqrt3A_3100 = math.rsqrt %add3A_3099 : vector<128x128xf32>
    %mul3A_3101 = arith.mulf %sub3A_3096, %rsqrt3A_3100 : vector<128x128xf32>
    %get3A_3102 = arith.constant 0 : index
    %get3A_3103 = arith.constant 0 : index
    %get3A_3104 = vector.load %arg4[%get3A_3102, %get3A_3103] : memref<1x128xf32, #tpu.memory_space<vmem>>, vector<1x128xf32>
    %mul3A_3105 = vector.broadcast %get3A_3104 : vector<1x128xf32> to vector<128x128xf32>
    %mul3A_3106 = arith.mulf %mul3A_3101, %mul3A_3105 : vector<128x128xf32>
    %get3A_3107 = arith.constant 0 : index
    %get3A_3108 = arith.constant 0 : index
    %get3A_3109 = vector.load %arg5[%get3A_3107, %get3A_3108] : memref<1x128xf32, #tpu.memory_space<vmem>>, vector<1x128xf32>
    %add3A_3110 = vector.broadcast %get3A_3109 : vector<1x128xf32> to vector<128x128xf32>
    %add3A_3111 = arith.addf %mul3A_3106, %add3A_3110 : vector<128x128xf32>
    %mul3A_3112 = arith.constant 5.000000e-01 : f32
    %mul3A_3113 = vector.broadcast %mul3A_3112 : f32 to vector<128x128xf32>
    %mul3A_3114 = arith.mulf %mul3A_3113, %add3A_3111 : vector<128x128xf32>
    %mul3A_3115 = arith.constant 0.707106769 : f32
    %mul3A_3116 = vector.broadcast %mul3A_3115 : f32 to vector<128x128xf32>
    %mul3A_3117 = arith.mulf %add3A_3111, %mul3A_3116 : vector<128x128xf32>
    %erf3A_3118 = math.erf %mul3A_3117 : vector<128x128xf32>
    %add3A_3119 = arith.constant 1.000000e+00 : f32
    %add3A_3120 = vector.broadcast %add3A_3119 : f32 to vector<128x128xf32>
    %add3A_3121 = arith.addf %add3A_3120, %erf3A_3118 : vector<128x128xf32>
    %mul3A_3122 = arith.mulf %mul3A_3114, %add3A_3121 : vector<128x128xf32>
    %concatenate3A_3123 = tpu.concatenate %mul3A_2975, %mul3A_3024, %mul3A_3073, %mul3A_3122 in 1 : vector<128x128xf32>, vector<128x128xf32>, vector<128x128xf32>, vector<128x128xf32> -> vector<128x512xf32>
    %get3A_3124 = arith.constant 0 : index
    %get3A_3125 = arith.constant 0 : index
    %get3A_3126 = vector.load %arg7[%get3A_3124, %get3A_3125] : memref<512x128xf32, #tpu.memory_space<vmem>>, vector<512x128xf32>
    %dot_general3A_3127 = arith.constant dense<0.000000e+00> : vector<128x128xf32>
    %dot_general3A_3128 = tpu.matmul %concatenate3A_3123, %get3A_3126, %dot_general3A_3127 {dimension_numbers = #tpu.dot_dimension_numbers<[1], [0], [0], [1], [0, 0, 1, 1], [], []>, transpose_lhs_hint = false} : vector<128x512xf32>, vector<512x128xf32>, vector<128x128xf32> -> vector<128x128xf32>
    %get3A_3129 = arith.constant 0 : index
    %get3A_3130 = arith.constant 0 : index
    %get3A_3131 = vector.load %arg8[%get3A_3129, %get3A_3130] : memref<1x128xf32, #tpu.memory_space<vmem>>, vector<1x128xf32>
    %add3A_3132 = vector.broadcast %get3A_3131 : vector<1x128xf32> to vector<128x128xf32>
    %add3A_3133 = arith.addf %dot_general3A_3128, %add3A_3132 : vector<128x128xf32>
    %dot_general3A_3134 = arith.constant dense<0.000000e+00> : vector<128x128xf32>
    %dot_general3A_3135 = tpu.matmul %add3A_3133, %get3A_7, %dot_general3A_3134 {dimension_numbers = #tpu.dot_dimension_numbers<[1], [0], [0], [1], [0, 0, 1, 1], [], []>, transpose_lhs_hint = false} : vector<128x128xf32>, vector<128x128xf32>, vector<128x128xf32> -> vector<128x128xf32>
    %mul3A_3136 = arith.mulf %add3A_3133, %add3A_3133 : vector<128x128xf32>
    %dot_general3A_3137 = arith.constant dense<0.000000e+00> : vector<128x128xf32>
    %dot_general3A_3138 = tpu.matmul %mul3A_3136, %get3A_7, %dot_general3A_3137 {dimension_numbers = #tpu.dot_dimension_numbers<[1], [0], [0], [1], [0, 0, 1, 1], [], []>, transpose_lhs_hint = false} : vector<128x128xf32>, vector<128x128xf32>, vector<128x128xf32> -> vector<128x128xf32>
    %sub3A_3139 = arith.subf %add3A_3133, %dot_general3A_3135 : vector<128x128xf32>
    %mul3A_3140 = arith.mulf %dot_general3A_3135, %dot_general3A_3135 : vector<128x128xf32>
    %sub3A_3141 = arith.subf %dot_general3A_3138, %mul3A_3140 : vector<128x128xf32>
    %add3A_3142 = arith.constant 9.99999974E-6 : f32
    %add3A_3143 = vector.broadcast %add3A_3142 : f32 to vector<128x128xf32>
    %add3A_3144 = arith.addf %sub3A_3141, %add3A_3143 : vector<128x128xf32>
    %rsqrt3A_3145 = math.rsqrt %add3A_3144 : vector<128x128xf32>
    %mul3A_3146 = arith.mulf %sub3A_3139, %rsqrt3A_3145 : vector<128x128xf32>
    %get3A_3147 = arith.constant 0 : index
    %get3A_3148 = arith.constant 0 : index
    %get3A_3149 = vector.load %arg9[%get3A_3147, %get3A_3148] : memref<1x128xf32, #tpu.memory_space<vmem>>, vector<1x128xf32>
    %mul3A_3150 = vector.broadcast %get3A_3149 : vector<1x128xf32> to vector<128x128xf32>
    %mul3A_3151 = arith.mulf %mul3A_3146, %mul3A_3150 : vector<128x128xf32>
    %get3A_3152 = arith.constant 0 : index
    %get3A_3153 = arith.constant 0 : index
    %get3A_3154 = vector.load %arg10[%get3A_3152, %get3A_3153] : memref<1x128xf32, #tpu.memory_space<vmem>>, vector<1x128xf32>
    %add3A_3155 = vector.broadcast %get3A_3154 : vector<1x128xf32> to vector<128x128xf32>
    %add3A_3156 = arith.addf %mul3A_3151, %add3A_3155 : vector<128x128xf32>
    %mul3A_3157 = arith.constant 5.000000e-01 : f32
    %mul3A_3158 = vector.broadcast %mul3A_3157 : f32 to vector<128x128xf32>
    %mul3A_3159 = arith.mulf %mul3A_3158, %add3A_3156 : vector<128x128xf32>
    %mul3A_3160 = arith.constant 0.707106769 : f32
    %mul3A_3161 = vector.broadcast %mul3A_3160 : f32 to vector<128x128xf32>
    %mul3A_3162 = arith.mulf %add3A_3156, %mul3A_3161 : vector<128x128xf32>
    %erf3A_3163 = math.erf %mul3A_3162 : vector<128x128xf32>
    %add3A_3164 = arith.constant 1.000000e+00 : f32
    %add3A_3165 = vector.broadcast %add3A_3164 : f32 to vector<128x128xf32>
    %add3A_3166 = arith.addf %add3A_3165, %erf3A_3163 : vector<128x128xf32>
    %mul3A_3167 = arith.mulf %mul3A_3159, %add3A_3166 : vector<128x128xf32>
    %swap3A_3168 = arith.constant 0 : index
    %swap3A_3169 = arith.constant 1536 : index
    %swap3A_3170 = vector.load %arg12[%swap3A_3168, %swap3A_3169] : memref<128x1792xf32, #tpu.memory_space<vmem>>, vector<128x128xf32>
    tpu.vector_store %arg12[%swap3A_3168, %swap3A_3169], %mul3A_3167 {strides = array<i32>} : memref<128x1792xf32, #tpu.memory_space<vmem>>, vector<128x128xf32>,
    %slice3A_3171 = vector.extract_strided_slice %get3A_1 {offsets = [1664, 0], sizes = [128, 128], strides = [1, 1]} : vector<28672x128xf32> to vector<128x128xf32>
    %slice3A_3172 = vector.extract_strided_slice %get3A_1 {offsets = [3456, 0], sizes = [128, 128], strides = [1, 1]} : vector<28672x128xf32> to vector<128x128xf32>
    %slice3A_3173 = vector.extract_strided_slice %get3A_1 {offsets = [5248, 0], sizes = [128, 128], strides = [1, 1]} : vector<28672x128xf32> to vector<128x128xf32>
    %slice3A_3174 = vector.extract_strided_slice %get3A_1 {offsets = [7040, 0], sizes = [128, 128], strides = [1, 1]} : vector<28672x128xf32> to vector<128x128xf32>
    %concatenate3A_3175 = tpu.concatenate %slice3A_3171, %slice3A_3172, %slice3A_3173, %slice3A_3174 in 0 : vector<128x128xf32>, vector<128x128xf32>, vector<128x128xf32>, vector<128x128xf32> -> vector<512x128xf32>
    %get3A_3176 = arith.constant 0 : index
    %get3A_3177 = arith.constant 0 : index
    %get3A_3178 = vector.load %arg2[%get3A_3176, %get3A_3177] : memref<512x128xf32, #tpu.memory_space<vmem>>, vector<512x128xf32>
    %dot_general3A_3179 = arith.constant dense<0.000000e+00> : vector<128x128xf32>
    %dot_general3A_3180 = tpu.matmul %concatenate3A_3175, %get3A_3178, %dot_general3A_3179 {dimension_numbers = #tpu.dot_dimension_numbers<[0], [0], [1], [1], [0, 1, 1, 1], [], []>, transpose_lhs_hint = false} : vector<512x128xf32>, vector<512x128xf32>, vector<128x128xf32> -> vector<128x128xf32>
    %get3A_3181 = arith.constant 0 : index
    %get3A_3182 = arith.constant 0 : index
    %get3A_3183 = vector.load %arg3[%get3A_3181, %get3A_3182] : memref<1x128xf32, #tpu.memory_space<vmem>>, vector<1x128xf32>
    %add3A_3184 = vector.broadcast %get3A_3183 : vector<1x128xf32> to vector<128x128xf32>
    %add3A_3185 = arith.addf %dot_general3A_3180, %add3A_3184 : vector<128x128xf32>
    %dot_general3A_3186 = arith.constant dense<0.000000e+00> : vector<128x128xf32>
    %dot_general3A_3187 = tpu.matmul %add3A_3185, %get3A_4, %dot_general3A_3186 {dimension_numbers = #tpu.dot_dimension_numbers<[1], [0], [0], [1], [0, 0, 1, 1], [], []>, transpose_lhs_hint = false} : vector<128x128xf32>, vector<128x128xf32>, vector<128x128xf32> -> vector<128x128xf32>
    %mul3A_3188 = arith.mulf %add3A_3185, %add3A_3185 : vector<128x128xf32>
    %dot_general3A_3189 = arith.constant dense<0.000000e+00> : vector<128x128xf32>
    %dot_general3A_3190 = tpu.matmul %mul3A_3188, %get3A_4, %dot_general3A_3189 {dimension_numbers = #tpu.dot_dimension_numbers<[1], [0], [0], [1], [0, 0, 1, 1], [], []>, transpose_lhs_hint = false} : vector<128x128xf32>, vector<128x128xf32>, vector<128x128xf32> -> vector<128x128xf32>
    %mul3A_3191 = arith.mulf %dot_general3A_3187, %dot_general3A_3187 : vector<128x128xf32>
    %sub3A_3192 = arith.subf %dot_general3A_3190, %mul3A_3191 : vector<128x128xf32>
    %sub3A_3193 = arith.subf %add3A_3185, %dot_general3A_3187 : vector<128x128xf32>
    %add3A_3194 = arith.constant 9.99999974E-6 : f32
    %add3A_3195 = vector.broadcast %add3A_3194 : f32 to vector<128x128xf32>
    %add3A_3196 = arith.addf %sub3A_3192, %add3A_3195 : vector<128x128xf32>
    %rsqrt3A_3197 = math.rsqrt %add3A_3196 : vector<128x128xf32>
    %mul3A_3198 = arith.mulf %sub3A_3193, %rsqrt3A_3197 : vector<128x128xf32>
    %get3A_3199 = arith.constant 0 : index
    %get3A_3200 = arith.constant 0 : index
    %get3A_3201 = vector.load %arg4[%get3A_3199, %get3A_3200] : memref<1x128xf32, #tpu.memory_space<vmem>>, vector<1x128xf32>
    %mul3A_3202 = vector.broadcast %get3A_3201 : vector<1x128xf32> to vector<128x128xf32>
    %mul3A_3203 = arith.mulf %mul3A_3198, %mul3A_3202 : vector<128x128xf32>
    %get3A_3204 = arith.constant 0 : index
    %get3A_3205 = arith.constant 0 : index
    %get3A_3206 = vector.load %arg5[%get3A_3204, %get3A_3205] : memref<1x128xf32, #tpu.memory_space<vmem>>, vector<1x128xf32>
    %add3A_3207 = vector.broadcast %get3A_3206 : vector<1x128xf32> to vector<128x128xf32>
    %add3A_3208 = arith.addf %mul3A_3203, %add3A_3207 : vector<128x128xf32>
    %mul3A_3209 = arith.constant 5.000000e-01 : f32
    %mul3A_3210 = vector.broadcast %mul3A_3209 : f32 to vector<128x128xf32>
    %mul3A_3211 = arith.mulf %mul3A_3210, %add3A_3208 : vector<128x128xf32>
    %mul3A_3212 = arith.constant 0.707106769 : f32
    %mul3A_3213 = vector.broadcast %mul3A_3212 : f32 to vector<128x128xf32>
    %mul3A_3214 = arith.mulf %add3A_3208, %mul3A_3213 : vector<128x128xf32>
    %erf3A_3215 = math.erf %mul3A_3214 : vector<128x128xf32>
    %add3A_3216 = arith.constant 1.000000e+00 : f32
    %add3A_3217 = vector.broadcast %add3A_3216 : f32 to vector<128x128xf32>
    %add3A_3218 = arith.addf %add3A_3217, %erf3A_3215 : vector<128x128xf32>
    %mul3A_3219 = arith.mulf %mul3A_3211, %add3A_3218 : vector<128x128xf32>
    %slice3A_3220 = vector.extract_strided_slice %get3A_1 {offsets = [8832, 0], sizes = [128, 128], strides = [1, 1]} : vector<28672x128xf32> to vector<128x128xf32>
    %slice3A_3221 = vector.extract_strided_slice %get3A_1 {offsets = [10624, 0], sizes = [128, 128], strides = [1, 1]} : vector<28672x128xf32> to vector<128x128xf32>
    %slice3A_3222 = vector.extract_strided_slice %get3A_1 {offsets = [12416, 0], sizes = [128, 128], strides = [1, 1]} : vector<28672x128xf32> to vector<128x128xf32>
    %slice3A_3223 = vector.extract_strided_slice %get3A_1 {offsets = [14208, 0], sizes = [128, 128], strides = [1, 1]} : vector<28672x128xf32> to vector<128x128xf32>
    %concatenate3A_3224 = tpu.concatenate %slice3A_3220, %slice3A_3221, %slice3A_3222, %slice3A_3223 in 0 : vector<128x128xf32>, vector<128x128xf32>, vector<128x128xf32>, vector<128x128xf32> -> vector<512x128xf32>
    %get3A_3225 = arith.constant 0 : index
    %get3A_3226 = arith.constant 0 : index
    %get3A_3227 = vector.load %arg2[%get3A_3225, %get3A_3226] : memref<512x128xf32, #tpu.memory_space<vmem>>, vector<512x128xf32>
    %dot_general3A_3228 = arith.constant dense<0.000000e+00> : vector<128x128xf32>
    %dot_general3A_3229 = tpu.matmul %concatenate3A_3224, %get3A_3227, %dot_general3A_3228 {dimension_numbers = #tpu.dot_dimension_numbers<[0], [0], [1], [1], [0, 1, 1, 1], [], []>, transpose_lhs_hint = false} : vector<512x128xf32>, vector<512x128xf32>, vector<128x128xf32> -> vector<128x128xf32>
    %get3A_3230 = arith.constant 0 : index
    %get3A_3231 = arith.constant 0 : index
    %get3A_3232 = vector.load %arg3[%get3A_3230, %get3A_3231] : memref<1x128xf32, #tpu.memory_space<vmem>>, vector<1x128xf32>
    %add3A_3233 = vector.broadcast %get3A_3232 : vector<1x128xf32> to vector<128x128xf32>
    %add3A_3234 = arith.addf %dot_general3A_3229, %add3A_3233 : vector<128x128xf32>
    %dot_general3A_3235 = arith.constant dense<0.000000e+00> : vector<128x128xf32>
    %dot_general3A_3236 = tpu.matmul %add3A_3234, %get3A_4, %dot_general3A_3235 {dimension_numbers = #tpu.dot_dimension_numbers<[1], [0], [0], [1], [0, 0, 1, 1], [], []>, transpose_lhs_hint = false} : vector<128x128xf32>, vector<128x128xf32>, vector<128x128xf32> -> vector<128x128xf32>
    %mul3A_3237 = arith.mulf %add3A_3234, %add3A_3234 : vector<128x128xf32>
    %dot_general3A_3238 = arith.constant dense<0.000000e+00> : vector<128x128xf32>
    %dot_general3A_3239 = tpu.matmul %mul3A_3237, %get3A_4, %dot_general3A_3238 {dimension_numbers = #tpu.dot_dimension_numbers<[1], [0], [0], [1], [0, 0, 1, 1], [], []>, transpose_lhs_hint = false} : vector<128x128xf32>, vector<128x128xf32>, vector<128x128xf32> -> vector<128x128xf32>
    %mul3A_3240 = arith.mulf %dot_general3A_3236, %dot_general3A_3236 : vector<128x128xf32>
    %sub3A_3241 = arith.subf %dot_general3A_3239, %mul3A_3240 : vector<128x128xf32>
    %sub3A_3242 = arith.subf %add3A_3234, %dot_general3A_3236 : vector<128x128xf32>
    %add3A_3243 = arith.constant 9.99999974E-6 : f32
    %add3A_3244 = vector.broadcast %add3A_3243 : f32 to vector<128x128xf32>
    %add3A_3245 = arith.addf %sub3A_3241, %add3A_3244 : vector<128x128xf32>
    %rsqrt3A_3246 = math.rsqrt %add3A_3245 : vector<128x128xf32>
    %mul3A_3247 = arith.mulf %sub3A_3242, %rsqrt3A_3246 : vector<128x128xf32>
    %get3A_3248 = arith.constant 0 : index
    %get3A_3249 = arith.constant 0 : index
    %get3A_3250 = vector.load %arg4[%get3A_3248, %get3A_3249] : memref<1x128xf32, #tpu.memory_space<vmem>>, vector<1x128xf32>
    %mul3A_3251 = vector.broadcast %get3A_3250 : vector<1x128xf32> to vector<128x128xf32>
    %mul3A_3252 = arith.mulf %mul3A_3247, %mul3A_3251 : vector<128x128xf32>
    %get3A_3253 = arith.constant 0 : index
    %get3A_3254 = arith.constant 0 : index
    %get3A_3255 = vector.load %arg5[%get3A_3253, %get3A_3254] : memref<1x128xf32, #tpu.memory_space<vmem>>, vector<1x128xf32>
    %add3A_3256 = vector.broadcast %get3A_3255 : vector<1x128xf32> to vector<128x128xf32>
    %add3A_3257 = arith.addf %mul3A_3252, %add3A_3256 : vector<128x128xf32>
    %mul3A_3258 = arith.constant 5.000000e-01 : f32
    %mul3A_3259 = vector.broadcast %mul3A_3258 : f32 to vector<128x128xf32>
    %mul3A_3260 = arith.mulf %mul3A_3259, %add3A_3257 : vector<128x128xf32>
    %mul3A_3261 = arith.constant 0.707106769 : f32
    %mul3A_3262 = vector.broadcast %mul3A_3261 : f32 to vector<128x128xf32>
    %mul3A_3263 = arith.mulf %add3A_3257, %mul3A_3262 : vector<128x128xf32>
    %erf3A_3264 = math.erf %mul3A_3263 : vector<128x128xf32>
    %add3A_3265 = arith.constant 1.000000e+00 : f32
    %add3A_3266 = vector.broadcast %add3A_3265 : f32 to vector<128x128xf32>
    %add3A_3267 = arith.addf %add3A_3266, %erf3A_3264 : vector<128x128xf32>
    %mul3A_3268 = arith.mulf %mul3A_3260, %add3A_3267 : vector<128x128xf32>
    %slice3A_3269 = vector.extract_strided_slice %get3A_1 {offsets = [16000, 0], sizes = [128, 128], strides = [1, 1]} : vector<28672x128xf32> to vector<128x128xf32>
    %slice3A_3270 = vector.extract_strided_slice %get3A_1 {offsets = [17792, 0], sizes = [128, 128], strides = [1, 1]} : vector<28672x128xf32> to vector<128x128xf32>
    %slice3A_3271 = vector.extract_strided_slice %get3A_1 {offsets = [19584, 0], sizes = [128, 128], strides = [1, 1]} : vector<28672x128xf32> to vector<128x128xf32>
    %slice3A_3272 = vector.extract_strided_slice %get3A_1 {offsets = [21376, 0], sizes = [128, 128], strides = [1, 1]} : vector<28672x128xf32> to vector<128x128xf32>
    %concatenate3A_3273 = tpu.concatenate %slice3A_3269, %slice3A_3270, %slice3A_3271, %slice3A_3272 in 0 : vector<128x128xf32>, vector<128x128xf32>, vector<128x128xf32>, vector<128x128xf32> -> vector<512x128xf32>
    %get3A_3274 = arith.constant 0 : index
    %get3A_3275 = arith.constant 0 : index
    %get3A_3276 = vector.load %arg2[%get3A_3274, %get3A_3275] : memref<512x128xf32, #tpu.memory_space<vmem>>, vector<512x128xf32>
    %dot_general3A_3277 = arith.constant dense<0.000000e+00> : vector<128x128xf32>
    %dot_general3A_3278 = tpu.matmul %concatenate3A_3273, %get3A_3276, %dot_general3A_3277 {dimension_numbers = #tpu.dot_dimension_numbers<[0], [0], [1], [1], [0, 1, 1, 1], [], []>, transpose_lhs_hint = false} : vector<512x128xf32>, vector<512x128xf32>, vector<128x128xf32> -> vector<128x128xf32>
    %get3A_3279 = arith.constant 0 : index
    %get3A_3280 = arith.constant 0 : index
    %get3A_3281 = vector.load %arg3[%get3A_3279, %get3A_3280] : memref<1x128xf32, #tpu.memory_space<vmem>>, vector<1x128xf32>
    %add3A_3282 = vector.broadcast %get3A_3281 : vector<1x128xf32> to vector<128x128xf32>
    %add3A_3283 = arith.addf %dot_general3A_3278, %add3A_3282 : vector<128x128xf32>
    %dot_general3A_3284 = arith.constant dense<0.000000e+00> : vector<128x128xf32>
    %dot_general3A_3285 = tpu.matmul %add3A_3283, %get3A_4, %dot_general3A_3284 {dimension_numbers = #tpu.dot_dimension_numbers<[1], [0], [0], [1], [0, 0, 1, 1], [], []>, transpose_lhs_hint = false} : vector<128x128xf32>, vector<128x128xf32>, vector<128x128xf32> -> vector<128x128xf32>
    %mul3A_3286 = arith.mulf %add3A_3283, %add3A_3283 : vector<128x128xf32>
    %dot_general3A_3287 = arith.constant dense<0.000000e+00> : vector<128x128xf32>
    %dot_general3A_3288 = tpu.matmul %mul3A_3286, %get3A_4, %dot_general3A_3287 {dimension_numbers = #tpu.dot_dimension_numbers<[1], [0], [0], [1], [0, 0, 1, 1], [], []>, transpose_lhs_hint = false} : vector<128x128xf32>, vector<128x128xf32>, vector<128x128xf32> -> vector<128x128xf32>
    %mul3A_3289 = arith.mulf %dot_general3A_3285, %dot_general3A_3285 : vector<128x128xf32>
    %sub3A_3290 = arith.subf %dot_general3A_3288, %mul3A_3289 : vector<128x128xf32>
    %sub3A_3291 = arith.subf %add3A_3283, %dot_general3A_3285 : vector<128x128xf32>
    %add3A_3292 = arith.constant 9.99999974E-6 : f32
    %add3A_3293 = vector.broadcast %add3A_3292 : f32 to vector<128x128xf32>
    %add3A_3294 = arith.addf %sub3A_3290, %add3A_3293 : vector<128x128xf32>
    %rsqrt3A_3295 = math.rsqrt %add3A_3294 : vector<128x128xf32>
    %mul3A_3296 = arith.mulf %sub3A_3291, %rsqrt3A_3295 : vector<128x128xf32>
    %get3A_3297 = arith.constant 0 : index
    %get3A_3298 = arith.constant 0 : index
    %get3A_3299 = vector.load %arg4[%get3A_3297, %get3A_3298] : memref<1x128xf32, #tpu.memory_space<vmem>>, vector<1x128xf32>
    %mul3A_3300 = vector.broadcast %get3A_3299 : vector<1x128xf32> to vector<128x128xf32>
    %mul3A_3301 = arith.mulf %mul3A_3296, %mul3A_3300 : vector<128x128xf32>
    %get3A_3302 = arith.constant 0 : index
    %get3A_3303 = arith.constant 0 : index
    %get3A_3304 = vector.load %arg5[%get3A_3302, %get3A_3303] : memref<1x128xf32, #tpu.memory_space<vmem>>, vector<1x128xf32>
    %add3A_3305 = vector.broadcast %get3A_3304 : vector<1x128xf32> to vector<128x128xf32>
    %add3A_3306 = arith.addf %mul3A_3301, %add3A_3305 : vector<128x128xf32>
    %mul3A_3307 = arith.constant 5.000000e-01 : f32
    %mul3A_3308 = vector.broadcast %mul3A_3307 : f32 to vector<128x128xf32>
    %mul3A_3309 = arith.mulf %mul3A_3308, %add3A_3306 : vector<128x128xf32>
    %mul3A_3310 = arith.constant 0.707106769 : f32
    %mul3A_3311 = vector.broadcast %mul3A_3310 : f32 to vector<128x128xf32>
    %mul3A_3312 = arith.mulf %add3A_3306, %mul3A_3311 : vector<128x128xf32>
    %erf3A_3313 = math.erf %mul3A_3312 : vector<128x128xf32>
    %add3A_3314 = arith.constant 1.000000e+00 : f32
    %add3A_3315 = vector.broadcast %add3A_3314 : f32 to vector<128x128xf32>
    %add3A_3316 = arith.addf %add3A_3315, %erf3A_3313 : vector<128x128xf32>
    %mul3A_3317 = arith.mulf %mul3A_3309, %add3A_3316 : vector<128x128xf32>
    %slice3A_3318 = vector.extract_strided_slice %get3A_1 {offsets = [23168, 0], sizes = [128, 128], strides = [1, 1]} : vector<28672x128xf32> to vector<128x128xf32>
    %slice3A_3319 = vector.extract_strided_slice %get3A_1 {offsets = [24960, 0], sizes = [128, 128], strides = [1, 1]} : vector<28672x128xf32> to vector<128x128xf32>
    %slice3A_3320 = vector.extract_strided_slice %get3A_1 {offsets = [26752, 0], sizes = [128, 128], strides = [1, 1]} : vector<28672x128xf32> to vector<128x128xf32>
    %slice3A_3321 = vector.extract_strided_slice %get3A_1 {offsets = [28544, 0], sizes = [128, 128], strides = [1, 1]} : vector<28672x128xf32> to vector<128x128xf32>
    %concatenate3A_3322 = tpu.concatenate %slice3A_3318, %slice3A_3319, %slice3A_3320, %slice3A_3321 in 0 : vector<128x128xf32>, vector<128x128xf32>, vector<128x128xf32>, vector<128x128xf32> -> vector<512x128xf32>
    %get3A_3323 = arith.constant 0 : index
    %get3A_3324 = arith.constant 0 : index
    %get3A_3325 = vector.load %arg2[%get3A_3323, %get3A_3324] : memref<512x128xf32, #tpu.memory_space<vmem>>, vector<512x128xf32>
    %dot_general3A_3326 = arith.constant dense<0.000000e+00> : vector<128x128xf32>
    %dot_general3A_3327 = tpu.matmul %concatenate3A_3322, %get3A_3325, %dot_general3A_3326 {dimension_numbers = #tpu.dot_dimension_numbers<[0], [0], [1], [1], [0, 1, 1, 1], [], []>, transpose_lhs_hint = false} : vector<512x128xf32>, vector<512x128xf32>, vector<128x128xf32> -> vector<128x128xf32>
    %get3A_3328 = arith.constant 0 : index
    %get3A_3329 = arith.constant 0 : index
    %get3A_3330 = vector.load %arg3[%get3A_3328, %get3A_3329] : memref<1x128xf32, #tpu.memory_space<vmem>>, vector<1x128xf32>
    %add3A_3331 = vector.broadcast %get3A_3330 : vector<1x128xf32> to vector<128x128xf32>
    %add3A_3332 = arith.addf %dot_general3A_3327, %add3A_3331 : vector<128x128xf32>
    %dot_general3A_3333 = arith.constant dense<0.000000e+00> : vector<128x128xf32>
    %dot_general3A_3334 = tpu.matmul %add3A_3332, %get3A_4, %dot_general3A_3333 {dimension_numbers = #tpu.dot_dimension_numbers<[1], [0], [0], [1], [0, 0, 1, 1], [], []>, transpose_lhs_hint = false} : vector<128x128xf32>, vector<128x128xf32>, vector<128x128xf32> -> vector<128x128xf32>
    %mul3A_3335 = arith.mulf %add3A_3332, %add3A_3332 : vector<128x128xf32>
    %dot_general3A_3336 = arith.constant dense<0.000000e+00> : vector<128x128xf32>
    %dot_general3A_3337 = tpu.matmul %mul3A_3335, %get3A_4, %dot_general3A_3336 {dimension_numbers = #tpu.dot_dimension_numbers<[1], [0], [0], [1], [0, 0, 1, 1], [], []>, transpose_lhs_hint = false} : vector<128x128xf32>, vector<128x128xf32>, vector<128x128xf32> -> vector<128x128xf32>
    %mul3A_3338 = arith.mulf %dot_general3A_3334, %dot_general3A_3334 : vector<128x128xf32>
    %sub3A_3339 = arith.subf %dot_general3A_3337, %mul3A_3338 : vector<128x128xf32>
    %sub3A_3340 = arith.subf %add3A_3332, %dot_general3A_3334 : vector<128x128xf32>
    %add3A_3341 = arith.constant 9.99999974E-6 : f32
    %add3A_3342 = vector.broadcast %add3A_3341 : f32 to vector<128x128xf32>
    %add3A_3343 = arith.addf %sub3A_3339, %add3A_3342 : vector<128x128xf32>
    %rsqrt3A_3344 = math.rsqrt %add3A_3343 : vector<128x128xf32>
    %mul3A_3345 = arith.mulf %sub3A_3340, %rsqrt3A_3344 : vector<128x128xf32>
    %get3A_3346 = arith.constant 0 : index
    %get3A_3347 = arith.constant 0 : index
    %get3A_3348 = vector.load %arg4[%get3A_3346, %get3A_3347] : memref<1x128xf32, #tpu.memory_space<vmem>>, vector<1x128xf32>
    %mul3A_3349 = vector.broadcast %get3A_3348 : vector<1x128xf32> to vector<128x128xf32>
    %mul3A_3350 = arith.mulf %mul3A_3345, %mul3A_3349 : vector<128x128xf32>
    %get3A_3351 = arith.constant 0 : index
    %get3A_3352 = arith.constant 0 : index
    %get3A_3353 = vector.load %arg5[%get3A_3351, %get3A_3352] : memref<1x128xf32, #tpu.memory_space<vmem>>, vector<1x128xf32>
    %add3A_3354 = vector.broadcast %get3A_3353 : vector<1x128xf32> to vector<128x128xf32>
    %add3A_3355 = arith.addf %mul3A_3350, %add3A_3354 : vector<128x128xf32>
    %mul3A_3356 = arith.constant 5.000000e-01 : f32
    %mul3A_3357 = vector.broadcast %mul3A_3356 : f32 to vector<128x128xf32>
    %mul3A_3358 = arith.mulf %mul3A_3357, %add3A_3355 : vector<128x128xf32>
    %mul3A_3359 = arith.constant 0.707106769 : f32
    %mul3A_3360 = vector.broadcast %mul3A_3359 : f32 to vector<128x128xf32>
    %mul3A_3361 = arith.mulf %add3A_3355, %mul3A_3360 : vector<128x128xf32>
    %erf3A_3362 = math.erf %mul3A_3361 : vector<128x128xf32>
    %add3A_3363 = arith.constant 1.000000e+00 : f32
    %add3A_3364 = vector.broadcast %add3A_3363 : f32 to vector<128x128xf32>
    %add3A_3365 = arith.addf %add3A_3364, %erf3A_3362 : vector<128x128xf32>
    %mul3A_3366 = arith.mulf %mul3A_3358, %add3A_3365 : vector<128x128xf32>
    %concatenate3A_3367 = tpu.concatenate %mul3A_3219, %mul3A_3268, %mul3A_3317, %mul3A_3366 in 1 : vector<128x128xf32>, vector<128x128xf32>, vector<128x128xf32>, vector<128x128xf32> -> vector<128x512xf32>
    %get3A_3368 = arith.constant 0 : index
    %get3A_3369 = arith.constant 0 : index
    %get3A_3370 = vector.load %arg7[%get3A_3368, %get3A_3369] : memref<512x128xf32, #tpu.memory_space<vmem>>, vector<512x128xf32>
    %dot_general3A_3371 = arith.constant dense<0.000000e+00> : vector<128x128xf32>
    %dot_general3A_3372 = tpu.matmul %concatenate3A_3367, %get3A_3370, %dot_general3A_3371 {dimension_numbers = #tpu.dot_dimension_numbers<[1], [0], [0], [1], [0, 0, 1, 1], [], []>, transpose_lhs_hint = false} : vector<128x512xf32>, vector<512x128xf32>, vector<128x128xf32> -> vector<128x128xf32>
    %get3A_3373 = arith.constant 0 : index
    %get3A_3374 = arith.constant 0 : index
    %get3A_3375 = vector.load %arg8[%get3A_3373, %get3A_3374] : memref<1x128xf32, #tpu.memory_space<vmem>>, vector<1x128xf32>
    %add3A_3376 = vector.broadcast %get3A_3375 : vector<1x128xf32> to vector<128x128xf32>
    %add3A_3377 = arith.addf %dot_general3A_3372, %add3A_3376 : vector<128x128xf32>
    %dot_general3A_3378 = arith.constant dense<0.000000e+00> : vector<128x128xf32>
    %dot_general3A_3379 = tpu.matmul %add3A_3377, %get3A_7, %dot_general3A_3378 {dimension_numbers = #tpu.dot_dimension_numbers<[1], [0], [0], [1], [0, 0, 1, 1], [], []>, transpose_lhs_hint = false} : vector<128x128xf32>, vector<128x128xf32>, vector<128x128xf32> -> vector<128x128xf32>
    %mul3A_3380 = arith.mulf %add3A_3377, %add3A_3377 : vector<128x128xf32>
    %dot_general3A_3381 = arith.constant dense<0.000000e+00> : vector<128x128xf32>
    %dot_general3A_3382 = tpu.matmul %mul3A_3380, %get3A_7, %dot_general3A_3381 {dimension_numbers = #tpu.dot_dimension_numbers<[1], [0], [0], [1], [0, 0, 1, 1], [], []>, transpose_lhs_hint = false} : vector<128x128xf32>, vector<128x128xf32>, vector<128x128xf32> -> vector<128x128xf32>
    %sub3A_3383 = arith.subf %add3A_3377, %dot_general3A_3379 : vector<128x128xf32>
    %mul3A_3384 = arith.mulf %dot_general3A_3379, %dot_general3A_3379 : vector<128x128xf32>
    %sub3A_3385 = arith.subf %dot_general3A_3382, %mul3A_3384 : vector<128x128xf32>
    %add3A_3386 = arith.constant 9.99999974E-6 : f32
    %add3A_3387 = vector.broadcast %add3A_3386 : f32 to vector<128x128xf32>
    %add3A_3388 = arith.addf %sub3A_3385, %add3A_3387 : vector<128x128xf32>
    %rsqrt3A_3389 = math.rsqrt %add3A_3388 : vector<128x128xf32>
    %mul3A_3390 = arith.mulf %sub3A_3383, %rsqrt3A_3389 : vector<128x128xf32>
    %get3A_3391 = arith.constant 0 : index
    %get3A_3392 = arith.constant 0 : index
    %get3A_3393 = vector.load %arg9[%get3A_3391, %get3A_3392] : memref<1x128xf32, #tpu.memory_space<vmem>>, vector<1x128xf32>
    %mul3A_3394 = vector.broadcast %get3A_3393 : vector<1x128xf32> to vector<128x128xf32>
    %mul3A_3395 = arith.mulf %mul3A_3390, %mul3A_3394 : vector<128x128xf32>
    %get3A_3396 = arith.constant 0 : index
    %get3A_3397 = arith.constant 0 : index
    %get3A_3398 = vector.load %arg10[%get3A_3396, %get3A_3397] : memref<1x128xf32, #tpu.memory_space<vmem>>, vector<1x128xf32>
    %add3A_3399 = vector.broadcast %get3A_3398 : vector<1x128xf32> to vector<128x128xf32>
    %add3A_3400 = arith.addf %mul3A_3395, %add3A_3399 : vector<128x128xf32>
    %mul3A_3401 = arith.constant 5.000000e-01 : f32
    %mul3A_3402 = vector.broadcast %mul3A_3401 : f32 to vector<128x128xf32>
    %mul3A_3403 = arith.mulf %mul3A_3402, %add3A_3400 : vector<128x128xf32>
    %mul3A_3404 = arith.constant 0.707106769 : f32
    %mul3A_3405 = vector.broadcast %mul3A_3404 : f32 to vector<128x128xf32>
    %mul3A_3406 = arith.mulf %add3A_3400, %mul3A_3405 : vector<128x128xf32>
    %erf3A_3407 = math.erf %mul3A_3406 : vector<128x128xf32>
    %add3A_3408 = arith.constant 1.000000e+00 : f32
    %add3A_3409 = vector.broadcast %add3A_3408 : f32 to vector<128x128xf32>
    %add3A_3410 = arith.addf %add3A_3409, %erf3A_3407 : vector<128x128xf32>
    %mul3A_3411 = arith.mulf %mul3A_3403, %add3A_3410 : vector<128x128xf32>
    %swap3A_3412 = arith.constant 0 : index
    %swap3A_3413 = arith.constant 1664 : index
    %swap3A_3414 = vector.load %arg12[%swap3A_3412, %swap3A_3413] : memref<128x1792xf32, #tpu.memory_space<vmem>>, vector<128x128xf32>
    tpu.vector_store %arg12[%swap3A_3412, %swap3A_3413], %mul3A_3411 {strides = array<i32>} : memref<128x1792xf32, #tpu.memory_space<vmem>>, vector<128x128xf32>,
    return
  }
  func.func @transform_0(%arg0: i32) -> (i32, i32) {
    %c0_i32 = arith.constant 0 : i32
    %c0_i32_0 = arith.constant 0 : i32
    return %arg0, %c0_i32 : i32, i32
  }
  func.func @transform_1(%arg0: i32) -> (i32, i32) {
    %c0_i32 = arith.constant 0 : i32
    %c0_i32_0 = arith.constant 0 : i32
    %c0_i32_1 = arith.constant 0 : i32
    return %c0_i32, %c0_i32_0 : i32, i32
  }
  func.func @transform_2(%arg0: i32) -> (i32, i32) {
    %c0_i32 = arith.constant 0 : i32
    %c0_i32_0 = arith.constant 0 : i32
    %c0_i32_1 = arith.constant 0 : i32
    return %c0_i32, %c0_i32_0 : i32, i32
  }
  func.func @transform_3(%arg0: i32) -> (i32, i32) {
    %c0_i32 = arith.constant 0 : i32
    %c0_i32_0 = arith.constant 0 : i32
    %c0_i32_1 = arith.constant 0 : i32
    return %c0_i32, %c0_i32_0 : i32, i32
  }
  func.func @transform_4(%arg0: i32) -> (i32, i32) {
    %c0_i32 = arith.constant 0 : i32
    %c0_i32_0 = arith.constant 0 : i32
    %c0_i32_1 = arith.constant 0 : i32
    return %c0_i32, %c0_i32_0 : i32, i32
  }
  func.func @transform_5(%arg0: i32) -> (i32, i32) {
    %c0_i32 = arith.constant 0 : i32
    %c0_i32_0 = arith.constant 0 : i32
    %c0_i32_1 = arith.constant 0 : i32
    return %c0_i32, %c0_i32_0 : i32, i32
  }
  func.func @transform_6(%arg0: i32) -> (i32, i32) {
    %c0_i32 = arith.constant 0 : i32
    %c0_i32_0 = arith.constant 0 : i32
    %c0_i32_1 = arith.constant 0 : i32
    return %c0_i32, %c0_i32_0 : i32, i32
  }
  func.func @transform_7(%arg0: i32) -> (i32, i32) {
    %c0_i32 = arith.constant 0 : i32
    %c0_i32_0 = arith.constant 0 : i32
    %c0_i32_1 = arith.constant 0 : i32
    return %c0_i32, %c0_i32_0 : i32, i32
  }
  func.func @transform_8(%arg0: i32) -> (i32, i32) {
    %c0_i32 = arith.constant 0 : i32
    %c0_i32_0 = arith.constant 0 : i32
    %c0_i32_1 = arith.constant 0 : i32
    return %c0_i32, %c0_i32_0 : i32, i32
  }
  func.func @transform_9(%arg0: i32) -> (i32, i32) {
    %c0_i32 = arith.constant 0 : i32
    %c0_i32_0 = arith.constant 0 : i32
    %c0_i32_1 = arith.constant 0 : i32
    return %c0_i32, %c0_i32_0 : i32, i32
  }
  func.func @transform_10(%arg0: i32) -> (i32, i32) {
    %c0_i32 = arith.constant 0 : i32
    %c0_i32_0 = arith.constant 0 : i32
    %c0_i32_1 = arith.constant 0 : i32
    return %c0_i32, %c0_i32_0 : i32, i32
  }
  func.func @transform_11(%arg0: i32) -> (i32, i32) {
    %c0_i32 = arith.constant 0 : i32
    %c0_i32_0 = arith.constant 0 : i32
    return %c0_i32, %arg0 : i32, i32
  }
}

module attributes {stable_mosaic.version = 14 : i64} {
  func.func @_stage_c(%arg0: i32, %arg1: memref<128x512xf32, #tpu.memory_space<vmem>>, %arg2: memref<8x16xf32, #tpu.memory_space<vmem>>, %arg3: memref<8x16xf32, #tpu.memory_space<vmem>>, %arg4: memref<8x8xf32, #tpu.memory_space<vmem>>, %arg5: memref<8x8xf32, #tpu.memory_space<vmem>>) attributes {dimension_semantics = [#tpu.dimension_semantics<arbitrary>], iteration_bounds = array<i64: 1>, scalar_prefetch = 0 : i64, scratch_operands = 0 : i64, tpu.core_type = #tpu.core_type<tc>, window_params = [{pipeline_mode = #tpu.pipeline_mode<synchronous>, transform_indices = @transform_0, window_bounds = array<i64: 128, 512>}, {pipeline_mode = #tpu.pipeline_mode<synchronous>, transform_indices = @transform_1, window_bounds = array<i64: 8, 16>}, {pipeline_mode = #tpu.pipeline_mode<synchronous>, transform_indices = @transform_2, window_bounds = array<i64: 8, 16>}, {pipeline_mode = #tpu.pipeline_mode<synchronous>, transform_indices = @transform_3, window_bounds = array<i64: 8, 8>}, {pipeline_mode = #tpu.pipeline_mode<synchronous>, transform_indices = @transform_4, window_bounds = array<i64: 8, 8>}]} {
    %iota3A = tpu.iota {dimensions = array<i32: 1>} : vector<1x8xi32>
    %get3A = arith.constant 0 : index
    %get3A_0 = arith.constant 0 : index
    %get3A_1 = vector.load %arg1[%get3A, %get3A_0] : memref<128x512xf32, #tpu.memory_space<vmem>>, vector<16x512xf32>
    %get3A_2 = arith.constant 0 : index
    %get3A_3 = arith.constant 0 : index
    %get3A_4 = vector.load %arg2[%get3A_2, %get3A_3] : memref<8x16xf32, #tpu.memory_space<vmem>>, vector<8x16xf32>
    %dot_general3A = arith.constant dense<0.000000e+00> : vector<8x512xf32>
    %dot_general3A_5 = tpu.matmul %get3A_4, %get3A_1, %dot_general3A {dimension_numbers = #tpu.dot_dimension_numbers<[1], [0], [0], [1], [0, 0, 1, 1], [], []>, transpose_lhs_hint = false} : vector<8x16xf32>, vector<16x512xf32>, vector<8x512xf32> -> vector<8x512xf32>
    %get3A_6 = arith.constant 0 : index
    %get3A_7 = arith.constant 0 : index
    %get3A_8 = vector.load %arg3[%get3A_6, %get3A_7] : memref<8x16xf32, #tpu.memory_space<vmem>>, vector<8x16xf32>
    %dot_general3A_9 = arith.constant dense<0.000000e+00> : vector<8x512xf32>
    %dot_general3A_10 = tpu.matmul %get3A_8, %get3A_1, %dot_general3A_9 {dimension_numbers = #tpu.dot_dimension_numbers<[1], [0], [0], [1], [0, 0, 1, 1], [], []>, transpose_lhs_hint = false} : vector<8x16xf32>, vector<16x512xf32>, vector<8x512xf32> -> vector<8x512xf32>
    %mul3A = arith.mulf %dot_general3A_5, %dot_general3A_5 : vector<8x512xf32>
    %mul3A_11 = arith.mulf %dot_general3A_10, %dot_general3A_10 : vector<8x512xf32>
    %add3A = arith.addf %mul3A, %mul3A_11 : vector<8x512xf32>
    %sqrt3A = math.sqrt %add3A : vector<8x512xf32>
    %reduce_sum3A = arith.constant dense<0.000000e+00> : vector<8xf32>
    %reduce_sum3A_12 = vector.multi_reduction <add>, %sqrt3A, %reduce_sum3A [1] : vector<8x512xf32> to vector<8xf32>
    %broadcast_in_dim3A = vector.shape_cast %reduce_sum3A_12 : vector<8xf32> to vector<8x1xf32>
    %div3A = arith.constant 5.120000e+02 : f32
    %div3A_13 = vector.broadcast %div3A : f32 to vector<8x1xf32>
    %div3A_14 = arith.divf %broadcast_in_dim3A, %div3A_13 : vector<8x1xf32>
    %get3A_15 = arith.constant 0 : index
    %get3A_16 = arith.constant 0 : index
    %get3A_17 = vector.load %arg4[%get3A_15, %get3A_16] : memref<8x8xf32, #tpu.memory_space<vmem>>, vector<8x8xf32>
    %mul3A_18 = vector.broadcast %div3A_14 : vector<8x1xf32> to vector<8x8xf32>
    %mul3A_19 = arith.mulf %mul3A_18, %get3A_17 : vector<8x8xf32>
    %reduce_sum3A_20 = arith.constant dense<0.000000e+00> : vector<8xf32>
    %reduce_sum3A_21 = vector.multi_reduction <add>, %mul3A_19, %reduce_sum3A_20 [0] : vector<8x8xf32> to vector<8xf32>
    %broadcast_in_dim3A_22 = vector.shape_cast %reduce_sum3A_21 : vector<8xf32> to vector<1x8xf32>
    %lt3A = arith.constant 6 : i32
    %lt3A_23 = vector.broadcast %lt3A : i32 to vector<1x8xi32>
    %lt3A_24 = arith.cmpi slt, %iota3A, %lt3A_23 : vector<1x8xi32>
    %jit3A = arith.constant -1.000000e+30 : f32
    %broadcast_in_dim3A_25 = vector.broadcast %jit3A : f32 to vector<1x8xf32>
    %select_n3A = arith.select %lt3A_24, %broadcast_in_dim3A_22, %broadcast_in_dim3A_25 : vector<1x8xi1>, vector<1x8xf32>
    %reduce_max3A = vector.shape_cast %select_n3A : vector<1x8xf32> to vector<1x1x8xf32>
    %reduce_max3A_26 = arith.constant dense<0xFF800000> : vector<1xf32>
    %reduce_max3A_27 = vector.multi_reduction <maximumf>, %reduce_max3A, %reduce_max3A_26 [1, 2] : vector<1x1x8xf32> to vector<1xf32>
    %reduce_max3A_28 = vector.shape_cast %reduce_max3A_27 : vector<1xf32> to vector<1x1x1xf32>
    %reduce_max3A_29 = vector.extract %reduce_max3A_28[0, 0, 0] : f32 from vector<1x1x1xf32>
    %argmax3A = tpu.reduce_index %select_n3A {axis = 1 : i32, kind = #tpu.reduction_kind<arg_max>} : vector<1x8xf32> -> vector<1xi32>
    %squeeze3A = vector.extract %argmax3A[0] : i32 from vector<1xi32>
    %eq3A = vector.broadcast %squeeze3A : i32 to vector<1x8xi32>
    %eq3A_30 = arith.cmpi eq, %iota3A, %eq3A : vector<1x8xi32>
    %jit3A_31 = arith.constant -1.000000e+30 : f32
    %broadcast_in_dim3A_32 = vector.broadcast %jit3A_31 : f32 to vector<1x8xf32>
    %select_n3A_33 = arith.select %eq3A_30, %broadcast_in_dim3A_32, %select_n3A : vector<1x8xi1>, vector<1x8xf32>
    %reduce_max3A_34 = vector.shape_cast %select_n3A_33 : vector<1x8xf32> to vector<1x1x8xf32>
    %reduce_max3A_35 = arith.constant dense<0xFF800000> : vector<1xf32>
    %reduce_max3A_36 = vector.multi_reduction <maximumf>, %reduce_max3A_34, %reduce_max3A_35 [1, 2] : vector<1x1x8xf32> to vector<1xf32>
    %reduce_max3A_37 = vector.shape_cast %reduce_max3A_36 : vector<1xf32> to vector<1x1x1xf32>
    %reduce_max3A_38 = vector.extract %reduce_max3A_37[0, 0, 0] : f32 from vector<1x1x1xf32>
    %argmax3A_39 = tpu.reduce_index %select_n3A_33 {axis = 1 : i32, kind = #tpu.reduction_kind<arg_max>} : vector<1x8xf32> -> vector<1xi32>
    %squeeze3A_40 = vector.extract %argmax3A_39[0] : i32 from vector<1xi32>
    %sub3A = arith.subf %reduce_max3A_38, %reduce_max3A_29 : f32
    %exp3A = math.exp %sub3A : f32
    %add3A_41 = arith.constant 1.000000e+00 : f32
    %add3A_42 = arith.addf %add3A_41, %exp3A : f32
    %div3A_43 = arith.constant 1.000000e+00 : f32
    %div3A_44 = arith.divf %div3A_43, %add3A_42 : f32
    %add3A_45 = arith.constant 1.000000e+00 : f32
    %add3A_46 = arith.addf %add3A_45, %exp3A : f32
    %div3A_47 = arith.divf %exp3A, %add3A_46 : f32
    %eq3A_48 = vector.broadcast %squeeze3A : i32 to vector<1x8xi32>
    %eq3A_49 = arith.cmpi eq, %iota3A, %eq3A_48 : vector<1x8xi32>
    %eq3A_50 = vector.broadcast %squeeze3A_40 : i32 to vector<1x8xi32>
    %eq3A_51 = arith.cmpi eq, %iota3A, %eq3A_50 : vector<1x8xi32>
    %jit3A_52 = arith.constant 0.000000e+00 : f32
    %broadcast_in_dim3A_53 = vector.broadcast %div3A_47 : f32 to vector<1x8xf32>
    %broadcast_in_dim3A_54 = vector.broadcast %jit3A_52 : f32 to vector<1x8xf32>
    %select_n3A_55 = arith.select %eq3A_51, %broadcast_in_dim3A_53, %broadcast_in_dim3A_54 : vector<1x8xi1>, vector<1x8xf32>
    %broadcast_in_dim3A_56 = vector.broadcast %div3A_44 : f32 to vector<1x8xf32>
    %select_n3A_57 = arith.select %eq3A_49, %broadcast_in_dim3A_56, %select_n3A_55 : vector<1x8xi1>, vector<1x8xf32>
    %swap3A = arith.constant 0 : index
    %swap3A_58 = arith.constant 0 : index
    %swap3A_59 = vector.load %arg5[%swap3A, %swap3A_58] : memref<8x8xf32, #tpu.memory_space<vmem>>, vector<1x8xf32>
    tpu.vector_store %arg5[%swap3A, %swap3A_58], %select_n3A_57 {strides = array<i32>} : memref<8x8xf32, #tpu.memory_space<vmem>>, vector<1x8xf32>,
    %get3A_60 = arith.constant 16 : index
    %get3A_61 = arith.constant 0 : index
    %get3A_62 = vector.load %arg1[%get3A_60, %get3A_61] : memref<128x512xf32, #tpu.memory_space<vmem>>, vector<16x512xf32>
    %get3A_63 = arith.constant 0 : index
    %get3A_64 = arith.constant 0 : index
    %get3A_65 = vector.load %arg2[%get3A_63, %get3A_64] : memref<8x16xf32, #tpu.memory_space<vmem>>, vector<8x16xf32>
    %dot_general3A_66 = arith.constant dense<0.000000e+00> : vector<8x512xf32>
    %dot_general3A_67 = tpu.matmul %get3A_65, %get3A_62, %dot_general3A_66 {dimension_numbers = #tpu.dot_dimension_numbers<[1], [0], [0], [1], [0, 0, 1, 1], [], []>, transpose_lhs_hint = false} : vector<8x16xf32>, vector<16x512xf32>, vector<8x512xf32> -> vector<8x512xf32>
    %get3A_68 = arith.constant 0 : index
    %get3A_69 = arith.constant 0 : index
    %get3A_70 = vector.load %arg3[%get3A_68, %get3A_69] : memref<8x16xf32, #tpu.memory_space<vmem>>, vector<8x16xf32>
    %dot_general3A_71 = arith.constant dense<0.000000e+00> : vector<8x512xf32>
    %dot_general3A_72 = tpu.matmul %get3A_70, %get3A_62, %dot_general3A_71 {dimension_numbers = #tpu.dot_dimension_numbers<[1], [0], [0], [1], [0, 0, 1, 1], [], []>, transpose_lhs_hint = false} : vector<8x16xf32>, vector<16x512xf32>, vector<8x512xf32> -> vector<8x512xf32>
    %mul3A_73 = arith.mulf %dot_general3A_67, %dot_general3A_67 : vector<8x512xf32>
    %mul3A_74 = arith.mulf %dot_general3A_72, %dot_general3A_72 : vector<8x512xf32>
    %add3A_75 = arith.addf %mul3A_73, %mul3A_74 : vector<8x512xf32>
    %sqrt3A_76 = math.sqrt %add3A_75 : vector<8x512xf32>
    %reduce_sum3A_77 = arith.constant dense<0.000000e+00> : vector<8xf32>
    %reduce_sum3A_78 = vector.multi_reduction <add>, %sqrt3A_76, %reduce_sum3A_77 [1] : vector<8x512xf32> to vector<8xf32>
    %broadcast_in_dim3A_79 = vector.shape_cast %reduce_sum3A_78 : vector<8xf32> to vector<8x1xf32>
    %div3A_80 = arith.constant 5.120000e+02 : f32
    %div3A_81 = vector.broadcast %div3A_80 : f32 to vector<8x1xf32>
    %div3A_82 = arith.divf %broadcast_in_dim3A_79, %div3A_81 : vector<8x1xf32>
    %get3A_83 = arith.constant 0 : index
    %get3A_84 = arith.constant 0 : index
    %get3A_85 = vector.load %arg4[%get3A_83, %get3A_84] : memref<8x8xf32, #tpu.memory_space<vmem>>, vector<8x8xf32>
    %mul3A_86 = vector.broadcast %div3A_82 : vector<8x1xf32> to vector<8x8xf32>
    %mul3A_87 = arith.mulf %mul3A_86, %get3A_85 : vector<8x8xf32>
    %reduce_sum3A_88 = arith.constant dense<0.000000e+00> : vector<8xf32>
    %reduce_sum3A_89 = vector.multi_reduction <add>, %mul3A_87, %reduce_sum3A_88 [0] : vector<8x8xf32> to vector<8xf32>
    %broadcast_in_dim3A_90 = vector.shape_cast %reduce_sum3A_89 : vector<8xf32> to vector<1x8xf32>
    %lt3A_91 = arith.constant 6 : i32
    %lt3A_92 = vector.broadcast %lt3A_91 : i32 to vector<1x8xi32>
    %lt3A_93 = arith.cmpi slt, %iota3A, %lt3A_92 : vector<1x8xi32>
    %jit3A_94 = arith.constant -1.000000e+30 : f32
    %broadcast_in_dim3A_95 = vector.broadcast %jit3A_94 : f32 to vector<1x8xf32>
    %select_n3A_96 = arith.select %lt3A_93, %broadcast_in_dim3A_90, %broadcast_in_dim3A_95 : vector<1x8xi1>, vector<1x8xf32>
    %reduce_max3A_97 = vector.shape_cast %select_n3A_96 : vector<1x8xf32> to vector<1x1x8xf32>
    %reduce_max3A_98 = arith.constant dense<0xFF800000> : vector<1xf32>
    %reduce_max3A_99 = vector.multi_reduction <maximumf>, %reduce_max3A_97, %reduce_max3A_98 [1, 2] : vector<1x1x8xf32> to vector<1xf32>
    %reduce_max3A_100 = vector.shape_cast %reduce_max3A_99 : vector<1xf32> to vector<1x1x1xf32>
    %reduce_max3A_101 = vector.extract %reduce_max3A_100[0, 0, 0] : f32 from vector<1x1x1xf32>
    %argmax3A_102 = tpu.reduce_index %select_n3A_96 {axis = 1 : i32, kind = #tpu.reduction_kind<arg_max>} : vector<1x8xf32> -> vector<1xi32>
    %squeeze3A_103 = vector.extract %argmax3A_102[0] : i32 from vector<1xi32>
    %eq3A_104 = vector.broadcast %squeeze3A_103 : i32 to vector<1x8xi32>
    %eq3A_105 = arith.cmpi eq, %iota3A, %eq3A_104 : vector<1x8xi32>
    %jit3A_106 = arith.constant -1.000000e+30 : f32
    %broadcast_in_dim3A_107 = vector.broadcast %jit3A_106 : f32 to vector<1x8xf32>
    %select_n3A_108 = arith.select %eq3A_105, %broadcast_in_dim3A_107, %select_n3A_96 : vector<1x8xi1>, vector<1x8xf32>
    %reduce_max3A_109 = vector.shape_cast %select_n3A_108 : vector<1x8xf32> to vector<1x1x8xf32>
    %reduce_max3A_110 = arith.constant dense<0xFF800000> : vector<1xf32>
    %reduce_max3A_111 = vector.multi_reduction <maximumf>, %reduce_max3A_109, %reduce_max3A_110 [1, 2] : vector<1x1x8xf32> to vector<1xf32>
    %reduce_max3A_112 = vector.shape_cast %reduce_max3A_111 : vector<1xf32> to vector<1x1x1xf32>
    %reduce_max3A_113 = vector.extract %reduce_max3A_112[0, 0, 0] : f32 from vector<1x1x1xf32>
    %argmax3A_114 = tpu.reduce_index %select_n3A_108 {axis = 1 : i32, kind = #tpu.reduction_kind<arg_max>} : vector<1x8xf32> -> vector<1xi32>
    %squeeze3A_115 = vector.extract %argmax3A_114[0] : i32 from vector<1xi32>
    %sub3A_116 = arith.subf %reduce_max3A_113, %reduce_max3A_101 : f32
    %exp3A_117 = math.exp %sub3A_116 : f32
    %add3A_118 = arith.constant 1.000000e+00 : f32
    %add3A_119 = arith.addf %add3A_118, %exp3A_117 : f32
    %div3A_120 = arith.constant 1.000000e+00 : f32
    %div3A_121 = arith.divf %div3A_120, %add3A_119 : f32
    %add3A_122 = arith.constant 1.000000e+00 : f32
    %add3A_123 = arith.addf %add3A_122, %exp3A_117 : f32
    %div3A_124 = arith.divf %exp3A_117, %add3A_123 : f32
    %eq3A_125 = vector.broadcast %squeeze3A_103 : i32 to vector<1x8xi32>
    %eq3A_126 = arith.cmpi eq, %iota3A, %eq3A_125 : vector<1x8xi32>
    %eq3A_127 = vector.broadcast %squeeze3A_115 : i32 to vector<1x8xi32>
    %eq3A_128 = arith.cmpi eq, %iota3A, %eq3A_127 : vector<1x8xi32>
    %jit3A_129 = arith.constant 0.000000e+00 : f32
    %broadcast_in_dim3A_130 = vector.broadcast %div3A_124 : f32 to vector<1x8xf32>
    %broadcast_in_dim3A_131 = vector.broadcast %jit3A_129 : f32 to vector<1x8xf32>
    %select_n3A_132 = arith.select %eq3A_128, %broadcast_in_dim3A_130, %broadcast_in_dim3A_131 : vector<1x8xi1>, vector<1x8xf32>
    %broadcast_in_dim3A_133 = vector.broadcast %div3A_121 : f32 to vector<1x8xf32>
    %select_n3A_134 = arith.select %eq3A_126, %broadcast_in_dim3A_133, %select_n3A_132 : vector<1x8xi1>, vector<1x8xf32>
    %swap3A_135 = arith.constant 1 : index
    %swap3A_136 = arith.constant 0 : index
    %swap3A_137 = vector.load %arg5[%swap3A_135, %swap3A_136] : memref<8x8xf32, #tpu.memory_space<vmem>>, vector<1x8xf32>
    tpu.vector_store %arg5[%swap3A_135, %swap3A_136], %select_n3A_134 {strides = array<i32>} : memref<8x8xf32, #tpu.memory_space<vmem>>, vector<1x8xf32>,
    %get3A_138 = arith.constant 32 : index
    %get3A_139 = arith.constant 0 : index
    %get3A_140 = vector.load %arg1[%get3A_138, %get3A_139] : memref<128x512xf32, #tpu.memory_space<vmem>>, vector<16x512xf32>
    %get3A_141 = arith.constant 0 : index
    %get3A_142 = arith.constant 0 : index
    %get3A_143 = vector.load %arg2[%get3A_141, %get3A_142] : memref<8x16xf32, #tpu.memory_space<vmem>>, vector<8x16xf32>
    %dot_general3A_144 = arith.constant dense<0.000000e+00> : vector<8x512xf32>
    %dot_general3A_145 = tpu.matmul %get3A_143, %get3A_140, %dot_general3A_144 {dimension_numbers = #tpu.dot_dimension_numbers<[1], [0], [0], [1], [0, 0, 1, 1], [], []>, transpose_lhs_hint = false} : vector<8x16xf32>, vector<16x512xf32>, vector<8x512xf32> -> vector<8x512xf32>
    %get3A_146 = arith.constant 0 : index
    %get3A_147 = arith.constant 0 : index
    %get3A_148 = vector.load %arg3[%get3A_146, %get3A_147] : memref<8x16xf32, #tpu.memory_space<vmem>>, vector<8x16xf32>
    %dot_general3A_149 = arith.constant dense<0.000000e+00> : vector<8x512xf32>
    %dot_general3A_150 = tpu.matmul %get3A_148, %get3A_140, %dot_general3A_149 {dimension_numbers = #tpu.dot_dimension_numbers<[1], [0], [0], [1], [0, 0, 1, 1], [], []>, transpose_lhs_hint = false} : vector<8x16xf32>, vector<16x512xf32>, vector<8x512xf32> -> vector<8x512xf32>
    %mul3A_151 = arith.mulf %dot_general3A_145, %dot_general3A_145 : vector<8x512xf32>
    %mul3A_152 = arith.mulf %dot_general3A_150, %dot_general3A_150 : vector<8x512xf32>
    %add3A_153 = arith.addf %mul3A_151, %mul3A_152 : vector<8x512xf32>
    %sqrt3A_154 = math.sqrt %add3A_153 : vector<8x512xf32>
    %reduce_sum3A_155 = arith.constant dense<0.000000e+00> : vector<8xf32>
    %reduce_sum3A_156 = vector.multi_reduction <add>, %sqrt3A_154, %reduce_sum3A_155 [1] : vector<8x512xf32> to vector<8xf32>
    %broadcast_in_dim3A_157 = vector.shape_cast %reduce_sum3A_156 : vector<8xf32> to vector<8x1xf32>
    %div3A_158 = arith.constant 5.120000e+02 : f32
    %div3A_159 = vector.broadcast %div3A_158 : f32 to vector<8x1xf32>
    %div3A_160 = arith.divf %broadcast_in_dim3A_157, %div3A_159 : vector<8x1xf32>
    %get3A_161 = arith.constant 0 : index
    %get3A_162 = arith.constant 0 : index
    %get3A_163 = vector.load %arg4[%get3A_161, %get3A_162] : memref<8x8xf32, #tpu.memory_space<vmem>>, vector<8x8xf32>
    %mul3A_164 = vector.broadcast %div3A_160 : vector<8x1xf32> to vector<8x8xf32>
    %mul3A_165 = arith.mulf %mul3A_164, %get3A_163 : vector<8x8xf32>
    %reduce_sum3A_166 = arith.constant dense<0.000000e+00> : vector<8xf32>
    %reduce_sum3A_167 = vector.multi_reduction <add>, %mul3A_165, %reduce_sum3A_166 [0] : vector<8x8xf32> to vector<8xf32>
    %broadcast_in_dim3A_168 = vector.shape_cast %reduce_sum3A_167 : vector<8xf32> to vector<1x8xf32>
    %lt3A_169 = arith.constant 6 : i32
    %lt3A_170 = vector.broadcast %lt3A_169 : i32 to vector<1x8xi32>
    %lt3A_171 = arith.cmpi slt, %iota3A, %lt3A_170 : vector<1x8xi32>
    %jit3A_172 = arith.constant -1.000000e+30 : f32
    %broadcast_in_dim3A_173 = vector.broadcast %jit3A_172 : f32 to vector<1x8xf32>
    %select_n3A_174 = arith.select %lt3A_171, %broadcast_in_dim3A_168, %broadcast_in_dim3A_173 : vector<1x8xi1>, vector<1x8xf32>
    %reduce_max3A_175 = vector.shape_cast %select_n3A_174 : vector<1x8xf32> to vector<1x1x8xf32>
    %reduce_max3A_176 = arith.constant dense<0xFF800000> : vector<1xf32>
    %reduce_max3A_177 = vector.multi_reduction <maximumf>, %reduce_max3A_175, %reduce_max3A_176 [1, 2] : vector<1x1x8xf32> to vector<1xf32>
    %reduce_max3A_178 = vector.shape_cast %reduce_max3A_177 : vector<1xf32> to vector<1x1x1xf32>
    %reduce_max3A_179 = vector.extract %reduce_max3A_178[0, 0, 0] : f32 from vector<1x1x1xf32>
    %argmax3A_180 = tpu.reduce_index %select_n3A_174 {axis = 1 : i32, kind = #tpu.reduction_kind<arg_max>} : vector<1x8xf32> -> vector<1xi32>
    %squeeze3A_181 = vector.extract %argmax3A_180[0] : i32 from vector<1xi32>
    %eq3A_182 = vector.broadcast %squeeze3A_181 : i32 to vector<1x8xi32>
    %eq3A_183 = arith.cmpi eq, %iota3A, %eq3A_182 : vector<1x8xi32>
    %jit3A_184 = arith.constant -1.000000e+30 : f32
    %broadcast_in_dim3A_185 = vector.broadcast %jit3A_184 : f32 to vector<1x8xf32>
    %select_n3A_186 = arith.select %eq3A_183, %broadcast_in_dim3A_185, %select_n3A_174 : vector<1x8xi1>, vector<1x8xf32>
    %reduce_max3A_187 = vector.shape_cast %select_n3A_186 : vector<1x8xf32> to vector<1x1x8xf32>
    %reduce_max3A_188 = arith.constant dense<0xFF800000> : vector<1xf32>
    %reduce_max3A_189 = vector.multi_reduction <maximumf>, %reduce_max3A_187, %reduce_max3A_188 [1, 2] : vector<1x1x8xf32> to vector<1xf32>
    %reduce_max3A_190 = vector.shape_cast %reduce_max3A_189 : vector<1xf32> to vector<1x1x1xf32>
    %reduce_max3A_191 = vector.extract %reduce_max3A_190[0, 0, 0] : f32 from vector<1x1x1xf32>
    %argmax3A_192 = tpu.reduce_index %select_n3A_186 {axis = 1 : i32, kind = #tpu.reduction_kind<arg_max>} : vector<1x8xf32> -> vector<1xi32>
    %squeeze3A_193 = vector.extract %argmax3A_192[0] : i32 from vector<1xi32>
    %sub3A_194 = arith.subf %reduce_max3A_191, %reduce_max3A_179 : f32
    %exp3A_195 = math.exp %sub3A_194 : f32
    %add3A_196 = arith.constant 1.000000e+00 : f32
    %add3A_197 = arith.addf %add3A_196, %exp3A_195 : f32
    %div3A_198 = arith.constant 1.000000e+00 : f32
    %div3A_199 = arith.divf %div3A_198, %add3A_197 : f32
    %add3A_200 = arith.constant 1.000000e+00 : f32
    %add3A_201 = arith.addf %add3A_200, %exp3A_195 : f32
    %div3A_202 = arith.divf %exp3A_195, %add3A_201 : f32
    %eq3A_203 = vector.broadcast %squeeze3A_181 : i32 to vector<1x8xi32>
    %eq3A_204 = arith.cmpi eq, %iota3A, %eq3A_203 : vector<1x8xi32>
    %eq3A_205 = vector.broadcast %squeeze3A_193 : i32 to vector<1x8xi32>
    %eq3A_206 = arith.cmpi eq, %iota3A, %eq3A_205 : vector<1x8xi32>
    %jit3A_207 = arith.constant 0.000000e+00 : f32
    %broadcast_in_dim3A_208 = vector.broadcast %div3A_202 : f32 to vector<1x8xf32>
    %broadcast_in_dim3A_209 = vector.broadcast %jit3A_207 : f32 to vector<1x8xf32>
    %select_n3A_210 = arith.select %eq3A_206, %broadcast_in_dim3A_208, %broadcast_in_dim3A_209 : vector<1x8xi1>, vector<1x8xf32>
    %broadcast_in_dim3A_211 = vector.broadcast %div3A_199 : f32 to vector<1x8xf32>
    %select_n3A_212 = arith.select %eq3A_204, %broadcast_in_dim3A_211, %select_n3A_210 : vector<1x8xi1>, vector<1x8xf32>
    %swap3A_213 = arith.constant 2 : index
    %swap3A_214 = arith.constant 0 : index
    %swap3A_215 = vector.load %arg5[%swap3A_213, %swap3A_214] : memref<8x8xf32, #tpu.memory_space<vmem>>, vector<1x8xf32>
    tpu.vector_store %arg5[%swap3A_213, %swap3A_214], %select_n3A_212 {strides = array<i32>} : memref<8x8xf32, #tpu.memory_space<vmem>>, vector<1x8xf32>,
    %get3A_216 = arith.constant 48 : index
    %get3A_217 = arith.constant 0 : index
    %get3A_218 = vector.load %arg1[%get3A_216, %get3A_217] : memref<128x512xf32, #tpu.memory_space<vmem>>, vector<16x512xf32>
    %get3A_219 = arith.constant 0 : index
    %get3A_220 = arith.constant 0 : index
    %get3A_221 = vector.load %arg2[%get3A_219, %get3A_220] : memref<8x16xf32, #tpu.memory_space<vmem>>, vector<8x16xf32>
    %dot_general3A_222 = arith.constant dense<0.000000e+00> : vector<8x512xf32>
    %dot_general3A_223 = tpu.matmul %get3A_221, %get3A_218, %dot_general3A_222 {dimension_numbers = #tpu.dot_dimension_numbers<[1], [0], [0], [1], [0, 0, 1, 1], [], []>, transpose_lhs_hint = false} : vector<8x16xf32>, vector<16x512xf32>, vector<8x512xf32> -> vector<8x512xf32>
    %get3A_224 = arith.constant 0 : index
    %get3A_225 = arith.constant 0 : index
    %get3A_226 = vector.load %arg3[%get3A_224, %get3A_225] : memref<8x16xf32, #tpu.memory_space<vmem>>, vector<8x16xf32>
    %dot_general3A_227 = arith.constant dense<0.000000e+00> : vector<8x512xf32>
    %dot_general3A_228 = tpu.matmul %get3A_226, %get3A_218, %dot_general3A_227 {dimension_numbers = #tpu.dot_dimension_numbers<[1], [0], [0], [1], [0, 0, 1, 1], [], []>, transpose_lhs_hint = false} : vector<8x16xf32>, vector<16x512xf32>, vector<8x512xf32> -> vector<8x512xf32>
    %mul3A_229 = arith.mulf %dot_general3A_223, %dot_general3A_223 : vector<8x512xf32>
    %mul3A_230 = arith.mulf %dot_general3A_228, %dot_general3A_228 : vector<8x512xf32>
    %add3A_231 = arith.addf %mul3A_229, %mul3A_230 : vector<8x512xf32>
    %sqrt3A_232 = math.sqrt %add3A_231 : vector<8x512xf32>
    %reduce_sum3A_233 = arith.constant dense<0.000000e+00> : vector<8xf32>
    %reduce_sum3A_234 = vector.multi_reduction <add>, %sqrt3A_232, %reduce_sum3A_233 [1] : vector<8x512xf32> to vector<8xf32>
    %broadcast_in_dim3A_235 = vector.shape_cast %reduce_sum3A_234 : vector<8xf32> to vector<8x1xf32>
    %div3A_236 = arith.constant 5.120000e+02 : f32
    %div3A_237 = vector.broadcast %div3A_236 : f32 to vector<8x1xf32>
    %div3A_238 = arith.divf %broadcast_in_dim3A_235, %div3A_237 : vector<8x1xf32>
    %get3A_239 = arith.constant 0 : index
    %get3A_240 = arith.constant 0 : index
    %get3A_241 = vector.load %arg4[%get3A_239, %get3A_240] : memref<8x8xf32, #tpu.memory_space<vmem>>, vector<8x8xf32>
    %mul3A_242 = vector.broadcast %div3A_238 : vector<8x1xf32> to vector<8x8xf32>
    %mul3A_243 = arith.mulf %mul3A_242, %get3A_241 : vector<8x8xf32>
    %reduce_sum3A_244 = arith.constant dense<0.000000e+00> : vector<8xf32>
    %reduce_sum3A_245 = vector.multi_reduction <add>, %mul3A_243, %reduce_sum3A_244 [0] : vector<8x8xf32> to vector<8xf32>
    %broadcast_in_dim3A_246 = vector.shape_cast %reduce_sum3A_245 : vector<8xf32> to vector<1x8xf32>
    %lt3A_247 = arith.constant 6 : i32
    %lt3A_248 = vector.broadcast %lt3A_247 : i32 to vector<1x8xi32>
    %lt3A_249 = arith.cmpi slt, %iota3A, %lt3A_248 : vector<1x8xi32>
    %jit3A_250 = arith.constant -1.000000e+30 : f32
    %broadcast_in_dim3A_251 = vector.broadcast %jit3A_250 : f32 to vector<1x8xf32>
    %select_n3A_252 = arith.select %lt3A_249, %broadcast_in_dim3A_246, %broadcast_in_dim3A_251 : vector<1x8xi1>, vector<1x8xf32>
    %reduce_max3A_253 = vector.shape_cast %select_n3A_252 : vector<1x8xf32> to vector<1x1x8xf32>
    %reduce_max3A_254 = arith.constant dense<0xFF800000> : vector<1xf32>
    %reduce_max3A_255 = vector.multi_reduction <maximumf>, %reduce_max3A_253, %reduce_max3A_254 [1, 2] : vector<1x1x8xf32> to vector<1xf32>
    %reduce_max3A_256 = vector.shape_cast %reduce_max3A_255 : vector<1xf32> to vector<1x1x1xf32>
    %reduce_max3A_257 = vector.extract %reduce_max3A_256[0, 0, 0] : f32 from vector<1x1x1xf32>
    %argmax3A_258 = tpu.reduce_index %select_n3A_252 {axis = 1 : i32, kind = #tpu.reduction_kind<arg_max>} : vector<1x8xf32> -> vector<1xi32>
    %squeeze3A_259 = vector.extract %argmax3A_258[0] : i32 from vector<1xi32>
    %eq3A_260 = vector.broadcast %squeeze3A_259 : i32 to vector<1x8xi32>
    %eq3A_261 = arith.cmpi eq, %iota3A, %eq3A_260 : vector<1x8xi32>
    %jit3A_262 = arith.constant -1.000000e+30 : f32
    %broadcast_in_dim3A_263 = vector.broadcast %jit3A_262 : f32 to vector<1x8xf32>
    %select_n3A_264 = arith.select %eq3A_261, %broadcast_in_dim3A_263, %select_n3A_252 : vector<1x8xi1>, vector<1x8xf32>
    %reduce_max3A_265 = vector.shape_cast %select_n3A_264 : vector<1x8xf32> to vector<1x1x8xf32>
    %reduce_max3A_266 = arith.constant dense<0xFF800000> : vector<1xf32>
    %reduce_max3A_267 = vector.multi_reduction <maximumf>, %reduce_max3A_265, %reduce_max3A_266 [1, 2] : vector<1x1x8xf32> to vector<1xf32>
    %reduce_max3A_268 = vector.shape_cast %reduce_max3A_267 : vector<1xf32> to vector<1x1x1xf32>
    %reduce_max3A_269 = vector.extract %reduce_max3A_268[0, 0, 0] : f32 from vector<1x1x1xf32>
    %argmax3A_270 = tpu.reduce_index %select_n3A_264 {axis = 1 : i32, kind = #tpu.reduction_kind<arg_max>} : vector<1x8xf32> -> vector<1xi32>
    %squeeze3A_271 = vector.extract %argmax3A_270[0] : i32 from vector<1xi32>
    %sub3A_272 = arith.subf %reduce_max3A_269, %reduce_max3A_257 : f32
    %exp3A_273 = math.exp %sub3A_272 : f32
    %add3A_274 = arith.constant 1.000000e+00 : f32
    %add3A_275 = arith.addf %add3A_274, %exp3A_273 : f32
    %div3A_276 = arith.constant 1.000000e+00 : f32
    %div3A_277 = arith.divf %div3A_276, %add3A_275 : f32
    %add3A_278 = arith.constant 1.000000e+00 : f32
    %add3A_279 = arith.addf %add3A_278, %exp3A_273 : f32
    %div3A_280 = arith.divf %exp3A_273, %add3A_279 : f32
    %eq3A_281 = vector.broadcast %squeeze3A_259 : i32 to vector<1x8xi32>
    %eq3A_282 = arith.cmpi eq, %iota3A, %eq3A_281 : vector<1x8xi32>
    %eq3A_283 = vector.broadcast %squeeze3A_271 : i32 to vector<1x8xi32>
    %eq3A_284 = arith.cmpi eq, %iota3A, %eq3A_283 : vector<1x8xi32>
    %jit3A_285 = arith.constant 0.000000e+00 : f32
    %broadcast_in_dim3A_286 = vector.broadcast %div3A_280 : f32 to vector<1x8xf32>
    %broadcast_in_dim3A_287 = vector.broadcast %jit3A_285 : f32 to vector<1x8xf32>
    %select_n3A_288 = arith.select %eq3A_284, %broadcast_in_dim3A_286, %broadcast_in_dim3A_287 : vector<1x8xi1>, vector<1x8xf32>
    %broadcast_in_dim3A_289 = vector.broadcast %div3A_277 : f32 to vector<1x8xf32>
    %select_n3A_290 = arith.select %eq3A_282, %broadcast_in_dim3A_289, %select_n3A_288 : vector<1x8xi1>, vector<1x8xf32>
    %swap3A_291 = arith.constant 3 : index
    %swap3A_292 = arith.constant 0 : index
    %swap3A_293 = vector.load %arg5[%swap3A_291, %swap3A_292] : memref<8x8xf32, #tpu.memory_space<vmem>>, vector<1x8xf32>
    tpu.vector_store %arg5[%swap3A_291, %swap3A_292], %select_n3A_290 {strides = array<i32>} : memref<8x8xf32, #tpu.memory_space<vmem>>, vector<1x8xf32>,
    %get3A_294 = arith.constant 64 : index
    %get3A_295 = arith.constant 0 : index
    %get3A_296 = vector.load %arg1[%get3A_294, %get3A_295] : memref<128x512xf32, #tpu.memory_space<vmem>>, vector<16x512xf32>
    %get3A_297 = arith.constant 0 : index
    %get3A_298 = arith.constant 0 : index
    %get3A_299 = vector.load %arg2[%get3A_297, %get3A_298] : memref<8x16xf32, #tpu.memory_space<vmem>>, vector<8x16xf32>
    %dot_general3A_300 = arith.constant dense<0.000000e+00> : vector<8x512xf32>
    %dot_general3A_301 = tpu.matmul %get3A_299, %get3A_296, %dot_general3A_300 {dimension_numbers = #tpu.dot_dimension_numbers<[1], [0], [0], [1], [0, 0, 1, 1], [], []>, transpose_lhs_hint = false} : vector<8x16xf32>, vector<16x512xf32>, vector<8x512xf32> -> vector<8x512xf32>
    %get3A_302 = arith.constant 0 : index
    %get3A_303 = arith.constant 0 : index
    %get3A_304 = vector.load %arg3[%get3A_302, %get3A_303] : memref<8x16xf32, #tpu.memory_space<vmem>>, vector<8x16xf32>
    %dot_general3A_305 = arith.constant dense<0.000000e+00> : vector<8x512xf32>
    %dot_general3A_306 = tpu.matmul %get3A_304, %get3A_296, %dot_general3A_305 {dimension_numbers = #tpu.dot_dimension_numbers<[1], [0], [0], [1], [0, 0, 1, 1], [], []>, transpose_lhs_hint = false} : vector<8x16xf32>, vector<16x512xf32>, vector<8x512xf32> -> vector<8x512xf32>
    %mul3A_307 = arith.mulf %dot_general3A_301, %dot_general3A_301 : vector<8x512xf32>
    %mul3A_308 = arith.mulf %dot_general3A_306, %dot_general3A_306 : vector<8x512xf32>
    %add3A_309 = arith.addf %mul3A_307, %mul3A_308 : vector<8x512xf32>
    %sqrt3A_310 = math.sqrt %add3A_309 : vector<8x512xf32>
    %reduce_sum3A_311 = arith.constant dense<0.000000e+00> : vector<8xf32>
    %reduce_sum3A_312 = vector.multi_reduction <add>, %sqrt3A_310, %reduce_sum3A_311 [1] : vector<8x512xf32> to vector<8xf32>
    %broadcast_in_dim3A_313 = vector.shape_cast %reduce_sum3A_312 : vector<8xf32> to vector<8x1xf32>
    %div3A_314 = arith.constant 5.120000e+02 : f32
    %div3A_315 = vector.broadcast %div3A_314 : f32 to vector<8x1xf32>
    %div3A_316 = arith.divf %broadcast_in_dim3A_313, %div3A_315 : vector<8x1xf32>
    %get3A_317 = arith.constant 0 : index
    %get3A_318 = arith.constant 0 : index
    %get3A_319 = vector.load %arg4[%get3A_317, %get3A_318] : memref<8x8xf32, #tpu.memory_space<vmem>>, vector<8x8xf32>
    %mul3A_320 = vector.broadcast %div3A_316 : vector<8x1xf32> to vector<8x8xf32>
    %mul3A_321 = arith.mulf %mul3A_320, %get3A_319 : vector<8x8xf32>
    %reduce_sum3A_322 = arith.constant dense<0.000000e+00> : vector<8xf32>
    %reduce_sum3A_323 = vector.multi_reduction <add>, %mul3A_321, %reduce_sum3A_322 [0] : vector<8x8xf32> to vector<8xf32>
    %broadcast_in_dim3A_324 = vector.shape_cast %reduce_sum3A_323 : vector<8xf32> to vector<1x8xf32>
    %lt3A_325 = arith.constant 6 : i32
    %lt3A_326 = vector.broadcast %lt3A_325 : i32 to vector<1x8xi32>
    %lt3A_327 = arith.cmpi slt, %iota3A, %lt3A_326 : vector<1x8xi32>
    %jit3A_328 = arith.constant -1.000000e+30 : f32
    %broadcast_in_dim3A_329 = vector.broadcast %jit3A_328 : f32 to vector<1x8xf32>
    %select_n3A_330 = arith.select %lt3A_327, %broadcast_in_dim3A_324, %broadcast_in_dim3A_329 : vector<1x8xi1>, vector<1x8xf32>
    %reduce_max3A_331 = vector.shape_cast %select_n3A_330 : vector<1x8xf32> to vector<1x1x8xf32>
    %reduce_max3A_332 = arith.constant dense<0xFF800000> : vector<1xf32>
    %reduce_max3A_333 = vector.multi_reduction <maximumf>, %reduce_max3A_331, %reduce_max3A_332 [1, 2] : vector<1x1x8xf32> to vector<1xf32>
    %reduce_max3A_334 = vector.shape_cast %reduce_max3A_333 : vector<1xf32> to vector<1x1x1xf32>
    %reduce_max3A_335 = vector.extract %reduce_max3A_334[0, 0, 0] : f32 from vector<1x1x1xf32>
    %argmax3A_336 = tpu.reduce_index %select_n3A_330 {axis = 1 : i32, kind = #tpu.reduction_kind<arg_max>} : vector<1x8xf32> -> vector<1xi32>
    %squeeze3A_337 = vector.extract %argmax3A_336[0] : i32 from vector<1xi32>
    %eq3A_338 = vector.broadcast %squeeze3A_337 : i32 to vector<1x8xi32>
    %eq3A_339 = arith.cmpi eq, %iota3A, %eq3A_338 : vector<1x8xi32>
    %jit3A_340 = arith.constant -1.000000e+30 : f32
    %broadcast_in_dim3A_341 = vector.broadcast %jit3A_340 : f32 to vector<1x8xf32>
    %select_n3A_342 = arith.select %eq3A_339, %broadcast_in_dim3A_341, %select_n3A_330 : vector<1x8xi1>, vector<1x8xf32>
    %reduce_max3A_343 = vector.shape_cast %select_n3A_342 : vector<1x8xf32> to vector<1x1x8xf32>
    %reduce_max3A_344 = arith.constant dense<0xFF800000> : vector<1xf32>
    %reduce_max3A_345 = vector.multi_reduction <maximumf>, %reduce_max3A_343, %reduce_max3A_344 [1, 2] : vector<1x1x8xf32> to vector<1xf32>
    %reduce_max3A_346 = vector.shape_cast %reduce_max3A_345 : vector<1xf32> to vector<1x1x1xf32>
    %reduce_max3A_347 = vector.extract %reduce_max3A_346[0, 0, 0] : f32 from vector<1x1x1xf32>
    %argmax3A_348 = tpu.reduce_index %select_n3A_342 {axis = 1 : i32, kind = #tpu.reduction_kind<arg_max>} : vector<1x8xf32> -> vector<1xi32>
    %squeeze3A_349 = vector.extract %argmax3A_348[0] : i32 from vector<1xi32>
    %sub3A_350 = arith.subf %reduce_max3A_347, %reduce_max3A_335 : f32
    %exp3A_351 = math.exp %sub3A_350 : f32
    %add3A_352 = arith.constant 1.000000e+00 : f32
    %add3A_353 = arith.addf %add3A_352, %exp3A_351 : f32
    %div3A_354 = arith.constant 1.000000e+00 : f32
    %div3A_355 = arith.divf %div3A_354, %add3A_353 : f32
    %add3A_356 = arith.constant 1.000000e+00 : f32
    %add3A_357 = arith.addf %add3A_356, %exp3A_351 : f32
    %div3A_358 = arith.divf %exp3A_351, %add3A_357 : f32
    %eq3A_359 = vector.broadcast %squeeze3A_337 : i32 to vector<1x8xi32>
    %eq3A_360 = arith.cmpi eq, %iota3A, %eq3A_359 : vector<1x8xi32>
    %eq3A_361 = vector.broadcast %squeeze3A_349 : i32 to vector<1x8xi32>
    %eq3A_362 = arith.cmpi eq, %iota3A, %eq3A_361 : vector<1x8xi32>
    %jit3A_363 = arith.constant 0.000000e+00 : f32
    %broadcast_in_dim3A_364 = vector.broadcast %div3A_358 : f32 to vector<1x8xf32>
    %broadcast_in_dim3A_365 = vector.broadcast %jit3A_363 : f32 to vector<1x8xf32>
    %select_n3A_366 = arith.select %eq3A_362, %broadcast_in_dim3A_364, %broadcast_in_dim3A_365 : vector<1x8xi1>, vector<1x8xf32>
    %broadcast_in_dim3A_367 = vector.broadcast %div3A_355 : f32 to vector<1x8xf32>
    %select_n3A_368 = arith.select %eq3A_360, %broadcast_in_dim3A_367, %select_n3A_366 : vector<1x8xi1>, vector<1x8xf32>
    %swap3A_369 = arith.constant 4 : index
    %swap3A_370 = arith.constant 0 : index
    %swap3A_371 = vector.load %arg5[%swap3A_369, %swap3A_370] : memref<8x8xf32, #tpu.memory_space<vmem>>, vector<1x8xf32>
    tpu.vector_store %arg5[%swap3A_369, %swap3A_370], %select_n3A_368 {strides = array<i32>} : memref<8x8xf32, #tpu.memory_space<vmem>>, vector<1x8xf32>,
    %get3A_372 = arith.constant 80 : index
    %get3A_373 = arith.constant 0 : index
    %get3A_374 = vector.load %arg1[%get3A_372, %get3A_373] : memref<128x512xf32, #tpu.memory_space<vmem>>, vector<16x512xf32>
    %get3A_375 = arith.constant 0 : index
    %get3A_376 = arith.constant 0 : index
    %get3A_377 = vector.load %arg2[%get3A_375, %get3A_376] : memref<8x16xf32, #tpu.memory_space<vmem>>, vector<8x16xf32>
    %dot_general3A_378 = arith.constant dense<0.000000e+00> : vector<8x512xf32>
    %dot_general3A_379 = tpu.matmul %get3A_377, %get3A_374, %dot_general3A_378 {dimension_numbers = #tpu.dot_dimension_numbers<[1], [0], [0], [1], [0, 0, 1, 1], [], []>, transpose_lhs_hint = false} : vector<8x16xf32>, vector<16x512xf32>, vector<8x512xf32> -> vector<8x512xf32>
    %get3A_380 = arith.constant 0 : index
    %get3A_381 = arith.constant 0 : index
    %get3A_382 = vector.load %arg3[%get3A_380, %get3A_381] : memref<8x16xf32, #tpu.memory_space<vmem>>, vector<8x16xf32>
    %dot_general3A_383 = arith.constant dense<0.000000e+00> : vector<8x512xf32>
    %dot_general3A_384 = tpu.matmul %get3A_382, %get3A_374, %dot_general3A_383 {dimension_numbers = #tpu.dot_dimension_numbers<[1], [0], [0], [1], [0, 0, 1, 1], [], []>, transpose_lhs_hint = false} : vector<8x16xf32>, vector<16x512xf32>, vector<8x512xf32> -> vector<8x512xf32>
    %mul3A_385 = arith.mulf %dot_general3A_379, %dot_general3A_379 : vector<8x512xf32>
    %mul3A_386 = arith.mulf %dot_general3A_384, %dot_general3A_384 : vector<8x512xf32>
    %add3A_387 = arith.addf %mul3A_385, %mul3A_386 : vector<8x512xf32>
    %sqrt3A_388 = math.sqrt %add3A_387 : vector<8x512xf32>
    %reduce_sum3A_389 = arith.constant dense<0.000000e+00> : vector<8xf32>
    %reduce_sum3A_390 = vector.multi_reduction <add>, %sqrt3A_388, %reduce_sum3A_389 [1] : vector<8x512xf32> to vector<8xf32>
    %broadcast_in_dim3A_391 = vector.shape_cast %reduce_sum3A_390 : vector<8xf32> to vector<8x1xf32>
    %div3A_392 = arith.constant 5.120000e+02 : f32
    %div3A_393 = vector.broadcast %div3A_392 : f32 to vector<8x1xf32>
    %div3A_394 = arith.divf %broadcast_in_dim3A_391, %div3A_393 : vector<8x1xf32>
    %get3A_395 = arith.constant 0 : index
    %get3A_396 = arith.constant 0 : index
    %get3A_397 = vector.load %arg4[%get3A_395, %get3A_396] : memref<8x8xf32, #tpu.memory_space<vmem>>, vector<8x8xf32>
    %mul3A_398 = vector.broadcast %div3A_394 : vector<8x1xf32> to vector<8x8xf32>
    %mul3A_399 = arith.mulf %mul3A_398, %get3A_397 : vector<8x8xf32>
    %reduce_sum3A_400 = arith.constant dense<0.000000e+00> : vector<8xf32>
    %reduce_sum3A_401 = vector.multi_reduction <add>, %mul3A_399, %reduce_sum3A_400 [0] : vector<8x8xf32> to vector<8xf32>
    %broadcast_in_dim3A_402 = vector.shape_cast %reduce_sum3A_401 : vector<8xf32> to vector<1x8xf32>
    %lt3A_403 = arith.constant 6 : i32
    %lt3A_404 = vector.broadcast %lt3A_403 : i32 to vector<1x8xi32>
    %lt3A_405 = arith.cmpi slt, %iota3A, %lt3A_404 : vector<1x8xi32>
    %jit3A_406 = arith.constant -1.000000e+30 : f32
    %broadcast_in_dim3A_407 = vector.broadcast %jit3A_406 : f32 to vector<1x8xf32>
    %select_n3A_408 = arith.select %lt3A_405, %broadcast_in_dim3A_402, %broadcast_in_dim3A_407 : vector<1x8xi1>, vector<1x8xf32>
    %reduce_max3A_409 = vector.shape_cast %select_n3A_408 : vector<1x8xf32> to vector<1x1x8xf32>
    %reduce_max3A_410 = arith.constant dense<0xFF800000> : vector<1xf32>
    %reduce_max3A_411 = vector.multi_reduction <maximumf>, %reduce_max3A_409, %reduce_max3A_410 [1, 2] : vector<1x1x8xf32> to vector<1xf32>
    %reduce_max3A_412 = vector.shape_cast %reduce_max3A_411 : vector<1xf32> to vector<1x1x1xf32>
    %reduce_max3A_413 = vector.extract %reduce_max3A_412[0, 0, 0] : f32 from vector<1x1x1xf32>
    %argmax3A_414 = tpu.reduce_index %select_n3A_408 {axis = 1 : i32, kind = #tpu.reduction_kind<arg_max>} : vector<1x8xf32> -> vector<1xi32>
    %squeeze3A_415 = vector.extract %argmax3A_414[0] : i32 from vector<1xi32>
    %eq3A_416 = vector.broadcast %squeeze3A_415 : i32 to vector<1x8xi32>
    %eq3A_417 = arith.cmpi eq, %iota3A, %eq3A_416 : vector<1x8xi32>
    %jit3A_418 = arith.constant -1.000000e+30 : f32
    %broadcast_in_dim3A_419 = vector.broadcast %jit3A_418 : f32 to vector<1x8xf32>
    %select_n3A_420 = arith.select %eq3A_417, %broadcast_in_dim3A_419, %select_n3A_408 : vector<1x8xi1>, vector<1x8xf32>
    %reduce_max3A_421 = vector.shape_cast %select_n3A_420 : vector<1x8xf32> to vector<1x1x8xf32>
    %reduce_max3A_422 = arith.constant dense<0xFF800000> : vector<1xf32>
    %reduce_max3A_423 = vector.multi_reduction <maximumf>, %reduce_max3A_421, %reduce_max3A_422 [1, 2] : vector<1x1x8xf32> to vector<1xf32>
    %reduce_max3A_424 = vector.shape_cast %reduce_max3A_423 : vector<1xf32> to vector<1x1x1xf32>
    %reduce_max3A_425 = vector.extract %reduce_max3A_424[0, 0, 0] : f32 from vector<1x1x1xf32>
    %argmax3A_426 = tpu.reduce_index %select_n3A_420 {axis = 1 : i32, kind = #tpu.reduction_kind<arg_max>} : vector<1x8xf32> -> vector<1xi32>
    %squeeze3A_427 = vector.extract %argmax3A_426[0] : i32 from vector<1xi32>
    %sub3A_428 = arith.subf %reduce_max3A_425, %reduce_max3A_413 : f32
    %exp3A_429 = math.exp %sub3A_428 : f32
    %add3A_430 = arith.constant 1.000000e+00 : f32
    %add3A_431 = arith.addf %add3A_430, %exp3A_429 : f32
    %div3A_432 = arith.constant 1.000000e+00 : f32
    %div3A_433 = arith.divf %div3A_432, %add3A_431 : f32
    %add3A_434 = arith.constant 1.000000e+00 : f32
    %add3A_435 = arith.addf %add3A_434, %exp3A_429 : f32
    %div3A_436 = arith.divf %exp3A_429, %add3A_435 : f32
    %eq3A_437 = vector.broadcast %squeeze3A_415 : i32 to vector<1x8xi32>
    %eq3A_438 = arith.cmpi eq, %iota3A, %eq3A_437 : vector<1x8xi32>
    %eq3A_439 = vector.broadcast %squeeze3A_427 : i32 to vector<1x8xi32>
    %eq3A_440 = arith.cmpi eq, %iota3A, %eq3A_439 : vector<1x8xi32>
    %jit3A_441 = arith.constant 0.000000e+00 : f32
    %broadcast_in_dim3A_442 = vector.broadcast %div3A_436 : f32 to vector<1x8xf32>
    %broadcast_in_dim3A_443 = vector.broadcast %jit3A_441 : f32 to vector<1x8xf32>
    %select_n3A_444 = arith.select %eq3A_440, %broadcast_in_dim3A_442, %broadcast_in_dim3A_443 : vector<1x8xi1>, vector<1x8xf32>
    %broadcast_in_dim3A_445 = vector.broadcast %div3A_433 : f32 to vector<1x8xf32>
    %select_n3A_446 = arith.select %eq3A_438, %broadcast_in_dim3A_445, %select_n3A_444 : vector<1x8xi1>, vector<1x8xf32>
    %swap3A_447 = arith.constant 5 : index
    %swap3A_448 = arith.constant 0 : index
    %swap3A_449 = vector.load %arg5[%swap3A_447, %swap3A_448] : memref<8x8xf32, #tpu.memory_space<vmem>>, vector<1x8xf32>
    tpu.vector_store %arg5[%swap3A_447, %swap3A_448], %select_n3A_446 {strides = array<i32>} : memref<8x8xf32, #tpu.memory_space<vmem>>, vector<1x8xf32>,
    %get3A_450 = arith.constant 96 : index
    %get3A_451 = arith.constant 0 : index
    %get3A_452 = vector.load %arg1[%get3A_450, %get3A_451] : memref<128x512xf32, #tpu.memory_space<vmem>>, vector<16x512xf32>
    %get3A_453 = arith.constant 0 : index
    %get3A_454 = arith.constant 0 : index
    %get3A_455 = vector.load %arg2[%get3A_453, %get3A_454] : memref<8x16xf32, #tpu.memory_space<vmem>>, vector<8x16xf32>
    %dot_general3A_456 = arith.constant dense<0.000000e+00> : vector<8x512xf32>
    %dot_general3A_457 = tpu.matmul %get3A_455, %get3A_452, %dot_general3A_456 {dimension_numbers = #tpu.dot_dimension_numbers<[1], [0], [0], [1], [0, 0, 1, 1], [], []>, transpose_lhs_hint = false} : vector<8x16xf32>, vector<16x512xf32>, vector<8x512xf32> -> vector<8x512xf32>
    %get3A_458 = arith.constant 0 : index
    %get3A_459 = arith.constant 0 : index
    %get3A_460 = vector.load %arg3[%get3A_458, %get3A_459] : memref<8x16xf32, #tpu.memory_space<vmem>>, vector<8x16xf32>
    %dot_general3A_461 = arith.constant dense<0.000000e+00> : vector<8x512xf32>
    %dot_general3A_462 = tpu.matmul %get3A_460, %get3A_452, %dot_general3A_461 {dimension_numbers = #tpu.dot_dimension_numbers<[1], [0], [0], [1], [0, 0, 1, 1], [], []>, transpose_lhs_hint = false} : vector<8x16xf32>, vector<16x512xf32>, vector<8x512xf32> -> vector<8x512xf32>
    %mul3A_463 = arith.mulf %dot_general3A_457, %dot_general3A_457 : vector<8x512xf32>
    %mul3A_464 = arith.mulf %dot_general3A_462, %dot_general3A_462 : vector<8x512xf32>
    %add3A_465 = arith.addf %mul3A_463, %mul3A_464 : vector<8x512xf32>
    %sqrt3A_466 = math.sqrt %add3A_465 : vector<8x512xf32>
    %reduce_sum3A_467 = arith.constant dense<0.000000e+00> : vector<8xf32>
    %reduce_sum3A_468 = vector.multi_reduction <add>, %sqrt3A_466, %reduce_sum3A_467 [1] : vector<8x512xf32> to vector<8xf32>
    %broadcast_in_dim3A_469 = vector.shape_cast %reduce_sum3A_468 : vector<8xf32> to vector<8x1xf32>
    %div3A_470 = arith.constant 5.120000e+02 : f32
    %div3A_471 = vector.broadcast %div3A_470 : f32 to vector<8x1xf32>
    %div3A_472 = arith.divf %broadcast_in_dim3A_469, %div3A_471 : vector<8x1xf32>
    %get3A_473 = arith.constant 0 : index
    %get3A_474 = arith.constant 0 : index
    %get3A_475 = vector.load %arg4[%get3A_473, %get3A_474] : memref<8x8xf32, #tpu.memory_space<vmem>>, vector<8x8xf32>
    %mul3A_476 = vector.broadcast %div3A_472 : vector<8x1xf32> to vector<8x8xf32>
    %mul3A_477 = arith.mulf %mul3A_476, %get3A_475 : vector<8x8xf32>
    %reduce_sum3A_478 = arith.constant dense<0.000000e+00> : vector<8xf32>
    %reduce_sum3A_479 = vector.multi_reduction <add>, %mul3A_477, %reduce_sum3A_478 [0] : vector<8x8xf32> to vector<8xf32>
    %broadcast_in_dim3A_480 = vector.shape_cast %reduce_sum3A_479 : vector<8xf32> to vector<1x8xf32>
    %lt3A_481 = arith.constant 6 : i32
    %lt3A_482 = vector.broadcast %lt3A_481 : i32 to vector<1x8xi32>
    %lt3A_483 = arith.cmpi slt, %iota3A, %lt3A_482 : vector<1x8xi32>
    %jit3A_484 = arith.constant -1.000000e+30 : f32
    %broadcast_in_dim3A_485 = vector.broadcast %jit3A_484 : f32 to vector<1x8xf32>
    %select_n3A_486 = arith.select %lt3A_483, %broadcast_in_dim3A_480, %broadcast_in_dim3A_485 : vector<1x8xi1>, vector<1x8xf32>
    %reduce_max3A_487 = vector.shape_cast %select_n3A_486 : vector<1x8xf32> to vector<1x1x8xf32>
    %reduce_max3A_488 = arith.constant dense<0xFF800000> : vector<1xf32>
    %reduce_max3A_489 = vector.multi_reduction <maximumf>, %reduce_max3A_487, %reduce_max3A_488 [1, 2] : vector<1x1x8xf32> to vector<1xf32>
    %reduce_max3A_490 = vector.shape_cast %reduce_max3A_489 : vector<1xf32> to vector<1x1x1xf32>
    %reduce_max3A_491 = vector.extract %reduce_max3A_490[0, 0, 0] : f32 from vector<1x1x1xf32>
    %argmax3A_492 = tpu.reduce_index %select_n3A_486 {axis = 1 : i32, kind = #tpu.reduction_kind<arg_max>} : vector<1x8xf32> -> vector<1xi32>
    %squeeze3A_493 = vector.extract %argmax3A_492[0] : i32 from vector<1xi32>
    %eq3A_494 = vector.broadcast %squeeze3A_493 : i32 to vector<1x8xi32>
    %eq3A_495 = arith.cmpi eq, %iota3A, %eq3A_494 : vector<1x8xi32>
    %jit3A_496 = arith.constant -1.000000e+30 : f32
    %broadcast_in_dim3A_497 = vector.broadcast %jit3A_496 : f32 to vector<1x8xf32>
    %select_n3A_498 = arith.select %eq3A_495, %broadcast_in_dim3A_497, %select_n3A_486 : vector<1x8xi1>, vector<1x8xf32>
    %reduce_max3A_499 = vector.shape_cast %select_n3A_498 : vector<1x8xf32> to vector<1x1x8xf32>
    %reduce_max3A_500 = arith.constant dense<0xFF800000> : vector<1xf32>
    %reduce_max3A_501 = vector.multi_reduction <maximumf>, %reduce_max3A_499, %reduce_max3A_500 [1, 2] : vector<1x1x8xf32> to vector<1xf32>
    %reduce_max3A_502 = vector.shape_cast %reduce_max3A_501 : vector<1xf32> to vector<1x1x1xf32>
    %reduce_max3A_503 = vector.extract %reduce_max3A_502[0, 0, 0] : f32 from vector<1x1x1xf32>
    %argmax3A_504 = tpu.reduce_index %select_n3A_498 {axis = 1 : i32, kind = #tpu.reduction_kind<arg_max>} : vector<1x8xf32> -> vector<1xi32>
    %squeeze3A_505 = vector.extract %argmax3A_504[0] : i32 from vector<1xi32>
    %sub3A_506 = arith.subf %reduce_max3A_503, %reduce_max3A_491 : f32
    %exp3A_507 = math.exp %sub3A_506 : f32
    %add3A_508 = arith.constant 1.000000e+00 : f32
    %add3A_509 = arith.addf %add3A_508, %exp3A_507 : f32
    %div3A_510 = arith.constant 1.000000e+00 : f32
    %div3A_511 = arith.divf %div3A_510, %add3A_509 : f32
    %add3A_512 = arith.constant 1.000000e+00 : f32
    %add3A_513 = arith.addf %add3A_512, %exp3A_507 : f32
    %div3A_514 = arith.divf %exp3A_507, %add3A_513 : f32
    %eq3A_515 = vector.broadcast %squeeze3A_493 : i32 to vector<1x8xi32>
    %eq3A_516 = arith.cmpi eq, %iota3A, %eq3A_515 : vector<1x8xi32>
    %eq3A_517 = vector.broadcast %squeeze3A_505 : i32 to vector<1x8xi32>
    %eq3A_518 = arith.cmpi eq, %iota3A, %eq3A_517 : vector<1x8xi32>
    %jit3A_519 = arith.constant 0.000000e+00 : f32
    %broadcast_in_dim3A_520 = vector.broadcast %div3A_514 : f32 to vector<1x8xf32>
    %broadcast_in_dim3A_521 = vector.broadcast %jit3A_519 : f32 to vector<1x8xf32>
    %select_n3A_522 = arith.select %eq3A_518, %broadcast_in_dim3A_520, %broadcast_in_dim3A_521 : vector<1x8xi1>, vector<1x8xf32>
    %broadcast_in_dim3A_523 = vector.broadcast %div3A_511 : f32 to vector<1x8xf32>
    %select_n3A_524 = arith.select %eq3A_516, %broadcast_in_dim3A_523, %select_n3A_522 : vector<1x8xi1>, vector<1x8xf32>
    %swap3A_525 = arith.constant 6 : index
    %swap3A_526 = arith.constant 0 : index
    %swap3A_527 = vector.load %arg5[%swap3A_525, %swap3A_526] : memref<8x8xf32, #tpu.memory_space<vmem>>, vector<1x8xf32>
    tpu.vector_store %arg5[%swap3A_525, %swap3A_526], %select_n3A_524 {strides = array<i32>} : memref<8x8xf32, #tpu.memory_space<vmem>>, vector<1x8xf32>,
    %get3A_528 = arith.constant 112 : index
    %get3A_529 = arith.constant 0 : index
    %get3A_530 = vector.load %arg1[%get3A_528, %get3A_529] : memref<128x512xf32, #tpu.memory_space<vmem>>, vector<16x512xf32>
    %get3A_531 = arith.constant 0 : index
    %get3A_532 = arith.constant 0 : index
    %get3A_533 = vector.load %arg2[%get3A_531, %get3A_532] : memref<8x16xf32, #tpu.memory_space<vmem>>, vector<8x16xf32>
    %dot_general3A_534 = arith.constant dense<0.000000e+00> : vector<8x512xf32>
    %dot_general3A_535 = tpu.matmul %get3A_533, %get3A_530, %dot_general3A_534 {dimension_numbers = #tpu.dot_dimension_numbers<[1], [0], [0], [1], [0, 0, 1, 1], [], []>, transpose_lhs_hint = false} : vector<8x16xf32>, vector<16x512xf32>, vector<8x512xf32> -> vector<8x512xf32>
    %get3A_536 = arith.constant 0 : index
    %get3A_537 = arith.constant 0 : index
    %get3A_538 = vector.load %arg3[%get3A_536, %get3A_537] : memref<8x16xf32, #tpu.memory_space<vmem>>, vector<8x16xf32>
    %dot_general3A_539 = arith.constant dense<0.000000e+00> : vector<8x512xf32>
    %dot_general3A_540 = tpu.matmul %get3A_538, %get3A_530, %dot_general3A_539 {dimension_numbers = #tpu.dot_dimension_numbers<[1], [0], [0], [1], [0, 0, 1, 1], [], []>, transpose_lhs_hint = false} : vector<8x16xf32>, vector<16x512xf32>, vector<8x512xf32> -> vector<8x512xf32>
    %mul3A_541 = arith.mulf %dot_general3A_535, %dot_general3A_535 : vector<8x512xf32>
    %mul3A_542 = arith.mulf %dot_general3A_540, %dot_general3A_540 : vector<8x512xf32>
    %add3A_543 = arith.addf %mul3A_541, %mul3A_542 : vector<8x512xf32>
    %sqrt3A_544 = math.sqrt %add3A_543 : vector<8x512xf32>
    %reduce_sum3A_545 = arith.constant dense<0.000000e+00> : vector<8xf32>
    %reduce_sum3A_546 = vector.multi_reduction <add>, %sqrt3A_544, %reduce_sum3A_545 [1] : vector<8x512xf32> to vector<8xf32>
    %broadcast_in_dim3A_547 = vector.shape_cast %reduce_sum3A_546 : vector<8xf32> to vector<8x1xf32>
    %div3A_548 = arith.constant 5.120000e+02 : f32
    %div3A_549 = vector.broadcast %div3A_548 : f32 to vector<8x1xf32>
    %div3A_550 = arith.divf %broadcast_in_dim3A_547, %div3A_549 : vector<8x1xf32>
    %get3A_551 = arith.constant 0 : index
    %get3A_552 = arith.constant 0 : index
    %get3A_553 = vector.load %arg4[%get3A_551, %get3A_552] : memref<8x8xf32, #tpu.memory_space<vmem>>, vector<8x8xf32>
    %mul3A_554 = vector.broadcast %div3A_550 : vector<8x1xf32> to vector<8x8xf32>
    %mul3A_555 = arith.mulf %mul3A_554, %get3A_553 : vector<8x8xf32>
    %reduce_sum3A_556 = arith.constant dense<0.000000e+00> : vector<8xf32>
    %reduce_sum3A_557 = vector.multi_reduction <add>, %mul3A_555, %reduce_sum3A_556 [0] : vector<8x8xf32> to vector<8xf32>
    %broadcast_in_dim3A_558 = vector.shape_cast %reduce_sum3A_557 : vector<8xf32> to vector<1x8xf32>
    %lt3A_559 = arith.constant 6 : i32
    %lt3A_560 = vector.broadcast %lt3A_559 : i32 to vector<1x8xi32>
    %lt3A_561 = arith.cmpi slt, %iota3A, %lt3A_560 : vector<1x8xi32>
    %jit3A_562 = arith.constant -1.000000e+30 : f32
    %broadcast_in_dim3A_563 = vector.broadcast %jit3A_562 : f32 to vector<1x8xf32>
    %select_n3A_564 = arith.select %lt3A_561, %broadcast_in_dim3A_558, %broadcast_in_dim3A_563 : vector<1x8xi1>, vector<1x8xf32>
    %reduce_max3A_565 = vector.shape_cast %select_n3A_564 : vector<1x8xf32> to vector<1x1x8xf32>
    %reduce_max3A_566 = arith.constant dense<0xFF800000> : vector<1xf32>
    %reduce_max3A_567 = vector.multi_reduction <maximumf>, %reduce_max3A_565, %reduce_max3A_566 [1, 2] : vector<1x1x8xf32> to vector<1xf32>
    %reduce_max3A_568 = vector.shape_cast %reduce_max3A_567 : vector<1xf32> to vector<1x1x1xf32>
    %reduce_max3A_569 = vector.extract %reduce_max3A_568[0, 0, 0] : f32 from vector<1x1x1xf32>
    %argmax3A_570 = tpu.reduce_index %select_n3A_564 {axis = 1 : i32, kind = #tpu.reduction_kind<arg_max>} : vector<1x8xf32> -> vector<1xi32>
    %squeeze3A_571 = vector.extract %argmax3A_570[0] : i32 from vector<1xi32>
    %eq3A_572 = vector.broadcast %squeeze3A_571 : i32 to vector<1x8xi32>
    %eq3A_573 = arith.cmpi eq, %iota3A, %eq3A_572 : vector<1x8xi32>
    %jit3A_574 = arith.constant -1.000000e+30 : f32
    %broadcast_in_dim3A_575 = vector.broadcast %jit3A_574 : f32 to vector<1x8xf32>
    %select_n3A_576 = arith.select %eq3A_573, %broadcast_in_dim3A_575, %select_n3A_564 : vector<1x8xi1>, vector<1x8xf32>
    %reduce_max3A_577 = vector.shape_cast %select_n3A_576 : vector<1x8xf32> to vector<1x1x8xf32>
    %reduce_max3A_578 = arith.constant dense<0xFF800000> : vector<1xf32>
    %reduce_max3A_579 = vector.multi_reduction <maximumf>, %reduce_max3A_577, %reduce_max3A_578 [1, 2] : vector<1x1x8xf32> to vector<1xf32>
    %reduce_max3A_580 = vector.shape_cast %reduce_max3A_579 : vector<1xf32> to vector<1x1x1xf32>
    %reduce_max3A_581 = vector.extract %reduce_max3A_580[0, 0, 0] : f32 from vector<1x1x1xf32>
    %argmax3A_582 = tpu.reduce_index %select_n3A_576 {axis = 1 : i32, kind = #tpu.reduction_kind<arg_max>} : vector<1x8xf32> -> vector<1xi32>
    %squeeze3A_583 = vector.extract %argmax3A_582[0] : i32 from vector<1xi32>
    %sub3A_584 = arith.subf %reduce_max3A_581, %reduce_max3A_569 : f32
    %exp3A_585 = math.exp %sub3A_584 : f32
    %add3A_586 = arith.constant 1.000000e+00 : f32
    %add3A_587 = arith.addf %add3A_586, %exp3A_585 : f32
    %div3A_588 = arith.constant 1.000000e+00 : f32
    %div3A_589 = arith.divf %div3A_588, %add3A_587 : f32
    %add3A_590 = arith.constant 1.000000e+00 : f32
    %add3A_591 = arith.addf %add3A_590, %exp3A_585 : f32
    %div3A_592 = arith.divf %exp3A_585, %add3A_591 : f32
    %eq3A_593 = vector.broadcast %squeeze3A_571 : i32 to vector<1x8xi32>
    %eq3A_594 = arith.cmpi eq, %iota3A, %eq3A_593 : vector<1x8xi32>
    %eq3A_595 = vector.broadcast %squeeze3A_583 : i32 to vector<1x8xi32>
    %eq3A_596 = arith.cmpi eq, %iota3A, %eq3A_595 : vector<1x8xi32>
    %jit3A_597 = arith.constant 0.000000e+00 : f32
    %broadcast_in_dim3A_598 = vector.broadcast %div3A_592 : f32 to vector<1x8xf32>
    %broadcast_in_dim3A_599 = vector.broadcast %jit3A_597 : f32 to vector<1x8xf32>
    %select_n3A_600 = arith.select %eq3A_596, %broadcast_in_dim3A_598, %broadcast_in_dim3A_599 : vector<1x8xi1>, vector<1x8xf32>
    %broadcast_in_dim3A_601 = vector.broadcast %div3A_589 : f32 to vector<1x8xf32>
    %select_n3A_602 = arith.select %eq3A_594, %broadcast_in_dim3A_601, %select_n3A_600 : vector<1x8xi1>, vector<1x8xf32>
    %swap3A_603 = arith.constant 7 : index
    %swap3A_604 = arith.constant 0 : index
    %swap3A_605 = vector.load %arg5[%swap3A_603, %swap3A_604] : memref<8x8xf32, #tpu.memory_space<vmem>>, vector<1x8xf32>
    tpu.vector_store %arg5[%swap3A_603, %swap3A_604], %select_n3A_602 {strides = array<i32>} : memref<8x8xf32, #tpu.memory_space<vmem>>, vector<1x8xf32>,
    return
  }
  func.func @transform_0(%arg0: i32) -> (i32, i32) {
    %c0_i32 = arith.constant 0 : i32
    %c0_i32_0 = arith.constant 0 : i32
    %c0_i32_1 = arith.constant 0 : i32
    return %c0_i32, %c0_i32_0 : i32, i32
  }
  func.func @transform_1(%arg0: i32) -> (i32, i32) {
    %c0_i32 = arith.constant 0 : i32
    %c0_i32_0 = arith.constant 0 : i32
    %c0_i32_1 = arith.constant 0 : i32
    return %c0_i32, %c0_i32_0 : i32, i32
  }
  func.func @transform_2(%arg0: i32) -> (i32, i32) {
    %c0_i32 = arith.constant 0 : i32
    %c0_i32_0 = arith.constant 0 : i32
    %c0_i32_1 = arith.constant 0 : i32
    return %c0_i32, %c0_i32_0 : i32, i32
  }
  func.func @transform_3(%arg0: i32) -> (i32, i32) {
    %c0_i32 = arith.constant 0 : i32
    %c0_i32_0 = arith.constant 0 : i32
    %c0_i32_1 = arith.constant 0 : i32
    return %c0_i32, %c0_i32_0 : i32, i32
  }
  func.func @transform_4(%arg0: i32) -> (i32, i32) {
    %c0_i32 = arith.constant 0 : i32
    %c0_i32_0 = arith.constant 0 : i32
    %c0_i32_1 = arith.constant 0 : i32
    return %c0_i32, %c0_i32_0 : i32, i32
  }
}

</mosaic_0001>

<sc_bundles>
// kernel: sparse-core-data-format-call.cloned.1.call-start
scs
called_computation_lowered:
.L_overlay_start_0:
0x0: {  	s2 =	sld [smem:$0x3FD9]  }
0x1: {  	s3 =	sld [smem:$0x3FFE];
	_ =	sdelay $0x1  }
0x2: {  	s1 =	srdreg.scid  }
0x3: {  	s0 =	sand.u32 $0x1, s1  }
0x4: {  	s18 =	sshll.u32 s0, $0xA;
	s2 =	sadd.s32 s3, s2  }
0x5: {  	s2 =	sadd.s32 s2, s18  }
0x6: {  	[smem:$0x3FBC] =	sst s2  }
0x7: {  	_ = 	snop  }
0x8: {  	s2 =	sld [smem:$0x3FC9];
	(tm) =	ssettm $0x1  }
0x9: {  	s19 =	sld [smem:$0x3FFB];
	_ =	sdelay $0x3  }
0xa: {  	_ =	strace s19  }
0xb: {  	s3 =	sld [smem:$0x3FFC];
	_ =	sdelay $0x3  }
0xc: {  	_ =	strace s3  }
0xd: {  	s3 =	sld [smem:$0x3FFD];
	_ =	sdelay $0x3  }
0xe: {  	_ =	strace s3  }
0xf: {  	_ =	strace $0x8FFFFFFF  }
0x10: {  	s20 =	sld [smem:$0x3FDB];
	_ =	sdelay $0x1  }
0x11: {  	s4 =	simm.s32 $_scs_section_size  }
0x12: {  	s5 =	simm.s32 $_size__tile_overlayer_lowered;
	s6 =	simm.s32 $_tile_overlayer_lowered  }
0x13: {  	s23 =	simm.s32 $0x1BFF;
	s22 =	sshll.u32 s6, $0x1;
	s3 =	sadd.s32 s4, s20  }
0x14: {  	s7 =	simm.s32 $0x0;
	s21 =	sshll.u32 s5, $0x1;
	s5 =	sadd.s32 s22, s3  }
0x15: {  	[timem:s7], [sflag:s23] =	dma.local [hbm:s5], s21  }
0x16: {  	_ =	swait.ge [sflag:s23], s21  }
0x17: {  	s4 =	ssub.s32 $0x0, s21;
	[sflag:s23] =	ssyncset.done $0x0  }
0x18: {  	[sflag:s23] =	ssyncadd.s32 s4;
	_ =	sdelay $0x1  }
0x19: {  	s24 =	simm.s32 $0x1B8B  }
0x1a: {  	_ =	swait.ge [sflag:s24], $0x1  }
0x1b: {  	[sflag:s24] =	ssyncset.done $0x0  }
0x1c: {  	s26 =	simm.s32 $0x1B8E;
	s25 =	sld [smem:$0x3FFE];
	[sflag:s24] =	ssyncadd.s32 $0xFFFFFFFF  }
0x1d: {  	s27 =	simm.s32 $execute0_lowered;
	[smem:$0x3FD2] =	sst s26  }
0x1e: {  	s5 =	sshll.u32 s27, $0x1;
	_ =	strace $0x80000046;
	[dreg:$0x1] =	wrdreg $0xFFFFFFFF  }
0x1f: {  	s28 =	simm.s32 $_size_execute0_lowered;
	s3 =	sadd.s32 s3, s5;
	[dreg:$0x0] =	wrdreg $0x0  }
0x20: {  	s5 =	sshll.u32 s28, $0x1;
	[dreg:$0x2] =	wrdreg s3  }
0x21: {  	[dreg:$0x3] =	wrdreg s5  }
0x22: {  	[dreg:$0x4] =	wrdreg $0xC0  }
0x23: {  	_ =	task [dreg:s7], $0x5FFFF  }
0x24: {  	[dreg:$0x1] =	wrdreg $0xFFFFFFFF  }
0x25: {  	[dreg:$0x0] =	wrdreg $0x60  }
0x26: {  	[dreg:$0x2] =	wrdreg s2  }
0x27: {  	[dreg:$0x3] =	wrdreg s25  }
0x28: {  	[dreg:$0x4] =	wrdreg $0x9  }
0x29: {  	_ =	task.clear_ibuf [dreg:s7], $0x5FFFF;
	_ =	strace $0x90000046  }
0x2a: {  	s29 =	simm.s32 $0x9;
	_ =	strace $0x80000048  }
0x2b: {  	_ =	swait.ge [sflag:s29], $0x1  }
0x2c: {  	[sflag:s29] =	ssyncadd.s32 $0xFFFFFFFF  }
0x2d: {  	_ =	strace $0x90000048  }
0x2e: {  	_ =	sfence  }
0x2f: {  	s30 =	sld [smem:$0x0];
	_ =	sdelay $0x2  }
0x30: {  	s31 =	sshll.u32 s1, $0xD;
	s1 =	sshrl.u32 s1, $0x2  }
0x31: {  	s3 =	sand.u32 $0x4000, s31;
	s1 =	sadd.s32 s1, s30  }
0x32: {  	s0 =	sor.u32 s3, s0;
	s1 =	sshll.u32 s1, $0x11  }
0x33: {  	s0 =	sor.u32 s1, s0  }
0x34: {  	s0 =	sadd.s32 $0x8F2B, s0  }
0x35: {  	[sflag:s0] =	ssyncadd.remote.s32 $0x1  }
0x36: {  	_ =	sfence.sel $0xFFFF  }
0x37: {  	[dreg:$0x0] =	wrdreg $0xFFFFFFFF;
	(pc) =	sbr.abs _section_cstart, $3  }
0x38: {  	[dreg:$0x1] =	wrdreg $0xFFFFFFFF  }
0x39: {  	_ =	task.clear_ibuf [dreg:s7], $0x2FFFF;
	_ =	strace $0x9FFFFFFF  }
0x3a: {  	(tm) =	ssettm $0x7FFFFFFF  }
0x3b: {  	_ =	shalt  }
tec
execute0_lowered:
.L_overlay_start_1:
0x0: {  	(tag) =	ssettag $0x1  }
0x1: {  	s2 =	rddreg [dreg:$0x0]  }
0x2: {  	s3 =	rddreg [dreg:$0x1];
	s1 =	srdreg.scid;
	_ =	strace $0x80000047  }
0x3: {  	s7 =	simm.s32 $0x2;
	s22 =	simm.s32 $0x0;
	p0 =	por $0x0, $0x0  }
0x4: {  	s19 =	simm.s32 $0x0;
	s23 =	simm.s32 $0x0;
	s20 =	simm.s32 $0x0  }
0x5: {  	s21 =	simm.s32 $0x0;
	s8 =	simm.s32 $0x0;
	s9 =	simm.s32 $0x0  }
0x6: {  	s10 =	simm.s32 $0x0;
	s12 =	simm.s32 $0x0;
	s13 =	simm.s32 $0x0  }
0x7: {  	s14 =	simm.s32 $0x0;
	s15 =	simm.s32 $0x0;
	s17 =	simm.s32 $0x0  }
.Ltmp0:
0x8: {  	s11 =	simm.s32 $0x0;
	s4 =	sshll.u32 s1, $0x4;
	(pc) =	sbr.rel .LBB1_1-.Ltmp0, $4  }
0x9: {  	s1 =	stileid.u32;
	s3 =	sadd.s32 $0x2800, s3;
	s4 =	sand.u32 $0x10, s4  }
0xa: {  	s5 =	sand.u32 $0x7, s1;
	s6 =	sor.u32 s1, s4;
	s4 =	simm.s32 $0x1  }
0xb: {  	s18 =	smov.u32 s5;
	[sflag:s4] =	ssyncpa.u1 $0x0;
	s6 =	sshrl.u32 s6, $0x3  }
0xc: {  	[sflag:s7] =	ssyncpa.u1 $0x0;
	s7 =	simm.s32 $0x400;
	s16 =	smov.u32 s6  }
.LBB1_7:
0xd: {  	p1 =	slt.u32 s11, $0x2;
	s0 =	smov.u32 s23  }
0xe: {  	s26 =	smov.u32 s16;
	s27 =	smov.u32 s17;
	s28 =	smov.u32 s18  }
0xf: {  	s11 =	sadd.s32 $0x1, s11;
	p0 =	por !p0, !p0;
	p2 =	sgt.s32 @!p1 s23, $0xDF  }
0x10: {  	s24 =	sshra.s32 @!p1 s23, $0x1F;
	s25 =	sshra.s32 @!p1 s22, $0x1F;
	s29 =	simm.s32 @!p1 $0x2  }
0x11: {  	p2 =	por !p2, p1;
	s23 =	sand.u32 @!p1 s24, s23;
	s24 =	smov.u32 s22  }
0x12: {  	s0 =	simm.s32 @p2 $0xDF;
	p2 =	sgt.s32 @!p1 s22, $0x60;
	s22 =	sand.u32 @!p1 s25, s22  }
0x13: {  	s25 =	smov.u32 s15;
	s0 =	ssub.s32 @!p1 s0, s23;
	p2 =	por !p2, p1  }
0x14: {  	s23 =	sadd.s32 @!p1 $0xFFFFFF21, s0;
	s24 =	simm.s32 @p2 $0x60;
	s0 =	ssub.s32 @!p1 $0xE0, s0  }
0x15: {  	p3 =	sgt.s32 @!p1 s23, $0x0;
	s22 =	ssub.s32 @!p1 s24, s22;
	s24 =	sshra.s32 @!p1 s21, $0x1F  }
0x16: {  	p2 =	por !p3, p1;
	s23 =	sadd.s32 @!p1 $0xFFFFFFA0, s22;
	s22 =	ssub.s32 @!p1 $0xE0, s22  }
0x17: {  	s0 =	simm.s32 @!p2 $0x0;
	p2 =	sgt.s32 @!p1 s21, $0x7;
	p3 =	sgt.s32 @!p1 s23, $0x7F  }
0x18: {  	s23 =	smov.u32 s21;
	s21 =	sand.u32 @!p1 s24, s21;
	p2 =	por !p2, p1  }
0x19: {  	s24 =	sshra.s32 @!p1 s20, $0x1F;
	s23 =	simm.s32 @p2 $0x7;
	p2 =	sgt.s32 @!p1 s20, $0x70  }
0x1a: {  	s21 =	ssub.s32 @!p1 s23, s21;
	p2 =	por !p2, p1;
	s23 =	smov.u32 s20  }
0x1b: {  	s20 =	sand.u32 @!p1 s24, s20;
	s23 =	simm.s32 @p2 $0x70;
	p2 =	por !p3, p1  }
0x1c: {  	s24 =	sadd.s32 @!p1 $0xFFFFFFF9, s21;
	s21 =	ssub.s32 @!p1 $0x8, s21;
	s20 =	ssub.s32 @!p1 s23, s20  }
0x1d: {  	s22 =	simm.s32 @!p2 $0x0;
	p2 =	sgt.s32 @!p1 s24, $0x0;
	s24 =	ssub.s32 @!p1 $0x0, s19  }
0x1e: {  	s23 =	sadd.s32 @!p1 $0xFFFFFF90, s20;
	p2 =	por !p2, p1;
	s20 =	ssub.s32 @!p1 $0x80, s20  }
0x1f: {  	s19 =	smin.u32 @!p1 s19, s24;
	s24 =	sadd.s32 $0x80, s14;
	p3 =	sgt.s32 @!p1 s23, $0xF  }
0x20: {  	s21 =	simm.s32 @!p2 $0x0;
	p2 =	sgt.s32 @!p1 s19, $0x7;
	p3 =	por !p3, p1  }
0x21: {  	s19 =	ssub.s32 @!p1 $0x8, s19;
	p2 =	por !p2, p1;
	s20 =	simm.s32 @!p3 $0x0  }
0x22: {  	p3 =	sgt.s32 s24, $0xDF;
	s20 =	smul.u32 @!p1 s21, s20;
	s21 =	sadd.s32 $0x8, s15  }
0x23: {  	s23 =	smov.u32 s10;
	s19 =	simm.s32 @!p2 $0x0;
	s25 =	smov.u32 @p3 s21  }
0x24: {  	s0 =	smul.u32 @!p1 s0, s20;
	p2 =	sgt.s32 s25, $0x7;
	s20 =	sadd.s32 $0x4, s16  }
0x25: {  	s10 =	smov.u32 s16;
	s24 =	simm.s32 @p3 $0x0;
	s26 =	smov.u32 @p2 s20  }
0x26: {  	s0 =	smul.u32 @!p1 s19, s0;
	p3 =	sgt.s32 s26, $0xDF;
	s19 =	sadd.s32 $0x10, s17  }
0x27: {  	s21 =	smov.u32 s13;
	s13 =	smov.u32 s18;
	s27 =	smov.u32 @p3 s19  }
0x28: {  	s25 =	simm.s32 @p2 $0x0;
	s19 =	sadd.s32 $0x8, s18;
	p2 =	sgt.s32 s27, $0xF  }
0x29: {  	s20 =	smov.u32 s12;
	s12 =	smov.u32 s17;
	s28 =	smov.u32 @p2 s19  }
0x2a: {  	s26 =	smov.u32 @p3 s6;
	s27 =	simm.s32 @p2 $0x0;
	p2 =	sgt.s32 s28, $0x7  }
0x2b: {  	s0 =	smul.u32 @!p1 s22, s0;
	s28 =	smov.u32 @p2 s5;
	p2 =	sne.s32 s11, $0x72  }
.Ltmp1:
0x2c: {  	s22 =	smov.u32 s8;
	s8 =	smov.u32 s14;
	(pc) =	sbr.rel @!p2 .LBB1_8-.Ltmp1, $4  }
0x2d: {  	s14 =	smov.u32 s24;
	s16 =	smov.u32 s26;
	s0 =	sand.u32 @!p1 $0x3FFFFFFF, s0  }
0x2e: {  	s19 =	smov.u32 s9;
	s9 =	smov.u32 s15;
	_ =	swait.ge @!p1 [sflag:s29], s0  }
0x2f: {  	s15 =	smov.u32 s25;
	s0 =	ssub.s32 @!p1 $0x0, s0;
	[sflag:s29] =	ssyncset.done @!p1 $0x0  }
0x30: {  	s17 =	smov.u32 s27;
	s18 =	smov.u32 s28;
	[sflag:s29] =	ssyncadd.s32 @!p1 s0  }
.LBB1_1:
0x31: {  	p1 =	sgt.u32 s11, $0x6F  }
0x32: {  	s24 =	sxor.u32 @!p1 $0xFFFFFFFF, s11  }
0x33: {  	s25 =	sand.u32 @!p1 $0x78, s14;
	s26 =	sshll.u32 @!p1 s14, $0x3;
	s28 =	smul.u32 @!p1 $0xE0000, s18  }
0x34: {  	s27 =	sshll.u32 @!p1 s15, $0x7;
	s29 =	smul.u32 @!p1 $0xE000, s17;
	s30 =	sshll.u32 @!p1 s16, $0x8  }
0x35: {  	s24 =	sshll.u32 @!p1 s24, $0xE;
	s26 =	sand.u32 @!p1 $0x400, s26;
	s27 =	sand.u32 @!p1 $0x380, s27  }
0x36: {  	s24 =	sand.u32 @!p1 $0x4000, s24;
	s25 =	sor.u32 @!p1 s25, s27;
	s27 =	sadd.s32 @!p1 s2, s28  }
0x37: {  	s25 =	sor.u32 @!p1 s26, s25;
	s26 =	sadd.s32 @!p1 s29, s27;
	s27 =	sand.u32 @!p1 $0x7, s14  }
0x38: {  	s25 =	sshrl.u32 @!p1 s25, $0x3;
	s26 =	sadd.s32 @!p1 s30, s26;
	s27 =	sshll.u32 @!p1 s27, $0x12  }
0x39: {  	s25 =	sadd.s32 @!p1 s25, s26;
	s26 =	sor.u32 @!p1 $0x400, s27;
	s27 =	simm.s32 @!p1 $0x70000  }
0x3a: {  	[tilespmem:s24], [sflag:$0x1] =	stream.strided.gather @!p1 [hbm4b:s25+s26], $0x4000, s27, s26, $0x38;
	[tilespmem:$0x10800] =	vst v63  }
0x3b: {  	p1 =	seq.s32 s11, $0x0  }
0x3c: {  	p2 =	seq.s32 @!p1 s11, $0x71  }
0x3d: {  	p1 =	por p1, p2  }
.Ltmp2:
0x3e: {  	_ = 	snop;
	(pc) =	sbr.rel @p1 .LBB1_7-.Ltmp2, $1  }
0x3f: {  	_ =	sdelay $0x3  }
0x40: {  	s24 =	simm.s32 $0x1;
	s26 =	sand.u32 $0x1, s11  }
0x41: {  	_ =	swait.ge [sflag:s4], $0x4000;
	s24 =	simm.s32 @!p0 $0x0;
	s27 =	smul.u32 $0x11000, s26  }
0x42: {  	[sflag:s4] =	ssyncset.done $0x0;
	s25 =	smul.u32 $0x11000, s24  }
0x43: {  	s24 =	sshll.u32 s24, $0xE;
	[sflag:s4] =	ssyncadd.s32 $0xFFFFC000  }
0x44: {  	s26 =	sor.u32 $0x40, s24;
	s31 =	sshrl.u32 s27, $0x2;
	s25 =	sshrl.u32 s25, $0x2  }
0x45: {  	s27 =	simm.s32 $0x0;
	s24 =	sor.u32 $0x8000, s31;
	s25 =	sor.u32 $0x8000, s25  }
.LBB1_3:
0x46: {  	v0 =	vld [tilespmem:s26+$0x30]  }
0x47: {  	v1 =	vld [tilespmem:s26+$0xFFFFFFD0]  }
0x48: {  	v5 =	vld [tilespmem:s26+$0xFFFFFFE0]  }
0x49: {  	v6 =	vld [tilespmem:s26+$0xFFFFFFF0]  }
0x4a: {  	s28 =	sadd.s32 $0x0, s25;
	v2 =	vld [tilespmem:s26+$0x0]  }
0x4b: {  	v3 =	vld [tilespmem:s26+$0x10];
	[tilespmem:s28+$0x3B80 ss:$0x88] =	vst.msk $0xffff, v0  }
0x4c: {  	v4 =	vld [tilespmem:s26+$0x20];
	[tilespmem:s28+$0x880 ss:$0x88] =	vst.msk $0xffff, v1  }
0x4d: {  	s29 =	sadd.s32 $0x80, s26;
	v0 =	vld [tilespmem:s26+$0xFFFFFFC0];
	[tilespmem:s28+$0x1100 ss:$0x88] =	vst.msk $0xffff, v5  }
0x4e: {  	s30 =	simm.s32 $0x44;
	s31 =	simm.s32 $0x88;
	v1 =	vld [tilespmem:s29+$0x30];
	[tilespmem:s28+$0x1980 ss:$0x88] =	vst.msk $0xffff, v6  }
.LBB1_4:
0x4f: {  	p1 =	sne.s32 s31, $0x1DC;
	v5 =	vld [tilespmem:s29+$0xFFFFFFD0];
	[tilespmem:s28+$0x2200 ss:$0x88] =	vst.msk $0xffff, v2  }
0x50: {  	v6 =	vld [tilespmem:s29+$0xFFFFFFE0];
	[tilespmem:s28+$0x2A80 ss:$0x88] =	vst.msk $0xffff, v3  }
0x51: {  	s0 =	sshra.s32 s30, $0x2;
	s30 =	smov.u32 s31;
	v7 =	vld [tilespmem:s29+$0xFFFFFFF0];
	[tilespmem:s28+$0x3300 ss:$0x88] =	vst.msk $0xffff, v4  }
.Ltmp3:
0x52: {  	v2 =	vld [tilespmem:s29+$0x0];
	[tilespmem:s28+$0x0 ss:$0x88] =	vst.msk $0xffff, v0;
	s28 =	sadd.s32 s0, s25;
	(pc) =	sbr.rel @p1 .LBB1_4-.Ltmp3, $4  }
0x53: {  	v3 =	vld [tilespmem:s29+$0x10];
	[tilespmem:s28+$0x3B80 ss:$0x88] =	vst.msk $0xffff, v1  }
0x54: {  	[tilespmem:s28+$0x880 ss:$0x88] =	vst.msk $0xffff, v5;
	v4 =	vld [tilespmem:s29+$0x20]  }
0x55: {  	v0 =	vld [tilespmem:s29+$0xFFFFFFC0];
	[tilespmem:s28+$0x1100 ss:$0x88] =	vst.msk $0xffff, v6;
	s29 =	sadd.s32 $0x80, s29  }
0x56: {  	s31 =	sadd.s32 $0x44, s31;
	v1 =	vld [tilespmem:s29+$0x30];
	[tilespmem:s28+$0x1980 ss:$0x88] =	vst.msk $0xffff, v7  }
0x57: {  	v5 =	vld [tilespmem:s29+$0xFFFFFFD0];
	[tilespmem:s28+$0x2200 ss:$0x88] =	vst.msk $0xffff, v2  }
0x58: {  	v58 =	vld [tilespmem:s29+$0xFFFFFFE0];
	[tilespmem:s28+$0x2A80 ss:$0x88] =	vst.msk $0xffff, v3  }
0x59: {  	s0 =	sshra.s32 s30, $0x2;
	v59 =	vld [tilespmem:s29+$0xFFFFFFF0];
	[tilespmem:s28+$0x3300 ss:$0x88] =	vst.msk $0xffff, v4  }
0x5a: {  	v60 =	vld [tilespmem:s29+$0x0];
	s0 =	sadd.s32 s0, s25;
	[tilespmem:s28+$0x0 ss:$0x88] =	vst.msk $0xffff, v0  }
0x5b: {  	v61 =	vld [tilespmem:s29+$0x10];
	[tilespmem:s0+$0x3B80 ss:$0x88] =	vst.msk $0xffff, v1  }
0x5c: {  	v62 =	vld [tilespmem:s29+$0x20];
	s27 =	sadd.s32 $0x1, s27;
	[tilespmem:s0+$0x880 ss:$0x88] =	vst.msk $0xffff, v5  }
0x5d: {  	v63 =	vld [tilespmem:s29+$0xFFFFFFC0];
	p1 =	sne.s32 s27, $0x10;
	[tilespmem:s0+$0x1100 ss:$0x88] =	vst.msk $0xffff, v58  }
.Ltmp4:
0x5e: {  	[tilespmem:s0+$0x1980 ss:$0x88] =	vst.msk $0xffff, v59;
	(pc) =	sbr.rel @p1 .LBB1_3-.Ltmp4, $4  }
0x5f: {  	[tilespmem:s0+$0x2200 ss:$0x88] =	vst.msk $0xffff, v60  }
0x60: {  	[tilespmem:s0+$0x2A80 ss:$0x88] =	vst.msk $0xffff, v61  }
0x61: {  	[tilespmem:s0+$0x3300 ss:$0x88] =	vst.msk $0xffff, v62  }
0x62: {  	s26 =	sadd.s32 $0x400, s26;
	s25 =	sadd.s32 $0x1, s25;
	[tilespmem:s0+$0x0 ss:$0x88] =	vst.msk $0xffff, v63  }
0x63: {  	p1 =	sgt.s32 s10, $0xDF;
	s0 =	smov.u32 s10;
	s25 =	sshra.s32 s10, $0x1F  }
0x64: {  	s26 =	smov.u32 s13;
	s30 =	sshra.s32 s13, $0x1F;
	s27 =	smov.u32 s12  }
0x65: {  	s28 =	sshra.s32 s12, $0x1F;
	s0 =	simm.s32 @!p1 $0xDF;
	s25 =	sand.u32 s25, s10  }
0x66: {  	p1 =	sgt.s32 s13, $0x7;
	s31 =	sand.u32 s28, s12;
	s28 =	smov.u32 s8  }
0x67: {  	s0 =	ssub.s32 s0, s25;
	s26 =	simm.s32 @!p1 $0x7;
	s25 =	sand.u32 s30, s13  }
0x68: {  	p1 =	sgt.s32 s12, $0x70;
	s30 =	sshra.s32 s8, $0x1F;
	s25 =	ssub.s32 s26, s25  }
0x69: {  	s27 =	simm.s32 @!p1 $0x70;
	p1 =	sgt.s32 s8, $0x60;
	s29 =	sadd.s32 $0xFFFFFFF9, s25  }
0x6a: {  	s26 =	ssub.s32 s27, s31;
	s28 =	simm.s32 @!p1 $0x60;
	s25 =	ssub.s32 $0x8, s25  }
0x6b: {  	s31 =	ssub.s32 $0x0, s9;
	p1 =	sgt.s32 s29, $0x0;
	s27 =	sadd.s32 $0xFFFFFF90, s26  }
0x6c: {  	s26 =	ssub.s32 $0x80, s26;
	s29 =	sadd.s32 $0xFFFFFF21, s0;
	s0 =	ssub.s32 $0xE0, s0  }
0x6d: {  	s31 =	smin.u32 s9, s31;
	p2 =	sgt.s32 s27, $0xF;
	s25 =	simm.s32 @p1 $0x0  }
0x6e: {  	p1 =	sgt.s32 s29, $0x0;
	s27 =	sand.u32 s30, s8;
	s29 =	sshll.u32 s13, $0x4  }
0x6f: {  	s26 =	simm.s32 @p2 $0x0;
	s0 =	simm.s32 @p1 $0x0;
	s30 =	ssub.s32 s28, s27  }
0x70: {  	p1 =	sgt.s32 s31, $0x7;
	s27 =	ssub.s32 $0x8, s31;
	s25 =	smul.u32 s25, s26  }
0x71: {  	s28 =	sadd.s32 $0xFFFFFFA0, s30;
	s26 =	ssub.s32 $0xE0, s30;
	s30 =	smul.u32 $0x38000, s10  }
0x72: {  	s31 =	sshrl.u32 s12, $0x3;
	s27 =	simm.s32 @p1 $0x0;
	s0 =	smul.u32 s0, s25  }
0x73: {  	p1 =	sgt.s32 s28, $0x7F;
	s28 =	sand.u32 $0xF, s31;
	s25 =	sand.u32 $0x70, s29  }
0x74: {  	s26 =	simm.s32 @p1 $0x0;
	s25 =	sadd.s32 s3, s25;
	s0 =	smul.u32 s27, s0  }
.Ltmp5:
0x75: {  	s29 =	sshll.u32 s9, $0x7;
	s25 =	sadd.s32 s30, s25;
	(pc) =	sbr.rel .LBB1_7-.Ltmp5, $4  }
0x76: {  	s30 =	sand.u32 $0x7, s12;
	s25 =	sadd.s32 s28, s25;
	s0 =	smul.u32 s26, s0  }
0x77: {  	s31 =	sshll.u32 s8, $0xA;
	s25 =	sadd.s32 s29, s25;
	s26 =	sshll.u32 s30, $0x12  }
0x78: {  	s25 =	sadd.s32 s31, s25;
	s26 =	sor.u32 $0x10, s26;
	s0 =	sand.u32 $0x3FFFFFFF, s0  }
0x79: {  	[hbm4b:s25+s26] =	stream.strided.scatter [tilespmem:s24], [sflag:$0x2], s0, s7, s26, $0x8;
	[tilespmem:$0x10800] =	vst v63  }
.LBB1_8:
0x7a: {  	_ =	sfence.sel $0x180000  }
0x7b: {  	s0 =	simm.s32 $0x1;
	[bflag:$0x0] =	sbarrier.arrive $0xFFFF  }
0x7c: {  	s31 =	simm.s32 $0x2;
	[sflag:s0] =	ssyncpa.u1 $0x1  }
0x7d: {  	[sflag:s31] =	ssyncpa.u1 $0x1  }
0x7e: {  	_ =	strace $0x90000047  }
0x7f: {  	[bflag:$0x2] =	sbarrier.arrive $0xFFFF  }
0x80: {  	p0 =	sne.s32 s1, $0x0;
	s0 =	rddreg [dreg:$0x2]  }
0x81: {  	s0 =	sadd.s32 @!p0 $0x100000, s0  }
0x82: {  	[sflag:s0] =	ssyncadd.tile.s32 @!p0 $0x1;
	_ =	shalt  }
.Lfunc_end1:
_tile_overlayer_lowered:
.L_overlay_start_2:
0x83: {  	(tag) =	ssettag $0x2  }
0x84: {  	s0 =	rddreg [dreg:$0x0];
	s2 =	stileid.u32  }
0x85: {  	s1 =	rddreg [dreg:$0x1];
	p0 =	sne.s32 s2, $0x0  }
0x86: {  	s3 =	rddreg [dreg:$0x2];
	[bflag:$0x3] =	sbarrier.arrive $0xFFFF;
	s2 =	simm.s32 @!p0 $0x1C01  }
0x87: {  	[timem:s3], [sflag:s2] =	dma.local @!p0 [hbm:s0], s1  }
0x88: {  	s0 =	simm.s32 @!p0 $0x1  }
0x89: {  	_ =	swait.ge @!p0 [sflag:s0], s1  }
0x8a: {  	s1 =	ssub.s32 @!p0 $0x0, s1;
	[sflag:s0] =	ssyncset.done @!p0 $0x0  }
0x8b: {  	[sflag:s0] =	ssyncadd.s32 @!p0 s1  }
0x8c: {  	[bflag:$0x3] =	sbarrier.arrive $0xFFFF  }
0x8d: {  	_ =	shalt  }

</sc_bundles>
